<compile_context>
chip_gen: v7x
topology: tpu7x:2x2x1
jax: 0.10.2.dev20260603
libtpu: 0.0.44.dev20260713+nightly
codegen_flags: <defaults>
</compile_context>

<pallas_src>
import functools

import jax
import jax.numpy as jnp
from jax import lax
from jax.experimental import pallas as pl
from jax.experimental.pallas import tpu as pltpu
from jax.experimental.pallas import tpu_sc as plsc

_NC = 2
_NS = 16
_NW = _NC * _NS


@functools.lru_cache(maxsize=None)
def _build_gather(n, d_item, d_small):
    bpw = n // _NW
    mesh = plsc.VectorSubcoreMesh(core_axis_name="c", subcore_axis_name="s")

    @functools.partial(
        pl.kernel,
        mesh=mesh,
        compiler_params=pltpu.CompilerParams(use_tc_tiling_on_sc=True),
        out_type=(
            jax.ShapeDtypeStruct((n, d_item), jnp.float32),
            jax.ShapeDtypeStruct((n, d_small), jnp.float32),
        ),
        scratch_types=[
            pltpu.VMEM((bpw,), jnp.int32),
            pltpu.VMEM((bpw,), jnp.int32),
            pltpu.VMEM((bpw // 4, d_item), jnp.float32),
            pltpu.VMEM((bpw // 4, d_small), jnp.float32),
            pltpu.VMEM((bpw // 4, d_item), jnp.float32),
            pltpu.VMEM((bpw // 4, d_small), jnp.float32),
            pltpu.SemaphoreType.DMA,
            pltpu.SemaphoreType.DMA,
        ],
    )
    def gather2(item_ids, genre_ids, item_emb, genre_emb,
                item_out, genre_out,
                sid_i, sid_g, ri0, rg0, ri1, rg1, sem0, sem1):
        wid = lax.axis_index("s") * _NC + lax.axis_index("c")
        base = wid * bpw
        quarter = bpw // 4
        pltpu.sync_copy(item_ids.at[pl.ds(base, bpw)], sid_i)
        pltpu.sync_copy(genre_ids.at[pl.ds(base, bpw)], sid_g)

        bufsets = ((ri0, rg0, sem0), (ri1, rg1, sem1))

        def issue(p):
            rows_i, rows_g, sem = bufsets[p % 2]
            lo = p * quarter

            def body(g, carry):
                iv = sid_i[pl.ds(lo + g * 16, 16)]
                gv = sid_g[pl.ds(lo + g * 16, 16)]
                for j in range(16):
                    r = g * 16 + j
                    pltpu.async_copy(item_emb.at[pl.ds(iv[j], 1), :],
                                     rows_i.at[pl.ds(r, 1), :], sem)
                    pltpu.async_copy(genre_emb.at[pl.ds(gv[j], 1), :],
                                     rows_g.at[pl.ds(r, 1), :], sem)
                return carry

            lax.fori_loop(0, quarter // 16, body, 0)

        def flush(p):
            rows_i, rows_g, sem = bufsets[p % 2]
            off = p * quarter
            pltpu.make_async_copy(item_out.at[pl.ds(0, quarter)],
                                  rows_i, sem).wait()
            pltpu.make_async_copy(genre_out.at[pl.ds(0, quarter)],
                                  rows_g, sem).wait()
            pltpu.sync_copy(rows_i, item_out.at[pl.ds(base + off, quarter)])
            pltpu.sync_copy(rows_g, genre_out.at[pl.ds(base + off, quarter)])

        issue(0)
        issue(1)
        flush(0)
        issue(2)
        flush(1)
        issue(3)
        flush(2)
        flush(3)

    return gather2


def _gelu(x):
    return 0.5 * x * (1.0 + lax.erf(x * 0.7071067811865476))


_HI = lax.Precision.DEFAULT


def _dot_t(at, w):
    return lax.dot_general(at, w, (((0,), (0,)), ((), ())),
                           precision=_HI, preferred_element_type=jnp.float32)


def _mlp_body(items, genres, kid, audio_t, kt, wa, ba,
              w1i, w1k, w1g, w1a, b1, w2t, b2, out, *, n_keys):
    a = _gelu(_dot_t(audio_t[...], wa[...]) + ba[...])
    onehot = (kid[...] == lax.broadcasted_iota(
        jnp.int32, (1, n_keys), 1)).astype(jnp.float32)
    keys = lax.dot_general(onehot, kt[...], (((1,), (1,)), ((), ())),
                           precision=_HI, preferred_element_type=jnp.float32)
    h = jnp.dot(items[...], w1i[...], precision=_HI,
                preferred_element_type=jnp.float32)
    h = h + jnp.dot(keys, w1k[...], precision=_HI,
                    preferred_element_type=jnp.float32)
    h = h + jnp.dot(genres[...], w1g[...], precision=_HI,
                    preferred_element_type=jnp.float32)
    h = h + jnp.dot(a, w1a[...], precision=_HI,
                    preferred_element_type=jnp.float32)
    h = _gelu(h + b1[...])
    out[...] = lax.dot_general(h, w2t[...], (((1,), (1,)), ((), ())),
                               precision=_HI,
                               preferred_element_type=jnp.float32) + b2[...]


def kernel(item_ids, key_ids, genre_ids, audio_cont, item_emb, key_emb,
           genre_emb, W_audio, b_audio, W1, b1, W2, b2):
    n = item_ids.shape[0]
    d_item = item_emb.shape[1]
    d_small = key_emb.shape[1]
    n_keys = key_emb.shape[0]
    d_audio = W_audio.shape[1]
    d_hid = W1.shape[1]
    d_out = W2.shape[1]

    gather2 = _build_gather(n, d_item, d_small)
    items, genres = gather2(item_ids.astype(jnp.int32),
                            genre_ids.astype(jnp.int32), item_emb, genre_emb)

    w1i = W1[:d_item]
    w1k = W1[d_item:d_item + d_small]
    w1g = W1[d_item + d_small:d_item + 2 * d_small]
    w1a = W1[d_item + 2 * d_small:]

    bn = min(n, 2048)
    grid = (n // bn,)

    def row_spec(d):
        return pl.BlockSpec((bn, d), lambda i: (i, 0))

    def col_spec(d):
        return pl.BlockSpec((d, bn), lambda i: (0, i))

    def rep_spec(r, c):
        return pl.BlockSpec((r, c), lambda i: (0, 0))

    return pl.pallas_call(
        functools.partial(_mlp_body, n_keys=n_keys),
        grid=grid,
        in_specs=[
            row_spec(d_item), row_spec(d_small), row_spec(1),
            col_spec(audio_cont.shape[1]),
            rep_spec(d_small, n_keys),
            rep_spec(W_audio.shape[0], d_audio), rep_spec(1, d_audio),
            rep_spec(d_item, d_hid), rep_spec(d_small, d_hid),
            rep_spec(d_small, d_hid), rep_spec(d_audio, d_hid),
            rep_spec(1, d_hid),
            rep_spec(d_out, d_hid), rep_spec(1, d_out),
        ],
        out_specs=row_spec(d_out),
        out_shape=jax.ShapeDtypeStruct((n, d_out), jnp.float32),
    )(items, genres, key_ids.astype(jnp.int32).reshape(n, 1),
      audio_cont.T, key_emb.T,
      W_audio, b_audio.reshape(1, -1),
      w1i, w1k, w1g, w1a, b1.reshape(1, -1),
      W2.T, b2.reshape(1, -1))

# --- scband reference (transcript-rebuilt; emitter-appended) ---
"""Pipeline reference for scband-candidate-projector-19954418057426 (READ-ONLY COPY).

The authoritative reference and input builder live on the scoring server;
editing this copy changes nothing except your own understanding.
"""

import jax, jax.numpy as jnp
import numpy as np

N = 16384
N_ITEMS, D_ITEM = 1000000, 64
N_KEYS, D_KEY = 24, 16
N_GENRES, D_GENRE = 1000, 16
N_AUDIO, D_AUDIO = 16, 16
IN_DIM = D_ITEM + D_KEY + D_GENRE + D_AUDIO  # 112
D_CAND = 64

def _xavier(k, fan_in, fan_out):
    limit = np.sqrt(6.0 / (fan_in + fan_out))
    return jax.random.uniform(k, (fan_in, fan_out), jnp.float32, -limit, limit)

def setup_inputs(seed: int = 0) -> dict:
    key = jax.random.key(seed)
    ks = jax.random.split(key, 12)
    item_ids = jax.random.randint(ks[0], (N,), 0, N_ITEMS)
    key_ids = jax.random.randint(ks[1], (N,), 0, N_KEYS)
    genre_ids = jax.random.randint(ks[2], (N,), 0, N_GENRES)
    audio_cont = jax.random.normal(ks[3], (N, N_AUDIO), dtype=jnp.float32)
    item_emb = (0.02 * jax.random.normal(ks[4], (N_ITEMS, D_ITEM), dtype=jnp.float32)).at[0].set(0.0)  # padding_idx=0
    key_emb = 0.02 * jax.random.normal(ks[5], (N_KEYS, D_KEY), dtype=jnp.float32)
    genre_emb = 0.02 * jax.random.normal(ks[6], (N_GENRES, D_GENRE), dtype=jnp.float32)
    W_audio = _xavier(ks[7], N_AUDIO, D_AUDIO)
    b_audio = jnp.zeros((D_AUDIO,), jnp.float32)
    W1 = _xavier(ks[8], IN_DIM, D_CAND * 2)
    b1 = jnp.zeros((D_CAND * 2,), jnp.float32)
    W2 = _xavier(ks[9], D_CAND * 2, D_CAND)
    b2 = jnp.zeros((D_CAND,), jnp.float32)
    return {"item_ids": item_ids, "key_ids": key_ids, "genre_ids": genre_ids,
            "audio_cont": audio_cont, "item_emb": item_emb, "key_emb": key_emb,
            "genre_emb": genre_emb, "W_audio": W_audio, "b_audio": b_audio,
            "W1": W1, "b1": b1, "W2": W2, "b2": b2}

def reference(item_ids, key_ids, genre_ids, audio_cont, item_emb, key_emb, genre_emb,
              W_audio, b_audio, W1, b1, W2, b2):
    a = jax.nn.gelu(audio_cont @ W_audio + b_audio, approximate=False)
    x = jnp.concatenate([jnp.take(item_emb, item_ids, axis=0),
                         jnp.take(key_emb, key_ids, axis=0),
                         jnp.take(genre_emb, genre_ids, axis=0),
                         a], axis=-1)
    h = jax.nn.gelu(x @ W1 + b1, approximate=False)
    return h @ W2 + b2

if __name__ == "__main__":
    import jax
    _d = setup_inputs()
    print(jax.jit(kernel)(*tuple(_d.values())))

</pallas_src>

<mosaic_0001>
#map = affine_map<(d0, d1) -> (0)>
#map1 = affine_map<(d0, d1) -> (0, 0)>
module attributes {stable_mosaic.version = 14 : i64} {
  func.func @gather2(%arg0: i32, %arg1: i32, %arg2: memref<16384xi32, #tpu.memory_space<hbm>>, %arg3: memref<16384xi32, #tpu.memory_space<hbm>>, %arg4: memref<1000000x64xf32, #tpu.memory_space<hbm>>, %arg5: memref<1000x16xf32, #tpu.memory_space<hbm>>, %arg6: memref<16384x64xf32, #tpu.memory_space<hbm>>, %arg7: memref<16384x16xf32, #tpu.memory_space<hbm>>, %arg8: memref<512xi32, #tpu.memory_space<vmem>>, %arg9: memref<512xi32, #tpu.memory_space<vmem>>, %arg10: memref<128x64xf32, #tpu.memory_space<vmem>>, %arg11: memref<128x16xf32, #tpu.memory_space<vmem>>, %arg12: memref<128x64xf32, #tpu.memory_space<vmem>>, %arg13: memref<128x16xf32, #tpu.memory_space<vmem>>, %arg14: memref<!tpu.dma_semaphore, #tpu.memory_space<semaphore_mem>>, %arg15: memref<!tpu.dma_semaphore, #tpu.memory_space<semaphore_mem>>) attributes {dimension_semantics = [#tpu.dimension_semantics<core_parallel>, #tpu.dimension_semantics<subcore_parallel>], iteration_bounds = array<i64: 2, 16>, scalar_prefetch = 0 : i64, scratch_operands = 8 : i64, tpu.core_type = #tpu.core_type<sc_vector_subcore>, window_params = [{transform_indices = #map}, {transform_indices = #map}, {transform_indices = #map1}, {transform_indices = #map1}, {transform_indices = #map1}, {transform_indices = #map1}]} {
    %mul3A = arith.constant 2 : i32
    %mul3A_0 = arith.muli %arg1, %mul3A : i32
    %add3A = arith.addi %mul3A_0, %arg0 : i32
    %mul3A_1 = arith.constant 512 : i32
    %mul3A_2 = arith.muli %add3A, %mul3A_1 : i32
    "tpu.region"() ({
      %run_scoped3A = tpu.sem_alloc : memref<!tpu.dma_semaphore, #tpu.memory_space<semaphore_mem>>
      %dma_start3A = tpu.memref_slice %arg2[%mul3A_2] : memref<16384xi32, #tpu.memory_space<hbm>> -> memref<512xi32, #tpu.memory_space<hbm>>
      %dma_start3A_89 = tpu.memref_slice %arg2[%mul3A_2] : memref<16384xi32, #tpu.memory_space<hbm>> -> memref<512xi32, #tpu.memory_space<hbm>>
      tpu.enqueue_dma source(%dma_start3A_89 : memref<512xi32, #tpu.memory_space<hbm>>) target(%arg8 : memref<512xi32, #tpu.memory_space<vmem>>) target_semaphore(%run_scoped3A : memref<!tpu.dma_semaphore, #tpu.memory_space<semaphore_mem>>)
      %dma_wait3A_90 = tpu.memref_slice %arg2[%mul3A_2] : memref<16384xi32, #tpu.memory_space<hbm>> -> memref<512xi32, #tpu.memory_space<hbm>>
      %dma_wait3A_91 = tpu.memref_slice %arg2[%mul3A_2] : memref<16384xi32, #tpu.memory_space<hbm>> -> memref<512xi32, #tpu.memory_space<hbm>>
      tpu.wait_dma2 semaphore(%run_scoped3A : memref<!tpu.dma_semaphore, #tpu.memory_space<semaphore_mem>>) src(%dma_wait3A_91 : memref<512xi32, #tpu.memory_space<hbm>>) dst(%arg8 : memref<512xi32, #tpu.memory_space<vmem>>)
      tpu.yield
    }) : () -> ()
    "tpu.region"() ({
      %run_scoped3A = tpu.sem_alloc : memref<!tpu.dma_semaphore, #tpu.memory_space<semaphore_mem>>
      %dma_start3A = tpu.memref_slice %arg3[%mul3A_2] : memref<16384xi32, #tpu.memory_space<hbm>> -> memref<512xi32, #tpu.memory_space<hbm>>
      %dma_start3A_89 = tpu.memref_slice %arg3[%mul3A_2] : memref<16384xi32, #tpu.memory_space<hbm>> -> memref<512xi32, #tpu.memory_space<hbm>>
      tpu.enqueue_dma source(%dma_start3A_89 : memref<512xi32, #tpu.memory_space<hbm>>) target(%arg9 : memref<512xi32, #tpu.memory_space<vmem>>) target_semaphore(%run_scoped3A : memref<!tpu.dma_semaphore, #tpu.memory_space<semaphore_mem>>)
      %dma_wait3A_90 = tpu.memref_slice %arg3[%mul3A_2] : memref<16384xi32, #tpu.memory_space<hbm>> -> memref<512xi32, #tpu.memory_space<hbm>>
      %dma_wait3A_91 = tpu.memref_slice %arg3[%mul3A_2] : memref<16384xi32, #tpu.memory_space<hbm>> -> memref<512xi32, #tpu.memory_space<hbm>>
      tpu.wait_dma2 semaphore(%run_scoped3A : memref<!tpu.dma_semaphore, #tpu.memory_space<semaphore_mem>>) src(%dma_wait3A_91 : memref<512xi32, #tpu.memory_space<hbm>>) dst(%arg9 : memref<512xi32, #tpu.memory_space<vmem>>)
      tpu.yield
    }) : () -> ()
    %scan3A = arith.constant 0 : i32
    %scan3A_3 = arith.constant 0 : i32
    %scan3A_4 = arith.constant 8 : i32
    %scan3A_5 = arith.addi %scan3A_3, %scan3A_4 : i32
    %scan3A_6 = arith.constant 1 : i32
    scf.for %scan3A_89 = %scan3A_3 to %scan3A_5 step %scan3A_6  : i32 {
      %mul3A_90 = arith.constant 16 : i32
      %mul3A_91 = arith.muli %scan3A_89, %mul3A_90 : i32
      %add3A_92 = arith.constant 0 : i32
      %add3A_93 = arith.addi %add3A_92, %mul3A_91 : i32
      %get3A = arith.index_cast %add3A_93 : i32 to index
      %get3A_94 = tpu.vector_load %arg8[%get3A] {strides = array<i32>} : memref<512xi32, #tpu.memory_space<vmem>>, vector<16xi32>,
      %get3A_95 = vector.shape_cast %get3A_94 : vector<16xi32> to vector<16xi32>
      %mul3A_96 = arith.constant 16 : i32
      %mul3A_97 = arith.muli %scan3A_89, %mul3A_96 : i32
      %add3A_98 = arith.constant 0 : i32
      %add3A_99 = arith.addi %add3A_98, %mul3A_97 : i32
      %get3A_100 = arith.index_cast %add3A_99 : i32 to index
      %get3A_101 = tpu.vector_load %arg9[%get3A_100] {strides = array<i32>} : memref<512xi32, #tpu.memory_space<vmem>>, vector<16xi32>,
      %get3A_102 = vector.shape_cast %get3A_101 : vector<16xi32> to vector<16xi32>
      %mul3A_103 = arith.constant 16 : i32
      %mul3A_104 = arith.muli %scan3A_89, %mul3A_103 : i32
      %add3A_105 = arith.constant 0 : i32
      %add3A_106 = arith.addi %mul3A_104, %add3A_105 : i32
      %slice3A = vector.extract_strided_slice %get3A_95 {offsets = [0], sizes = [1], strides = [1]} : vector<16xi32> to vector<1xi32>
      %squeeze3A = vector.extract %slice3A[0] : i32 from vector<1xi32>
      %dma_start3A = arith.constant 0 : i32
      %dma_start3A_107 = tpu.memref_slice %arg10[%add3A_106, %dma_start3A] : memref<128x64xf32, #tpu.memory_space<vmem>> -> memref<1x64xf32, #tpu.memory_space<vmem>>
      %dma_start3A_108 = arith.constant 0 : i32
      %dma_start3A_109 = tpu.memref_slice %arg4[%squeeze3A, %dma_start3A_108] : memref<1000000x64xf32, #tpu.memory_space<hbm>> -> memref<1x64xf32, #tpu.memory_space<hbm>>
      %dma_start3A_110 = arith.constant 0 : i32
      %dma_start3A_111 = tpu.memref_slice %arg10[%add3A_106, %dma_start3A_110] : memref<128x64xf32, #tpu.memory_space<vmem>> -> memref<1x64xf32, #tpu.memory_space<vmem>>
      %dma_start3A_112 = arith.constant 0 : i32
      %dma_start3A_113 = tpu.memref_slice %arg4[%squeeze3A, %dma_start3A_112] : memref<1000000x64xf32, #tpu.memory_space<hbm>> -> memref<1x64xf32, #tpu.memory_space<hbm>>
      tpu.enqueue_dma source(%dma_start3A_113 : memref<1x64xf32, #tpu.memory_space<hbm>>) target(%dma_start3A_111 : memref<1x64xf32, #tpu.memory_space<vmem>>) target_semaphore(%arg14 : memref<!tpu.dma_semaphore, #tpu.memory_space<semaphore_mem>>)
      %slice3A_114 = vector.extract_strided_slice %get3A_102 {offsets = [0], sizes = [1], strides = [1]} : vector<16xi32> to vector<1xi32>
      %squeeze3A_115 = vector.extract %slice3A_114[0] : i32 from vector<1xi32>
      %dma_start3A_116 = arith.constant 0 : i32
      %dma_start3A_117 = tpu.memref_slice %arg11[%add3A_106, %dma_start3A_116] : memref<128x16xf32, #tpu.memory_space<vmem>> -> memref<1x16xf32, #tpu.memory_space<vmem>>
      %dma_start3A_118 = arith.constant 0 : i32
      %dma_start3A_119 = tpu.memref_slice %arg5[%squeeze3A_115, %dma_start3A_118] : memref<1000x16xf32, #tpu.memory_space<hbm>> -> memref<1x16xf32, #tpu.memory_space<hbm>>
      %dma_start3A_120 = arith.constant 0 : i32
      %dma_start3A_121 = tpu.memref_slice %arg11[%add3A_106, %dma_start3A_120] : memref<128x16xf32, #tpu.memory_space<vmem>> -> memref<1x16xf32, #tpu.memory_space<vmem>>
      %dma_start3A_122 = arith.constant 0 : i32
      %dma_start3A_123 = tpu.memref_slice %arg5[%squeeze3A_115, %dma_start3A_122] : memref<1000x16xf32, #tpu.memory_space<hbm>> -> memref<1x16xf32, #tpu.memory_space<hbm>>
      tpu.enqueue_dma source(%dma_start3A_123 : memref<1x16xf32, #tpu.memory_space<hbm>>) target(%dma_start3A_121 : memref<1x16xf32, #tpu.memory_space<vmem>>) target_semaphore(%arg14 : memref<!tpu.dma_semaphore, #tpu.memory_space<semaphore_mem>>)
      %mul3A_124 = arith.constant 16 : i32
      %mul3A_125 = arith.muli %scan3A_89, %mul3A_124 : i32
      %add3A_126 = arith.constant 1 : i32
      %add3A_127 = arith.addi %mul3A_125, %add3A_126 : i32
      %slice3A_128 = vector.extract_strided_slice %get3A_95 {offsets = [1], sizes = [1], strides = [1]} : vector<16xi32> to vector<1xi32>
      %squeeze3A_129 = vector.extract %slice3A_128[0] : i32 from vector<1xi32>
      %dma_start3A_130 = arith.constant 0 : i32
      %dma_start3A_131 = tpu.memref_slice %arg10[%add3A_127, %dma_start3A_130] : memref<128x64xf32, #tpu.memory_space<vmem>> -> memref<1x64xf32, #tpu.memory_space<vmem>>
      %dma_start3A_132 = arith.constant 0 : i32
      %dma_start3A_133 = tpu.memref_slice %arg4[%squeeze3A_129, %dma_start3A_132] : memref<1000000x64xf32, #tpu.memory_space<hbm>> -> memref<1x64xf32, #tpu.memory_space<hbm>>
      %dma_start3A_134 = arith.constant 0 : i32
      %dma_start3A_135 = tpu.memref_slice %arg10[%add3A_127, %dma_start3A_134] : memref<128x64xf32, #tpu.memory_space<vmem>> -> memref<1x64xf32, #tpu.memory_space<vmem>>
      %dma_start3A_136 = arith.constant 0 : i32
      %dma_start3A_137 = tpu.memref_slice %arg4[%squeeze3A_129, %dma_start3A_136] : memref<1000000x64xf32, #tpu.memory_space<hbm>> -> memref<1x64xf32, #tpu.memory_space<hbm>>
      tpu.enqueue_dma source(%dma_start3A_137 : memref<1x64xf32, #tpu.memory_space<hbm>>) target(%dma_start3A_135 : memref<1x64xf32, #tpu.memory_space<vmem>>) target_semaphore(%arg14 : memref<!tpu.dma_semaphore, #tpu.memory_space<semaphore_mem>>)
      %slice3A_138 = vector.extract_strided_slice %get3A_102 {offsets = [1], sizes = [1], strides = [1]} : vector<16xi32> to vector<1xi32>
      %squeeze3A_139 = vector.extract %slice3A_138[0] : i32 from vector<1xi32>
      %dma_start3A_140 = arith.constant 0 : i32
      %dma_start3A_141 = tpu.memref_slice %arg11[%add3A_127, %dma_start3A_140] : memref<128x16xf32, #tpu.memory_space<vmem>> -> memref<1x16xf32, #tpu.memory_space<vmem>>
      %dma_start3A_142 = arith.constant 0 : i32
      %dma_start3A_143 = tpu.memref_slice %arg5[%squeeze3A_139, %dma_start3A_142] : memref<1000x16xf32, #tpu.memory_space<hbm>> -> memref<1x16xf32, #tpu.memory_space<hbm>>
      %dma_start3A_144 = arith.constant 0 : i32
      %dma_start3A_145 = tpu.memref_slice %arg11[%add3A_127, %dma_start3A_144] : memref<128x16xf32, #tpu.memory_space<vmem>> -> memref<1x16xf32, #tpu.memory_space<vmem>>
      %dma_start3A_146 = arith.constant 0 : i32
      %dma_start3A_147 = tpu.memref_slice %arg5[%squeeze3A_139, %dma_start3A_146] : memref<1000x16xf32, #tpu.memory_space<hbm>> -> memref<1x16xf32, #tpu.memory_space<hbm>>
      tpu.enqueue_dma source(%dma_start3A_147 : memref<1x16xf32, #tpu.memory_space<hbm>>) target(%dma_start3A_145 : memref<1x16xf32, #tpu.memory_space<vmem>>) target_semaphore(%arg14 : memref<!tpu.dma_semaphore, #tpu.memory_space<semaphore_mem>>)
      %mul3A_148 = arith.constant 16 : i32
      %mul3A_149 = arith.muli %scan3A_89, %mul3A_148 : i32
      %add3A_150 = arith.constant 2 : i32
      %add3A_151 = arith.addi %mul3A_149, %add3A_150 : i32
      %slice3A_152 = vector.extract_strided_slice %get3A_95 {offsets = [2], sizes = [1], strides = [1]} : vector<16xi32> to vector<1xi32>
      %squeeze3A_153 = vector.extract %slice3A_152[0] : i32 from vector<1xi32>
      %dma_start3A_154 = arith.constant 0 : i32
      %dma_start3A_155 = tpu.memref_slice %arg10[%add3A_151, %dma_start3A_154] : memref<128x64xf32, #tpu.memory_space<vmem>> -> memref<1x64xf32, #tpu.memory_space<vmem>>
      %dma_start3A_156 = arith.constant 0 : i32
      %dma_start3A_157 = tpu.memref_slice %arg4[%squeeze3A_153, %dma_start3A_156] : memref<1000000x64xf32, #tpu.memory_space<hbm>> -> memref<1x64xf32, #tpu.memory_space<hbm>>
      %dma_start3A_158 = arith.constant 0 : i32
      %dma_start3A_159 = tpu.memref_slice %arg10[%add3A_151, %dma_start3A_158] : memref<128x64xf32, #tpu.memory_space<vmem>> -> memref<1x64xf32, #tpu.memory_space<vmem>>
      %dma_start3A_160 = arith.constant 0 : i32
      %dma_start3A_161 = tpu.memref_slice %arg4[%squeeze3A_153, %dma_start3A_160] : memref<1000000x64xf32, #tpu.memory_space<hbm>> -> memref<1x64xf32, #tpu.memory_space<hbm>>
      tpu.enqueue_dma source(%dma_start3A_161 : memref<1x64xf32, #tpu.memory_space<hbm>>) target(%dma_start3A_159 : memref<1x64xf32, #tpu.memory_space<vmem>>) target_semaphore(%arg14 : memref<!tpu.dma_semaphore, #tpu.memory_space<semaphore_mem>>)
      %slice3A_162 = vector.extract_strided_slice %get3A_102 {offsets = [2], sizes = [1], strides = [1]} : vector<16xi32> to vector<1xi32>
      %squeeze3A_163 = vector.extract %slice3A_162[0] : i32 from vector<1xi32>
      %dma_start3A_164 = arith.constant 0 : i32
      %dma_start3A_165 = tpu.memref_slice %arg11[%add3A_151, %dma_start3A_164] : memref<128x16xf32, #tpu.memory_space<vmem>> -> memref<1x16xf32, #tpu.memory_space<vmem>>
      %dma_start3A_166 = arith.constant 0 : i32
      %dma_start3A_167 = tpu.memref_slice %arg5[%squeeze3A_163, %dma_start3A_166] : memref<1000x16xf32, #tpu.memory_space<hbm>> -> memref<1x16xf32, #tpu.memory_space<hbm>>
      %dma_start3A_168 = arith.constant 0 : i32
      %dma_start3A_169 = tpu.memref_slice %arg11[%add3A_151, %dma_start3A_168] : memref<128x16xf32, #tpu.memory_space<vmem>> -> memref<1x16xf32, #tpu.memory_space<vmem>>
      %dma_start3A_170 = arith.constant 0 : i32
      %dma_start3A_171 = tpu.memref_slice %arg5[%squeeze3A_163, %dma_start3A_170] : memref<1000x16xf32, #tpu.memory_space<hbm>> -> memref<1x16xf32, #tpu.memory_space<hbm>>
      tpu.enqueue_dma source(%dma_start3A_171 : memref<1x16xf32, #tpu.memory_space<hbm>>) target(%dma_start3A_169 : memref<1x16xf32, #tpu.memory_space<vmem>>) target_semaphore(%arg14 : memref<!tpu.dma_semaphore, #tpu.memory_space<semaphore_mem>>)
      %mul3A_172 = arith.constant 16 : i32
      %mul3A_173 = arith.muli %scan3A_89, %mul3A_172 : i32
      %add3A_174 = arith.constant 3 : i32
      %add3A_175 = arith.addi %mul3A_173, %add3A_174 : i32
      %slice3A_176 = vector.extract_strided_slice %get3A_95 {offsets = [3], sizes = [1], strides = [1]} : vector<16xi32> to vector<1xi32>
      %squeeze3A_177 = vector.extract %slice3A_176[0] : i32 from vector<1xi32>
      %dma_start3A_178 = arith.constant 0 : i32
      %dma_start3A_179 = tpu.memref_slice %arg10[%add3A_175, %dma_start3A_178] : memref<128x64xf32, #tpu.memory_space<vmem>> -> memref<1x64xf32, #tpu.memory_space<vmem>>
      %dma_start3A_180 = arith.constant 0 : i32
      %dma_start3A_181 = tpu.memref_slice %arg4[%squeeze3A_177, %dma_start3A_180] : memref<1000000x64xf32, #tpu.memory_space<hbm>> -> memref<1x64xf32, #tpu.memory_space<hbm>>
      %dma_start3A_182 = arith.constant 0 : i32
      %dma_start3A_183 = tpu.memref_slice %arg10[%add3A_175, %dma_start3A_182] : memref<128x64xf32, #tpu.memory_space<vmem>> -> memref<1x64xf32, #tpu.memory_space<vmem>>
      %dma_start3A_184 = arith.constant 0 : i32
      %dma_start3A_185 = tpu.memref_slice %arg4[%squeeze3A_177, %dma_start3A_184] : memref<1000000x64xf32, #tpu.memory_space<hbm>> -> memref<1x64xf32, #tpu.memory_space<hbm>>
      tpu.enqueue_dma source(%dma_start3A_185 : memref<1x64xf32, #tpu.memory_space<hbm>>) target(%dma_start3A_183 : memref<1x64xf32, #tpu.memory_space<vmem>>) target_semaphore(%arg14 : memref<!tpu.dma_semaphore, #tpu.memory_space<semaphore_mem>>)
      %slice3A_186 = vector.extract_strided_slice %get3A_102 {offsets = [3], sizes = [1], strides = [1]} : vector<16xi32> to vector<1xi32>
      %squeeze3A_187 = vector.extract %slice3A_186[0] : i32 from vector<1xi32>
      %dma_start3A_188 = arith.constant 0 : i32
      %dma_start3A_189 = tpu.memref_slice %arg11[%add3A_175, %dma_start3A_188] : memref<128x16xf32, #tpu.memory_space<vmem>> -> memref<1x16xf32, #tpu.memory_space<vmem>>
      %dma_start3A_190 = arith.constant 0 : i32
      %dma_start3A_191 = tpu.memref_slice %arg5[%squeeze3A_187, %dma_start3A_190] : memref<1000x16xf32, #tpu.memory_space<hbm>> -> memref<1x16xf32, #tpu.memory_space<hbm>>
      %dma_start3A_192 = arith.constant 0 : i32
      %dma_start3A_193 = tpu.memref_slice %arg11[%add3A_175, %dma_start3A_192] : memref<128x16xf32, #tpu.memory_space<vmem>> -> memref<1x16xf32, #tpu.memory_space<vmem>>
      %dma_start3A_194 = arith.constant 0 : i32
      %dma_start3A_195 = tpu.memref_slice %arg5[%squeeze3A_187, %dma_start3A_194] : memref<1000x16xf32, #tpu.memory_space<hbm>> -> memref<1x16xf32, #tpu.memory_space<hbm>>
      tpu.enqueue_dma source(%dma_start3A_195 : memref<1x16xf32, #tpu.memory_space<hbm>>) target(%dma_start3A_193 : memref<1x16xf32, #tpu.memory_space<vmem>>) target_semaphore(%arg14 : memref<!tpu.dma_semaphore, #tpu.memory_space<semaphore_mem>>)
      %mul3A_196 = arith.constant 16 : i32
      %mul3A_197 = arith.muli %scan3A_89, %mul3A_196 : i32
      %add3A_198 = arith.constant 4 : i32
      %add3A_199 = arith.addi %mul3A_197, %add3A_198 : i32
      %slice3A_200 = vector.extract_strided_slice %get3A_95 {offsets = [4], sizes = [1], strides = [1]} : vector<16xi32> to vector<1xi32>
      %squeeze3A_201 = vector.extract %slice3A_200[0] : i32 from vector<1xi32>
      %dma_start3A_202 = arith.constant 0 : i32
      %dma_start3A_203 = tpu.memref_slice %arg10[%add3A_199, %dma_start3A_202] : memref<128x64xf32, #tpu.memory_space<vmem>> -> memref<1x64xf32, #tpu.memory_space<vmem>>
      %dma_start3A_204 = arith.constant 0 : i32
      %dma_start3A_205 = tpu.memref_slice %arg4[%squeeze3A_201, %dma_start3A_204] : memref<1000000x64xf32, #tpu.memory_space<hbm>> -> memref<1x64xf32, #tpu.memory_space<hbm>>
      %dma_start3A_206 = arith.constant 0 : i32
      %dma_start3A_207 = tpu.memref_slice %arg10[%add3A_199, %dma_start3A_206] : memref<128x64xf32, #tpu.memory_space<vmem>> -> memref<1x64xf32, #tpu.memory_space<vmem>>
      %dma_start3A_208 = arith.constant 0 : i32
      %dma_start3A_209 = tpu.memref_slice %arg4[%squeeze3A_201, %dma_start3A_208] : memref<1000000x64xf32, #tpu.memory_space<hbm>> -> memref<1x64xf32, #tpu.memory_space<hbm>>
      tpu.enqueue_dma source(%dma_start3A_209 : memref<1x64xf32, #tpu.memory_space<hbm>>) target(%dma_start3A_207 : memref<1x64xf32, #tpu.memory_space<vmem>>) target_semaphore(%arg14 : memref<!tpu.dma_semaphore, #tpu.memory_space<semaphore_mem>>)
      %slice3A_210 = vector.extract_strided_slice %get3A_102 {offsets = [4], sizes = [1], strides = [1]} : vector<16xi32> to vector<1xi32>
      %squeeze3A_211 = vector.extract %slice3A_210[0] : i32 from vector<1xi32>
      %dma_start3A_212 = arith.constant 0 : i32
      %dma_start3A_213 = tpu.memref_slice %arg11[%add3A_199, %dma_start3A_212] : memref<128x16xf32, #tpu.memory_space<vmem>> -> memref<1x16xf32, #tpu.memory_space<vmem>>
      %dma_start3A_214 = arith.constant 0 : i32
      %dma_start3A_215 = tpu.memref_slice %arg5[%squeeze3A_211, %dma_start3A_214] : memref<1000x16xf32, #tpu.memory_space<hbm>> -> memref<1x16xf32, #tpu.memory_space<hbm>>
      %dma_start3A_216 = arith.constant 0 : i32
      %dma_start3A_217 = tpu.memref_slice %arg11[%add3A_199, %dma_start3A_216] : memref<128x16xf32, #tpu.memory_space<vmem>> -> memref<1x16xf32, #tpu.memory_space<vmem>>
      %dma_start3A_218 = arith.constant 0 : i32
      %dma_start3A_219 = tpu.memref_slice %arg5[%squeeze3A_211, %dma_start3A_218] : memref<1000x16xf32, #tpu.memory_space<hbm>> -> memref<1x16xf32, #tpu.memory_space<hbm>>
      tpu.enqueue_dma source(%dma_start3A_219 : memref<1x16xf32, #tpu.memory_space<hbm>>) target(%dma_start3A_217 : memref<1x16xf32, #tpu.memory_space<vmem>>) target_semaphore(%arg14 : memref<!tpu.dma_semaphore, #tpu.memory_space<semaphore_mem>>)
      %mul3A_220 = arith.constant 16 : i32
      %mul3A_221 = arith.muli %scan3A_89, %mul3A_220 : i32
      %add3A_222 = arith.constant 5 : i32
      %add3A_223 = arith.addi %mul3A_221, %add3A_222 : i32
      %slice3A_224 = vector.extract_strided_slice %get3A_95 {offsets = [5], sizes = [1], strides = [1]} : vector<16xi32> to vector<1xi32>
      %squeeze3A_225 = vector.extract %slice3A_224[0] : i32 from vector<1xi32>
      %dma_start3A_226 = arith.constant 0 : i32
      %dma_start3A_227 = tpu.memref_slice %arg10[%add3A_223, %dma_start3A_226] : memref<128x64xf32, #tpu.memory_space<vmem>> -> memref<1x64xf32, #tpu.memory_space<vmem>>
      %dma_start3A_228 = arith.constant 0 : i32
      %dma_start3A_229 = tpu.memref_slice %arg4[%squeeze3A_225, %dma_start3A_228] : memref<1000000x64xf32, #tpu.memory_space<hbm>> -> memref<1x64xf32, #tpu.memory_space<hbm>>
      %dma_start3A_230 = arith.constant 0 : i32
      %dma_start3A_231 = tpu.memref_slice %arg10[%add3A_223, %dma_start3A_230] : memref<128x64xf32, #tpu.memory_space<vmem>> -> memref<1x64xf32, #tpu.memory_space<vmem>>
      %dma_start3A_232 = arith.constant 0 : i32
      %dma_start3A_233 = tpu.memref_slice %arg4[%squeeze3A_225, %dma_start3A_232] : memref<1000000x64xf32, #tpu.memory_space<hbm>> -> memref<1x64xf32, #tpu.memory_space<hbm>>
      tpu.enqueue_dma source(%dma_start3A_233 : memref<1x64xf32, #tpu.memory_space<hbm>>) target(%dma_start3A_231 : memref<1x64xf32, #tpu.memory_space<vmem>>) target_semaphore(%arg14 : memref<!tpu.dma_semaphore, #tpu.memory_space<semaphore_mem>>)
      %slice3A_234 = vector.extract_strided_slice %get3A_102 {offsets = [5], sizes = [1], strides = [1]} : vector<16xi32> to vector<1xi32>
      %squeeze3A_235 = vector.extract %slice3A_234[0] : i32 from vector<1xi32>
      %dma_start3A_236 = arith.constant 0 : i32
      %dma_start3A_237 = tpu.memref_slice %arg11[%add3A_223, %dma_start3A_236] : memref<128x16xf32, #tpu.memory_space<vmem>> -> memref<1x16xf32, #tpu.memory_space<vmem>>
      %dma_start3A_238 = arith.constant 0 : i32
      %dma_start3A_239 = tpu.memref_slice %arg5[%squeeze3A_235, %dma_start3A_238] : memref<1000x16xf32, #tpu.memory_space<hbm>> -> memref<1x16xf32, #tpu.memory_space<hbm>>
      %dma_start3A_240 = arith.constant 0 : i32
      %dma_start3A_241 = tpu.memref_slice %arg11[%add3A_223, %dma_start3A_240] : memref<128x16xf32, #tpu.memory_space<vmem>> -> memref<1x16xf32, #tpu.memory_space<vmem>>
      %dma_start3A_242 = arith.constant 0 : i32
      %dma_start3A_243 = tpu.memref_slice %arg5[%squeeze3A_235, %dma_start3A_242] : memref<1000x16xf32, #tpu.memory_space<hbm>> -> memref<1x16xf32, #tpu.memory_space<hbm>>
      tpu.enqueue_dma source(%dma_start3A_243 : memref<1x16xf32, #tpu.memory_space<hbm>>) target(%dma_start3A_241 : memref<1x16xf32, #tpu.memory_space<vmem>>) target_semaphore(%arg14 : memref<!tpu.dma_semaphore, #tpu.memory_space<semaphore_mem>>)
      %mul3A_244 = arith.constant 16 : i32
      %mul3A_245 = arith.muli %scan3A_89, %mul3A_244 : i32
      %add3A_246 = arith.constant 6 : i32
      %add3A_247 = arith.addi %mul3A_245, %add3A_246 : i32
      %slice3A_248 = vector.extract_strided_slice %get3A_95 {offsets = [6], sizes = [1], strides = [1]} : vector<16xi32> to vector<1xi32>
      %squeeze3A_249 = vector.extract %slice3A_248[0] : i32 from vector<1xi32>
      %dma_start3A_250 = arith.constant 0 : i32
      %dma_start3A_251 = tpu.memref_slice %arg10[%add3A_247, %dma_start3A_250] : memref<128x64xf32, #tpu.memory_space<vmem>> -> memref<1x64xf32, #tpu.memory_space<vmem>>
      %dma_start3A_252 = arith.constant 0 : i32
      %dma_start3A_253 = tpu.memref_slice %arg4[%squeeze3A_249, %dma_start3A_252] : memref<1000000x64xf32, #tpu.memory_space<hbm>> -> memref<1x64xf32, #tpu.memory_space<hbm>>
      %dma_start3A_254 = arith.constant 0 : i32
      %dma_start3A_255 = tpu.memref_slice %arg10[%add3A_247, %dma_start3A_254] : memref<128x64xf32, #tpu.memory_space<vmem>> -> memref<1x64xf32, #tpu.memory_space<vmem>>
      %dma_start3A_256 = arith.constant 0 : i32
      %dma_start3A_257 = tpu.memref_slice %arg4[%squeeze3A_249, %dma_start3A_256] : memref<1000000x64xf32, #tpu.memory_space<hbm>> -> memref<1x64xf32, #tpu.memory_space<hbm>>
      tpu.enqueue_dma source(%dma_start3A_257 : memref<1x64xf32, #tpu.memory_space<hbm>>) target(%dma_start3A_255 : memref<1x64xf32, #tpu.memory_space<vmem>>) target_semaphore(%arg14 : memref<!tpu.dma_semaphore, #tpu.memory_space<semaphore_mem>>)
      %slice3A_258 = vector.extract_strided_slice %get3A_102 {offsets = [6], sizes = [1], strides = [1]} : vector<16xi32> to vector<1xi32>
      %squeeze3A_259 = vector.extract %slice3A_258[0] : i32 from vector<1xi32>
      %dma_start3A_260 = arith.constant 0 : i32
      %dma_start3A_261 = tpu.memref_slice %arg11[%add3A_247, %dma_start3A_260] : memref<128x16xf32, #tpu.memory_space<vmem>> -> memref<1x16xf32, #tpu.memory_space<vmem>>
      %dma_start3A_262 = arith.constant 0 : i32
      %dma_start3A_263 = tpu.memref_slice %arg5[%squeeze3A_259, %dma_start3A_262] : memref<1000x16xf32, #tpu.memory_space<hbm>> -> memref<1x16xf32, #tpu.memory_space<hbm>>
      %dma_start3A_264 = arith.constant 0 : i32
      %dma_start3A_265 = tpu.memref_slice %arg11[%add3A_247, %dma_start3A_264] : memref<128x16xf32, #tpu.memory_space<vmem>> -> memref<1x16xf32, #tpu.memory_space<vmem>>
      %dma_start3A_266 = arith.constant 0 : i32
      %dma_start3A_267 = tpu.memref_slice %arg5[%squeeze3A_259, %dma_start3A_266] : memref<1000x16xf32, #tpu.memory_space<hbm>> -> memref<1x16xf32, #tpu.memory_space<hbm>>
      tpu.enqueue_dma source(%dma_start3A_267 : memref<1x16xf32, #tpu.memory_space<hbm>>) target(%dma_start3A_265 : memref<1x16xf32, #tpu.memory_space<vmem>>) target_semaphore(%arg14 : memref<!tpu.dma_semaphore, #tpu.memory_space<semaphore_mem>>)
      %mul3A_268 = arith.constant 16 : i32
      %mul3A_269 = arith.muli %scan3A_89, %mul3A_268 : i32
      %add3A_270 = arith.constant 7 : i32
      %add3A_271 = arith.addi %mul3A_269, %add3A_270 : i32
      %slice3A_272 = vector.extract_strided_slice %get3A_95 {offsets = [7], sizes = [1], strides = [1]} : vector<16xi32> to vector<1xi32>
      %squeeze3A_273 = vector.extract %slice3A_272[0] : i32 from vector<1xi32>
      %dma_start3A_274 = arith.constant 0 : i32
      %dma_start3A_275 = tpu.memref_slice %arg10[%add3A_271, %dma_start3A_274] : memref<128x64xf32, #tpu.memory_space<vmem>> -> memref<1x64xf32, #tpu.memory_space<vmem>>
      %dma_start3A_276 = arith.constant 0 : i32
      %dma_start3A_277 = tpu.memref_slice %arg4[%squeeze3A_273, %dma_start3A_276] : memref<1000000x64xf32, #tpu.memory_space<hbm>> -> memref<1x64xf32, #tpu.memory_space<hbm>>
      %dma_start3A_278 = arith.constant 0 : i32
      %dma_start3A_279 = tpu.memref_slice %arg10[%add3A_271, %dma_start3A_278] : memref<128x64xf32, #tpu.memory_space<vmem>> -> memref<1x64xf32, #tpu.memory_space<vmem>>
      %dma_start3A_280 = arith.constant 0 : i32
      %dma_start3A_281 = tpu.memref_slice %arg4[%squeeze3A_273, %dma_start3A_280] : memref<1000000x64xf32, #tpu.memory_space<hbm>> -> memref<1x64xf32, #tpu.memory_space<hbm>>
      tpu.enqueue_dma source(%dma_start3A_281 : memref<1x64xf32, #tpu.memory_space<hbm>>) target(%dma_start3A_279 : memref<1x64xf32, #tpu.memory_space<vmem>>) target_semaphore(%arg14 : memref<!tpu.dma_semaphore, #tpu.memory_space<semaphore_mem>>)
      %slice3A_282 = vector.extract_strided_slice %get3A_102 {offsets = [7], sizes = [1], strides = [1]} : vector<16xi32> to vector<1xi32>
      %squeeze3A_283 = vector.extract %slice3A_282[0] : i32 from vector<1xi32>
      %dma_start3A_284 = arith.constant 0 : i32
      %dma_start3A_285 = tpu.memref_slice %arg11[%add3A_271, %dma_start3A_284] : memref<128x16xf32, #tpu.memory_space<vmem>> -> memref<1x16xf32, #tpu.memory_space<vmem>>
      %dma_start3A_286 = arith.constant 0 : i32
      %dma_start3A_287 = tpu.memref_slice %arg5[%squeeze3A_283, %dma_start3A_286] : memref<1000x16xf32, #tpu.memory_space<hbm>> -> memref<1x16xf32, #tpu.memory_space<hbm>>
      %dma_start3A_288 = arith.constant 0 : i32
      %dma_start3A_289 = tpu.memref_slice %arg11[%add3A_271, %dma_start3A_288] : memref<128x16xf32, #tpu.memory_space<vmem>> -> memref<1x16xf32, #tpu.memory_space<vmem>>
      %dma_start3A_290 = arith.constant 0 : i32
      %dma_start3A_291 = tpu.memref_slice %arg5[%squeeze3A_283, %dma_start3A_290] : memref<1000x16xf32, #tpu.memory_space<hbm>> -> memref<1x16xf32, #tpu.memory_space<hbm>>
      tpu.enqueue_dma source(%dma_start3A_291 : memref<1x16xf32, #tpu.memory_space<hbm>>) target(%dma_start3A_289 : memref<1x16xf32, #tpu.memory_space<vmem>>) target_semaphore(%arg14 : memref<!tpu.dma_semaphore, #tpu.memory_space<semaphore_mem>>)
      %mul3A_292 = arith.constant 16 : i32
      %mul3A_293 = arith.muli %scan3A_89, %mul3A_292 : i32
      %add3A_294 = arith.constant 8 : i32
      %add3A_295 = arith.addi %mul3A_293, %add3A_294 : i32
      %slice3A_296 = vector.extract_strided_slice %get3A_95 {offsets = [8], sizes = [1], strides = [1]} : vector<16xi32> to vector<1xi32>
      %squeeze3A_297 = vector.extract %slice3A_296[0] : i32 from vector<1xi32>
      %dma_start3A_298 = arith.constant 0 : i32
      %dma_start3A_299 = tpu.memref_slice %arg10[%add3A_295, %dma_start3A_298] : memref<128x64xf32, #tpu.memory_space<vmem>> -> memref<1x64xf32, #tpu.memory_space<vmem>>
      %dma_start3A_300 = arith.constant 0 : i32
      %dma_start3A_301 = tpu.memref_slice %arg4[%squeeze3A_297, %dma_start3A_300] : memref<1000000x64xf32, #tpu.memory_space<hbm>> -> memref<1x64xf32, #tpu.memory_space<hbm>>
      %dma_start3A_302 = arith.constant 0 : i32
      %dma_start3A_303 = tpu.memref_slice %arg10[%add3A_295, %dma_start3A_302] : memref<128x64xf32, #tpu.memory_space<vmem>> -> memref<1x64xf32, #tpu.memory_space<vmem>>
      %dma_start3A_304 = arith.constant 0 : i32
      %dma_start3A_305 = tpu.memref_slice %arg4[%squeeze3A_297, %dma_start3A_304] : memref<1000000x64xf32, #tpu.memory_space<hbm>> -> memref<1x64xf32, #tpu.memory_space<hbm>>
      tpu.enqueue_dma source(%dma_start3A_305 : memref<1x64xf32, #tpu.memory_space<hbm>>) target(%dma_start3A_303 : memref<1x64xf32, #tpu.memory_space<vmem>>) target_semaphore(%arg14 : memref<!tpu.dma_semaphore, #tpu.memory_space<semaphore_mem>>)
      %slice3A_306 = vector.extract_strided_slice %get3A_102 {offsets = [8], sizes = [1], strides = [1]} : vector<16xi32> to vector<1xi32>
      %squeeze3A_307 = vector.extract %slice3A_306[0] : i32 from vector<1xi32>
      %dma_start3A_308 = arith.constant 0 : i32
      %dma_start3A_309 = tpu.memref_slice %arg11[%add3A_295, %dma_start3A_308] : memref<128x16xf32, #tpu.memory_space<vmem>> -> memref<1x16xf32, #tpu.memory_space<vmem>>
      %dma_start3A_310 = arith.constant 0 : i32
      %dma_start3A_311 = tpu.memref_slice %arg5[%squeeze3A_307, %dma_start3A_310] : memref<1000x16xf32, #tpu.memory_space<hbm>> -> memref<1x16xf32, #tpu.memory_space<hbm>>
      %dma_start3A_312 = arith.constant 0 : i32
      %dma_start3A_313 = tpu.memref_slice %arg11[%add3A_295, %dma_start3A_312] : memref<128x16xf32, #tpu.memory_space<vmem>> -> memref<1x16xf32, #tpu.memory_space<vmem>>
      %dma_start3A_314 = arith.constant 0 : i32
      %dma_start3A_315 = tpu.memref_slice %arg5[%squeeze3A_307, %dma_start3A_314] : memref<1000x16xf32, #tpu.memory_space<hbm>> -> memref<1x16xf32, #tpu.memory_space<hbm>>
      tpu.enqueue_dma source(%dma_start3A_315 : memref<1x16xf32, #tpu.memory_space<hbm>>) target(%dma_start3A_313 : memref<1x16xf32, #tpu.memory_space<vmem>>) target_semaphore(%arg14 : memref<!tpu.dma_semaphore, #tpu.memory_space<semaphore_mem>>)
      %mul3A_316 = arith.constant 16 : i32
      %mul3A_317 = arith.muli %scan3A_89, %mul3A_316 : i32
      %add3A_318 = arith.constant 9 : i32
      %add3A_319 = arith.addi %mul3A_317, %add3A_318 : i32
      %slice3A_320 = vector.extract_strided_slice %get3A_95 {offsets = [9], sizes = [1], strides = [1]} : vector<16xi32> to vector<1xi32>
      %squeeze3A_321 = vector.extract %slice3A_320[0] : i32 from vector<1xi32>
      %dma_start3A_322 = arith.constant 0 : i32
      %dma_start3A_323 = tpu.memref_slice %arg10[%add3A_319, %dma_start3A_322] : memref<128x64xf32, #tpu.memory_space<vmem>> -> memref<1x64xf32, #tpu.memory_space<vmem>>
      %dma_start3A_324 = arith.constant 0 : i32
      %dma_start3A_325 = tpu.memref_slice %arg4[%squeeze3A_321, %dma_start3A_324] : memref<1000000x64xf32, #tpu.memory_space<hbm>> -> memref<1x64xf32, #tpu.memory_space<hbm>>
      %dma_start3A_326 = arith.constant 0 : i32
      %dma_start3A_327 = tpu.memref_slice %arg10[%add3A_319, %dma_start3A_326] : memref<128x64xf32, #tpu.memory_space<vmem>> -> memref<1x64xf32, #tpu.memory_space<vmem>>
      %dma_start3A_328 = arith.constant 0 : i32
      %dma_start3A_329 = tpu.memref_slice %arg4[%squeeze3A_321, %dma_start3A_328] : memref<1000000x64xf32, #tpu.memory_space<hbm>> -> memref<1x64xf32, #tpu.memory_space<hbm>>
      tpu.enqueue_dma source(%dma_start3A_329 : memref<1x64xf32, #tpu.memory_space<hbm>>) target(%dma_start3A_327 : memref<1x64xf32, #tpu.memory_space<vmem>>) target_semaphore(%arg14 : memref<!tpu.dma_semaphore, #tpu.memory_space<semaphore_mem>>)
      %slice3A_330 = vector.extract_strided_slice %get3A_102 {offsets = [9], sizes = [1], strides = [1]} : vector<16xi32> to vector<1xi32>
      %squeeze3A_331 = vector.extract %slice3A_330[0] : i32 from vector<1xi32>
      %dma_start3A_332 = arith.constant 0 : i32
      %dma_start3A_333 = tpu.memref_slice %arg11[%add3A_319, %dma_start3A_332] : memref<128x16xf32, #tpu.memory_space<vmem>> -> memref<1x16xf32, #tpu.memory_space<vmem>>
      %dma_start3A_334 = arith.constant 0 : i32
      %dma_start3A_335 = tpu.memref_slice %arg5[%squeeze3A_331, %dma_start3A_334] : memref<1000x16xf32, #tpu.memory_space<hbm>> -> memref<1x16xf32, #tpu.memory_space<hbm>>
      %dma_start3A_336 = arith.constant 0 : i32
      %dma_start3A_337 = tpu.memref_slice %arg11[%add3A_319, %dma_start3A_336] : memref<128x16xf32, #tpu.memory_space<vmem>> -> memref<1x16xf32, #tpu.memory_space<vmem>>
      %dma_start3A_338 = arith.constant 0 : i32
      %dma_start3A_339 = tpu.memref_slice %arg5[%squeeze3A_331, %dma_start3A_338] : memref<1000x16xf32, #tpu.memory_space<hbm>> -> memref<1x16xf32, #tpu.memory_space<hbm>>
      tpu.enqueue_dma source(%dma_start3A_339 : memref<1x16xf32, #tpu.memory_space<hbm>>) target(%dma_start3A_337 : memref<1x16xf32, #tpu.memory_space<vmem>>) target_semaphore(%arg14 : memref<!tpu.dma_semaphore, #tpu.memory_space<semaphore_mem>>)
      %mul3A_340 = arith.constant 16 : i32
      %mul3A_341 = arith.muli %scan3A_89, %mul3A_340 : i32
      %add3A_342 = arith.constant 10 : i32
      %add3A_343 = arith.addi %mul3A_341, %add3A_342 : i32
      %slice3A_344 = vector.extract_strided_slice %get3A_95 {offsets = [10], sizes = [1], strides = [1]} : vector<16xi32> to vector<1xi32>
      %squeeze3A_345 = vector.extract %slice3A_344[0] : i32 from vector<1xi32>
      %dma_start3A_346 = arith.constant 0 : i32
      %dma_start3A_347 = tpu.memref_slice %arg10[%add3A_343, %dma_start3A_346] : memref<128x64xf32, #tpu.memory_space<vmem>> -> memref<1x64xf32, #tpu.memory_space<vmem>>
      %dma_start3A_348 = arith.constant 0 : i32
      %dma_start3A_349 = tpu.memref_slice %arg4[%squeeze3A_345, %dma_start3A_348] : memref<1000000x64xf32, #tpu.memory_space<hbm>> -> memref<1x64xf32, #tpu.memory_space<hbm>>
      %dma_start3A_350 = arith.constant 0 : i32
      %dma_start3A_351 = tpu.memref_slice %arg10[%add3A_343, %dma_start3A_350] : memref<128x64xf32, #tpu.memory_space<vmem>> -> memref<1x64xf32, #tpu.memory_space<vmem>>
      %dma_start3A_352 = arith.constant 0 : i32
      %dma_start3A_353 = tpu.memref_slice %arg4[%squeeze3A_345, %dma_start3A_352] : memref<1000000x64xf32, #tpu.memory_space<hbm>> -> memref<1x64xf32, #tpu.memory_space<hbm>>
      tpu.enqueue_dma source(%dma_start3A_353 : memref<1x64xf32, #tpu.memory_space<hbm>>) target(%dma_start3A_351 : memref<1x64xf32, #tpu.memory_space<vmem>>) target_semaphore(%arg14 : memref<!tpu.dma_semaphore, #tpu.memory_space<semaphore_mem>>)
      %slice3A_354 = vector.extract_strided_slice %get3A_102 {offsets = [10], sizes = [1], strides = [1]} : vector<16xi32> to vector<1xi32>
      %squeeze3A_355 = vector.extract %slice3A_354[0] : i32 from vector<1xi32>
      %dma_start3A_356 = arith.constant 0 : i32
      %dma_start3A_357 = tpu.memref_slice %arg11[%add3A_343, %dma_start3A_356] : memref<128x16xf32, #tpu.memory_space<vmem>> -> memref<1x16xf32, #tpu.memory_space<vmem>>
      %dma_start3A_358 = arith.constant 0 : i32
      %dma_start3A_359 = tpu.memref_slice %arg5[%squeeze3A_355, %dma_start3A_358] : memref<1000x16xf32, #tpu.memory_space<hbm>> -> memref<1x16xf32, #tpu.memory_space<hbm>>
      %dma_start3A_360 = arith.constant 0 : i32
      %dma_start3A_361 = tpu.memref_slice %arg11[%add3A_343, %dma_start3A_360] : memref<128x16xf32, #tpu.memory_space<vmem>> -> memref<1x16xf32, #tpu.memory_space<vmem>>
      %dma_start3A_362 = arith.constant 0 : i32
      %dma_start3A_363 = tpu.memref_slice %arg5[%squeeze3A_355, %dma_start3A_362] : memref<1000x16xf32, #tpu.memory_space<hbm>> -> memref<1x16xf32, #tpu.memory_space<hbm>>
      tpu.enqueue_dma source(%dma_start3A_363 : memref<1x16xf32, #tpu.memory_space<hbm>>) target(%dma_start3A_361 : memref<1x16xf32, #tpu.memory_space<vmem>>) target_semaphore(%arg14 : memref<!tpu.dma_semaphore, #tpu.memory_space<semaphore_mem>>)
      %mul3A_364 = arith.constant 16 : i32
      %mul3A_365 = arith.muli %scan3A_89, %mul3A_364 : i32
      %add3A_366 = arith.constant 11 : i32
      %add3A_367 = arith.addi %mul3A_365, %add3A_366 : i32
      %slice3A_368 = vector.extract_strided_slice %get3A_95 {offsets = [11], sizes = [1], strides = [1]} : vector<16xi32> to vector<1xi32>
      %squeeze3A_369 = vector.extract %slice3A_368[0] : i32 from vector<1xi32>
      %dma_start3A_370 = arith.constant 0 : i32
      %dma_start3A_371 = tpu.memref_slice %arg10[%add3A_367, %dma_start3A_370] : memref<128x64xf32, #tpu.memory_space<vmem>> -> memref<1x64xf32, #tpu.memory_space<vmem>>
      %dma_start3A_372 = arith.constant 0 : i32
      %dma_start3A_373 = tpu.memref_slice %arg4[%squeeze3A_369, %dma_start3A_372] : memref<1000000x64xf32, #tpu.memory_space<hbm>> -> memref<1x64xf32, #tpu.memory_space<hbm>>
      %dma_start3A_374 = arith.constant 0 : i32
      %dma_start3A_375 = tpu.memref_slice %arg10[%add3A_367, %dma_start3A_374] : memref<128x64xf32, #tpu.memory_space<vmem>> -> memref<1x64xf32, #tpu.memory_space<vmem>>
      %dma_start3A_376 = arith.constant 0 : i32
      %dma_start3A_377 = tpu.memref_slice %arg4[%squeeze3A_369, %dma_start3A_376] : memref<1000000x64xf32, #tpu.memory_space<hbm>> -> memref<1x64xf32, #tpu.memory_space<hbm>>
      tpu.enqueue_dma source(%dma_start3A_377 : memref<1x64xf32, #tpu.memory_space<hbm>>) target(%dma_start3A_375 : memref<1x64xf32, #tpu.memory_space<vmem>>) target_semaphore(%arg14 : memref<!tpu.dma_semaphore, #tpu.memory_space<semaphore_mem>>)
      %slice3A_378 = vector.extract_strided_slice %get3A_102 {offsets = [11], sizes = [1], strides = [1]} : vector<16xi32> to vector<1xi32>
      %squeeze3A_379 = vector.extract %slice3A_378[0] : i32 from vector<1xi32>
      %dma_start3A_380 = arith.constant 0 : i32
      %dma_start3A_381 = tpu.memref_slice %arg11[%add3A_367, %dma_start3A_380] : memref<128x16xf32, #tpu.memory_space<vmem>> -> memref<1x16xf32, #tpu.memory_space<vmem>>
      %dma_start3A_382 = arith.constant 0 : i32
      %dma_start3A_383 = tpu.memref_slice %arg5[%squeeze3A_379, %dma_start3A_382] : memref<1000x16xf32, #tpu.memory_space<hbm>> -> memref<1x16xf32, #tpu.memory_space<hbm>>
      %dma_start3A_384 = arith.constant 0 : i32
      %dma_start3A_385 = tpu.memref_slice %arg11[%add3A_367, %dma_start3A_384] : memref<128x16xf32, #tpu.memory_space<vmem>> -> memref<1x16xf32, #tpu.memory_space<vmem>>
      %dma_start3A_386 = arith.constant 0 : i32
      %dma_start3A_387 = tpu.memref_slice %arg5[%squeeze3A_379, %dma_start3A_386] : memref<1000x16xf32, #tpu.memory_space<hbm>> -> memref<1x16xf32, #tpu.memory_space<hbm>>
      tpu.enqueue_dma source(%dma_start3A_387 : memref<1x16xf32, #tpu.memory_space<hbm>>) target(%dma_start3A_385 : memref<1x16xf32, #tpu.memory_space<vmem>>) target_semaphore(%arg14 : memref<!tpu.dma_semaphore, #tpu.memory_space<semaphore_mem>>)
      %mul3A_388 = arith.constant 16 : i32
      %mul3A_389 = arith.muli %scan3A_89, %mul3A_388 : i32
      %add3A_390 = arith.constant 12 : i32
      %add3A_391 = arith.addi %mul3A_389, %add3A_390 : i32
      %slice3A_392 = vector.extract_strided_slice %get3A_95 {offsets = [12], sizes = [1], strides = [1]} : vector<16xi32> to vector<1xi32>
      %squeeze3A_393 = vector.extract %slice3A_392[0] : i32 from vector<1xi32>
      %dma_start3A_394 = arith.constant 0 : i32
      %dma_start3A_395 = tpu.memref_slice %arg10[%add3A_391, %dma_start3A_394] : memref<128x64xf32, #tpu.memory_space<vmem>> -> memref<1x64xf32, #tpu.memory_space<vmem>>
      %dma_start3A_396 = arith.constant 0 : i32
      %dma_start3A_397 = tpu.memref_slice %arg4[%squeeze3A_393, %dma_start3A_396] : memref<1000000x64xf32, #tpu.memory_space<hbm>> -> memref<1x64xf32, #tpu.memory_space<hbm>>
      %dma_start3A_398 = arith.constant 0 : i32
      %dma_start3A_399 = tpu.memref_slice %arg10[%add3A_391, %dma_start3A_398] : memref<128x64xf32, #tpu.memory_space<vmem>> -> memref<1x64xf32, #tpu.memory_space<vmem>>
      %dma_start3A_400 = arith.constant 0 : i32
      %dma_start3A_401 = tpu.memref_slice %arg4[%squeeze3A_393, %dma_start3A_400] : memref<1000000x64xf32, #tpu.memory_space<hbm>> -> memref<1x64xf32, #tpu.memory_space<hbm>>
      tpu.enqueue_dma source(%dma_start3A_401 : memref<1x64xf32, #tpu.memory_space<hbm>>) target(%dma_start3A_399 : memref<1x64xf32, #tpu.memory_space<vmem>>) target_semaphore(%arg14 : memref<!tpu.dma_semaphore, #tpu.memory_space<semaphore_mem>>)
      %slice3A_402 = vector.extract_strided_slice %get3A_102 {offsets = [12], sizes = [1], strides = [1]} : vector<16xi32> to vector<1xi32>
      %squeeze3A_403 = vector.extract %slice3A_402[0] : i32 from vector<1xi32>
      %dma_start3A_404 = arith.constant 0 : i32
      %dma_start3A_405 = tpu.memref_slice %arg11[%add3A_391, %dma_start3A_404] : memref<128x16xf32, #tpu.memory_space<vmem>> -> memref<1x16xf32, #tpu.memory_space<vmem>>
      %dma_start3A_406 = arith.constant 0 : i32
      %dma_start3A_407 = tpu.memref_slice %arg5[%squeeze3A_403, %dma_start3A_406] : memref<1000x16xf32, #tpu.memory_space<hbm>> -> memref<1x16xf32, #tpu.memory_space<hbm>>
      %dma_start3A_408 = arith.constant 0 : i32
      %dma_start3A_409 = tpu.memref_slice %arg11[%add3A_391, %dma_start3A_408] : memref<128x16xf32, #tpu.memory_space<vmem>> -> memref<1x16xf32, #tpu.memory_space<vmem>>
      %dma_start3A_410 = arith.constant 0 : i32
      %dma_start3A_411 = tpu.memref_slice %arg5[%squeeze3A_403, %dma_start3A_410] : memref<1000x16xf32, #tpu.memory_space<hbm>> -> memref<1x16xf32, #tpu.memory_space<hbm>>
      tpu.enqueue_dma source(%dma_start3A_411 : memref<1x16xf32, #tpu.memory_space<hbm>>) target(%dma_start3A_409 : memref<1x16xf32, #tpu.memory_space<vmem>>) target_semaphore(%arg14 : memref<!tpu.dma_semaphore, #tpu.memory_space<semaphore_mem>>)
      %mul3A_412 = arith.constant 16 : i32
      %mul3A_413 = arith.muli %scan3A_89, %mul3A_412 : i32
      %add3A_414 = arith.constant 13 : i32
      %add3A_415 = arith.addi %mul3A_413, %add3A_414 : i32
      %slice3A_416 = vector.extract_strided_slice %get3A_95 {offsets = [13], sizes = [1], strides = [1]} : vector<16xi32> to vector<1xi32>
      %squeeze3A_417 = vector.extract %slice3A_416[0] : i32 from vector<1xi32>
      %dma_start3A_418 = arith.constant 0 : i32
      %dma_start3A_419 = tpu.memref_slice %arg10[%add3A_415, %dma_start3A_418] : memref<128x64xf32, #tpu.memory_space<vmem>> -> memref<1x64xf32, #tpu.memory_space<vmem>>
      %dma_start3A_420 = arith.constant 0 : i32
      %dma_start3A_421 = tpu.memref_slice %arg4[%squeeze3A_417, %dma_start3A_420] : memref<1000000x64xf32, #tpu.memory_space<hbm>> -> memref<1x64xf32, #tpu.memory_space<hbm>>
      %dma_start3A_422 = arith.constant 0 : i32
      %dma_start3A_423 = tpu.memref_slice %arg10[%add3A_415, %dma_start3A_422] : memref<128x64xf32, #tpu.memory_space<vmem>> -> memref<1x64xf32, #tpu.memory_space<vmem>>
      %dma_start3A_424 = arith.constant 0 : i32
      %dma_start3A_425 = tpu.memref_slice %arg4[%squeeze3A_417, %dma_start3A_424] : memref<1000000x64xf32, #tpu.memory_space<hbm>> -> memref<1x64xf32, #tpu.memory_space<hbm>>
      tpu.enqueue_dma source(%dma_start3A_425 : memref<1x64xf32, #tpu.memory_space<hbm>>) target(%dma_start3A_423 : memref<1x64xf32, #tpu.memory_space<vmem>>) target_semaphore(%arg14 : memref<!tpu.dma_semaphore, #tpu.memory_space<semaphore_mem>>)
      %slice3A_426 = vector.extract_strided_slice %get3A_102 {offsets = [13], sizes = [1], strides = [1]} : vector<16xi32> to vector<1xi32>
      %squeeze3A_427 = vector.extract %slice3A_426[0] : i32 from vector<1xi32>
      %dma_start3A_428 = arith.constant 0 : i32
      %dma_start3A_429 = tpu.memref_slice %arg11[%add3A_415, %dma_start3A_428] : memref<128x16xf32, #tpu.memory_space<vmem>> -> memref<1x16xf32, #tpu.memory_space<vmem>>
      %dma_start3A_430 = arith.constant 0 : i32
      %dma_start3A_431 = tpu.memref_slice %arg5[%squeeze3A_427, %dma_start3A_430] : memref<1000x16xf32, #tpu.memory_space<hbm>> -> memref<1x16xf32, #tpu.memory_space<hbm>>
      %dma_start3A_432 = arith.constant 0 : i32
      %dma_start3A_433 = tpu.memref_slice %arg11[%add3A_415, %dma_start3A_432] : memref<128x16xf32, #tpu.memory_space<vmem>> -> memref<1x16xf32, #tpu.memory_space<vmem>>
      %dma_start3A_434 = arith.constant 0 : i32
      %dma_start3A_435 = tpu.memref_slice %arg5[%squeeze3A_427, %dma_start3A_434] : memref<1000x16xf32, #tpu.memory_space<hbm>> -> memref<1x16xf32, #tpu.memory_space<hbm>>
      tpu.enqueue_dma source(%dma_start3A_435 : memref<1x16xf32, #tpu.memory_space<hbm>>) target(%dma_start3A_433 : memref<1x16xf32, #tpu.memory_space<vmem>>) target_semaphore(%arg14 : memref<!tpu.dma_semaphore, #tpu.memory_space<semaphore_mem>>)
      %mul3A_436 = arith.constant 16 : i32
      %mul3A_437 = arith.muli %scan3A_89, %mul3A_436 : i32
      %add3A_438 = arith.constant 14 : i32
      %add3A_439 = arith.addi %mul3A_437, %add3A_438 : i32
      %slice3A_440 = vector.extract_strided_slice %get3A_95 {offsets = [14], sizes = [1], strides = [1]} : vector<16xi32> to vector<1xi32>
      %squeeze3A_441 = vector.extract %slice3A_440[0] : i32 from vector<1xi32>
      %dma_start3A_442 = arith.constant 0 : i32
      %dma_start3A_443 = tpu.memref_slice %arg10[%add3A_439, %dma_start3A_442] : memref<128x64xf32, #tpu.memory_space<vmem>> -> memref<1x64xf32, #tpu.memory_space<vmem>>
      %dma_start3A_444 = arith.constant 0 : i32
      %dma_start3A_445 = tpu.memref_slice %arg4[%squeeze3A_441, %dma_start3A_444] : memref<1000000x64xf32, #tpu.memory_space<hbm>> -> memref<1x64xf32, #tpu.memory_space<hbm>>
      %dma_start3A_446 = arith.constant 0 : i32
      %dma_start3A_447 = tpu.memref_slice %arg10[%add3A_439, %dma_start3A_446] : memref<128x64xf32, #tpu.memory_space<vmem>> -> memref<1x64xf32, #tpu.memory_space<vmem>>
      %dma_start3A_448 = arith.constant 0 : i32
      %dma_start3A_449 = tpu.memref_slice %arg4[%squeeze3A_441, %dma_start3A_448] : memref<1000000x64xf32, #tpu.memory_space<hbm>> -> memref<1x64xf32, #tpu.memory_space<hbm>>
      tpu.enqueue_dma source(%dma_start3A_449 : memref<1x64xf32, #tpu.memory_space<hbm>>) target(%dma_start3A_447 : memref<1x64xf32, #tpu.memory_space<vmem>>) target_semaphore(%arg14 : memref<!tpu.dma_semaphore, #tpu.memory_space<semaphore_mem>>)
      %slice3A_450 = vector.extract_strided_slice %get3A_102 {offsets = [14], sizes = [1], strides = [1]} : vector<16xi32> to vector<1xi32>
      %squeeze3A_451 = vector.extract %slice3A_450[0] : i32 from vector<1xi32>
      %dma_start3A_452 = arith.constant 0 : i32
      %dma_start3A_453 = tpu.memref_slice %arg11[%add3A_439, %dma_start3A_452] : memref<128x16xf32, #tpu.memory_space<vmem>> -> memref<1x16xf32, #tpu.memory_space<vmem>>
      %dma_start3A_454 = arith.constant 0 : i32
      %dma_start3A_455 = tpu.memref_slice %arg5[%squeeze3A_451, %dma_start3A_454] : memref<1000x16xf32, #tpu.memory_space<hbm>> -> memref<1x16xf32, #tpu.memory_space<hbm>>
      %dma_start3A_456 = arith.constant 0 : i32
      %dma_start3A_457 = tpu.memref_slice %arg11[%add3A_439, %dma_start3A_456] : memref<128x16xf32, #tpu.memory_space<vmem>> -> memref<1x16xf32, #tpu.memory_space<vmem>>
      %dma_start3A_458 = arith.constant 0 : i32
      %dma_start3A_459 = tpu.memref_slice %arg5[%squeeze3A_451, %dma_start3A_458] : memref<1000x16xf32, #tpu.memory_space<hbm>> -> memref<1x16xf32, #tpu.memory_space<hbm>>
      tpu.enqueue_dma source(%dma_start3A_459 : memref<1x16xf32, #tpu.memory_space<hbm>>) target(%dma_start3A_457 : memref<1x16xf32, #tpu.memory_space<vmem>>) target_semaphore(%arg14 : memref<!tpu.dma_semaphore, #tpu.memory_space<semaphore_mem>>)
      %mul3A_460 = arith.constant 16 : i32
      %mul3A_461 = arith.muli %scan3A_89, %mul3A_460 : i32
      %add3A_462 = arith.constant 15 : i32
      %add3A_463 = arith.addi %mul3A_461, %add3A_462 : i32
      %slice3A_464 = vector.extract_strided_slice %get3A_95 {offsets = [15], sizes = [1], strides = [1]} : vector<16xi32> to vector<1xi32>
      %squeeze3A_465 = vector.extract %slice3A_464[0] : i32 from vector<1xi32>
      %dma_start3A_466 = arith.constant 0 : i32
      %dma_start3A_467 = tpu.memref_slice %arg10[%add3A_463, %dma_start3A_466] : memref<128x64xf32, #tpu.memory_space<vmem>> -> memref<1x64xf32, #tpu.memory_space<vmem>>
      %dma_start3A_468 = arith.constant 0 : i32
      %dma_start3A_469 = tpu.memref_slice %arg4[%squeeze3A_465, %dma_start3A_468] : memref<1000000x64xf32, #tpu.memory_space<hbm>> -> memref<1x64xf32, #tpu.memory_space<hbm>>
      %dma_start3A_470 = arith.constant 0 : i32
      %dma_start3A_471 = tpu.memref_slice %arg10[%add3A_463, %dma_start3A_470] : memref<128x64xf32, #tpu.memory_space<vmem>> -> memref<1x64xf32, #tpu.memory_space<vmem>>
      %dma_start3A_472 = arith.constant 0 : i32
      %dma_start3A_473 = tpu.memref_slice %arg4[%squeeze3A_465, %dma_start3A_472] : memref<1000000x64xf32, #tpu.memory_space<hbm>> -> memref<1x64xf32, #tpu.memory_space<hbm>>
      tpu.enqueue_dma source(%dma_start3A_473 : memref<1x64xf32, #tpu.memory_space<hbm>>) target(%dma_start3A_471 : memref<1x64xf32, #tpu.memory_space<vmem>>) target_semaphore(%arg14 : memref<!tpu.dma_semaphore, #tpu.memory_space<semaphore_mem>>)
      %slice3A_474 = vector.extract_strided_slice %get3A_102 {offsets = [15], sizes = [1], strides = [1]} : vector<16xi32> to vector<1xi32>
      %squeeze3A_475 = vector.extract %slice3A_474[0] : i32 from vector<1xi32>
      %dma_start3A_476 = arith.constant 0 : i32
      %dma_start3A_477 = tpu.memref_slice %arg11[%add3A_463, %dma_start3A_476] : memref<128x16xf32, #tpu.memory_space<vmem>> -> memref<1x16xf32, #tpu.memory_space<vmem>>
      %dma_start3A_478 = arith.constant 0 : i32
      %dma_start3A_479 = tpu.memref_slice %arg5[%squeeze3A_475, %dma_start3A_478] : memref<1000x16xf32, #tpu.memory_space<hbm>> -> memref<1x16xf32, #tpu.memory_space<hbm>>
      %dma_start3A_480 = arith.constant 0 : i32
      %dma_start3A_481 = tpu.memref_slice %arg11[%add3A_463, %dma_start3A_480] : memref<128x16xf32, #tpu.memory_space<vmem>> -> memref<1x16xf32, #tpu.memory_space<vmem>>
      %dma_start3A_482 = arith.constant 0 : i32
      %dma_start3A_483 = tpu.memref_slice %arg5[%squeeze3A_475, %dma_start3A_482] : memref<1000x16xf32, #tpu.memory_space<hbm>> -> memref<1x16xf32, #tpu.memory_space<hbm>>
      tpu.enqueue_dma source(%dma_start3A_483 : memref<1x16xf32, #tpu.memory_space<hbm>>) target(%dma_start3A_481 : memref<1x16xf32, #tpu.memory_space<vmem>>) target_semaphore(%arg14 : memref<!tpu.dma_semaphore, #tpu.memory_space<semaphore_mem>>)
    }
    %scan3A_7 = arith.constant 8 : i32
    %scan3A_8 = arith.constant 0 : i32
    %scan3A_9 = arith.constant 0 : i32
    %scan3A_10 = arith.constant 8 : i32
    %scan3A_11 = arith.addi %scan3A_9, %scan3A_10 : i32
    %scan3A_12 = arith.constant 1 : i32
    scf.for %scan3A_89 = %scan3A_9 to %scan3A_11 step %scan3A_12  : i32 {
      %mul3A_90 = arith.constant 16 : i32
      %mul3A_91 = arith.muli %scan3A_89, %mul3A_90 : i32
      %add3A_92 = arith.constant 128 : i32
      %add3A_93 = arith.addi %add3A_92, %mul3A_91 : i32
      %get3A = arith.index_cast %add3A_93 : i32 to index
      %get3A_94 = tpu.vector_load %arg8[%get3A] {strides = array<i32>} : memref<512xi32, #tpu.memory_space<vmem>>, vector<16xi32>,
      %get3A_95 = vector.shape_cast %get3A_94 : vector<16xi32> to vector<16xi32>
      %mul3A_96 = arith.constant 16 : i32
      %mul3A_97 = arith.muli %scan3A_89, %mul3A_96 : i32
      %add3A_98 = arith.constant 128 : i32
      %add3A_99 = arith.addi %add3A_98, %mul3A_97 : i32
      %get3A_100 = arith.index_cast %add3A_99 : i32 to index
      %get3A_101 = tpu.vector_load %arg9[%get3A_100] {strides = array<i32>} : memref<512xi32, #tpu.memory_space<vmem>>, vector<16xi32>,
      %get3A_102 = vector.shape_cast %get3A_101 : vector<16xi32> to vector<16xi32>
      %mul3A_103 = arith.constant 16 : i32
      %mul3A_104 = arith.muli %scan3A_89, %mul3A_103 : i32
      %add3A_105 = arith.constant 0 : i32
      %add3A_106 = arith.addi %mul3A_104, %add3A_105 : i32
      %slice3A = vector.extract_strided_slice %get3A_95 {offsets = [0], sizes = [1], strides = [1]} : vector<16xi32> to vector<1xi32>
      %squeeze3A = vector.extract %slice3A[0] : i32 from vector<1xi32>
      %dma_start3A = arith.constant 0 : i32
      %dma_start3A_107 = tpu.memref_slice %arg12[%add3A_106, %dma_start3A] : memref<128x64xf32, #tpu.memory_space<vmem>> -> memref<1x64xf32, #tpu.memory_space<vmem>>
      %dma_start3A_108 = arith.constant 0 : i32
      %dma_start3A_109 = tpu.memref_slice %arg4[%squeeze3A, %dma_start3A_108] : memref<1000000x64xf32, #tpu.memory_space<hbm>> -> memref<1x64xf32, #tpu.memory_space<hbm>>
      %dma_start3A_110 = arith.constant 0 : i32
      %dma_start3A_111 = tpu.memref_slice %arg12[%add3A_106, %dma_start3A_110] : memref<128x64xf32, #tpu.memory_space<vmem>> -> memref<1x64xf32, #tpu.memory_space<vmem>>
      %dma_start3A_112 = arith.constant 0 : i32
      %dma_start3A_113 = tpu.memref_slice %arg4[%squeeze3A, %dma_start3A_112] : memref<1000000x64xf32, #tpu.memory_space<hbm>> -> memref<1x64xf32, #tpu.memory_space<hbm>>
      tpu.enqueue_dma source(%dma_start3A_113 : memref<1x64xf32, #tpu.memory_space<hbm>>) target(%dma_start3A_111 : memref<1x64xf32, #tpu.memory_space<vmem>>) target_semaphore(%arg15 : memref<!tpu.dma_semaphore, #tpu.memory_space<semaphore_mem>>)
      %slice3A_114 = vector.extract_strided_slice %get3A_102 {offsets = [0], sizes = [1], strides = [1]} : vector<16xi32> to vector<1xi32>
      %squeeze3A_115 = vector.extract %slice3A_114[0] : i32 from vector<1xi32>
      %dma_start3A_116 = arith.constant 0 : i32
      %dma_start3A_117 = tpu.memref_slice %arg13[%add3A_106, %dma_start3A_116] : memref<128x16xf32, #tpu.memory_space<vmem>> -> memref<1x16xf32, #tpu.memory_space<vmem>>
      %dma_start3A_118 = arith.constant 0 : i32
      %dma_start3A_119 = tpu.memref_slice %arg5[%squeeze3A_115, %dma_start3A_118] : memref<1000x16xf32, #tpu.memory_space<hbm>> -> memref<1x16xf32, #tpu.memory_space<hbm>>
      %dma_start3A_120 = arith.constant 0 : i32
      %dma_start3A_121 = tpu.memref_slice %arg13[%add3A_106, %dma_start3A_120] : memref<128x16xf32, #tpu.memory_space<vmem>> -> memref<1x16xf32, #tpu.memory_space<vmem>>
      %dma_start3A_122 = arith.constant 0 : i32
      %dma_start3A_123 = tpu.memref_slice %arg5[%squeeze3A_115, %dma_start3A_122] : memref<1000x16xf32, #tpu.memory_space<hbm>> -> memref<1x16xf32, #tpu.memory_space<hbm>>
      tpu.enqueue_dma source(%dma_start3A_123 : memref<1x16xf32, #tpu.memory_space<hbm>>) target(%dma_start3A_121 : memref<1x16xf32, #tpu.memory_space<vmem>>) target_semaphore(%arg15 : memref<!tpu.dma_semaphore, #tpu.memory_space<semaphore_mem>>)
      %mul3A_124 = arith.constant 16 : i32
      %mul3A_125 = arith.muli %scan3A_89, %mul3A_124 : i32
      %add3A_126 = arith.constant 1 : i32
      %add3A_127 = arith.addi %mul3A_125, %add3A_126 : i32
      %slice3A_128 = vector.extract_strided_slice %get3A_95 {offsets = [1], sizes = [1], strides = [1]} : vector<16xi32> to vector<1xi32>
      %squeeze3A_129 = vector.extract %slice3A_128[0] : i32 from vector<1xi32>
      %dma_start3A_130 = arith.constant 0 : i32
      %dma_start3A_131 = tpu.memref_slice %arg12[%add3A_127, %dma_start3A_130] : memref<128x64xf32, #tpu.memory_space<vmem>> -> memref<1x64xf32, #tpu.memory_space<vmem>>
      %dma_start3A_132 = arith.constant 0 : i32
      %dma_start3A_133 = tpu.memref_slice %arg4[%squeeze3A_129, %dma_start3A_132] : memref<1000000x64xf32, #tpu.memory_space<hbm>> -> memref<1x64xf32, #tpu.memory_space<hbm>>
      %dma_start3A_134 = arith.constant 0 : i32
      %dma_start3A_135 = tpu.memref_slice %arg12[%add3A_127, %dma_start3A_134] : memref<128x64xf32, #tpu.memory_space<vmem>> -> memref<1x64xf32, #tpu.memory_space<vmem>>
      %dma_start3A_136 = arith.constant 0 : i32
      %dma_start3A_137 = tpu.memref_slice %arg4[%squeeze3A_129, %dma_start3A_136] : memref<1000000x64xf32, #tpu.memory_space<hbm>> -> memref<1x64xf32, #tpu.memory_space<hbm>>
      tpu.enqueue_dma source(%dma_start3A_137 : memref<1x64xf32, #tpu.memory_space<hbm>>) target(%dma_start3A_135 : memref<1x64xf32, #tpu.memory_space<vmem>>) target_semaphore(%arg15 : memref<!tpu.dma_semaphore, #tpu.memory_space<semaphore_mem>>)
      %slice3A_138 = vector.extract_strided_slice %get3A_102 {offsets = [1], sizes = [1], strides = [1]} : vector<16xi32> to vector<1xi32>
      %squeeze3A_139 = vector.extract %slice3A_138[0] : i32 from vector<1xi32>
      %dma_start3A_140 = arith.constant 0 : i32
      %dma_start3A_141 = tpu.memref_slice %arg13[%add3A_127, %dma_start3A_140] : memref<128x16xf32, #tpu.memory_space<vmem>> -> memref<1x16xf32, #tpu.memory_space<vmem>>
      %dma_start3A_142 = arith.constant 0 : i32
      %dma_start3A_143 = tpu.memref_slice %arg5[%squeeze3A_139, %dma_start3A_142] : memref<1000x16xf32, #tpu.memory_space<hbm>> -> memref<1x16xf32, #tpu.memory_space<hbm>>
      %dma_start3A_144 = arith.constant 0 : i32
      %dma_start3A_145 = tpu.memref_slice %arg13[%add3A_127, %dma_start3A_144] : memref<128x16xf32, #tpu.memory_space<vmem>> -> memref<1x16xf32, #tpu.memory_space<vmem>>
      %dma_start3A_146 = arith.constant 0 : i32
      %dma_start3A_147 = tpu.memref_slice %arg5[%squeeze3A_139, %dma_start3A_146] : memref<1000x16xf32, #tpu.memory_space<hbm>> -> memref<1x16xf32, #tpu.memory_space<hbm>>
      tpu.enqueue_dma source(%dma_start3A_147 : memref<1x16xf32, #tpu.memory_space<hbm>>) target(%dma_start3A_145 : memref<1x16xf32, #tpu.memory_space<vmem>>) target_semaphore(%arg15 : memref<!tpu.dma_semaphore, #tpu.memory_space<semaphore_mem>>)
      %mul3A_148 = arith.constant 16 : i32
      %mul3A_149 = arith.muli %scan3A_89, %mul3A_148 : i32
      %add3A_150 = arith.constant 2 : i32
      %add3A_151 = arith.addi %mul3A_149, %add3A_150 : i32
      %slice3A_152 = vector.extract_strided_slice %get3A_95 {offsets = [2], sizes = [1], strides = [1]} : vector<16xi32> to vector<1xi32>
      %squeeze3A_153 = vector.extract %slice3A_152[0] : i32 from vector<1xi32>
      %dma_start3A_154 = arith.constant 0 : i32
      %dma_start3A_155 = tpu.memref_slice %arg12[%add3A_151, %dma_start3A_154] : memref<128x64xf32, #tpu.memory_space<vmem>> -> memref<1x64xf32, #tpu.memory_space<vmem>>
      %dma_start3A_156 = arith.constant 0 : i32
      %dma_start3A_157 = tpu.memref_slice %arg4[%squeeze3A_153, %dma_start3A_156] : memref<1000000x64xf32, #tpu.memory_space<hbm>> -> memref<1x64xf32, #tpu.memory_space<hbm>>
      %dma_start3A_158 = arith.constant 0 : i32
      %dma_start3A_159 = tpu.memref_slice %arg12[%add3A_151, %dma_start3A_158] : memref<128x64xf32, #tpu.memory_space<vmem>> -> memref<1x64xf32, #tpu.memory_space<vmem>>
      %dma_start3A_160 = arith.constant 0 : i32
      %dma_start3A_161 = tpu.memref_slice %arg4[%squeeze3A_153, %dma_start3A_160] : memref<1000000x64xf32, #tpu.memory_space<hbm>> -> memref<1x64xf32, #tpu.memory_space<hbm>>
      tpu.enqueue_dma source(%dma_start3A_161 : memref<1x64xf32, #tpu.memory_space<hbm>>) target(%dma_start3A_159 : memref<1x64xf32, #tpu.memory_space<vmem>>) target_semaphore(%arg15 : memref<!tpu.dma_semaphore, #tpu.memory_space<semaphore_mem>>)
      %slice3A_162 = vector.extract_strided_slice %get3A_102 {offsets = [2], sizes = [1], strides = [1]} : vector<16xi32> to vector<1xi32>
      %squeeze3A_163 = vector.extract %slice3A_162[0] : i32 from vector<1xi32>
      %dma_start3A_164 = arith.constant 0 : i32
      %dma_start3A_165 = tpu.memref_slice %arg13[%add3A_151, %dma_start3A_164] : memref<128x16xf32, #tpu.memory_space<vmem>> -> memref<1x16xf32, #tpu.memory_space<vmem>>
      %dma_start3A_166 = arith.constant 0 : i32
      %dma_start3A_167 = tpu.memref_slice %arg5[%squeeze3A_163, %dma_start3A_166] : memref<1000x16xf32, #tpu.memory_space<hbm>> -> memref<1x16xf32, #tpu.memory_space<hbm>>
      %dma_start3A_168 = arith.constant 0 : i32
      %dma_start3A_169 = tpu.memref_slice %arg13[%add3A_151, %dma_start3A_168] : memref<128x16xf32, #tpu.memory_space<vmem>> -> memref<1x16xf32, #tpu.memory_space<vmem>>
      %dma_start3A_170 = arith.constant 0 : i32
      %dma_start3A_171 = tpu.memref_slice %arg5[%squeeze3A_163, %dma_start3A_170] : memref<1000x16xf32, #tpu.memory_space<hbm>> -> memref<1x16xf32, #tpu.memory_space<hbm>>
      tpu.enqueue_dma source(%dma_start3A_171 : memref<1x16xf32, #tpu.memory_space<hbm>>) target(%dma_start3A_169 : memref<1x16xf32, #tpu.memory_space<vmem>>) target_semaphore(%arg15 : memref<!tpu.dma_semaphore, #tpu.memory_space<semaphore_mem>>)
      %mul3A_172 = arith.constant 16 : i32
      %mul3A_173 = arith.muli %scan3A_89, %mul3A_172 : i32
      %add3A_174 = arith.constant 3 : i32
      %add3A_175 = arith.addi %mul3A_173, %add3A_174 : i32
      %slice3A_176 = vector.extract_strided_slice %get3A_95 {offsets = [3], sizes = [1], strides = [1]} : vector<16xi32> to vector<1xi32>
      %squeeze3A_177 = vector.extract %slice3A_176[0] : i32 from vector<1xi32>
      %dma_start3A_178 = arith.constant 0 : i32
      %dma_start3A_179 = tpu.memref_slice %arg12[%add3A_175, %dma_start3A_178] : memref<128x64xf32, #tpu.memory_space<vmem>> -> memref<1x64xf32, #tpu.memory_space<vmem>>
      %dma_start3A_180 = arith.constant 0 : i32
      %dma_start3A_181 = tpu.memref_slice %arg4[%squeeze3A_177, %dma_start3A_180] : memref<1000000x64xf32, #tpu.memory_space<hbm>> -> memref<1x64xf32, #tpu.memory_space<hbm>>
      %dma_start3A_182 = arith.constant 0 : i32
      %dma_start3A_183 = tpu.memref_slice %arg12[%add3A_175, %dma_start3A_182] : memref<128x64xf32, #tpu.memory_space<vmem>> -> memref<1x64xf32, #tpu.memory_space<vmem>>
      %dma_start3A_184 = arith.constant 0 : i32
      %dma_start3A_185 = tpu.memref_slice %arg4[%squeeze3A_177, %dma_start3A_184] : memref<1000000x64xf32, #tpu.memory_space<hbm>> -> memref<1x64xf32, #tpu.memory_space<hbm>>
      tpu.enqueue_dma source(%dma_start3A_185 : memref<1x64xf32, #tpu.memory_space<hbm>>) target(%dma_start3A_183 : memref<1x64xf32, #tpu.memory_space<vmem>>) target_semaphore(%arg15 : memref<!tpu.dma_semaphore, #tpu.memory_space<semaphore_mem>>)
      %slice3A_186 = vector.extract_strided_slice %get3A_102 {offsets = [3], sizes = [1], strides = [1]} : vector<16xi32> to vector<1xi32>
      %squeeze3A_187 = vector.extract %slice3A_186[0] : i32 from vector<1xi32>
      %dma_start3A_188 = arith.constant 0 : i32
      %dma_start3A_189 = tpu.memref_slice %arg13[%add3A_175, %dma_start3A_188] : memref<128x16xf32, #tpu.memory_space<vmem>> -> memref<1x16xf32, #tpu.memory_space<vmem>>
      %dma_start3A_190 = arith.constant 0 : i32
      %dma_start3A_191 = tpu.memref_slice %arg5[%squeeze3A_187, %dma_start3A_190] : memref<1000x16xf32, #tpu.memory_space<hbm>> -> memref<1x16xf32, #tpu.memory_space<hbm>>
      %dma_start3A_192 = arith.constant 0 : i32
      %dma_start3A_193 = tpu.memref_slice %arg13[%add3A_175, %dma_start3A_192] : memref<128x16xf32, #tpu.memory_space<vmem>> -> memref<1x16xf32, #tpu.memory_space<vmem>>
      %dma_start3A_194 = arith.constant 0 : i32
      %dma_start3A_195 = tpu.memref_slice %arg5[%squeeze3A_187, %dma_start3A_194] : memref<1000x16xf32, #tpu.memory_space<hbm>> -> memref<1x16xf32, #tpu.memory_space<hbm>>
      tpu.enqueue_dma source(%dma_start3A_195 : memref<1x16xf32, #tpu.memory_space<hbm>>) target(%dma_start3A_193 : memref<1x16xf32, #tpu.memory_space<vmem>>) target_semaphore(%arg15 : memref<!tpu.dma_semaphore, #tpu.memory_space<semaphore_mem>>)
      %mul3A_196 = arith.constant 16 : i32
      %mul3A_197 = arith.muli %scan3A_89, %mul3A_196 : i32
      %add3A_198 = arith.constant 4 : i32
      %add3A_199 = arith.addi %mul3A_197, %add3A_198 : i32
      %slice3A_200 = vector.extract_strided_slice %get3A_95 {offsets = [4], sizes = [1], strides = [1]} : vector<16xi32> to vector<1xi32>
      %squeeze3A_201 = vector.extract %slice3A_200[0] : i32 from vector<1xi32>
      %dma_start3A_202 = arith.constant 0 : i32
      %dma_start3A_203 = tpu.memref_slice %arg12[%add3A_199, %dma_start3A_202] : memref<128x64xf32, #tpu.memory_space<vmem>> -> memref<1x64xf32, #tpu.memory_space<vmem>>
      %dma_start3A_204 = arith.constant 0 : i32
      %dma_start3A_205 = tpu.memref_slice %arg4[%squeeze3A_201, %dma_start3A_204] : memref<1000000x64xf32, #tpu.memory_space<hbm>> -> memref<1x64xf32, #tpu.memory_space<hbm>>
      %dma_start3A_206 = arith.constant 0 : i32
      %dma_start3A_207 = tpu.memref_slice %arg12[%add3A_199, %dma_start3A_206] : memref<128x64xf32, #tpu.memory_space<vmem>> -> memref<1x64xf32, #tpu.memory_space<vmem>>
      %dma_start3A_208 = arith.constant 0 : i32
      %dma_start3A_209 = tpu.memref_slice %arg4[%squeeze3A_201, %dma_start3A_208] : memref<1000000x64xf32, #tpu.memory_space<hbm>> -> memref<1x64xf32, #tpu.memory_space<hbm>>
      tpu.enqueue_dma source(%dma_start3A_209 : memref<1x64xf32, #tpu.memory_space<hbm>>) target(%dma_start3A_207 : memref<1x64xf32, #tpu.memory_space<vmem>>) target_semaphore(%arg15 : memref<!tpu.dma_semaphore, #tpu.memory_space<semaphore_mem>>)
      %slice3A_210 = vector.extract_strided_slice %get3A_102 {offsets = [4], sizes = [1], strides = [1]} : vector<16xi32> to vector<1xi32>
      %squeeze3A_211 = vector.extract %slice3A_210[0] : i32 from vector<1xi32>
      %dma_start3A_212 = arith.constant 0 : i32
      %dma_start3A_213 = tpu.memref_slice %arg13[%add3A_199, %dma_start3A_212] : memref<128x16xf32, #tpu.memory_space<vmem>> -> memref<1x16xf32, #tpu.memory_space<vmem>>
      %dma_start3A_214 = arith.constant 0 : i32
      %dma_start3A_215 = tpu.memref_slice %arg5[%squeeze3A_211, %dma_start3A_214] : memref<1000x16xf32, #tpu.memory_space<hbm>> -> memref<1x16xf32, #tpu.memory_space<hbm>>
      %dma_start3A_216 = arith.constant 0 : i32
      %dma_start3A_217 = tpu.memref_slice %arg13[%add3A_199, %dma_start3A_216] : memref<128x16xf32, #tpu.memory_space<vmem>> -> memref<1x16xf32, #tpu.memory_space<vmem>>
      %dma_start3A_218 = arith.constant 0 : i32
      %dma_start3A_219 = tpu.memref_slice %arg5[%squeeze3A_211, %dma_start3A_218] : memref<1000x16xf32, #tpu.memory_space<hbm>> -> memref<1x16xf32, #tpu.memory_space<hbm>>
      tpu.enqueue_dma source(%dma_start3A_219 : memref<1x16xf32, #tpu.memory_space<hbm>>) target(%dma_start3A_217 : memref<1x16xf32, #tpu.memory_space<vmem>>) target_semaphore(%arg15 : memref<!tpu.dma_semaphore, #tpu.memory_space<semaphore_mem>>)
      %mul3A_220 = arith.constant 16 : i32
      %mul3A_221 = arith.muli %scan3A_89, %mul3A_220 : i32
      %add3A_222 = arith.constant 5 : i32
      %add3A_223 = arith.addi %mul3A_221, %add3A_222 : i32
      %slice3A_224 = vector.extract_strided_slice %get3A_95 {offsets = [5], sizes = [1], strides = [1]} : vector<16xi32> to vector<1xi32>
      %squeeze3A_225 = vector.extract %slice3A_224[0] : i32 from vector<1xi32>
      %dma_start3A_226 = arith.constant 0 : i32
      %dma_start3A_227 = tpu.memref_slice %arg12[%add3A_223, %dma_start3A_226] : memref<128x64xf32, #tpu.memory_space<vmem>> -> memref<1x64xf32, #tpu.memory_space<vmem>>
      %dma_start3A_228 = arith.constant 0 : i32
      %dma_start3A_229 = tpu.memref_slice %arg4[%squeeze3A_225, %dma_start3A_228] : memref<1000000x64xf32, #tpu.memory_space<hbm>> -> memref<1x64xf32, #tpu.memory_space<hbm>>
      %dma_start3A_230 = arith.constant 0 : i32
      %dma_start3A_231 = tpu.memref_slice %arg12[%add3A_223, %dma_start3A_230] : memref<128x64xf32, #tpu.memory_space<vmem>> -> memref<1x64xf32, #tpu.memory_space<vmem>>
      %dma_start3A_232 = arith.constant 0 : i32
      %dma_start3A_233 = tpu.memref_slice %arg4[%squeeze3A_225, %dma_start3A_232] : memref<1000000x64xf32, #tpu.memory_space<hbm>> -> memref<1x64xf32, #tpu.memory_space<hbm>>
      tpu.enqueue_dma source(%dma_start3A_233 : memref<1x64xf32, #tpu.memory_space<hbm>>) target(%dma_start3A_231 : memref<1x64xf32, #tpu.memory_space<vmem>>) target_semaphore(%arg15 : memref<!tpu.dma_semaphore, #tpu.memory_space<semaphore_mem>>)
      %slice3A_234 = vector.extract_strided_slice %get3A_102 {offsets = [5], sizes = [1], strides = [1]} : vector<16xi32> to vector<1xi32>
      %squeeze3A_235 = vector.extract %slice3A_234[0] : i32 from vector<1xi32>
      %dma_start3A_236 = arith.constant 0 : i32
      %dma_start3A_237 = tpu.memref_slice %arg13[%add3A_223, %dma_start3A_236] : memref<128x16xf32, #tpu.memory_space<vmem>> -> memref<1x16xf32, #tpu.memory_space<vmem>>
      %dma_start3A_238 = arith.constant 0 : i32
      %dma_start3A_239 = tpu.memref_slice %arg5[%squeeze3A_235, %dma_start3A_238] : memref<1000x16xf32, #tpu.memory_space<hbm>> -> memref<1x16xf32, #tpu.memory_space<hbm>>
      %dma_start3A_240 = arith.constant 0 : i32
      %dma_start3A_241 = tpu.memref_slice %arg13[%add3A_223, %dma_start3A_240] : memref<128x16xf32, #tpu.memory_space<vmem>> -> memref<1x16xf32, #tpu.memory_space<vmem>>
      %dma_start3A_242 = arith.constant 0 : i32
      %dma_start3A_243 = tpu.memref_slice %arg5[%squeeze3A_235, %dma_start3A_242] : memref<1000x16xf32, #tpu.memory_space<hbm>> -> memref<1x16xf32, #tpu.memory_space<hbm>>
      tpu.enqueue_dma source(%dma_start3A_243 : memref<1x16xf32, #tpu.memory_space<hbm>>) target(%dma_start3A_241 : memref<1x16xf32, #tpu.memory_space<vmem>>) target_semaphore(%arg15 : memref<!tpu.dma_semaphore, #tpu.memory_space<semaphore_mem>>)
      %mul3A_244 = arith.constant 16 : i32
      %mul3A_245 = arith.muli %scan3A_89, %mul3A_244 : i32
      %add3A_246 = arith.constant 6 : i32
      %add3A_247 = arith.addi %mul3A_245, %add3A_246 : i32
      %slice3A_248 = vector.extract_strided_slice %get3A_95 {offsets = [6], sizes = [1], strides = [1]} : vector<16xi32> to vector<1xi32>
      %squeeze3A_249 = vector.extract %slice3A_248[0] : i32 from vector<1xi32>
      %dma_start3A_250 = arith.constant 0 : i32
      %dma_start3A_251 = tpu.memref_slice %arg12[%add3A_247, %dma_start3A_250] : memref<128x64xf32, #tpu.memory_space<vmem>> -> memref<1x64xf32, #tpu.memory_space<vmem>>
      %dma_start3A_252 = arith.constant 0 : i32
      %dma_start3A_253 = tpu.memref_slice %arg4[%squeeze3A_249, %dma_start3A_252] : memref<1000000x64xf32, #tpu.memory_space<hbm>> -> memref<1x64xf32, #tpu.memory_space<hbm>>
      %dma_start3A_254 = arith.constant 0 : i32
      %dma_start3A_255 = tpu.memref_slice %arg12[%add3A_247, %dma_start3A_254] : memref<128x64xf32, #tpu.memory_space<vmem>> -> memref<1x64xf32, #tpu.memory_space<vmem>>
      %dma_start3A_256 = arith.constant 0 : i32
      %dma_start3A_257 = tpu.memref_slice %arg4[%squeeze3A_249, %dma_start3A_256] : memref<1000000x64xf32, #tpu.memory_space<hbm>> -> memref<1x64xf32, #tpu.memory_space<hbm>>
      tpu.enqueue_dma source(%dma_start3A_257 : memref<1x64xf32, #tpu.memory_space<hbm>>) target(%dma_start3A_255 : memref<1x64xf32, #tpu.memory_space<vmem>>) target_semaphore(%arg15 : memref<!tpu.dma_semaphore, #tpu.memory_space<semaphore_mem>>)
      %slice3A_258 = vector.extract_strided_slice %get3A_102 {offsets = [6], sizes = [1], strides = [1]} : vector<16xi32> to vector<1xi32>
      %squeeze3A_259 = vector.extract %slice3A_258[0] : i32 from vector<1xi32>
      %dma_start3A_260 = arith.constant 0 : i32
      %dma_start3A_261 = tpu.memref_slice %arg13[%add3A_247, %dma_start3A_260] : memref<128x16xf32, #tpu.memory_space<vmem>> -> memref<1x16xf32, #tpu.memory_space<vmem>>
      %dma_start3A_262 = arith.constant 0 : i32
      %dma_start3A_263 = tpu.memref_slice %arg5[%squeeze3A_259, %dma_start3A_262] : memref<1000x16xf32, #tpu.memory_space<hbm>> -> memref<1x16xf32, #tpu.memory_space<hbm>>
      %dma_start3A_264 = arith.constant 0 : i32
      %dma_start3A_265 = tpu.memref_slice %arg13[%add3A_247, %dma_start3A_264] : memref<128x16xf32, #tpu.memory_space<vmem>> -> memref<1x16xf32, #tpu.memory_space<vmem>>
      %dma_start3A_266 = arith.constant 0 : i32
      %dma_start3A_267 = tpu.memref_slice %arg5[%squeeze3A_259, %dma_start3A_266] : memref<1000x16xf32, #tpu.memory_space<hbm>> -> memref<1x16xf32, #tpu.memory_space<hbm>>
      tpu.enqueue_dma source(%dma_start3A_267 : memref<1x16xf32, #tpu.memory_space<hbm>>) target(%dma_start3A_265 : memref<1x16xf32, #tpu.memory_space<vmem>>) target_semaphore(%arg15 : memref<!tpu.dma_semaphore, #tpu.memory_space<semaphore_mem>>)
      %mul3A_268 = arith.constant 16 : i32
      %mul3A_269 = arith.muli %scan3A_89, %mul3A_268 : i32
      %add3A_270 = arith.constant 7 : i32
      %add3A_271 = arith.addi %mul3A_269, %add3A_270 : i32
      %slice3A_272 = vector.extract_strided_slice %get3A_95 {offsets = [7], sizes = [1], strides = [1]} : vector<16xi32> to vector<1xi32>
      %squeeze3A_273 = vector.extract %slice3A_272[0] : i32 from vector<1xi32>
      %dma_start3A_274 = arith.constant 0 : i32
      %dma_start3A_275 = tpu.memref_slice %arg12[%add3A_271, %dma_start3A_274] : memref<128x64xf32, #tpu.memory_space<vmem>> -> memref<1x64xf32, #tpu.memory_space<vmem>>
      %dma_start3A_276 = arith.constant 0 : i32
      %dma_start3A_277 = tpu.memref_slice %arg4[%squeeze3A_273, %dma_start3A_276] : memref<1000000x64xf32, #tpu.memory_space<hbm>> -> memref<1x64xf32, #tpu.memory_space<hbm>>
      %dma_start3A_278 = arith.constant 0 : i32
      %dma_start3A_279 = tpu.memref_slice %arg12[%add3A_271, %dma_start3A_278] : memref<128x64xf32, #tpu.memory_space<vmem>> -> memref<1x64xf32, #tpu.memory_space<vmem>>
      %dma_start3A_280 = arith.constant 0 : i32
      %dma_start3A_281 = tpu.memref_slice %arg4[%squeeze3A_273, %dma_start3A_280] : memref<1000000x64xf32, #tpu.memory_space<hbm>> -> memref<1x64xf32, #tpu.memory_space<hbm>>
      tpu.enqueue_dma source(%dma_start3A_281 : memref<1x64xf32, #tpu.memory_space<hbm>>) target(%dma_start3A_279 : memref<1x64xf32, #tpu.memory_space<vmem>>) target_semaphore(%arg15 : memref<!tpu.dma_semaphore, #tpu.memory_space<semaphore_mem>>)
      %slice3A_282 = vector.extract_strided_slice %get3A_102 {offsets = [7], sizes = [1], strides = [1]} : vector<16xi32> to vector<1xi32>
      %squeeze3A_283 = vector.extract %slice3A_282[0] : i32 from vector<1xi32>
      %dma_start3A_284 = arith.constant 0 : i32
      %dma_start3A_285 = tpu.memref_slice %arg13[%add3A_271, %dma_start3A_284] : memref<128x16xf32, #tpu.memory_space<vmem>> -> memref<1x16xf32, #tpu.memory_space<vmem>>
      %dma_start3A_286 = arith.constant 0 : i32
      %dma_start3A_287 = tpu.memref_slice %arg5[%squeeze3A_283, %dma_start3A_286] : memref<1000x16xf32, #tpu.memory_space<hbm>> -> memref<1x16xf32, #tpu.memory_space<hbm>>
      %dma_start3A_288 = arith.constant 0 : i32
      %dma_start3A_289 = tpu.memref_slice %arg13[%add3A_271, %dma_start3A_288] : memref<128x16xf32, #tpu.memory_space<vmem>> -> memref<1x16xf32, #tpu.memory_space<vmem>>
      %dma_start3A_290 = arith.constant 0 : i32
      %dma_start3A_291 = tpu.memref_slice %arg5[%squeeze3A_283, %dma_start3A_290] : memref<1000x16xf32, #tpu.memory_space<hbm>> -> memref<1x16xf32, #tpu.memory_space<hbm>>
      tpu.enqueue_dma source(%dma_start3A_291 : memref<1x16xf32, #tpu.memory_space<hbm>>) target(%dma_start3A_289 : memref<1x16xf32, #tpu.memory_space<vmem>>) target_semaphore(%arg15 : memref<!tpu.dma_semaphore, #tpu.memory_space<semaphore_mem>>)
      %mul3A_292 = arith.constant 16 : i32
      %mul3A_293 = arith.muli %scan3A_89, %mul3A_292 : i32
      %add3A_294 = arith.constant 8 : i32
      %add3A_295 = arith.addi %mul3A_293, %add3A_294 : i32
      %slice3A_296 = vector.extract_strided_slice %get3A_95 {offsets = [8], sizes = [1], strides = [1]} : vector<16xi32> to vector<1xi32>
      %squeeze3A_297 = vector.extract %slice3A_296[0] : i32 from vector<1xi32>
      %dma_start3A_298 = arith.constant 0 : i32
      %dma_start3A_299 = tpu.memref_slice %arg12[%add3A_295, %dma_start3A_298] : memref<128x64xf32, #tpu.memory_space<vmem>> -> memref<1x64xf32, #tpu.memory_space<vmem>>
      %dma_start3A_300 = arith.constant 0 : i32
      %dma_start3A_301 = tpu.memref_slice %arg4[%squeeze3A_297, %dma_start3A_300] : memref<1000000x64xf32, #tpu.memory_space<hbm>> -> memref<1x64xf32, #tpu.memory_space<hbm>>
      %dma_start3A_302 = arith.constant 0 : i32
      %dma_start3A_303 = tpu.memref_slice %arg12[%add3A_295, %dma_start3A_302] : memref<128x64xf32, #tpu.memory_space<vmem>> -> memref<1x64xf32, #tpu.memory_space<vmem>>
      %dma_start3A_304 = arith.constant 0 : i32
      %dma_start3A_305 = tpu.memref_slice %arg4[%squeeze3A_297, %dma_start3A_304] : memref<1000000x64xf32, #tpu.memory_space<hbm>> -> memref<1x64xf32, #tpu.memory_space<hbm>>
      tpu.enqueue_dma source(%dma_start3A_305 : memref<1x64xf32, #tpu.memory_space<hbm>>) target(%dma_start3A_303 : memref<1x64xf32, #tpu.memory_space<vmem>>) target_semaphore(%arg15 : memref<!tpu.dma_semaphore, #tpu.memory_space<semaphore_mem>>)
      %slice3A_306 = vector.extract_strided_slice %get3A_102 {offsets = [8], sizes = [1], strides = [1]} : vector<16xi32> to vector<1xi32>
      %squeeze3A_307 = vector.extract %slice3A_306[0] : i32 from vector<1xi32>
      %dma_start3A_308 = arith.constant 0 : i32
      %dma_start3A_309 = tpu.memref_slice %arg13[%add3A_295, %dma_start3A_308] : memref<128x16xf32, #tpu.memory_space<vmem>> -> memref<1x16xf32, #tpu.memory_space<vmem>>
      %dma_start3A_310 = arith.constant 0 : i32
      %dma_start3A_311 = tpu.memref_slice %arg5[%squeeze3A_307, %dma_start3A_310] : memref<1000x16xf32, #tpu.memory_space<hbm>> -> memref<1x16xf32, #tpu.memory_space<hbm>>
      %dma_start3A_312 = arith.constant 0 : i32
      %dma_start3A_313 = tpu.memref_slice %arg13[%add3A_295, %dma_start3A_312] : memref<128x16xf32, #tpu.memory_space<vmem>> -> memref<1x16xf32, #tpu.memory_space<vmem>>
      %dma_start3A_314 = arith.constant 0 : i32
      %dma_start3A_315 = tpu.memref_slice %arg5[%squeeze3A_307, %dma_start3A_314] : memref<1000x16xf32, #tpu.memory_space<hbm>> -> memref<1x16xf32, #tpu.memory_space<hbm>>
      tpu.enqueue_dma source(%dma_start3A_315 : memref<1x16xf32, #tpu.memory_space<hbm>>) target(%dma_start3A_313 : memref<1x16xf32, #tpu.memory_space<vmem>>) target_semaphore(%arg15 : memref<!tpu.dma_semaphore, #tpu.memory_space<semaphore_mem>>)
      %mul3A_316 = arith.constant 16 : i32
      %mul3A_317 = arith.muli %scan3A_89, %mul3A_316 : i32
      %add3A_318 = arith.constant 9 : i32
      %add3A_319 = arith.addi %mul3A_317, %add3A_318 : i32
      %slice3A_320 = vector.extract_strided_slice %get3A_95 {offsets = [9], sizes = [1], strides = [1]} : vector<16xi32> to vector<1xi32>
      %squeeze3A_321 = vector.extract %slice3A_320[0] : i32 from vector<1xi32>
      %dma_start3A_322 = arith.constant 0 : i32
      %dma_start3A_323 = tpu.memref_slice %arg12[%add3A_319, %dma_start3A_322] : memref<128x64xf32, #tpu.memory_space<vmem>> -> memref<1x64xf32, #tpu.memory_space<vmem>>
      %dma_start3A_324 = arith.constant 0 : i32
      %dma_start3A_325 = tpu.memref_slice %arg4[%squeeze3A_321, %dma_start3A_324] : memref<1000000x64xf32, #tpu.memory_space<hbm>> -> memref<1x64xf32, #tpu.memory_space<hbm>>
      %dma_start3A_326 = arith.constant 0 : i32
      %dma_start3A_327 = tpu.memref_slice %arg12[%add3A_319, %dma_start3A_326] : memref<128x64xf32, #tpu.memory_space<vmem>> -> memref<1x64xf32, #tpu.memory_space<vmem>>
      %dma_start3A_328 = arith.constant 0 : i32
      %dma_start3A_329 = tpu.memref_slice %arg4[%squeeze3A_321, %dma_start3A_328] : memref<1000000x64xf32, #tpu.memory_space<hbm>> -> memref<1x64xf32, #tpu.memory_space<hbm>>
      tpu.enqueue_dma source(%dma_start3A_329 : memref<1x64xf32, #tpu.memory_space<hbm>>) target(%dma_start3A_327 : memref<1x64xf32, #tpu.memory_space<vmem>>) target_semaphore(%arg15 : memref<!tpu.dma_semaphore, #tpu.memory_space<semaphore_mem>>)
      %slice3A_330 = vector.extract_strided_slice %get3A_102 {offsets = [9], sizes = [1], strides = [1]} : vector<16xi32> to vector<1xi32>
      %squeeze3A_331 = vector.extract %slice3A_330[0] : i32 from vector<1xi32>
      %dma_start3A_332 = arith.constant 0 : i32
      %dma_start3A_333 = tpu.memref_slice %arg13[%add3A_319, %dma_start3A_332] : memref<128x16xf32, #tpu.memory_space<vmem>> -> memref<1x16xf32, #tpu.memory_space<vmem>>
      %dma_start3A_334 = arith.constant 0 : i32
      %dma_start3A_335 = tpu.memref_slice %arg5[%squeeze3A_331, %dma_start3A_334] : memref<1000x16xf32, #tpu.memory_space<hbm>> -> memref<1x16xf32, #tpu.memory_space<hbm>>
      %dma_start3A_336 = arith.constant 0 : i32
      %dma_start3A_337 = tpu.memref_slice %arg13[%add3A_319, %dma_start3A_336] : memref<128x16xf32, #tpu.memory_space<vmem>> -> memref<1x16xf32, #tpu.memory_space<vmem>>
      %dma_start3A_338 = arith.constant 0 : i32
      %dma_start3A_339 = tpu.memref_slice %arg5[%squeeze3A_331, %dma_start3A_338] : memref<1000x16xf32, #tpu.memory_space<hbm>> -> memref<1x16xf32, #tpu.memory_space<hbm>>
      tpu.enqueue_dma source(%dma_start3A_339 : memref<1x16xf32, #tpu.memory_space<hbm>>) target(%dma_start3A_337 : memref<1x16xf32, #tpu.memory_space<vmem>>) target_semaphore(%arg15 : memref<!tpu.dma_semaphore, #tpu.memory_space<semaphore_mem>>)
      %mul3A_340 = arith.constant 16 : i32
      %mul3A_341 = arith.muli %scan3A_89, %mul3A_340 : i32
      %add3A_342 = arith.constant 10 : i32
      %add3A_343 = arith.addi %mul3A_341, %add3A_342 : i32
      %slice3A_344 = vector.extract_strided_slice %get3A_95 {offsets = [10], sizes = [1], strides = [1]} : vector<16xi32> to vector<1xi32>
      %squeeze3A_345 = vector.extract %slice3A_344[0] : i32 from vector<1xi32>
      %dma_start3A_346 = arith.constant 0 : i32
      %dma_start3A_347 = tpu.memref_slice %arg12[%add3A_343, %dma_start3A_346] : memref<128x64xf32, #tpu.memory_space<vmem>> -> memref<1x64xf32, #tpu.memory_space<vmem>>
      %dma_start3A_348 = arith.constant 0 : i32
      %dma_start3A_349 = tpu.memref_slice %arg4[%squeeze3A_345, %dma_start3A_348] : memref<1000000x64xf32, #tpu.memory_space<hbm>> -> memref<1x64xf32, #tpu.memory_space<hbm>>
      %dma_start3A_350 = arith.constant 0 : i32
      %dma_start3A_351 = tpu.memref_slice %arg12[%add3A_343, %dma_start3A_350] : memref<128x64xf32, #tpu.memory_space<vmem>> -> memref<1x64xf32, #tpu.memory_space<vmem>>
      %dma_start3A_352 = arith.constant 0 : i32
      %dma_start3A_353 = tpu.memref_slice %arg4[%squeeze3A_345, %dma_start3A_352] : memref<1000000x64xf32, #tpu.memory_space<hbm>> -> memref<1x64xf32, #tpu.memory_space<hbm>>
      tpu.enqueue_dma source(%dma_start3A_353 : memref<1x64xf32, #tpu.memory_space<hbm>>) target(%dma_start3A_351 : memref<1x64xf32, #tpu.memory_space<vmem>>) target_semaphore(%arg15 : memref<!tpu.dma_semaphore, #tpu.memory_space<semaphore_mem>>)
      %slice3A_354 = vector.extract_strided_slice %get3A_102 {offsets = [10], sizes = [1], strides = [1]} : vector<16xi32> to vector<1xi32>
      %squeeze3A_355 = vector.extract %slice3A_354[0] : i32 from vector<1xi32>
      %dma_start3A_356 = arith.constant 0 : i32
      %dma_start3A_357 = tpu.memref_slice %arg13[%add3A_343, %dma_start3A_356] : memref<128x16xf32, #tpu.memory_space<vmem>> -> memref<1x16xf32, #tpu.memory_space<vmem>>
      %dma_start3A_358 = arith.constant 0 : i32
      %dma_start3A_359 = tpu.memref_slice %arg5[%squeeze3A_355, %dma_start3A_358] : memref<1000x16xf32, #tpu.memory_space<hbm>> -> memref<1x16xf32, #tpu.memory_space<hbm>>
      %dma_start3A_360 = arith.constant 0 : i32
      %dma_start3A_361 = tpu.memref_slice %arg13[%add3A_343, %dma_start3A_360] : memref<128x16xf32, #tpu.memory_space<vmem>> -> memref<1x16xf32, #tpu.memory_space<vmem>>
      %dma_start3A_362 = arith.constant 0 : i32
      %dma_start3A_363 = tpu.memref_slice %arg5[%squeeze3A_355, %dma_start3A_362] : memref<1000x16xf32, #tpu.memory_space<hbm>> -> memref<1x16xf32, #tpu.memory_space<hbm>>
      tpu.enqueue_dma source(%dma_start3A_363 : memref<1x16xf32, #tpu.memory_space<hbm>>) target(%dma_start3A_361 : memref<1x16xf32, #tpu.memory_space<vmem>>) target_semaphore(%arg15 : memref<!tpu.dma_semaphore, #tpu.memory_space<semaphore_mem>>)
      %mul3A_364 = arith.constant 16 : i32
      %mul3A_365 = arith.muli %scan3A_89, %mul3A_364 : i32
      %add3A_366 = arith.constant 11 : i32
      %add3A_367 = arith.addi %mul3A_365, %add3A_366 : i32
      %slice3A_368 = vector.extract_strided_slice %get3A_95 {offsets = [11], sizes = [1], strides = [1]} : vector<16xi32> to vector<1xi32>
      %squeeze3A_369 = vector.extract %slice3A_368[0] : i32 from vector<1xi32>
      %dma_start3A_370 = arith.constant 0 : i32
      %dma_start3A_371 = tpu.memref_slice %arg12[%add3A_367, %dma_start3A_370] : memref<128x64xf32, #tpu.memory_space<vmem>> -> memref<1x64xf32, #tpu.memory_space<vmem>>
      %dma_start3A_372 = arith.constant 0 : i32
      %dma_start3A_373 = tpu.memref_slice %arg4[%squeeze3A_369, %dma_start3A_372] : memref<1000000x64xf32, #tpu.memory_space<hbm>> -> memref<1x64xf32, #tpu.memory_space<hbm>>
      %dma_start3A_374 = arith.constant 0 : i32
      %dma_start3A_375 = tpu.memref_slice %arg12[%add3A_367, %dma_start3A_374] : memref<128x64xf32, #tpu.memory_space<vmem>> -> memref<1x64xf32, #tpu.memory_space<vmem>>
      %dma_start3A_376 = arith.constant 0 : i32
      %dma_start3A_377 = tpu.memref_slice %arg4[%squeeze3A_369, %dma_start3A_376] : memref<1000000x64xf32, #tpu.memory_space<hbm>> -> memref<1x64xf32, #tpu.memory_space<hbm>>
      tpu.enqueue_dma source(%dma_start3A_377 : memref<1x64xf32, #tpu.memory_space<hbm>>) target(%dma_start3A_375 : memref<1x64xf32, #tpu.memory_space<vmem>>) target_semaphore(%arg15 : memref<!tpu.dma_semaphore, #tpu.memory_space<semaphore_mem>>)
      %slice3A_378 = vector.extract_strided_slice %get3A_102 {offsets = [11], sizes = [1], strides = [1]} : vector<16xi32> to vector<1xi32>
      %squeeze3A_379 = vector.extract %slice3A_378[0] : i32 from vector<1xi32>
      %dma_start3A_380 = arith.constant 0 : i32
      %dma_start3A_381 = tpu.memref_slice %arg13[%add3A_367, %dma_start3A_380] : memref<128x16xf32, #tpu.memory_space<vmem>> -> memref<1x16xf32, #tpu.memory_space<vmem>>
      %dma_start3A_382 = arith.constant 0 : i32
      %dma_start3A_383 = tpu.memref_slice %arg5[%squeeze3A_379, %dma_start3A_382] : memref<1000x16xf32, #tpu.memory_space<hbm>> -> memref<1x16xf32, #tpu.memory_space<hbm>>
      %dma_start3A_384 = arith.constant 0 : i32
      %dma_start3A_385 = tpu.memref_slice %arg13[%add3A_367, %dma_start3A_384] : memref<128x16xf32, #tpu.memory_space<vmem>> -> memref<1x16xf32, #tpu.memory_space<vmem>>
      %dma_start3A_386 = arith.constant 0 : i32
      %dma_start3A_387 = tpu.memref_slice %arg5[%squeeze3A_379, %dma_start3A_386] : memref<1000x16xf32, #tpu.memory_space<hbm>> -> memref<1x16xf32, #tpu.memory_space<hbm>>
      tpu.enqueue_dma source(%dma_start3A_387 : memref<1x16xf32, #tpu.memory_space<hbm>>) target(%dma_start3A_385 : memref<1x16xf32, #tpu.memory_space<vmem>>) target_semaphore(%arg15 : memref<!tpu.dma_semaphore, #tpu.memory_space<semaphore_mem>>)
      %mul3A_388 = arith.constant 16 : i32
      %mul3A_389 = arith.muli %scan3A_89, %mul3A_388 : i32
      %add3A_390 = arith.constant 12 : i32
      %add3A_391 = arith.addi %mul3A_389, %add3A_390 : i32
      %slice3A_392 = vector.extract_strided_slice %get3A_95 {offsets = [12], sizes = [1], strides = [1]} : vector<16xi32> to vector<1xi32>
      %squeeze3A_393 = vector.extract %slice3A_392[0] : i32 from vector<1xi32>
      %dma_start3A_394 = arith.constant 0 : i32
      %dma_start3A_395 = tpu.memref_slice %arg12[%add3A_391, %dma_start3A_394] : memref<128x64xf32, #tpu.memory_space<vmem>> -> memref<1x64xf32, #tpu.memory_space<vmem>>
      %dma_start3A_396 = arith.constant 0 : i32
      %dma_start3A_397 = tpu.memref_slice %arg4[%squeeze3A_393, %dma_start3A_396] : memref<1000000x64xf32, #tpu.memory_space<hbm>> -> memref<1x64xf32, #tpu.memory_space<hbm>>
      %dma_start3A_398 = arith.constant 0 : i32
      %dma_start3A_399 = tpu.memref_slice %arg12[%add3A_391, %dma_start3A_398] : memref<128x64xf32, #tpu.memory_space<vmem>> -> memref<1x64xf32, #tpu.memory_space<vmem>>
      %dma_start3A_400 = arith.constant 0 : i32
      %dma_start3A_401 = tpu.memref_slice %arg4[%squeeze3A_393, %dma_start3A_400] : memref<1000000x64xf32, #tpu.memory_space<hbm>> -> memref<1x64xf32, #tpu.memory_space<hbm>>
      tpu.enqueue_dma source(%dma_start3A_401 : memref<1x64xf32, #tpu.memory_space<hbm>>) target(%dma_start3A_399 : memref<1x64xf32, #tpu.memory_space<vmem>>) target_semaphore(%arg15 : memref<!tpu.dma_semaphore, #tpu.memory_space<semaphore_mem>>)
      %slice3A_402 = vector.extract_strided_slice %get3A_102 {offsets = [12], sizes = [1], strides = [1]} : vector<16xi32> to vector<1xi32>
      %squeeze3A_403 = vector.extract %slice3A_402[0] : i32 from vector<1xi32>
      %dma_start3A_404 = arith.constant 0 : i32
      %dma_start3A_405 = tpu.memref_slice %arg13[%add3A_391, %dma_start3A_404] : memref<128x16xf32, #tpu.memory_space<vmem>> -> memref<1x16xf32, #tpu.memory_space<vmem>>
      %dma_start3A_406 = arith.constant 0 : i32
      %dma_start3A_407 = tpu.memref_slice %arg5[%squeeze3A_403, %dma_start3A_406] : memref<1000x16xf32, #tpu.memory_space<hbm>> -> memref<1x16xf32, #tpu.memory_space<hbm>>
      %dma_start3A_408 = arith.constant 0 : i32
      %dma_start3A_409 = tpu.memref_slice %arg13[%add3A_391, %dma_start3A_408] : memref<128x16xf32, #tpu.memory_space<vmem>> -> memref<1x16xf32, #tpu.memory_space<vmem>>
      %dma_start3A_410 = arith.constant 0 : i32
      %dma_start3A_411 = tpu.memref_slice %arg5[%squeeze3A_403, %dma_start3A_410] : memref<1000x16xf32, #tpu.memory_space<hbm>> -> memref<1x16xf32, #tpu.memory_space<hbm>>
      tpu.enqueue_dma source(%dma_start3A_411 : memref<1x16xf32, #tpu.memory_space<hbm>>) target(%dma_start3A_409 : memref<1x16xf32, #tpu.memory_space<vmem>>) target_semaphore(%arg15 : memref<!tpu.dma_semaphore, #tpu.memory_space<semaphore_mem>>)
      %mul3A_412 = arith.constant 16 : i32
      %mul3A_413 = arith.muli %scan3A_89, %mul3A_412 : i32
      %add3A_414 = arith.constant 13 : i32
      %add3A_415 = arith.addi %mul3A_413, %add3A_414 : i32
      %slice3A_416 = vector.extract_strided_slice %get3A_95 {offsets = [13], sizes = [1], strides = [1]} : vector<16xi32> to vector<1xi32>
      %squeeze3A_417 = vector.extract %slice3A_416[0] : i32 from vector<1xi32>
      %dma_start3A_418 = arith.constant 0 : i32
      %dma_start3A_419 = tpu.memref_slice %arg12[%add3A_415, %dma_start3A_418] : memref<128x64xf32, #tpu.memory_space<vmem>> -> memref<1x64xf32, #tpu.memory_space<vmem>>
      %dma_start3A_420 = arith.constant 0 : i32
      %dma_start3A_421 = tpu.memref_slice %arg4[%squeeze3A_417, %dma_start3A_420] : memref<1000000x64xf32, #tpu.memory_space<hbm>> -> memref<1x64xf32, #tpu.memory_space<hbm>>
      %dma_start3A_422 = arith.constant 0 : i32
      %dma_start3A_423 = tpu.memref_slice %arg12[%add3A_415, %dma_start3A_422] : memref<128x64xf32, #tpu.memory_space<vmem>> -> memref<1x64xf32, #tpu.memory_space<vmem>>
      %dma_start3A_424 = arith.constant 0 : i32
      %dma_start3A_425 = tpu.memref_slice %arg4[%squeeze3A_417, %dma_start3A_424] : memref<1000000x64xf32, #tpu.memory_space<hbm>> -> memref<1x64xf32, #tpu.memory_space<hbm>>
      tpu.enqueue_dma source(%dma_start3A_425 : memref<1x64xf32, #tpu.memory_space<hbm>>) target(%dma_start3A_423 : memref<1x64xf32, #tpu.memory_space<vmem>>) target_semaphore(%arg15 : memref<!tpu.dma_semaphore, #tpu.memory_space<semaphore_mem>>)
      %slice3A_426 = vector.extract_strided_slice %get3A_102 {offsets = [13], sizes = [1], strides = [1]} : vector<16xi32> to vector<1xi32>
      %squeeze3A_427 = vector.extract %slice3A_426[0] : i32 from vector<1xi32>
      %dma_start3A_428 = arith.constant 0 : i32
      %dma_start3A_429 = tpu.memref_slice %arg13[%add3A_415, %dma_start3A_428] : memref<128x16xf32, #tpu.memory_space<vmem>> -> memref<1x16xf32, #tpu.memory_space<vmem>>
      %dma_start3A_430 = arith.constant 0 : i32
      %dma_start3A_431 = tpu.memref_slice %arg5[%squeeze3A_427, %dma_start3A_430] : memref<1000x16xf32, #tpu.memory_space<hbm>> -> memref<1x16xf32, #tpu.memory_space<hbm>>
      %dma_start3A_432 = arith.constant 0 : i32
      %dma_start3A_433 = tpu.memref_slice %arg13[%add3A_415, %dma_start3A_432] : memref<128x16xf32, #tpu.memory_space<vmem>> -> memref<1x16xf32, #tpu.memory_space<vmem>>
      %dma_start3A_434 = arith.constant 0 : i32
      %dma_start3A_435 = tpu.memref_slice %arg5[%squeeze3A_427, %dma_start3A_434] : memref<1000x16xf32, #tpu.memory_space<hbm>> -> memref<1x16xf32, #tpu.memory_space<hbm>>
      tpu.enqueue_dma source(%dma_start3A_435 : memref<1x16xf32, #tpu.memory_space<hbm>>) target(%dma_start3A_433 : memref<1x16xf32, #tpu.memory_space<vmem>>) target_semaphore(%arg15 : memref<!tpu.dma_semaphore, #tpu.memory_space<semaphore_mem>>)
      %mul3A_436 = arith.constant 16 : i32
      %mul3A_437 = arith.muli %scan3A_89, %mul3A_436 : i32
      %add3A_438 = arith.constant 14 : i32
      %add3A_439 = arith.addi %mul3A_437, %add3A_438 : i32
      %slice3A_440 = vector.extract_strided_slice %get3A_95 {offsets = [14], sizes = [1], strides = [1]} : vector<16xi32> to vector<1xi32>
      %squeeze3A_441 = vector.extract %slice3A_440[0] : i32 from vector<1xi32>
      %dma_start3A_442 = arith.constant 0 : i32
      %dma_start3A_443 = tpu.memref_slice %arg12[%add3A_439, %dma_start3A_442] : memref<128x64xf32, #tpu.memory_space<vmem>> -> memref<1x64xf32, #tpu.memory_space<vmem>>
      %dma_start3A_444 = arith.constant 0 : i32
      %dma_start3A_445 = tpu.memref_slice %arg4[%squeeze3A_441, %dma_start3A_444] : memref<1000000x64xf32, #tpu.memory_space<hbm>> -> memref<1x64xf32, #tpu.memory_space<hbm>>
      %dma_start3A_446 = arith.constant 0 : i32
      %dma_start3A_447 = tpu.memref_slice %arg12[%add3A_439, %dma_start3A_446] : memref<128x64xf32, #tpu.memory_space<vmem>> -> memref<1x64xf32, #tpu.memory_space<vmem>>
      %dma_start3A_448 = arith.constant 0 : i32
      %dma_start3A_449 = tpu.memref_slice %arg4[%squeeze3A_441, %dma_start3A_448] : memref<1000000x64xf32, #tpu.memory_space<hbm>> -> memref<1x64xf32, #tpu.memory_space<hbm>>
      tpu.enqueue_dma source(%dma_start3A_449 : memref<1x64xf32, #tpu.memory_space<hbm>>) target(%dma_start3A_447 : memref<1x64xf32, #tpu.memory_space<vmem>>) target_semaphore(%arg15 : memref<!tpu.dma_semaphore, #tpu.memory_space<semaphore_mem>>)
      %slice3A_450 = vector.extract_strided_slice %get3A_102 {offsets = [14], sizes = [1], strides = [1]} : vector<16xi32> to vector<1xi32>
      %squeeze3A_451 = vector.extract %slice3A_450[0] : i32 from vector<1xi32>
      %dma_start3A_452 = arith.constant 0 : i32
      %dma_start3A_453 = tpu.memref_slice %arg13[%add3A_439, %dma_start3A_452] : memref<128x16xf32, #tpu.memory_space<vmem>> -> memref<1x16xf32, #tpu.memory_space<vmem>>
      %dma_start3A_454 = arith.constant 0 : i32
      %dma_start3A_455 = tpu.memref_slice %arg5[%squeeze3A_451, %dma_start3A_454] : memref<1000x16xf32, #tpu.memory_space<hbm>> -> memref<1x16xf32, #tpu.memory_space<hbm>>
      %dma_start3A_456 = arith.constant 0 : i32
      %dma_start3A_457 = tpu.memref_slice %arg13[%add3A_439, %dma_start3A_456] : memref<128x16xf32, #tpu.memory_space<vmem>> -> memref<1x16xf32, #tpu.memory_space<vmem>>
      %dma_start3A_458 = arith.constant 0 : i32
      %dma_start3A_459 = tpu.memref_slice %arg5[%squeeze3A_451, %dma_start3A_458] : memref<1000x16xf32, #tpu.memory_space<hbm>> -> memref<1x16xf32, #tpu.memory_space<hbm>>
      tpu.enqueue_dma source(%dma_start3A_459 : memref<1x16xf32, #tpu.memory_space<hbm>>) target(%dma_start3A_457 : memref<1x16xf32, #tpu.memory_space<vmem>>) target_semaphore(%arg15 : memref<!tpu.dma_semaphore, #tpu.memory_space<semaphore_mem>>)
      %mul3A_460 = arith.constant 16 : i32
      %mul3A_461 = arith.muli %scan3A_89, %mul3A_460 : i32
      %add3A_462 = arith.constant 15 : i32
      %add3A_463 = arith.addi %mul3A_461, %add3A_462 : i32
      %slice3A_464 = vector.extract_strided_slice %get3A_95 {offsets = [15], sizes = [1], strides = [1]} : vector<16xi32> to vector<1xi32>
      %squeeze3A_465 = vector.extract %slice3A_464[0] : i32 from vector<1xi32>
      %dma_start3A_466 = arith.constant 0 : i32
      %dma_start3A_467 = tpu.memref_slice %arg12[%add3A_463, %dma_start3A_466] : memref<128x64xf32, #tpu.memory_space<vmem>> -> memref<1x64xf32, #tpu.memory_space<vmem>>
      %dma_start3A_468 = arith.constant 0 : i32
      %dma_start3A_469 = tpu.memref_slice %arg4[%squeeze3A_465, %dma_start3A_468] : memref<1000000x64xf32, #tpu.memory_space<hbm>> -> memref<1x64xf32, #tpu.memory_space<hbm>>
      %dma_start3A_470 = arith.constant 0 : i32
      %dma_start3A_471 = tpu.memref_slice %arg12[%add3A_463, %dma_start3A_470] : memref<128x64xf32, #tpu.memory_space<vmem>> -> memref<1x64xf32, #tpu.memory_space<vmem>>
      %dma_start3A_472 = arith.constant 0 : i32
      %dma_start3A_473 = tpu.memref_slice %arg4[%squeeze3A_465, %dma_start3A_472] : memref<1000000x64xf32, #tpu.memory_space<hbm>> -> memref<1x64xf32, #tpu.memory_space<hbm>>
      tpu.enqueue_dma source(%dma_start3A_473 : memref<1x64xf32, #tpu.memory_space<hbm>>) target(%dma_start3A_471 : memref<1x64xf32, #tpu.memory_space<vmem>>) target_semaphore(%arg15 : memref<!tpu.dma_semaphore, #tpu.memory_space<semaphore_mem>>)
      %slice3A_474 = vector.extract_strided_slice %get3A_102 {offsets = [15], sizes = [1], strides = [1]} : vector<16xi32> to vector<1xi32>
      %squeeze3A_475 = vector.extract %slice3A_474[0] : i32 from vector<1xi32>
      %dma_start3A_476 = arith.constant 0 : i32
      %dma_start3A_477 = tpu.memref_slice %arg13[%add3A_463, %dma_start3A_476] : memref<128x16xf32, #tpu.memory_space<vmem>> -> memref<1x16xf32, #tpu.memory_space<vmem>>
      %dma_start3A_478 = arith.constant 0 : i32
      %dma_start3A_479 = tpu.memref_slice %arg5[%squeeze3A_475, %dma_start3A_478] : memref<1000x16xf32, #tpu.memory_space<hbm>> -> memref<1x16xf32, #tpu.memory_space<hbm>>
      %dma_start3A_480 = arith.constant 0 : i32
      %dma_start3A_481 = tpu.memref_slice %arg13[%add3A_463, %dma_start3A_480] : memref<128x16xf32, #tpu.memory_space<vmem>> -> memref<1x16xf32, #tpu.memory_space<vmem>>
      %dma_start3A_482 = arith.constant 0 : i32
      %dma_start3A_483 = tpu.memref_slice %arg5[%squeeze3A_475, %dma_start3A_482] : memref<1000x16xf32, #tpu.memory_space<hbm>> -> memref<1x16xf32, #tpu.memory_space<hbm>>
      tpu.enqueue_dma source(%dma_start3A_483 : memref<1x16xf32, #tpu.memory_space<hbm>>) target(%dma_start3A_481 : memref<1x16xf32, #tpu.memory_space<vmem>>) target_semaphore(%arg15 : memref<!tpu.dma_semaphore, #tpu.memory_space<semaphore_mem>>)
    }
    %scan3A_13 = arith.constant 8 : i32
    %dma_wait3A = arith.constant 0 : i32
    %dma_wait3A_14 = arith.constant 0 : i32
    %dma_wait3A_15 = tpu.memref_slice %arg6[%dma_wait3A, %dma_wait3A_14] : memref<16384x64xf32, #tpu.memory_space<hbm>> -> memref<128x64xf32, #tpu.memory_space<hbm>>
    %dma_wait3A_16 = arith.constant 0 : i32
    %dma_wait3A_17 = arith.constant 0 : i32
    %dma_wait3A_18 = tpu.memref_slice %arg6[%dma_wait3A_16, %dma_wait3A_17] : memref<16384x64xf32, #tpu.memory_space<hbm>> -> memref<128x64xf32, #tpu.memory_space<hbm>>
    tpu.wait_dma2 semaphore(%arg14 : memref<!tpu.dma_semaphore, #tpu.memory_space<semaphore_mem>>) src(%dma_wait3A_18 : memref<128x64xf32, #tpu.memory_space<hbm>>) dst(%arg10 : memref<128x64xf32, #tpu.memory_space<vmem>>)
    %dma_wait3A_19 = arith.constant 0 : i32
    %dma_wait3A_20 = arith.constant 0 : i32
    %dma_wait3A_21 = tpu.memref_slice %arg7[%dma_wait3A_19, %dma_wait3A_20] : memref<16384x16xf32, #tpu.memory_space<hbm>> -> memref<128x16xf32, #tpu.memory_space<hbm>>
    %dma_wait3A_22 = arith.constant 0 : i32
    %dma_wait3A_23 = arith.constant 0 : i32
    %dma_wait3A_24 = tpu.memref_slice %arg7[%dma_wait3A_22, %dma_wait3A_23] : memref<16384x16xf32, #tpu.memory_space<hbm>> -> memref<128x16xf32, #tpu.memory_space<hbm>>
    tpu.wait_dma2 semaphore(%arg14 : memref<!tpu.dma_semaphore, #tpu.memory_space<semaphore_mem>>) src(%dma_wait3A_24 : memref<128x16xf32, #tpu.memory_space<hbm>>) dst(%arg11 : memref<128x16xf32, #tpu.memory_space<vmem>>)
    %add3A_25 = arith.constant 0 : i32
    %add3A_26 = arith.addi %mul3A_2, %add3A_25 : i32
    "tpu.region"() ({
      %run_scoped3A = tpu.sem_alloc : memref<!tpu.dma_semaphore, #tpu.memory_space<semaphore_mem>>
      %dma_start3A = arith.constant 0 : i32
      %dma_start3A_89 = tpu.memref_slice %arg6[%add3A_26, %dma_start3A] : memref<16384x64xf32, #tpu.memory_space<hbm>> -> memref<128x64xf32, #tpu.memory_space<hbm>>
      %dma_start3A_90 = arith.constant 0 : i32
      %dma_start3A_91 = tpu.memref_slice %arg6[%add3A_26, %dma_start3A_90] : memref<16384x64xf32, #tpu.memory_space<hbm>> -> memref<128x64xf32, #tpu.memory_space<hbm>>
      tpu.enqueue_dma source(%arg10 : memref<128x64xf32, #tpu.memory_space<vmem>>) target(%dma_start3A_91 : memref<128x64xf32, #tpu.memory_space<hbm>>) target_semaphore(%run_scoped3A : memref<!tpu.dma_semaphore, #tpu.memory_space<semaphore_mem>>)
      %dma_wait3A_92 = arith.constant 0 : i32
      %dma_wait3A_93 = tpu.memref_slice %arg6[%add3A_26, %dma_wait3A_92] : memref<16384x64xf32, #tpu.memory_space<hbm>> -> memref<128x64xf32, #tpu.memory_space<hbm>>
      %dma_wait3A_94 = arith.constant 0 : i32
      %dma_wait3A_95 = tpu.memref_slice %arg6[%add3A_26, %dma_wait3A_94] : memref<16384x64xf32, #tpu.memory_space<hbm>> -> memref<128x64xf32, #tpu.memory_space<hbm>>
      tpu.wait_dma2 semaphore(%run_scoped3A : memref<!tpu.dma_semaphore, #tpu.memory_space<semaphore_mem>>) src(%arg10 : memref<128x64xf32, #tpu.memory_space<vmem>>) dst(%dma_wait3A_95 : memref<128x64xf32, #tpu.memory_space<hbm>>)
      tpu.yield
    }) : () -> ()
    %add3A_27 = arith.constant 0 : i32
    %add3A_28 = arith.addi %mul3A_2, %add3A_27 : i32
    "tpu.region"() ({
      %run_scoped3A = tpu.sem_alloc : memref<!tpu.dma_semaphore, #tpu.memory_space<semaphore_mem>>
      %dma_start3A = arith.constant 0 : i32
      %dma_start3A_89 = tpu.memref_slice %arg7[%add3A_28, %dma_start3A] : memref<16384x16xf32, #tpu.memory_space<hbm>> -> memref<128x16xf32, #tpu.memory_space<hbm>>
      %dma_start3A_90 = arith.constant 0 : i32
      %dma_start3A_91 = tpu.memref_slice %arg7[%add3A_28, %dma_start3A_90] : memref<16384x16xf32, #tpu.memory_space<hbm>> -> memref<128x16xf32, #tpu.memory_space<hbm>>
      tpu.enqueue_dma source(%arg11 : memref<128x16xf32, #tpu.memory_space<vmem>>) target(%dma_start3A_91 : memref<128x16xf32, #tpu.memory_space<hbm>>) target_semaphore(%run_scoped3A : memref<!tpu.dma_semaphore, #tpu.memory_space<semaphore_mem>>)
      %dma_wait3A_92 = arith.constant 0 : i32
      %dma_wait3A_93 = tpu.memref_slice %arg7[%add3A_28, %dma_wait3A_92] : memref<16384x16xf32, #tpu.memory_space<hbm>> -> memref<128x16xf32, #tpu.memory_space<hbm>>
      %dma_wait3A_94 = arith.constant 0 : i32
      %dma_wait3A_95 = tpu.memref_slice %arg7[%add3A_28, %dma_wait3A_94] : memref<16384x16xf32, #tpu.memory_space<hbm>> -> memref<128x16xf32, #tpu.memory_space<hbm>>
      tpu.wait_dma2 semaphore(%run_scoped3A : memref<!tpu.dma_semaphore, #tpu.memory_space<semaphore_mem>>) src(%arg11 : memref<128x16xf32, #tpu.memory_space<vmem>>) dst(%dma_wait3A_95 : memref<128x16xf32, #tpu.memory_space<hbm>>)
      tpu.yield
    }) : () -> ()
    %scan3A_29 = arith.constant 0 : i32
    %scan3A_30 = arith.constant 0 : i32
    %scan3A_31 = arith.constant 8 : i32
    %scan3A_32 = arith.addi %scan3A_30, %scan3A_31 : i32
    %scan3A_33 = arith.constant 1 : i32
    scf.for %scan3A_89 = %scan3A_30 to %scan3A_32 step %scan3A_33  : i32 {
      %mul3A_90 = arith.constant 16 : i32
      %mul3A_91 = arith.muli %scan3A_89, %mul3A_90 : i32
      %add3A_92 = arith.constant 256 : i32
      %add3A_93 = arith.addi %add3A_92, %mul3A_91 : i32
      %get3A = arith.index_cast %add3A_93 : i32 to index
      %get3A_94 = tpu.vector_load %arg8[%get3A] {strides = array<i32>} : memref<512xi32, #tpu.memory_space<vmem>>, vector<16xi32>,
      %get3A_95 = vector.shape_cast %get3A_94 : vector<16xi32> to vector<16xi32>
      %mul3A_96 = arith.constant 16 : i32
      %mul3A_97 = arith.muli %scan3A_89, %mul3A_96 : i32
      %add3A_98 = arith.constant 256 : i32
      %add3A_99 = arith.addi %add3A_98, %mul3A_97 : i32
      %get3A_100 = arith.index_cast %add3A_99 : i32 to index
      %get3A_101 = tpu.vector_load %arg9[%get3A_100] {strides = array<i32>} : memref<512xi32, #tpu.memory_space<vmem>>, vector<16xi32>,
      %get3A_102 = vector.shape_cast %get3A_101 : vector<16xi32> to vector<16xi32>
      %mul3A_103 = arith.constant 16 : i32
      %mul3A_104 = arith.muli %scan3A_89, %mul3A_103 : i32
      %add3A_105 = arith.constant 0 : i32
      %add3A_106 = arith.addi %mul3A_104, %add3A_105 : i32
      %slice3A = vector.extract_strided_slice %get3A_95 {offsets = [0], sizes = [1], strides = [1]} : vector<16xi32> to vector<1xi32>
      %squeeze3A = vector.extract %slice3A[0] : i32 from vector<1xi32>
      %dma_start3A = arith.constant 0 : i32
      %dma_start3A_107 = tpu.memref_slice %arg10[%add3A_106, %dma_start3A] : memref<128x64xf32, #tpu.memory_space<vmem>> -> memref<1x64xf32, #tpu.memory_space<vmem>>
      %dma_start3A_108 = arith.constant 0 : i32
      %dma_start3A_109 = tpu.memref_slice %arg4[%squeeze3A, %dma_start3A_108] : memref<1000000x64xf32, #tpu.memory_space<hbm>> -> memref<1x64xf32, #tpu.memory_space<hbm>>
      %dma_start3A_110 = arith.constant 0 : i32
      %dma_start3A_111 = tpu.memref_slice %arg10[%add3A_106, %dma_start3A_110] : memref<128x64xf32, #tpu.memory_space<vmem>> -> memref<1x64xf32, #tpu.memory_space<vmem>>
      %dma_start3A_112 = arith.constant 0 : i32
      %dma_start3A_113 = tpu.memref_slice %arg4[%squeeze3A, %dma_start3A_112] : memref<1000000x64xf32, #tpu.memory_space<hbm>> -> memref<1x64xf32, #tpu.memory_space<hbm>>
      tpu.enqueue_dma source(%dma_start3A_113 : memref<1x64xf32, #tpu.memory_space<hbm>>) target(%dma_start3A_111 : memref<1x64xf32, #tpu.memory_space<vmem>>) target_semaphore(%arg14 : memref<!tpu.dma_semaphore, #tpu.memory_space<semaphore_mem>>)
      %slice3A_114 = vector.extract_strided_slice %get3A_102 {offsets = [0], sizes = [1], strides = [1]} : vector<16xi32> to vector<1xi32>
      %squeeze3A_115 = vector.extract %slice3A_114[0] : i32 from vector<1xi32>
      %dma_start3A_116 = arith.constant 0 : i32
      %dma_start3A_117 = tpu.memref_slice %arg11[%add3A_106, %dma_start3A_116] : memref<128x16xf32, #tpu.memory_space<vmem>> -> memref<1x16xf32, #tpu.memory_space<vmem>>
      %dma_start3A_118 = arith.constant 0 : i32
      %dma_start3A_119 = tpu.memref_slice %arg5[%squeeze3A_115, %dma_start3A_118] : memref<1000x16xf32, #tpu.memory_space<hbm>> -> memref<1x16xf32, #tpu.memory_space<hbm>>
      %dma_start3A_120 = arith.constant 0 : i32
      %dma_start3A_121 = tpu.memref_slice %arg11[%add3A_106, %dma_start3A_120] : memref<128x16xf32, #tpu.memory_space<vmem>> -> memref<1x16xf32, #tpu.memory_space<vmem>>
      %dma_start3A_122 = arith.constant 0 : i32
      %dma_start3A_123 = tpu.memref_slice %arg5[%squeeze3A_115, %dma_start3A_122] : memref<1000x16xf32, #tpu.memory_space<hbm>> -> memref<1x16xf32, #tpu.memory_space<hbm>>
      tpu.enqueue_dma source(%dma_start3A_123 : memref<1x16xf32, #tpu.memory_space<hbm>>) target(%dma_start3A_121 : memref<1x16xf32, #tpu.memory_space<vmem>>) target_semaphore(%arg14 : memref<!tpu.dma_semaphore, #tpu.memory_space<semaphore_mem>>)
      %mul3A_124 = arith.constant 16 : i32
      %mul3A_125 = arith.muli %scan3A_89, %mul3A_124 : i32
      %add3A_126 = arith.constant 1 : i32
      %add3A_127 = arith.addi %mul3A_125, %add3A_126 : i32
      %slice3A_128 = vector.extract_strided_slice %get3A_95 {offsets = [1], sizes = [1], strides = [1]} : vector<16xi32> to vector<1xi32>
      %squeeze3A_129 = vector.extract %slice3A_128[0] : i32 from vector<1xi32>
      %dma_start3A_130 = arith.constant 0 : i32
      %dma_start3A_131 = tpu.memref_slice %arg10[%add3A_127, %dma_start3A_130] : memref<128x64xf32, #tpu.memory_space<vmem>> -> memref<1x64xf32, #tpu.memory_space<vmem>>
      %dma_start3A_132 = arith.constant 0 : i32
      %dma_start3A_133 = tpu.memref_slice %arg4[%squeeze3A_129, %dma_start3A_132] : memref<1000000x64xf32, #tpu.memory_space<hbm>> -> memref<1x64xf32, #tpu.memory_space<hbm>>
      %dma_start3A_134 = arith.constant 0 : i32
      %dma_start3A_135 = tpu.memref_slice %arg10[%add3A_127, %dma_start3A_134] : memref<128x64xf32, #tpu.memory_space<vmem>> -> memref<1x64xf32, #tpu.memory_space<vmem>>
      %dma_start3A_136 = arith.constant 0 : i32
      %dma_start3A_137 = tpu.memref_slice %arg4[%squeeze3A_129, %dma_start3A_136] : memref<1000000x64xf32, #tpu.memory_space<hbm>> -> memref<1x64xf32, #tpu.memory_space<hbm>>
      tpu.enqueue_dma source(%dma_start3A_137 : memref<1x64xf32, #tpu.memory_space<hbm>>) target(%dma_start3A_135 : memref<1x64xf32, #tpu.memory_space<vmem>>) target_semaphore(%arg14 : memref<!tpu.dma_semaphore, #tpu.memory_space<semaphore_mem>>)
      %slice3A_138 = vector.extract_strided_slice %get3A_102 {offsets = [1], sizes = [1], strides = [1]} : vector<16xi32> to vector<1xi32>
      %squeeze3A_139 = vector.extract %slice3A_138[0] : i32 from vector<1xi32>
      %dma_start3A_140 = arith.constant 0 : i32
      %dma_start3A_141 = tpu.memref_slice %arg11[%add3A_127, %dma_start3A_140] : memref<128x16xf32, #tpu.memory_space<vmem>> -> memref<1x16xf32, #tpu.memory_space<vmem>>
      %dma_start3A_142 = arith.constant 0 : i32
      %dma_start3A_143 = tpu.memref_slice %arg5[%squeeze3A_139, %dma_start3A_142] : memref<1000x16xf32, #tpu.memory_space<hbm>> -> memref<1x16xf32, #tpu.memory_space<hbm>>
      %dma_start3A_144 = arith.constant 0 : i32
      %dma_start3A_145 = tpu.memref_slice %arg11[%add3A_127, %dma_start3A_144] : memref<128x16xf32, #tpu.memory_space<vmem>> -> memref<1x16xf32, #tpu.memory_space<vmem>>
      %dma_start3A_146 = arith.constant 0 : i32
      %dma_start3A_147 = tpu.memref_slice %arg5[%squeeze3A_139, %dma_start3A_146] : memref<1000x16xf32, #tpu.memory_space<hbm>> -> memref<1x16xf32, #tpu.memory_space<hbm>>
      tpu.enqueue_dma source(%dma_start3A_147 : memref<1x16xf32, #tpu.memory_space<hbm>>) target(%dma_start3A_145 : memref<1x16xf32, #tpu.memory_space<vmem>>) target_semaphore(%arg14 : memref<!tpu.dma_semaphore, #tpu.memory_space<semaphore_mem>>)
      %mul3A_148 = arith.constant 16 : i32
      %mul3A_149 = arith.muli %scan3A_89, %mul3A_148 : i32
      %add3A_150 = arith.constant 2 : i32
      %add3A_151 = arith.addi %mul3A_149, %add3A_150 : i32
      %slice3A_152 = vector.extract_strided_slice %get3A_95 {offsets = [2], sizes = [1], strides = [1]} : vector<16xi32> to vector<1xi32>
      %squeeze3A_153 = vector.extract %slice3A_152[0] : i32 from vector<1xi32>
      %dma_start3A_154 = arith.constant 0 : i32
      %dma_start3A_155 = tpu.memref_slice %arg10[%add3A_151, %dma_start3A_154] : memref<128x64xf32, #tpu.memory_space<vmem>> -> memref<1x64xf32, #tpu.memory_space<vmem>>
      %dma_start3A_156 = arith.constant 0 : i32
      %dma_start3A_157 = tpu.memref_slice %arg4[%squeeze3A_153, %dma_start3A_156] : memref<1000000x64xf32, #tpu.memory_space<hbm>> -> memref<1x64xf32, #tpu.memory_space<hbm>>
      %dma_start3A_158 = arith.constant 0 : i32
      %dma_start3A_159 = tpu.memref_slice %arg10[%add3A_151, %dma_start3A_158] : memref<128x64xf32, #tpu.memory_space<vmem>> -> memref<1x64xf32, #tpu.memory_space<vmem>>
      %dma_start3A_160 = arith.constant 0 : i32
      %dma_start3A_161 = tpu.memref_slice %arg4[%squeeze3A_153, %dma_start3A_160] : memref<1000000x64xf32, #tpu.memory_space<hbm>> -> memref<1x64xf32, #tpu.memory_space<hbm>>
      tpu.enqueue_dma source(%dma_start3A_161 : memref<1x64xf32, #tpu.memory_space<hbm>>) target(%dma_start3A_159 : memref<1x64xf32, #tpu.memory_space<vmem>>) target_semaphore(%arg14 : memref<!tpu.dma_semaphore, #tpu.memory_space<semaphore_mem>>)
      %slice3A_162 = vector.extract_strided_slice %get3A_102 {offsets = [2], sizes = [1], strides = [1]} : vector<16xi32> to vector<1xi32>
      %squeeze3A_163 = vector.extract %slice3A_162[0] : i32 from vector<1xi32>
      %dma_start3A_164 = arith.constant 0 : i32
      %dma_start3A_165 = tpu.memref_slice %arg11[%add3A_151, %dma_start3A_164] : memref<128x16xf32, #tpu.memory_space<vmem>> -> memref<1x16xf32, #tpu.memory_space<vmem>>
      %dma_start3A_166 = arith.constant 0 : i32
      %dma_start3A_167 = tpu.memref_slice %arg5[%squeeze3A_163, %dma_start3A_166] : memref<1000x16xf32, #tpu.memory_space<hbm>> -> memref<1x16xf32, #tpu.memory_space<hbm>>
      %dma_start3A_168 = arith.constant 0 : i32
      %dma_start3A_169 = tpu.memref_slice %arg11[%add3A_151, %dma_start3A_168] : memref<128x16xf32, #tpu.memory_space<vmem>> -> memref<1x16xf32, #tpu.memory_space<vmem>>
      %dma_start3A_170 = arith.constant 0 : i32
      %dma_start3A_171 = tpu.memref_slice %arg5[%squeeze3A_163, %dma_start3A_170] : memref<1000x16xf32, #tpu.memory_space<hbm>> -> memref<1x16xf32, #tpu.memory_space<hbm>>
      tpu.enqueue_dma source(%dma_start3A_171 : memref<1x16xf32, #tpu.memory_space<hbm>>) target(%dma_start3A_169 : memref<1x16xf32, #tpu.memory_space<vmem>>) target_semaphore(%arg14 : memref<!tpu.dma_semaphore, #tpu.memory_space<semaphore_mem>>)
      %mul3A_172 = arith.constant 16 : i32
      %mul3A_173 = arith.muli %scan3A_89, %mul3A_172 : i32
      %add3A_174 = arith.constant 3 : i32
      %add3A_175 = arith.addi %mul3A_173, %add3A_174 : i32
      %slice3A_176 = vector.extract_strided_slice %get3A_95 {offsets = [3], sizes = [1], strides = [1]} : vector<16xi32> to vector<1xi32>
      %squeeze3A_177 = vector.extract %slice3A_176[0] : i32 from vector<1xi32>
      %dma_start3A_178 = arith.constant 0 : i32
      %dma_start3A_179 = tpu.memref_slice %arg10[%add3A_175, %dma_start3A_178] : memref<128x64xf32, #tpu.memory_space<vmem>> -> memref<1x64xf32, #tpu.memory_space<vmem>>
      %dma_start3A_180 = arith.constant 0 : i32
      %dma_start3A_181 = tpu.memref_slice %arg4[%squeeze3A_177, %dma_start3A_180] : memref<1000000x64xf32, #tpu.memory_space<hbm>> -> memref<1x64xf32, #tpu.memory_space<hbm>>
      %dma_start3A_182 = arith.constant 0 : i32
      %dma_start3A_183 = tpu.memref_slice %arg10[%add3A_175, %dma_start3A_182] : memref<128x64xf32, #tpu.memory_space<vmem>> -> memref<1x64xf32, #tpu.memory_space<vmem>>
      %dma_start3A_184 = arith.constant 0 : i32
      %dma_start3A_185 = tpu.memref_slice %arg4[%squeeze3A_177, %dma_start3A_184] : memref<1000000x64xf32, #tpu.memory_space<hbm>> -> memref<1x64xf32, #tpu.memory_space<hbm>>
      tpu.enqueue_dma source(%dma_start3A_185 : memref<1x64xf32, #tpu.memory_space<hbm>>) target(%dma_start3A_183 : memref<1x64xf32, #tpu.memory_space<vmem>>) target_semaphore(%arg14 : memref<!tpu.dma_semaphore, #tpu.memory_space<semaphore_mem>>)
      %slice3A_186 = vector.extract_strided_slice %get3A_102 {offsets = [3], sizes = [1], strides = [1]} : vector<16xi32> to vector<1xi32>
      %squeeze3A_187 = vector.extract %slice3A_186[0] : i32 from vector<1xi32>
      %dma_start3A_188 = arith.constant 0 : i32
      %dma_start3A_189 = tpu.memref_slice %arg11[%add3A_175, %dma_start3A_188] : memref<128x16xf32, #tpu.memory_space<vmem>> -> memref<1x16xf32, #tpu.memory_space<vmem>>
      %dma_start3A_190 = arith.constant 0 : i32
      %dma_start3A_191 = tpu.memref_slice %arg5[%squeeze3A_187, %dma_start3A_190] : memref<1000x16xf32, #tpu.memory_space<hbm>> -> memref<1x16xf32, #tpu.memory_space<hbm>>
      %dma_start3A_192 = arith.constant 0 : i32
      %dma_start3A_193 = tpu.memref_slice %arg11[%add3A_175, %dma_start3A_192] : memref<128x16xf32, #tpu.memory_space<vmem>> -> memref<1x16xf32, #tpu.memory_space<vmem>>
      %dma_start3A_194 = arith.constant 0 : i32
      %dma_start3A_195 = tpu.memref_slice %arg5[%squeeze3A_187, %dma_start3A_194] : memref<1000x16xf32, #tpu.memory_space<hbm>> -> memref<1x16xf32, #tpu.memory_space<hbm>>
      tpu.enqueue_dma source(%dma_start3A_195 : memref<1x16xf32, #tpu.memory_space<hbm>>) target(%dma_start3A_193 : memref<1x16xf32, #tpu.memory_space<vmem>>) target_semaphore(%arg14 : memref<!tpu.dma_semaphore, #tpu.memory_space<semaphore_mem>>)
      %mul3A_196 = arith.constant 16 : i32
      %mul3A_197 = arith.muli %scan3A_89, %mul3A_196 : i32
      %add3A_198 = arith.constant 4 : i32
      %add3A_199 = arith.addi %mul3A_197, %add3A_198 : i32
      %slice3A_200 = vector.extract_strided_slice %get3A_95 {offsets = [4], sizes = [1], strides = [1]} : vector<16xi32> to vector<1xi32>
      %squeeze3A_201 = vector.extract %slice3A_200[0] : i32 from vector<1xi32>
      %dma_start3A_202 = arith.constant 0 : i32
      %dma_start3A_203 = tpu.memref_slice %arg10[%add3A_199, %dma_start3A_202] : memref<128x64xf32, #tpu.memory_space<vmem>> -> memref<1x64xf32, #tpu.memory_space<vmem>>
      %dma_start3A_204 = arith.constant 0 : i32
      %dma_start3A_205 = tpu.memref_slice %arg4[%squeeze3A_201, %dma_start3A_204] : memref<1000000x64xf32, #tpu.memory_space<hbm>> -> memref<1x64xf32, #tpu.memory_space<hbm>>
      %dma_start3A_206 = arith.constant 0 : i32
      %dma_start3A_207 = tpu.memref_slice %arg10[%add3A_199, %dma_start3A_206] : memref<128x64xf32, #tpu.memory_space<vmem>> -> memref<1x64xf32, #tpu.memory_space<vmem>>
      %dma_start3A_208 = arith.constant 0 : i32
      %dma_start3A_209 = tpu.memref_slice %arg4[%squeeze3A_201, %dma_start3A_208] : memref<1000000x64xf32, #tpu.memory_space<hbm>> -> memref<1x64xf32, #tpu.memory_space<hbm>>
      tpu.enqueue_dma source(%dma_start3A_209 : memref<1x64xf32, #tpu.memory_space<hbm>>) target(%dma_start3A_207 : memref<1x64xf32, #tpu.memory_space<vmem>>) target_semaphore(%arg14 : memref<!tpu.dma_semaphore, #tpu.memory_space<semaphore_mem>>)
      %slice3A_210 = vector.extract_strided_slice %get3A_102 {offsets = [4], sizes = [1], strides = [1]} : vector<16xi32> to vector<1xi32>
      %squeeze3A_211 = vector.extract %slice3A_210[0] : i32 from vector<1xi32>
      %dma_start3A_212 = arith.constant 0 : i32
      %dma_start3A_213 = tpu.memref_slice %arg11[%add3A_199, %dma_start3A_212] : memref<128x16xf32, #tpu.memory_space<vmem>> -> memref<1x16xf32, #tpu.memory_space<vmem>>
      %dma_start3A_214 = arith.constant 0 : i32
      %dma_start3A_215 = tpu.memref_slice %arg5[%squeeze3A_211, %dma_start3A_214] : memref<1000x16xf32, #tpu.memory_space<hbm>> -> memref<1x16xf32, #tpu.memory_space<hbm>>
      %dma_start3A_216 = arith.constant 0 : i32
      %dma_start3A_217 = tpu.memref_slice %arg11[%add3A_199, %dma_start3A_216] : memref<128x16xf32, #tpu.memory_space<vmem>> -> memref<1x16xf32, #tpu.memory_space<vmem>>
      %dma_start3A_218 = arith.constant 0 : i32
      %dma_start3A_219 = tpu.memref_slice %arg5[%squeeze3A_211, %dma_start3A_218] : memref<1000x16xf32, #tpu.memory_space<hbm>> -> memref<1x16xf32, #tpu.memory_space<hbm>>
      tpu.enqueue_dma source(%dma_start3A_219 : memref<1x16xf32, #tpu.memory_space<hbm>>) target(%dma_start3A_217 : memref<1x16xf32, #tpu.memory_space<vmem>>) target_semaphore(%arg14 : memref<!tpu.dma_semaphore, #tpu.memory_space<semaphore_mem>>)
      %mul3A_220 = arith.constant 16 : i32
      %mul3A_221 = arith.muli %scan3A_89, %mul3A_220 : i32
      %add3A_222 = arith.constant 5 : i32
      %add3A_223 = arith.addi %mul3A_221, %add3A_222 : i32
      %slice3A_224 = vector.extract_strided_slice %get3A_95 {offsets = [5], sizes = [1], strides = [1]} : vector<16xi32> to vector<1xi32>
      %squeeze3A_225 = vector.extract %slice3A_224[0] : i32 from vector<1xi32>
      %dma_start3A_226 = arith.constant 0 : i32
      %dma_start3A_227 = tpu.memref_slice %arg10[%add3A_223, %dma_start3A_226] : memref<128x64xf32, #tpu.memory_space<vmem>> -> memref<1x64xf32, #tpu.memory_space<vmem>>
      %dma_start3A_228 = arith.constant 0 : i32
      %dma_start3A_229 = tpu.memref_slice %arg4[%squeeze3A_225, %dma_start3A_228] : memref<1000000x64xf32, #tpu.memory_space<hbm>> -> memref<1x64xf32, #tpu.memory_space<hbm>>
      %dma_start3A_230 = arith.constant 0 : i32
      %dma_start3A_231 = tpu.memref_slice %arg10[%add3A_223, %dma_start3A_230] : memref<128x64xf32, #tpu.memory_space<vmem>> -> memref<1x64xf32, #tpu.memory_space<vmem>>
      %dma_start3A_232 = arith.constant 0 : i32
      %dma_start3A_233 = tpu.memref_slice %arg4[%squeeze3A_225, %dma_start3A_232] : memref<1000000x64xf32, #tpu.memory_space<hbm>> -> memref<1x64xf32, #tpu.memory_space<hbm>>
      tpu.enqueue_dma source(%dma_start3A_233 : memref<1x64xf32, #tpu.memory_space<hbm>>) target(%dma_start3A_231 : memref<1x64xf32, #tpu.memory_space<vmem>>) target_semaphore(%arg14 : memref<!tpu.dma_semaphore, #tpu.memory_space<semaphore_mem>>)
      %slice3A_234 = vector.extract_strided_slice %get3A_102 {offsets = [5], sizes = [1], strides = [1]} : vector<16xi32> to vector<1xi32>
      %squeeze3A_235 = vector.extract %slice3A_234[0] : i32 from vector<1xi32>
      %dma_start3A_236 = arith.constant 0 : i32
      %dma_start3A_237 = tpu.memref_slice %arg11[%add3A_223, %dma_start3A_236] : memref<128x16xf32, #tpu.memory_space<vmem>> -> memref<1x16xf32, #tpu.memory_space<vmem>>
      %dma_start3A_238 = arith.constant 0 : i32
      %dma_start3A_239 = tpu.memref_slice %arg5[%squeeze3A_235, %dma_start3A_238] : memref<1000x16xf32, #tpu.memory_space<hbm>> -> memref<1x16xf32, #tpu.memory_space<hbm>>
      %dma_start3A_240 = arith.constant 0 : i32
      %dma_start3A_241 = tpu.memref_slice %arg11[%add3A_223, %dma_start3A_240] : memref<128x16xf32, #tpu.memory_space<vmem>> -> memref<1x16xf32, #tpu.memory_space<vmem>>
      %dma_start3A_242 = arith.constant 0 : i32
      %dma_start3A_243 = tpu.memref_slice %arg5[%squeeze3A_235, %dma_start3A_242] : memref<1000x16xf32, #tpu.memory_space<hbm>> -> memref<1x16xf32, #tpu.memory_space<hbm>>
      tpu.enqueue_dma source(%dma_start3A_243 : memref<1x16xf32, #tpu.memory_space<hbm>>) target(%dma_start3A_241 : memref<1x16xf32, #tpu.memory_space<vmem>>) target_semaphore(%arg14 : memref<!tpu.dma_semaphore, #tpu.memory_space<semaphore_mem>>)
      %mul3A_244 = arith.constant 16 : i32
      %mul3A_245 = arith.muli %scan3A_89, %mul3A_244 : i32
      %add3A_246 = arith.constant 6 : i32
      %add3A_247 = arith.addi %mul3A_245, %add3A_246 : i32
      %slice3A_248 = vector.extract_strided_slice %get3A_95 {offsets = [6], sizes = [1], strides = [1]} : vector<16xi32> to vector<1xi32>
      %squeeze3A_249 = vector.extract %slice3A_248[0] : i32 from vector<1xi32>
      %dma_start3A_250 = arith.constant 0 : i32
      %dma_start3A_251 = tpu.memref_slice %arg10[%add3A_247, %dma_start3A_250] : memref<128x64xf32, #tpu.memory_space<vmem>> -> memref<1x64xf32, #tpu.memory_space<vmem>>
      %dma_start3A_252 = arith.constant 0 : i32
      %dma_start3A_253 = tpu.memref_slice %arg4[%squeeze3A_249, %dma_start3A_252] : memref<1000000x64xf32, #tpu.memory_space<hbm>> -> memref<1x64xf32, #tpu.memory_space<hbm>>
      %dma_start3A_254 = arith.constant 0 : i32
      %dma_start3A_255 = tpu.memref_slice %arg10[%add3A_247, %dma_start3A_254] : memref<128x64xf32, #tpu.memory_space<vmem>> -> memref<1x64xf32, #tpu.memory_space<vmem>>
      %dma_start3A_256 = arith.constant 0 : i32
      %dma_start3A_257 = tpu.memref_slice %arg4[%squeeze3A_249, %dma_start3A_256] : memref<1000000x64xf32, #tpu.memory_space<hbm>> -> memref<1x64xf32, #tpu.memory_space<hbm>>
      tpu.enqueue_dma source(%dma_start3A_257 : memref<1x64xf32, #tpu.memory_space<hbm>>) target(%dma_start3A_255 : memref<1x64xf32, #tpu.memory_space<vmem>>) target_semaphore(%arg14 : memref<!tpu.dma_semaphore, #tpu.memory_space<semaphore_mem>>)
      %slice3A_258 = vector.extract_strided_slice %get3A_102 {offsets = [6], sizes = [1], strides = [1]} : vector<16xi32> to vector<1xi32>
      %squeeze3A_259 = vector.extract %slice3A_258[0] : i32 from vector<1xi32>
      %dma_start3A_260 = arith.constant 0 : i32
      %dma_start3A_261 = tpu.memref_slice %arg11[%add3A_247, %dma_start3A_260] : memref<128x16xf32, #tpu.memory_space<vmem>> -> memref<1x16xf32, #tpu.memory_space<vmem>>
      %dma_start3A_262 = arith.constant 0 : i32
      %dma_start3A_263 = tpu.memref_slice %arg5[%squeeze3A_259, %dma_start3A_262] : memref<1000x16xf32, #tpu.memory_space<hbm>> -> memref<1x16xf32, #tpu.memory_space<hbm>>
      %dma_start3A_264 = arith.constant 0 : i32
      %dma_start3A_265 = tpu.memref_slice %arg11[%add3A_247, %dma_start3A_264] : memref<128x16xf32, #tpu.memory_space<vmem>> -> memref<1x16xf32, #tpu.memory_space<vmem>>
      %dma_start3A_266 = arith.constant 0 : i32
      %dma_start3A_267 = tpu.memref_slice %arg5[%squeeze3A_259, %dma_start3A_266] : memref<1000x16xf32, #tpu.memory_space<hbm>> -> memref<1x16xf32, #tpu.memory_space<hbm>>
      tpu.enqueue_dma source(%dma_start3A_267 : memref<1x16xf32, #tpu.memory_space<hbm>>) target(%dma_start3A_265 : memref<1x16xf32, #tpu.memory_space<vmem>>) target_semaphore(%arg14 : memref<!tpu.dma_semaphore, #tpu.memory_space<semaphore_mem>>)
      %mul3A_268 = arith.constant 16 : i32
      %mul3A_269 = arith.muli %scan3A_89, %mul3A_268 : i32
      %add3A_270 = arith.constant 7 : i32
      %add3A_271 = arith.addi %mul3A_269, %add3A_270 : i32
      %slice3A_272 = vector.extract_strided_slice %get3A_95 {offsets = [7], sizes = [1], strides = [1]} : vector<16xi32> to vector<1xi32>
      %squeeze3A_273 = vector.extract %slice3A_272[0] : i32 from vector<1xi32>
      %dma_start3A_274 = arith.constant 0 : i32
      %dma_start3A_275 = tpu.memref_slice %arg10[%add3A_271, %dma_start3A_274] : memref<128x64xf32, #tpu.memory_space<vmem>> -> memref<1x64xf32, #tpu.memory_space<vmem>>
      %dma_start3A_276 = arith.constant 0 : i32
      %dma_start3A_277 = tpu.memref_slice %arg4[%squeeze3A_273, %dma_start3A_276] : memref<1000000x64xf32, #tpu.memory_space<hbm>> -> memref<1x64xf32, #tpu.memory_space<hbm>>
      %dma_start3A_278 = arith.constant 0 : i32
      %dma_start3A_279 = tpu.memref_slice %arg10[%add3A_271, %dma_start3A_278] : memref<128x64xf32, #tpu.memory_space<vmem>> -> memref<1x64xf32, #tpu.memory_space<vmem>>
      %dma_start3A_280 = arith.constant 0 : i32
      %dma_start3A_281 = tpu.memref_slice %arg4[%squeeze3A_273, %dma_start3A_280] : memref<1000000x64xf32, #tpu.memory_space<hbm>> -> memref<1x64xf32, #tpu.memory_space<hbm>>
      tpu.enqueue_dma source(%dma_start3A_281 : memref<1x64xf32, #tpu.memory_space<hbm>>) target(%dma_start3A_279 : memref<1x64xf32, #tpu.memory_space<vmem>>) target_semaphore(%arg14 : memref<!tpu.dma_semaphore, #tpu.memory_space<semaphore_mem>>)
      %slice3A_282 = vector.extract_strided_slice %get3A_102 {offsets = [7], sizes = [1], strides = [1]} : vector<16xi32> to vector<1xi32>
      %squeeze3A_283 = vector.extract %slice3A_282[0] : i32 from vector<1xi32>
      %dma_start3A_284 = arith.constant 0 : i32
      %dma_start3A_285 = tpu.memref_slice %arg11[%add3A_271, %dma_start3A_284] : memref<128x16xf32, #tpu.memory_space<vmem>> -> memref<1x16xf32, #tpu.memory_space<vmem>>
      %dma_start3A_286 = arith.constant 0 : i32
      %dma_start3A_287 = tpu.memref_slice %arg5[%squeeze3A_283, %dma_start3A_286] : memref<1000x16xf32, #tpu.memory_space<hbm>> -> memref<1x16xf32, #tpu.memory_space<hbm>>
      %dma_start3A_288 = arith.constant 0 : i32
      %dma_start3A_289 = tpu.memref_slice %arg11[%add3A_271, %dma_start3A_288] : memref<128x16xf32, #tpu.memory_space<vmem>> -> memref<1x16xf32, #tpu.memory_space<vmem>>
      %dma_start3A_290 = arith.constant 0 : i32
      %dma_start3A_291 = tpu.memref_slice %arg5[%squeeze3A_283, %dma_start3A_290] : memref<1000x16xf32, #tpu.memory_space<hbm>> -> memref<1x16xf32, #tpu.memory_space<hbm>>
      tpu.enqueue_dma source(%dma_start3A_291 : memref<1x16xf32, #tpu.memory_space<hbm>>) target(%dma_start3A_289 : memref<1x16xf32, #tpu.memory_space<vmem>>) target_semaphore(%arg14 : memref<!tpu.dma_semaphore, #tpu.memory_space<semaphore_mem>>)
      %mul3A_292 = arith.constant 16 : i32
      %mul3A_293 = arith.muli %scan3A_89, %mul3A_292 : i32
      %add3A_294 = arith.constant 8 : i32
      %add3A_295 = arith.addi %mul3A_293, %add3A_294 : i32
      %slice3A_296 = vector.extract_strided_slice %get3A_95 {offsets = [8], sizes = [1], strides = [1]} : vector<16xi32> to vector<1xi32>
      %squeeze3A_297 = vector.extract %slice3A_296[0] : i32 from vector<1xi32>
      %dma_start3A_298 = arith.constant 0 : i32
      %dma_start3A_299 = tpu.memref_slice %arg10[%add3A_295, %dma_start3A_298] : memref<128x64xf32, #tpu.memory_space<vmem>> -> memref<1x64xf32, #tpu.memory_space<vmem>>
      %dma_start3A_300 = arith.constant 0 : i32
      %dma_start3A_301 = tpu.memref_slice %arg4[%squeeze3A_297, %dma_start3A_300] : memref<1000000x64xf32, #tpu.memory_space<hbm>> -> memref<1x64xf32, #tpu.memory_space<hbm>>
      %dma_start3A_302 = arith.constant 0 : i32
      %dma_start3A_303 = tpu.memref_slice %arg10[%add3A_295, %dma_start3A_302] : memref<128x64xf32, #tpu.memory_space<vmem>> -> memref<1x64xf32, #tpu.memory_space<vmem>>
      %dma_start3A_304 = arith.constant 0 : i32
      %dma_start3A_305 = tpu.memref_slice %arg4[%squeeze3A_297, %dma_start3A_304] : memref<1000000x64xf32, #tpu.memory_space<hbm>> -> memref<1x64xf32, #tpu.memory_space<hbm>>
      tpu.enqueue_dma source(%dma_start3A_305 : memref<1x64xf32, #tpu.memory_space<hbm>>) target(%dma_start3A_303 : memref<1x64xf32, #tpu.memory_space<vmem>>) target_semaphore(%arg14 : memref<!tpu.dma_semaphore, #tpu.memory_space<semaphore_mem>>)
      %slice3A_306 = vector.extract_strided_slice %get3A_102 {offsets = [8], sizes = [1], strides = [1]} : vector<16xi32> to vector<1xi32>
      %squeeze3A_307 = vector.extract %slice3A_306[0] : i32 from vector<1xi32>
      %dma_start3A_308 = arith.constant 0 : i32
      %dma_start3A_309 = tpu.memref_slice %arg11[%add3A_295, %dma_start3A_308] : memref<128x16xf32, #tpu.memory_space<vmem>> -> memref<1x16xf32, #tpu.memory_space<vmem>>
      %dma_start3A_310 = arith.constant 0 : i32
      %dma_start3A_311 = tpu.memref_slice %arg5[%squeeze3A_307, %dma_start3A_310] : memref<1000x16xf32, #tpu.memory_space<hbm>> -> memref<1x16xf32, #tpu.memory_space<hbm>>
      %dma_start3A_312 = arith.constant 0 : i32
      %dma_start3A_313 = tpu.memref_slice %arg11[%add3A_295, %dma_start3A_312] : memref<128x16xf32, #tpu.memory_space<vmem>> -> memref<1x16xf32, #tpu.memory_space<vmem>>
      %dma_start3A_314 = arith.constant 0 : i32
      %dma_start3A_315 = tpu.memref_slice %arg5[%squeeze3A_307, %dma_start3A_314] : memref<1000x16xf32, #tpu.memory_space<hbm>> -> memref<1x16xf32, #tpu.memory_space<hbm>>
      tpu.enqueue_dma source(%dma_start3A_315 : memref<1x16xf32, #tpu.memory_space<hbm>>) target(%dma_start3A_313 : memref<1x16xf32, #tpu.memory_space<vmem>>) target_semaphore(%arg14 : memref<!tpu.dma_semaphore, #tpu.memory_space<semaphore_mem>>)
      %mul3A_316 = arith.constant 16 : i32
      %mul3A_317 = arith.muli %scan3A_89, %mul3A_316 : i32
      %add3A_318 = arith.constant 9 : i32
      %add3A_319 = arith.addi %mul3A_317, %add3A_318 : i32
      %slice3A_320 = vector.extract_strided_slice %get3A_95 {offsets = [9], sizes = [1], strides = [1]} : vector<16xi32> to vector<1xi32>
      %squeeze3A_321 = vector.extract %slice3A_320[0] : i32 from vector<1xi32>
      %dma_start3A_322 = arith.constant 0 : i32
      %dma_start3A_323 = tpu.memref_slice %arg10[%add3A_319, %dma_start3A_322] : memref<128x64xf32, #tpu.memory_space<vmem>> -> memref<1x64xf32, #tpu.memory_space<vmem>>
      %dma_start3A_324 = arith.constant 0 : i32
      %dma_start3A_325 = tpu.memref_slice %arg4[%squeeze3A_321, %dma_start3A_324] : memref<1000000x64xf32, #tpu.memory_space<hbm>> -> memref<1x64xf32, #tpu.memory_space<hbm>>
      %dma_start3A_326 = arith.constant 0 : i32
      %dma_start3A_327 = tpu.memref_slice %arg10[%add3A_319, %dma_start3A_326] : memref<128x64xf32, #tpu.memory_space<vmem>> -> memref<1x64xf32, #tpu.memory_space<vmem>>
      %dma_start3A_328 = arith.constant 0 : i32
      %dma_start3A_329 = tpu.memref_slice %arg4[%squeeze3A_321, %dma_start3A_328] : memref<1000000x64xf32, #tpu.memory_space<hbm>> -> memref<1x64xf32, #tpu.memory_space<hbm>>
      tpu.enqueue_dma source(%dma_start3A_329 : memref<1x64xf32, #tpu.memory_space<hbm>>) target(%dma_start3A_327 : memref<1x64xf32, #tpu.memory_space<vmem>>) target_semaphore(%arg14 : memref<!tpu.dma_semaphore, #tpu.memory_space<semaphore_mem>>)
      %slice3A_330 = vector.extract_strided_slice %get3A_102 {offsets = [9], sizes = [1], strides = [1]} : vector<16xi32> to vector<1xi32>
      %squeeze3A_331 = vector.extract %slice3A_330[0] : i32 from vector<1xi32>
      %dma_start3A_332 = arith.constant 0 : i32
      %dma_start3A_333 = tpu.memref_slice %arg11[%add3A_319, %dma_start3A_332] : memref<128x16xf32, #tpu.memory_space<vmem>> -> memref<1x16xf32, #tpu.memory_space<vmem>>
      %dma_start3A_334 = arith.constant 0 : i32
      %dma_start3A_335 = tpu.memref_slice %arg5[%squeeze3A_331, %dma_start3A_334] : memref<1000x16xf32, #tpu.memory_space<hbm>> -> memref<1x16xf32, #tpu.memory_space<hbm>>
      %dma_start3A_336 = arith.constant 0 : i32
      %dma_start3A_337 = tpu.memref_slice %arg11[%add3A_319, %dma_start3A_336] : memref<128x16xf32, #tpu.memory_space<vmem>> -> memref<1x16xf32, #tpu.memory_space<vmem>>
      %dma_start3A_338 = arith.constant 0 : i32
      %dma_start3A_339 = tpu.memref_slice %arg5[%squeeze3A_331, %dma_start3A_338] : memref<1000x16xf32, #tpu.memory_space<hbm>> -> memref<1x16xf32, #tpu.memory_space<hbm>>
      tpu.enqueue_dma source(%dma_start3A_339 : memref<1x16xf32, #tpu.memory_space<hbm>>) target(%dma_start3A_337 : memref<1x16xf32, #tpu.memory_space<vmem>>) target_semaphore(%arg14 : memref<!tpu.dma_semaphore, #tpu.memory_space<semaphore_mem>>)
      %mul3A_340 = arith.constant 16 : i32
      %mul3A_341 = arith.muli %scan3A_89, %mul3A_340 : i32
      %add3A_342 = arith.constant 10 : i32
      %add3A_343 = arith.addi %mul3A_341, %add3A_342 : i32
      %slice3A_344 = vector.extract_strided_slice %get3A_95 {offsets = [10], sizes = [1], strides = [1]} : vector<16xi32> to vector<1xi32>
      %squeeze3A_345 = vector.extract %slice3A_344[0] : i32 from vector<1xi32>
      %dma_start3A_346 = arith.constant 0 : i32
      %dma_start3A_347 = tpu.memref_slice %arg10[%add3A_343, %dma_start3A_346] : memref<128x64xf32, #tpu.memory_space<vmem>> -> memref<1x64xf32, #tpu.memory_space<vmem>>
      %dma_start3A_348 = arith.constant 0 : i32
      %dma_start3A_349 = tpu.memref_slice %arg4[%squeeze3A_345, %dma_start3A_348] : memref<1000000x64xf32, #tpu.memory_space<hbm>> -> memref<1x64xf32, #tpu.memory_space<hbm>>
      %dma_start3A_350 = arith.constant 0 : i32
      %dma_start3A_351 = tpu.memref_slice %arg10[%add3A_343, %dma_start3A_350] : memref<128x64xf32, #tpu.memory_space<vmem>> -> memref<1x64xf32, #tpu.memory_space<vmem>>
      %dma_start3A_352 = arith.constant 0 : i32
      %dma_start3A_353 = tpu.memref_slice %arg4[%squeeze3A_345, %dma_start3A_352] : memref<1000000x64xf32, #tpu.memory_space<hbm>> -> memref<1x64xf32, #tpu.memory_space<hbm>>
      tpu.enqueue_dma source(%dma_start3A_353 : memref<1x64xf32, #tpu.memory_space<hbm>>) target(%dma_start3A_351 : memref<1x64xf32, #tpu.memory_space<vmem>>) target_semaphore(%arg14 : memref<!tpu.dma_semaphore, #tpu.memory_space<semaphore_mem>>)
      %slice3A_354 = vector.extract_strided_slice %get3A_102 {offsets = [10], sizes = [1], strides = [1]} : vector<16xi32> to vector<1xi32>
      %squeeze3A_355 = vector.extract %slice3A_354[0] : i32 from vector<1xi32>
      %dma_start3A_356 = arith.constant 0 : i32
      %dma_start3A_357 = tpu.memref_slice %arg11[%add3A_343, %dma_start3A_356] : memref<128x16xf32, #tpu.memory_space<vmem>> -> memref<1x16xf32, #tpu.memory_space<vmem>>
      %dma_start3A_358 = arith.constant 0 : i32
      %dma_start3A_359 = tpu.memref_slice %arg5[%squeeze3A_355, %dma_start3A_358] : memref<1000x16xf32, #tpu.memory_space<hbm>> -> memref<1x16xf32, #tpu.memory_space<hbm>>
      %dma_start3A_360 = arith.constant 0 : i32
      %dma_start3A_361 = tpu.memref_slice %arg11[%add3A_343, %dma_start3A_360] : memref<128x16xf32, #tpu.memory_space<vmem>> -> memref<1x16xf32, #tpu.memory_space<vmem>>
      %dma_start3A_362 = arith.constant 0 : i32
      %dma_start3A_363 = tpu.memref_slice %arg5[%squeeze3A_355, %dma_start3A_362] : memref<1000x16xf32, #tpu.memory_space<hbm>> -> memref<1x16xf32, #tpu.memory_space<hbm>>
      tpu.enqueue_dma source(%dma_start3A_363 : memref<1x16xf32, #tpu.memory_space<hbm>>) target(%dma_start3A_361 : memref<1x16xf32, #tpu.memory_space<vmem>>) target_semaphore(%arg14 : memref<!tpu.dma_semaphore, #tpu.memory_space<semaphore_mem>>)
      %mul3A_364 = arith.constant 16 : i32
      %mul3A_365 = arith.muli %scan3A_89, %mul3A_364 : i32
      %add3A_366 = arith.constant 11 : i32
      %add3A_367 = arith.addi %mul3A_365, %add3A_366 : i32
      %slice3A_368 = vector.extract_strided_slice %get3A_95 {offsets = [11], sizes = [1], strides = [1]} : vector<16xi32> to vector<1xi32>
      %squeeze3A_369 = vector.extract %slice3A_368[0] : i32 from vector<1xi32>
      %dma_start3A_370 = arith.constant 0 : i32
      %dma_start3A_371 = tpu.memref_slice %arg10[%add3A_367, %dma_start3A_370] : memref<128x64xf32, #tpu.memory_space<vmem>> -> memref<1x64xf32, #tpu.memory_space<vmem>>
      %dma_start3A_372 = arith.constant 0 : i32
      %dma_start3A_373 = tpu.memref_slice %arg4[%squeeze3A_369, %dma_start3A_372] : memref<1000000x64xf32, #tpu.memory_space<hbm>> -> memref<1x64xf32, #tpu.memory_space<hbm>>
      %dma_start3A_374 = arith.constant 0 : i32
      %dma_start3A_375 = tpu.memref_slice %arg10[%add3A_367, %dma_start3A_374] : memref<128x64xf32, #tpu.memory_space<vmem>> -> memref<1x64xf32, #tpu.memory_space<vmem>>
      %dma_start3A_376 = arith.constant 0 : i32
      %dma_start3A_377 = tpu.memref_slice %arg4[%squeeze3A_369, %dma_start3A_376] : memref<1000000x64xf32, #tpu.memory_space<hbm>> -> memref<1x64xf32, #tpu.memory_space<hbm>>
      tpu.enqueue_dma source(%dma_start3A_377 : memref<1x64xf32, #tpu.memory_space<hbm>>) target(%dma_start3A_375 : memref<1x64xf32, #tpu.memory_space<vmem>>) target_semaphore(%arg14 : memref<!tpu.dma_semaphore, #tpu.memory_space<semaphore_mem>>)
      %slice3A_378 = vector.extract_strided_slice %get3A_102 {offsets = [11], sizes = [1], strides = [1]} : vector<16xi32> to vector<1xi32>
      %squeeze3A_379 = vector.extract %slice3A_378[0] : i32 from vector<1xi32>
      %dma_start3A_380 = arith.constant 0 : i32
      %dma_start3A_381 = tpu.memref_slice %arg11[%add3A_367, %dma_start3A_380] : memref<128x16xf32, #tpu.memory_space<vmem>> -> memref<1x16xf32, #tpu.memory_space<vmem>>
      %dma_start3A_382 = arith.constant 0 : i32
      %dma_start3A_383 = tpu.memref_slice %arg5[%squeeze3A_379, %dma_start3A_382] : memref<1000x16xf32, #tpu.memory_space<hbm>> -> memref<1x16xf32, #tpu.memory_space<hbm>>
      %dma_start3A_384 = arith.constant 0 : i32
      %dma_start3A_385 = tpu.memref_slice %arg11[%add3A_367, %dma_start3A_384] : memref<128x16xf32, #tpu.memory_space<vmem>> -> memref<1x16xf32, #tpu.memory_space<vmem>>
      %dma_start3A_386 = arith.constant 0 : i32
      %dma_start3A_387 = tpu.memref_slice %arg5[%squeeze3A_379, %dma_start3A_386] : memref<1000x16xf32, #tpu.memory_space<hbm>> -> memref<1x16xf32, #tpu.memory_space<hbm>>
      tpu.enqueue_dma source(%dma_start3A_387 : memref<1x16xf32, #tpu.memory_space<hbm>>) target(%dma_start3A_385 : memref<1x16xf32, #tpu.memory_space<vmem>>) target_semaphore(%arg14 : memref<!tpu.dma_semaphore, #tpu.memory_space<semaphore_mem>>)
      %mul3A_388 = arith.constant 16 : i32
      %mul3A_389 = arith.muli %scan3A_89, %mul3A_388 : i32
      %add3A_390 = arith.constant 12 : i32
      %add3A_391 = arith.addi %mul3A_389, %add3A_390 : i32
      %slice3A_392 = vector.extract_strided_slice %get3A_95 {offsets = [12], sizes = [1], strides = [1]} : vector<16xi32> to vector<1xi32>
      %squeeze3A_393 = vector.extract %slice3A_392[0] : i32 from vector<1xi32>
      %dma_start3A_394 = arith.constant 0 : i32
      %dma_start3A_395 = tpu.memref_slice %arg10[%add3A_391, %dma_start3A_394] : memref<128x64xf32, #tpu.memory_space<vmem>> -> memref<1x64xf32, #tpu.memory_space<vmem>>
      %dma_start3A_396 = arith.constant 0 : i32
      %dma_start3A_397 = tpu.memref_slice %arg4[%squeeze3A_393, %dma_start3A_396] : memref<1000000x64xf32, #tpu.memory_space<hbm>> -> memref<1x64xf32, #tpu.memory_space<hbm>>
      %dma_start3A_398 = arith.constant 0 : i32
      %dma_start3A_399 = tpu.memref_slice %arg10[%add3A_391, %dma_start3A_398] : memref<128x64xf32, #tpu.memory_space<vmem>> -> memref<1x64xf32, #tpu.memory_space<vmem>>
      %dma_start3A_400 = arith.constant 0 : i32
      %dma_start3A_401 = tpu.memref_slice %arg4[%squeeze3A_393, %dma_start3A_400] : memref<1000000x64xf32, #tpu.memory_space<hbm>> -> memref<1x64xf32, #tpu.memory_space<hbm>>
      tpu.enqueue_dma source(%dma_start3A_401 : memref<1x64xf32, #tpu.memory_space<hbm>>) target(%dma_start3A_399 : memref<1x64xf32, #tpu.memory_space<vmem>>) target_semaphore(%arg14 : memref<!tpu.dma_semaphore, #tpu.memory_space<semaphore_mem>>)
      %slice3A_402 = vector.extract_strided_slice %get3A_102 {offsets = [12], sizes = [1], strides = [1]} : vector<16xi32> to vector<1xi32>
      %squeeze3A_403 = vector.extract %slice3A_402[0] : i32 from vector<1xi32>
      %dma_start3A_404 = arith.constant 0 : i32
      %dma_start3A_405 = tpu.memref_slice %arg11[%add3A_391, %dma_start3A_404] : memref<128x16xf32, #tpu.memory_space<vmem>> -> memref<1x16xf32, #tpu.memory_space<vmem>>
      %dma_start3A_406 = arith.constant 0 : i32
      %dma_start3A_407 = tpu.memref_slice %arg5[%squeeze3A_403, %dma_start3A_406] : memref<1000x16xf32, #tpu.memory_space<hbm>> -> memref<1x16xf32, #tpu.memory_space<hbm>>
      %dma_start3A_408 = arith.constant 0 : i32
      %dma_start3A_409 = tpu.memref_slice %arg11[%add3A_391, %dma_start3A_408] : memref<128x16xf32, #tpu.memory_space<vmem>> -> memref<1x16xf32, #tpu.memory_space<vmem>>
      %dma_start3A_410 = arith.constant 0 : i32
      %dma_start3A_411 = tpu.memref_slice %arg5[%squeeze3A_403, %dma_start3A_410] : memref<1000x16xf32, #tpu.memory_space<hbm>> -> memref<1x16xf32, #tpu.memory_space<hbm>>
      tpu.enqueue_dma source(%dma_start3A_411 : memref<1x16xf32, #tpu.memory_space<hbm>>) target(%dma_start3A_409 : memref<1x16xf32, #tpu.memory_space<vmem>>) target_semaphore(%arg14 : memref<!tpu.dma_semaphore, #tpu.memory_space<semaphore_mem>>)
      %mul3A_412 = arith.constant 16 : i32
      %mul3A_413 = arith.muli %scan3A_89, %mul3A_412 : i32
      %add3A_414 = arith.constant 13 : i32
      %add3A_415 = arith.addi %mul3A_413, %add3A_414 : i32
      %slice3A_416 = vector.extract_strided_slice %get3A_95 {offsets = [13], sizes = [1], strides = [1]} : vector<16xi32> to vector<1xi32>
      %squeeze3A_417 = vector.extract %slice3A_416[0] : i32 from vector<1xi32>
      %dma_start3A_418 = arith.constant 0 : i32
      %dma_start3A_419 = tpu.memref_slice %arg10[%add3A_415, %dma_start3A_418] : memref<128x64xf32, #tpu.memory_space<vmem>> -> memref<1x64xf32, #tpu.memory_space<vmem>>
      %dma_start3A_420 = arith.constant 0 : i32
      %dma_start3A_421 = tpu.memref_slice %arg4[%squeeze3A_417, %dma_start3A_420] : memref<1000000x64xf32, #tpu.memory_space<hbm>> -> memref<1x64xf32, #tpu.memory_space<hbm>>
      %dma_start3A_422 = arith.constant 0 : i32
      %dma_start3A_423 = tpu.memref_slice %arg10[%add3A_415, %dma_start3A_422] : memref<128x64xf32, #tpu.memory_space<vmem>> -> memref<1x64xf32, #tpu.memory_space<vmem>>
      %dma_start3A_424 = arith.constant 0 : i32
      %dma_start3A_425 = tpu.memref_slice %arg4[%squeeze3A_417, %dma_start3A_424] : memref<1000000x64xf32, #tpu.memory_space<hbm>> -> memref<1x64xf32, #tpu.memory_space<hbm>>
      tpu.enqueue_dma source(%dma_start3A_425 : memref<1x64xf32, #tpu.memory_space<hbm>>) target(%dma_start3A_423 : memref<1x64xf32, #tpu.memory_space<vmem>>) target_semaphore(%arg14 : memref<!tpu.dma_semaphore, #tpu.memory_space<semaphore_mem>>)
      %slice3A_426 = vector.extract_strided_slice %get3A_102 {offsets = [13], sizes = [1], strides = [1]} : vector<16xi32> to vector<1xi32>
      %squeeze3A_427 = vector.extract %slice3A_426[0] : i32 from vector<1xi32>
      %dma_start3A_428 = arith.constant 0 : i32
      %dma_start3A_429 = tpu.memref_slice %arg11[%add3A_415, %dma_start3A_428] : memref<128x16xf32, #tpu.memory_space<vmem>> -> memref<1x16xf32, #tpu.memory_space<vmem>>
      %dma_start3A_430 = arith.constant 0 : i32
      %dma_start3A_431 = tpu.memref_slice %arg5[%squeeze3A_427, %dma_start3A_430] : memref<1000x16xf32, #tpu.memory_space<hbm>> -> memref<1x16xf32, #tpu.memory_space<hbm>>
      %dma_start3A_432 = arith.constant 0 : i32
      %dma_start3A_433 = tpu.memref_slice %arg11[%add3A_415, %dma_start3A_432] : memref<128x16xf32, #tpu.memory_space<vmem>> -> memref<1x16xf32, #tpu.memory_space<vmem>>
      %dma_start3A_434 = arith.constant 0 : i32
      %dma_start3A_435 = tpu.memref_slice %arg5[%squeeze3A_427, %dma_start3A_434] : memref<1000x16xf32, #tpu.memory_space<hbm>> -> memref<1x16xf32, #tpu.memory_space<hbm>>
      tpu.enqueue_dma source(%dma_start3A_435 : memref<1x16xf32, #tpu.memory_space<hbm>>) target(%dma_start3A_433 : memref<1x16xf32, #tpu.memory_space<vmem>>) target_semaphore(%arg14 : memref<!tpu.dma_semaphore, #tpu.memory_space<semaphore_mem>>)
      %mul3A_436 = arith.constant 16 : i32
      %mul3A_437 = arith.muli %scan3A_89, %mul3A_436 : i32
      %add3A_438 = arith.constant 14 : i32
      %add3A_439 = arith.addi %mul3A_437, %add3A_438 : i32
      %slice3A_440 = vector.extract_strided_slice %get3A_95 {offsets = [14], sizes = [1], strides = [1]} : vector<16xi32> to vector<1xi32>
      %squeeze3A_441 = vector.extract %slice3A_440[0] : i32 from vector<1xi32>
      %dma_start3A_442 = arith.constant 0 : i32
      %dma_start3A_443 = tpu.memref_slice %arg10[%add3A_439, %dma_start3A_442] : memref<128x64xf32, #tpu.memory_space<vmem>> -> memref<1x64xf32, #tpu.memory_space<vmem>>
      %dma_start3A_444 = arith.constant 0 : i32
      %dma_start3A_445 = tpu.memref_slice %arg4[%squeeze3A_441, %dma_start3A_444] : memref<1000000x64xf32, #tpu.memory_space<hbm>> -> memref<1x64xf32, #tpu.memory_space<hbm>>
      %dma_start3A_446 = arith.constant 0 : i32
      %dma_start3A_447 = tpu.memref_slice %arg10[%add3A_439, %dma_start3A_446] : memref<128x64xf32, #tpu.memory_space<vmem>> -> memref<1x64xf32, #tpu.memory_space<vmem>>
      %dma_start3A_448 = arith.constant 0 : i32
      %dma_start3A_449 = tpu.memref_slice %arg4[%squeeze3A_441, %dma_start3A_448] : memref<1000000x64xf32, #tpu.memory_space<hbm>> -> memref<1x64xf32, #tpu.memory_space<hbm>>
      tpu.enqueue_dma source(%dma_start3A_449 : memref<1x64xf32, #tpu.memory_space<hbm>>) target(%dma_start3A_447 : memref<1x64xf32, #tpu.memory_space<vmem>>) target_semaphore(%arg14 : memref<!tpu.dma_semaphore, #tpu.memory_space<semaphore_mem>>)
      %slice3A_450 = vector.extract_strided_slice %get3A_102 {offsets = [14], sizes = [1], strides = [1]} : vector<16xi32> to vector<1xi32>
      %squeeze3A_451 = vector.extract %slice3A_450[0] : i32 from vector<1xi32>
      %dma_start3A_452 = arith.constant 0 : i32
      %dma_start3A_453 = tpu.memref_slice %arg11[%add3A_439, %dma_start3A_452] : memref<128x16xf32, #tpu.memory_space<vmem>> -> memref<1x16xf32, #tpu.memory_space<vmem>>
      %dma_start3A_454 = arith.constant 0 : i32
      %dma_start3A_455 = tpu.memref_slice %arg5[%squeeze3A_451, %dma_start3A_454] : memref<1000x16xf32, #tpu.memory_space<hbm>> -> memref<1x16xf32, #tpu.memory_space<hbm>>
      %dma_start3A_456 = arith.constant 0 : i32
      %dma_start3A_457 = tpu.memref_slice %arg11[%add3A_439, %dma_start3A_456] : memref<128x16xf32, #tpu.memory_space<vmem>> -> memref<1x16xf32, #tpu.memory_space<vmem>>
      %dma_start3A_458 = arith.constant 0 : i32
      %dma_start3A_459 = tpu.memref_slice %arg5[%squeeze3A_451, %dma_start3A_458] : memref<1000x16xf32, #tpu.memory_space<hbm>> -> memref<1x16xf32, #tpu.memory_space<hbm>>
      tpu.enqueue_dma source(%dma_start3A_459 : memref<1x16xf32, #tpu.memory_space<hbm>>) target(%dma_start3A_457 : memref<1x16xf32, #tpu.memory_space<vmem>>) target_semaphore(%arg14 : memref<!tpu.dma_semaphore, #tpu.memory_space<semaphore_mem>>)
      %mul3A_460 = arith.constant 16 : i32
      %mul3A_461 = arith.muli %scan3A_89, %mul3A_460 : i32
      %add3A_462 = arith.constant 15 : i32
      %add3A_463 = arith.addi %mul3A_461, %add3A_462 : i32
      %slice3A_464 = vector.extract_strided_slice %get3A_95 {offsets = [15], sizes = [1], strides = [1]} : vector<16xi32> to vector<1xi32>
      %squeeze3A_465 = vector.extract %slice3A_464[0] : i32 from vector<1xi32>
      %dma_start3A_466 = arith.constant 0 : i32
      %dma_start3A_467 = tpu.memref_slice %arg10[%add3A_463, %dma_start3A_466] : memref<128x64xf32, #tpu.memory_space<vmem>> -> memref<1x64xf32, #tpu.memory_space<vmem>>
      %dma_start3A_468 = arith.constant 0 : i32
      %dma_start3A_469 = tpu.memref_slice %arg4[%squeeze3A_465, %dma_start3A_468] : memref<1000000x64xf32, #tpu.memory_space<hbm>> -> memref<1x64xf32, #tpu.memory_space<hbm>>
      %dma_start3A_470 = arith.constant 0 : i32
      %dma_start3A_471 = tpu.memref_slice %arg10[%add3A_463, %dma_start3A_470] : memref<128x64xf32, #tpu.memory_space<vmem>> -> memref<1x64xf32, #tpu.memory_space<vmem>>
      %dma_start3A_472 = arith.constant 0 : i32
      %dma_start3A_473 = tpu.memref_slice %arg4[%squeeze3A_465, %dma_start3A_472] : memref<1000000x64xf32, #tpu.memory_space<hbm>> -> memref<1x64xf32, #tpu.memory_space<hbm>>
      tpu.enqueue_dma source(%dma_start3A_473 : memref<1x64xf32, #tpu.memory_space<hbm>>) target(%dma_start3A_471 : memref<1x64xf32, #tpu.memory_space<vmem>>) target_semaphore(%arg14 : memref<!tpu.dma_semaphore, #tpu.memory_space<semaphore_mem>>)
      %slice3A_474 = vector.extract_strided_slice %get3A_102 {offsets = [15], sizes = [1], strides = [1]} : vector<16xi32> to vector<1xi32>
      %squeeze3A_475 = vector.extract %slice3A_474[0] : i32 from vector<1xi32>
      %dma_start3A_476 = arith.constant 0 : i32
      %dma_start3A_477 = tpu.memref_slice %arg11[%add3A_463, %dma_start3A_476] : memref<128x16xf32, #tpu.memory_space<vmem>> -> memref<1x16xf32, #tpu.memory_space<vmem>>
      %dma_start3A_478 = arith.constant 0 : i32
      %dma_start3A_479 = tpu.memref_slice %arg5[%squeeze3A_475, %dma_start3A_478] : memref<1000x16xf32, #tpu.memory_space<hbm>> -> memref<1x16xf32, #tpu.memory_space<hbm>>
      %dma_start3A_480 = arith.constant 0 : i32
      %dma_start3A_481 = tpu.memref_slice %arg11[%add3A_463, %dma_start3A_480] : memref<128x16xf32, #tpu.memory_space<vmem>> -> memref<1x16xf32, #tpu.memory_space<vmem>>
      %dma_start3A_482 = arith.constant 0 : i32
      %dma_start3A_483 = tpu.memref_slice %arg5[%squeeze3A_475, %dma_start3A_482] : memref<1000x16xf32, #tpu.memory_space<hbm>> -> memref<1x16xf32, #tpu.memory_space<hbm>>
      tpu.enqueue_dma source(%dma_start3A_483 : memref<1x16xf32, #tpu.memory_space<hbm>>) target(%dma_start3A_481 : memref<1x16xf32, #tpu.memory_space<vmem>>) target_semaphore(%arg14 : memref<!tpu.dma_semaphore, #tpu.memory_space<semaphore_mem>>)
    }
    %scan3A_34 = arith.constant 8 : i32
    %dma_wait3A_35 = arith.constant 0 : i32
    %dma_wait3A_36 = arith.constant 0 : i32
    %dma_wait3A_37 = tpu.memref_slice %arg6[%dma_wait3A_35, %dma_wait3A_36] : memref<16384x64xf32, #tpu.memory_space<hbm>> -> memref<128x64xf32, #tpu.memory_space<hbm>>
    %dma_wait3A_38 = arith.constant 0 : i32
    %dma_wait3A_39 = arith.constant 0 : i32
    %dma_wait3A_40 = tpu.memref_slice %arg6[%dma_wait3A_38, %dma_wait3A_39] : memref<16384x64xf32, #tpu.memory_space<hbm>> -> memref<128x64xf32, #tpu.memory_space<hbm>>
    tpu.wait_dma2 semaphore(%arg15 : memref<!tpu.dma_semaphore, #tpu.memory_space<semaphore_mem>>) src(%dma_wait3A_40 : memref<128x64xf32, #tpu.memory_space<hbm>>) dst(%arg12 : memref<128x64xf32, #tpu.memory_space<vmem>>)
    %dma_wait3A_41 = arith.constant 0 : i32
    %dma_wait3A_42 = arith.constant 0 : i32
    %dma_wait3A_43 = tpu.memref_slice %arg7[%dma_wait3A_41, %dma_wait3A_42] : memref<16384x16xf32, #tpu.memory_space<hbm>> -> memref<128x16xf32, #tpu.memory_space<hbm>>
    %dma_wait3A_44 = arith.constant 0 : i32
    %dma_wait3A_45 = arith.constant 0 : i32
    %dma_wait3A_46 = tpu.memref_slice %arg7[%dma_wait3A_44, %dma_wait3A_45] : memref<16384x16xf32, #tpu.memory_space<hbm>> -> memref<128x16xf32, #tpu.memory_space<hbm>>
    tpu.wait_dma2 semaphore(%arg15 : memref<!tpu.dma_semaphore, #tpu.memory_space<semaphore_mem>>) src(%dma_wait3A_46 : memref<128x16xf32, #tpu.memory_space<hbm>>) dst(%arg13 : memref<128x16xf32, #tpu.memory_space<vmem>>)
    %add3A_47 = arith.constant 128 : i32
    %add3A_48 = arith.addi %mul3A_2, %add3A_47 : i32
    "tpu.region"() ({
      %run_scoped3A = tpu.sem_alloc : memref<!tpu.dma_semaphore, #tpu.memory_space<semaphore_mem>>
      %dma_start3A = arith.constant 0 : i32
      %dma_start3A_89 = tpu.memref_slice %arg6[%add3A_48, %dma_start3A] : memref<16384x64xf32, #tpu.memory_space<hbm>> -> memref<128x64xf32, #tpu.memory_space<hbm>>
      %dma_start3A_90 = arith.constant 0 : i32
      %dma_start3A_91 = tpu.memref_slice %arg6[%add3A_48, %dma_start3A_90] : memref<16384x64xf32, #tpu.memory_space<hbm>> -> memref<128x64xf32, #tpu.memory_space<hbm>>
      tpu.enqueue_dma source(%arg12 : memref<128x64xf32, #tpu.memory_space<vmem>>) target(%dma_start3A_91 : memref<128x64xf32, #tpu.memory_space<hbm>>) target_semaphore(%run_scoped3A : memref<!tpu.dma_semaphore, #tpu.memory_space<semaphore_mem>>)
      %dma_wait3A_92 = arith.constant 0 : i32
      %dma_wait3A_93 = tpu.memref_slice %arg6[%add3A_48, %dma_wait3A_92] : memref<16384x64xf32, #tpu.memory_space<hbm>> -> memref<128x64xf32, #tpu.memory_space<hbm>>
      %dma_wait3A_94 = arith.constant 0 : i32
      %dma_wait3A_95 = tpu.memref_slice %arg6[%add3A_48, %dma_wait3A_94] : memref<16384x64xf32, #tpu.memory_space<hbm>> -> memref<128x64xf32, #tpu.memory_space<hbm>>
      tpu.wait_dma2 semaphore(%run_scoped3A : memref<!tpu.dma_semaphore, #tpu.memory_space<semaphore_mem>>) src(%arg12 : memref<128x64xf32, #tpu.memory_space<vmem>>) dst(%dma_wait3A_95 : memref<128x64xf32, #tpu.memory_space<hbm>>)
      tpu.yield
    }) : () -> ()
    %add3A_49 = arith.constant 128 : i32
    %add3A_50 = arith.addi %mul3A_2, %add3A_49 : i32
    "tpu.region"() ({
      %run_scoped3A = tpu.sem_alloc : memref<!tpu.dma_semaphore, #tpu.memory_space<semaphore_mem>>
      %dma_start3A = arith.constant 0 : i32
      %dma_start3A_89 = tpu.memref_slice %arg7[%add3A_50, %dma_start3A] : memref<16384x16xf32, #tpu.memory_space<hbm>> -> memref<128x16xf32, #tpu.memory_space<hbm>>
      %dma_start3A_90 = arith.constant 0 : i32
      %dma_start3A_91 = tpu.memref_slice %arg7[%add3A_50, %dma_start3A_90] : memref<16384x16xf32, #tpu.memory_space<hbm>> -> memref<128x16xf32, #tpu.memory_space<hbm>>
      tpu.enqueue_dma source(%arg13 : memref<128x16xf32, #tpu.memory_space<vmem>>) target(%dma_start3A_91 : memref<128x16xf32, #tpu.memory_space<hbm>>) target_semaphore(%run_scoped3A : memref<!tpu.dma_semaphore, #tpu.memory_space<semaphore_mem>>)
      %dma_wait3A_92 = arith.constant 0 : i32
      %dma_wait3A_93 = tpu.memref_slice %arg7[%add3A_50, %dma_wait3A_92] : memref<16384x16xf32, #tpu.memory_space<hbm>> -> memref<128x16xf32, #tpu.memory_space<hbm>>
      %dma_wait3A_94 = arith.constant 0 : i32
      %dma_wait3A_95 = tpu.memref_slice %arg7[%add3A_50, %dma_wait3A_94] : memref<16384x16xf32, #tpu.memory_space<hbm>> -> memref<128x16xf32, #tpu.memory_space<hbm>>
      tpu.wait_dma2 semaphore(%run_scoped3A : memref<!tpu.dma_semaphore, #tpu.memory_space<semaphore_mem>>) src(%arg13 : memref<128x16xf32, #tpu.memory_space<vmem>>) dst(%dma_wait3A_95 : memref<128x16xf32, #tpu.memory_space<hbm>>)
      tpu.yield
    }) : () -> ()
    %scan3A_51 = arith.constant 0 : i32
    %scan3A_52 = arith.constant 0 : i32
    %scan3A_53 = arith.constant 8 : i32
    %scan3A_54 = arith.addi %scan3A_52, %scan3A_53 : i32
    %scan3A_55 = arith.constant 1 : i32
    scf.for %scan3A_89 = %scan3A_52 to %scan3A_54 step %scan3A_55  : i32 {
      %mul3A_90 = arith.constant 16 : i32
      %mul3A_91 = arith.muli %scan3A_89, %mul3A_90 : i32
      %add3A_92 = arith.constant 384 : i32
      %add3A_93 = arith.addi %add3A_92, %mul3A_91 : i32
      %get3A = arith.index_cast %add3A_93 : i32 to index
      %get3A_94 = tpu.vector_load %arg8[%get3A] {strides = array<i32>} : memref<512xi32, #tpu.memory_space<vmem>>, vector<16xi32>,
      %get3A_95 = vector.shape_cast %get3A_94 : vector<16xi32> to vector<16xi32>
      %mul3A_96 = arith.constant 16 : i32
      %mul3A_97 = arith.muli %scan3A_89, %mul3A_96 : i32
      %add3A_98 = arith.constant 384 : i32
      %add3A_99 = arith.addi %add3A_98, %mul3A_97 : i32
      %get3A_100 = arith.index_cast %add3A_99 : i32 to index
      %get3A_101 = tpu.vector_load %arg9[%get3A_100] {strides = array<i32>} : memref<512xi32, #tpu.memory_space<vmem>>, vector<16xi32>,
      %get3A_102 = vector.shape_cast %get3A_101 : vector<16xi32> to vector<16xi32>
      %mul3A_103 = arith.constant 16 : i32
      %mul3A_104 = arith.muli %scan3A_89, %mul3A_103 : i32
      %add3A_105 = arith.constant 0 : i32
      %add3A_106 = arith.addi %mul3A_104, %add3A_105 : i32
      %slice3A = vector.extract_strided_slice %get3A_95 {offsets = [0], sizes = [1], strides = [1]} : vector<16xi32> to vector<1xi32>
      %squeeze3A = vector.extract %slice3A[0] : i32 from vector<1xi32>
      %dma_start3A = arith.constant 0 : i32
      %dma_start3A_107 = tpu.memref_slice %arg12[%add3A_106, %dma_start3A] : memref<128x64xf32, #tpu.memory_space<vmem>> -> memref<1x64xf32, #tpu.memory_space<vmem>>
      %dma_start3A_108 = arith.constant 0 : i32
      %dma_start3A_109 = tpu.memref_slice %arg4[%squeeze3A, %dma_start3A_108] : memref<1000000x64xf32, #tpu.memory_space<hbm>> -> memref<1x64xf32, #tpu.memory_space<hbm>>
      %dma_start3A_110 = arith.constant 0 : i32
      %dma_start3A_111 = tpu.memref_slice %arg12[%add3A_106, %dma_start3A_110] : memref<128x64xf32, #tpu.memory_space<vmem>> -> memref<1x64xf32, #tpu.memory_space<vmem>>
      %dma_start3A_112 = arith.constant 0 : i32
      %dma_start3A_113 = tpu.memref_slice %arg4[%squeeze3A, %dma_start3A_112] : memref<1000000x64xf32, #tpu.memory_space<hbm>> -> memref<1x64xf32, #tpu.memory_space<hbm>>
      tpu.enqueue_dma source(%dma_start3A_113 : memref<1x64xf32, #tpu.memory_space<hbm>>) target(%dma_start3A_111 : memref<1x64xf32, #tpu.memory_space<vmem>>) target_semaphore(%arg15 : memref<!tpu.dma_semaphore, #tpu.memory_space<semaphore_mem>>)
      %slice3A_114 = vector.extract_strided_slice %get3A_102 {offsets = [0], sizes = [1], strides = [1]} : vector<16xi32> to vector<1xi32>
      %squeeze3A_115 = vector.extract %slice3A_114[0] : i32 from vector<1xi32>
      %dma_start3A_116 = arith.constant 0 : i32
      %dma_start3A_117 = tpu.memref_slice %arg13[%add3A_106, %dma_start3A_116] : memref<128x16xf32, #tpu.memory_space<vmem>> -> memref<1x16xf32, #tpu.memory_space<vmem>>
      %dma_start3A_118 = arith.constant 0 : i32
      %dma_start3A_119 = tpu.memref_slice %arg5[%squeeze3A_115, %dma_start3A_118] : memref<1000x16xf32, #tpu.memory_space<hbm>> -> memref<1x16xf32, #tpu.memory_space<hbm>>
      %dma_start3A_120 = arith.constant 0 : i32
      %dma_start3A_121 = tpu.memref_slice %arg13[%add3A_106, %dma_start3A_120] : memref<128x16xf32, #tpu.memory_space<vmem>> -> memref<1x16xf32, #tpu.memory_space<vmem>>
      %dma_start3A_122 = arith.constant 0 : i32
      %dma_start3A_123 = tpu.memref_slice %arg5[%squeeze3A_115, %dma_start3A_122] : memref<1000x16xf32, #tpu.memory_space<hbm>> -> memref<1x16xf32, #tpu.memory_space<hbm>>
      tpu.enqueue_dma source(%dma_start3A_123 : memref<1x16xf32, #tpu.memory_space<hbm>>) target(%dma_start3A_121 : memref<1x16xf32, #tpu.memory_space<vmem>>) target_semaphore(%arg15 : memref<!tpu.dma_semaphore, #tpu.memory_space<semaphore_mem>>)
      %mul3A_124 = arith.constant 16 : i32
      %mul3A_125 = arith.muli %scan3A_89, %mul3A_124 : i32
      %add3A_126 = arith.constant 1 : i32
      %add3A_127 = arith.addi %mul3A_125, %add3A_126 : i32
      %slice3A_128 = vector.extract_strided_slice %get3A_95 {offsets = [1], sizes = [1], strides = [1]} : vector<16xi32> to vector<1xi32>
      %squeeze3A_129 = vector.extract %slice3A_128[0] : i32 from vector<1xi32>
      %dma_start3A_130 = arith.constant 0 : i32
      %dma_start3A_131 = tpu.memref_slice %arg12[%add3A_127, %dma_start3A_130] : memref<128x64xf32, #tpu.memory_space<vmem>> -> memref<1x64xf32, #tpu.memory_space<vmem>>
      %dma_start3A_132 = arith.constant 0 : i32
      %dma_start3A_133 = tpu.memref_slice %arg4[%squeeze3A_129, %dma_start3A_132] : memref<1000000x64xf32, #tpu.memory_space<hbm>> -> memref<1x64xf32, #tpu.memory_space<hbm>>
      %dma_start3A_134 = arith.constant 0 : i32
      %dma_start3A_135 = tpu.memref_slice %arg12[%add3A_127, %dma_start3A_134] : memref<128x64xf32, #tpu.memory_space<vmem>> -> memref<1x64xf32, #tpu.memory_space<vmem>>
      %dma_start3A_136 = arith.constant 0 : i32
      %dma_start3A_137 = tpu.memref_slice %arg4[%squeeze3A_129, %dma_start3A_136] : memref<1000000x64xf32, #tpu.memory_space<hbm>> -> memref<1x64xf32, #tpu.memory_space<hbm>>
      tpu.enqueue_dma source(%dma_start3A_137 : memref<1x64xf32, #tpu.memory_space<hbm>>) target(%dma_start3A_135 : memref<1x64xf32, #tpu.memory_space<vmem>>) target_semaphore(%arg15 : memref<!tpu.dma_semaphore, #tpu.memory_space<semaphore_mem>>)
      %slice3A_138 = vector.extract_strided_slice %get3A_102 {offsets = [1], sizes = [1], strides = [1]} : vector<16xi32> to vector<1xi32>
      %squeeze3A_139 = vector.extract %slice3A_138[0] : i32 from vector<1xi32>
      %dma_start3A_140 = arith.constant 0 : i32
      %dma_start3A_141 = tpu.memref_slice %arg13[%add3A_127, %dma_start3A_140] : memref<128x16xf32, #tpu.memory_space<vmem>> -> memref<1x16xf32, #tpu.memory_space<vmem>>
      %dma_start3A_142 = arith.constant 0 : i32
      %dma_start3A_143 = tpu.memref_slice %arg5[%squeeze3A_139, %dma_start3A_142] : memref<1000x16xf32, #tpu.memory_space<hbm>> -> memref<1x16xf32, #tpu.memory_space<hbm>>
      %dma_start3A_144 = arith.constant 0 : i32
      %dma_start3A_145 = tpu.memref_slice %arg13[%add3A_127, %dma_start3A_144] : memref<128x16xf32, #tpu.memory_space<vmem>> -> memref<1x16xf32, #tpu.memory_space<vmem>>
      %dma_start3A_146 = arith.constant 0 : i32
      %dma_start3A_147 = tpu.memref_slice %arg5[%squeeze3A_139, %dma_start3A_146] : memref<1000x16xf32, #tpu.memory_space<hbm>> -> memref<1x16xf32, #tpu.memory_space<hbm>>
      tpu.enqueue_dma source(%dma_start3A_147 : memref<1x16xf32, #tpu.memory_space<hbm>>) target(%dma_start3A_145 : memref<1x16xf32, #tpu.memory_space<vmem>>) target_semaphore(%arg15 : memref<!tpu.dma_semaphore, #tpu.memory_space<semaphore_mem>>)
      %mul3A_148 = arith.constant 16 : i32
      %mul3A_149 = arith.muli %scan3A_89, %mul3A_148 : i32
      %add3A_150 = arith.constant 2 : i32
      %add3A_151 = arith.addi %mul3A_149, %add3A_150 : i32
      %slice3A_152 = vector.extract_strided_slice %get3A_95 {offsets = [2], sizes = [1], strides = [1]} : vector<16xi32> to vector<1xi32>
      %squeeze3A_153 = vector.extract %slice3A_152[0] : i32 from vector<1xi32>
      %dma_start3A_154 = arith.constant 0 : i32
      %dma_start3A_155 = tpu.memref_slice %arg12[%add3A_151, %dma_start3A_154] : memref<128x64xf32, #tpu.memory_space<vmem>> -> memref<1x64xf32, #tpu.memory_space<vmem>>
      %dma_start3A_156 = arith.constant 0 : i32
      %dma_start3A_157 = tpu.memref_slice %arg4[%squeeze3A_153, %dma_start3A_156] : memref<1000000x64xf32, #tpu.memory_space<hbm>> -> memref<1x64xf32, #tpu.memory_space<hbm>>
      %dma_start3A_158 = arith.constant 0 : i32
      %dma_start3A_159 = tpu.memref_slice %arg12[%add3A_151, %dma_start3A_158] : memref<128x64xf32, #tpu.memory_space<vmem>> -> memref<1x64xf32, #tpu.memory_space<vmem>>
      %dma_start3A_160 = arith.constant 0 : i32
      %dma_start3A_161 = tpu.memref_slice %arg4[%squeeze3A_153, %dma_start3A_160] : memref<1000000x64xf32, #tpu.memory_space<hbm>> -> memref<1x64xf32, #tpu.memory_space<hbm>>
      tpu.enqueue_dma source(%dma_start3A_161 : memref<1x64xf32, #tpu.memory_space<hbm>>) target(%dma_start3A_159 : memref<1x64xf32, #tpu.memory_space<vmem>>) target_semaphore(%arg15 : memref<!tpu.dma_semaphore, #tpu.memory_space<semaphore_mem>>)
      %slice3A_162 = vector.extract_strided_slice %get3A_102 {offsets = [2], sizes = [1], strides = [1]} : vector<16xi32> to vector<1xi32>
      %squeeze3A_163 = vector.extract %slice3A_162[0] : i32 from vector<1xi32>
      %dma_start3A_164 = arith.constant 0 : i32
      %dma_start3A_165 = tpu.memref_slice %arg13[%add3A_151, %dma_start3A_164] : memref<128x16xf32, #tpu.memory_space<vmem>> -> memref<1x16xf32, #tpu.memory_space<vmem>>
      %dma_start3A_166 = arith.constant 0 : i32
      %dma_start3A_167 = tpu.memref_slice %arg5[%squeeze3A_163, %dma_start3A_166] : memref<1000x16xf32, #tpu.memory_space<hbm>> -> memref<1x16xf32, #tpu.memory_space<hbm>>
      %dma_start3A_168 = arith.constant 0 : i32
      %dma_start3A_169 = tpu.memref_slice %arg13[%add3A_151, %dma_start3A_168] : memref<128x16xf32, #tpu.memory_space<vmem>> -> memref<1x16xf32, #tpu.memory_space<vmem>>
      %dma_start3A_170 = arith.constant 0 : i32
      %dma_start3A_171 = tpu.memref_slice %arg5[%squeeze3A_163, %dma_start3A_170] : memref<1000x16xf32, #tpu.memory_space<hbm>> -> memref<1x16xf32, #tpu.memory_space<hbm>>
      tpu.enqueue_dma source(%dma_start3A_171 : memref<1x16xf32, #tpu.memory_space<hbm>>) target(%dma_start3A_169 : memref<1x16xf32, #tpu.memory_space<vmem>>) target_semaphore(%arg15 : memref<!tpu.dma_semaphore, #tpu.memory_space<semaphore_mem>>)
      %mul3A_172 = arith.constant 16 : i32
      %mul3A_173 = arith.muli %scan3A_89, %mul3A_172 : i32
      %add3A_174 = arith.constant 3 : i32
      %add3A_175 = arith.addi %mul3A_173, %add3A_174 : i32
      %slice3A_176 = vector.extract_strided_slice %get3A_95 {offsets = [3], sizes = [1], strides = [1]} : vector<16xi32> to vector<1xi32>
      %squeeze3A_177 = vector.extract %slice3A_176[0] : i32 from vector<1xi32>
      %dma_start3A_178 = arith.constant 0 : i32
      %dma_start3A_179 = tpu.memref_slice %arg12[%add3A_175, %dma_start3A_178] : memref<128x64xf32, #tpu.memory_space<vmem>> -> memref<1x64xf32, #tpu.memory_space<vmem>>
      %dma_start3A_180 = arith.constant 0 : i32
      %dma_start3A_181 = tpu.memref_slice %arg4[%squeeze3A_177, %dma_start3A_180] : memref<1000000x64xf32, #tpu.memory_space<hbm>> -> memref<1x64xf32, #tpu.memory_space<hbm>>
      %dma_start3A_182 = arith.constant 0 : i32
      %dma_start3A_183 = tpu.memref_slice %arg12[%add3A_175, %dma_start3A_182] : memref<128x64xf32, #tpu.memory_space<vmem>> -> memref<1x64xf32, #tpu.memory_space<vmem>>
      %dma_start3A_184 = arith.constant 0 : i32
      %dma_start3A_185 = tpu.memref_slice %arg4[%squeeze3A_177, %dma_start3A_184] : memref<1000000x64xf32, #tpu.memory_space<hbm>> -> memref<1x64xf32, #tpu.memory_space<hbm>>
      tpu.enqueue_dma source(%dma_start3A_185 : memref<1x64xf32, #tpu.memory_space<hbm>>) target(%dma_start3A_183 : memref<1x64xf32, #tpu.memory_space<vmem>>) target_semaphore(%arg15 : memref<!tpu.dma_semaphore, #tpu.memory_space<semaphore_mem>>)
      %slice3A_186 = vector.extract_strided_slice %get3A_102 {offsets = [3], sizes = [1], strides = [1]} : vector<16xi32> to vector<1xi32>
      %squeeze3A_187 = vector.extract %slice3A_186[0] : i32 from vector<1xi32>
      %dma_start3A_188 = arith.constant 0 : i32
      %dma_start3A_189 = tpu.memref_slice %arg13[%add3A_175, %dma_start3A_188] : memref<128x16xf32, #tpu.memory_space<vmem>> -> memref<1x16xf32, #tpu.memory_space<vmem>>
      %dma_start3A_190 = arith.constant 0 : i32
      %dma_start3A_191 = tpu.memref_slice %arg5[%squeeze3A_187, %dma_start3A_190] : memref<1000x16xf32, #tpu.memory_space<hbm>> -> memref<1x16xf32, #tpu.memory_space<hbm>>
      %dma_start3A_192 = arith.constant 0 : i32
      %dma_start3A_193 = tpu.memref_slice %arg13[%add3A_175, %dma_start3A_192] : memref<128x16xf32, #tpu.memory_space<vmem>> -> memref<1x16xf32, #tpu.memory_space<vmem>>
      %dma_start3A_194 = arith.constant 0 : i32
      %dma_start3A_195 = tpu.memref_slice %arg5[%squeeze3A_187, %dma_start3A_194] : memref<1000x16xf32, #tpu.memory_space<hbm>> -> memref<1x16xf32, #tpu.memory_space<hbm>>
      tpu.enqueue_dma source(%dma_start3A_195 : memref<1x16xf32, #tpu.memory_space<hbm>>) target(%dma_start3A_193 : memref<1x16xf32, #tpu.memory_space<vmem>>) target_semaphore(%arg15 : memref<!tpu.dma_semaphore, #tpu.memory_space<semaphore_mem>>)
      %mul3A_196 = arith.constant 16 : i32
      %mul3A_197 = arith.muli %scan3A_89, %mul3A_196 : i32
      %add3A_198 = arith.constant 4 : i32
      %add3A_199 = arith.addi %mul3A_197, %add3A_198 : i32
      %slice3A_200 = vector.extract_strided_slice %get3A_95 {offsets = [4], sizes = [1], strides = [1]} : vector<16xi32> to vector<1xi32>
      %squeeze3A_201 = vector.extract %slice3A_200[0] : i32 from vector<1xi32>
      %dma_start3A_202 = arith.constant 0 : i32
      %dma_start3A_203 = tpu.memref_slice %arg12[%add3A_199, %dma_start3A_202] : memref<128x64xf32, #tpu.memory_space<vmem>> -> memref<1x64xf32, #tpu.memory_space<vmem>>
      %dma_start3A_204 = arith.constant 0 : i32
      %dma_start3A_205 = tpu.memref_slice %arg4[%squeeze3A_201, %dma_start3A_204] : memref<1000000x64xf32, #tpu.memory_space<hbm>> -> memref<1x64xf32, #tpu.memory_space<hbm>>
      %dma_start3A_206 = arith.constant 0 : i32
      %dma_start3A_207 = tpu.memref_slice %arg12[%add3A_199, %dma_start3A_206] : memref<128x64xf32, #tpu.memory_space<vmem>> -> memref<1x64xf32, #tpu.memory_space<vmem>>
      %dma_start3A_208 = arith.constant 0 : i32
      %dma_start3A_209 = tpu.memref_slice %arg4[%squeeze3A_201, %dma_start3A_208] : memref<1000000x64xf32, #tpu.memory_space<hbm>> -> memref<1x64xf32, #tpu.memory_space<hbm>>
      tpu.enqueue_dma source(%dma_start3A_209 : memref<1x64xf32, #tpu.memory_space<hbm>>) target(%dma_start3A_207 : memref<1x64xf32, #tpu.memory_space<vmem>>) target_semaphore(%arg15 : memref<!tpu.dma_semaphore, #tpu.memory_space<semaphore_mem>>)
      %slice3A_210 = vector.extract_strided_slice %get3A_102 {offsets = [4], sizes = [1], strides = [1]} : vector<16xi32> to vector<1xi32>
      %squeeze3A_211 = vector.extract %slice3A_210[0] : i32 from vector<1xi32>
      %dma_start3A_212 = arith.constant 0 : i32
      %dma_start3A_213 = tpu.memref_slice %arg13[%add3A_199, %dma_start3A_212] : memref<128x16xf32, #tpu.memory_space<vmem>> -> memref<1x16xf32, #tpu.memory_space<vmem>>
      %dma_start3A_214 = arith.constant 0 : i32
      %dma_start3A_215 = tpu.memref_slice %arg5[%squeeze3A_211, %dma_start3A_214] : memref<1000x16xf32, #tpu.memory_space<hbm>> -> memref<1x16xf32, #tpu.memory_space<hbm>>
      %dma_start3A_216 = arith.constant 0 : i32
      %dma_start3A_217 = tpu.memref_slice %arg13[%add3A_199, %dma_start3A_216] : memref<128x16xf32, #tpu.memory_space<vmem>> -> memref<1x16xf32, #tpu.memory_space<vmem>>
      %dma_start3A_218 = arith.constant 0 : i32
      %dma_start3A_219 = tpu.memref_slice %arg5[%squeeze3A_211, %dma_start3A_218] : memref<1000x16xf32, #tpu.memory_space<hbm>> -> memref<1x16xf32, #tpu.memory_space<hbm>>
      tpu.enqueue_dma source(%dma_start3A_219 : memref<1x16xf32, #tpu.memory_space<hbm>>) target(%dma_start3A_217 : memref<1x16xf32, #tpu.memory_space<vmem>>) target_semaphore(%arg15 : memref<!tpu.dma_semaphore, #tpu.memory_space<semaphore_mem>>)
      %mul3A_220 = arith.constant 16 : i32
      %mul3A_221 = arith.muli %scan3A_89, %mul3A_220 : i32
      %add3A_222 = arith.constant 5 : i32
      %add3A_223 = arith.addi %mul3A_221, %add3A_222 : i32
      %slice3A_224 = vector.extract_strided_slice %get3A_95 {offsets = [5], sizes = [1], strides = [1]} : vector<16xi32> to vector<1xi32>
      %squeeze3A_225 = vector.extract %slice3A_224[0] : i32 from vector<1xi32>
      %dma_start3A_226 = arith.constant 0 : i32
      %dma_start3A_227 = tpu.memref_slice %arg12[%add3A_223, %dma_start3A_226] : memref<128x64xf32, #tpu.memory_space<vmem>> -> memref<1x64xf32, #tpu.memory_space<vmem>>
      %dma_start3A_228 = arith.constant 0 : i32
      %dma_start3A_229 = tpu.memref_slice %arg4[%squeeze3A_225, %dma_start3A_228] : memref<1000000x64xf32, #tpu.memory_space<hbm>> -> memref<1x64xf32, #tpu.memory_space<hbm>>
      %dma_start3A_230 = arith.constant 0 : i32
      %dma_start3A_231 = tpu.memref_slice %arg12[%add3A_223, %dma_start3A_230] : memref<128x64xf32, #tpu.memory_space<vmem>> -> memref<1x64xf32, #tpu.memory_space<vmem>>
      %dma_start3A_232 = arith.constant 0 : i32
      %dma_start3A_233 = tpu.memref_slice %arg4[%squeeze3A_225, %dma_start3A_232] : memref<1000000x64xf32, #tpu.memory_space<hbm>> -> memref<1x64xf32, #tpu.memory_space<hbm>>
      tpu.enqueue_dma source(%dma_start3A_233 : memref<1x64xf32, #tpu.memory_space<hbm>>) target(%dma_start3A_231 : memref<1x64xf32, #tpu.memory_space<vmem>>) target_semaphore(%arg15 : memref<!tpu.dma_semaphore, #tpu.memory_space<semaphore_mem>>)
      %slice3A_234 = vector.extract_strided_slice %get3A_102 {offsets = [5], sizes = [1], strides = [1]} : vector<16xi32> to vector<1xi32>
      %squeeze3A_235 = vector.extract %slice3A_234[0] : i32 from vector<1xi32>
      %dma_start3A_236 = arith.constant 0 : i32
      %dma_start3A_237 = tpu.memref_slice %arg13[%add3A_223, %dma_start3A_236] : memref<128x16xf32, #tpu.memory_space<vmem>> -> memref<1x16xf32, #tpu.memory_space<vmem>>
      %dma_start3A_238 = arith.constant 0 : i32
      %dma_start3A_239 = tpu.memref_slice %arg5[%squeeze3A_235, %dma_start3A_238] : memref<1000x16xf32, #tpu.memory_space<hbm>> -> memref<1x16xf32, #tpu.memory_space<hbm>>
      %dma_start3A_240 = arith.constant 0 : i32
      %dma_start3A_241 = tpu.memref_slice %arg13[%add3A_223, %dma_start3A_240] : memref<128x16xf32, #tpu.memory_space<vmem>> -> memref<1x16xf32, #tpu.memory_space<vmem>>
      %dma_start3A_242 = arith.constant 0 : i32
      %dma_start3A_243 = tpu.memref_slice %arg5[%squeeze3A_235, %dma_start3A_242] : memref<1000x16xf32, #tpu.memory_space<hbm>> -> memref<1x16xf32, #tpu.memory_space<hbm>>
      tpu.enqueue_dma source(%dma_start3A_243 : memref<1x16xf32, #tpu.memory_space<hbm>>) target(%dma_start3A_241 : memref<1x16xf32, #tpu.memory_space<vmem>>) target_semaphore(%arg15 : memref<!tpu.dma_semaphore, #tpu.memory_space<semaphore_mem>>)
      %mul3A_244 = arith.constant 16 : i32
      %mul3A_245 = arith.muli %scan3A_89, %mul3A_244 : i32
      %add3A_246 = arith.constant 6 : i32
      %add3A_247 = arith.addi %mul3A_245, %add3A_246 : i32
      %slice3A_248 = vector.extract_strided_slice %get3A_95 {offsets = [6], sizes = [1], strides = [1]} : vector<16xi32> to vector<1xi32>
      %squeeze3A_249 = vector.extract %slice3A_248[0] : i32 from vector<1xi32>
      %dma_start3A_250 = arith.constant 0 : i32
      %dma_start3A_251 = tpu.memref_slice %arg12[%add3A_247, %dma_start3A_250] : memref<128x64xf32, #tpu.memory_space<vmem>> -> memref<1x64xf32, #tpu.memory_space<vmem>>
      %dma_start3A_252 = arith.constant 0 : i32
      %dma_start3A_253 = tpu.memref_slice %arg4[%squeeze3A_249, %dma_start3A_252] : memref<1000000x64xf32, #tpu.memory_space<hbm>> -> memref<1x64xf32, #tpu.memory_space<hbm>>
      %dma_start3A_254 = arith.constant 0 : i32
      %dma_start3A_255 = tpu.memref_slice %arg12[%add3A_247, %dma_start3A_254] : memref<128x64xf32, #tpu.memory_space<vmem>> -> memref<1x64xf32, #tpu.memory_space<vmem>>
      %dma_start3A_256 = arith.constant 0 : i32
      %dma_start3A_257 = tpu.memref_slice %arg4[%squeeze3A_249, %dma_start3A_256] : memref<1000000x64xf32, #tpu.memory_space<hbm>> -> memref<1x64xf32, #tpu.memory_space<hbm>>
      tpu.enqueue_dma source(%dma_start3A_257 : memref<1x64xf32, #tpu.memory_space<hbm>>) target(%dma_start3A_255 : memref<1x64xf32, #tpu.memory_space<vmem>>) target_semaphore(%arg15 : memref<!tpu.dma_semaphore, #tpu.memory_space<semaphore_mem>>)
      %slice3A_258 = vector.extract_strided_slice %get3A_102 {offsets = [6], sizes = [1], strides = [1]} : vector<16xi32> to vector<1xi32>
      %squeeze3A_259 = vector.extract %slice3A_258[0] : i32 from vector<1xi32>
      %dma_start3A_260 = arith.constant 0 : i32
      %dma_start3A_261 = tpu.memref_slice %arg13[%add3A_247, %dma_start3A_260] : memref<128x16xf32, #tpu.memory_space<vmem>> -> memref<1x16xf32, #tpu.memory_space<vmem>>
      %dma_start3A_262 = arith.constant 0 : i32
      %dma_start3A_263 = tpu.memref_slice %arg5[%squeeze3A_259, %dma_start3A_262] : memref<1000x16xf32, #tpu.memory_space<hbm>> -> memref<1x16xf32, #tpu.memory_space<hbm>>
      %dma_start3A_264 = arith.constant 0 : i32
      %dma_start3A_265 = tpu.memref_slice %arg13[%add3A_247, %dma_start3A_264] : memref<128x16xf32, #tpu.memory_space<vmem>> -> memref<1x16xf32, #tpu.memory_space<vmem>>
      %dma_start3A_266 = arith.constant 0 : i32
      %dma_start3A_267 = tpu.memref_slice %arg5[%squeeze3A_259, %dma_start3A_266] : memref<1000x16xf32, #tpu.memory_space<hbm>> -> memref<1x16xf32, #tpu.memory_space<hbm>>
      tpu.enqueue_dma source(%dma_start3A_267 : memref<1x16xf32, #tpu.memory_space<hbm>>) target(%dma_start3A_265 : memref<1x16xf32, #tpu.memory_space<vmem>>) target_semaphore(%arg15 : memref<!tpu.dma_semaphore, #tpu.memory_space<semaphore_mem>>)
      %mul3A_268 = arith.constant 16 : i32
      %mul3A_269 = arith.muli %scan3A_89, %mul3A_268 : i32
      %add3A_270 = arith.constant 7 : i32
      %add3A_271 = arith.addi %mul3A_269, %add3A_270 : i32
      %slice3A_272 = vector.extract_strided_slice %get3A_95 {offsets = [7], sizes = [1], strides = [1]} : vector<16xi32> to vector<1xi32>
      %squeeze3A_273 = vector.extract %slice3A_272[0] : i32 from vector<1xi32>
      %dma_start3A_274 = arith.constant 0 : i32
      %dma_start3A_275 = tpu.memref_slice %arg12[%add3A_271, %dma_start3A_274] : memref<128x64xf32, #tpu.memory_space<vmem>> -> memref<1x64xf32, #tpu.memory_space<vmem>>
      %dma_start3A_276 = arith.constant 0 : i32
      %dma_start3A_277 = tpu.memref_slice %arg4[%squeeze3A_273, %dma_start3A_276] : memref<1000000x64xf32, #tpu.memory_space<hbm>> -> memref<1x64xf32, #tpu.memory_space<hbm>>
      %dma_start3A_278 = arith.constant 0 : i32
      %dma_start3A_279 = tpu.memref_slice %arg12[%add3A_271, %dma_start3A_278] : memref<128x64xf32, #tpu.memory_space<vmem>> -> memref<1x64xf32, #tpu.memory_space<vmem>>
      %dma_start3A_280 = arith.constant 0 : i32
      %dma_start3A_281 = tpu.memref_slice %arg4[%squeeze3A_273, %dma_start3A_280] : memref<1000000x64xf32, #tpu.memory_space<hbm>> -> memref<1x64xf32, #tpu.memory_space<hbm>>
      tpu.enqueue_dma source(%dma_start3A_281 : memref<1x64xf32, #tpu.memory_space<hbm>>) target(%dma_start3A_279 : memref<1x64xf32, #tpu.memory_space<vmem>>) target_semaphore(%arg15 : memref<!tpu.dma_semaphore, #tpu.memory_space<semaphore_mem>>)
      %slice3A_282 = vector.extract_strided_slice %get3A_102 {offsets = [7], sizes = [1], strides = [1]} : vector<16xi32> to vector<1xi32>
      %squeeze3A_283 = vector.extract %slice3A_282[0] : i32 from vector<1xi32>
      %dma_start3A_284 = arith.constant 0 : i32
      %dma_start3A_285 = tpu.memref_slice %arg13[%add3A_271, %dma_start3A_284] : memref<128x16xf32, #tpu.memory_space<vmem>> -> memref<1x16xf32, #tpu.memory_space<vmem>>
      %dma_start3A_286 = arith.constant 0 : i32
      %dma_start3A_287 = tpu.memref_slice %arg5[%squeeze3A_283, %dma_start3A_286] : memref<1000x16xf32, #tpu.memory_space<hbm>> -> memref<1x16xf32, #tpu.memory_space<hbm>>
      %dma_start3A_288 = arith.constant 0 : i32
      %dma_start3A_289 = tpu.memref_slice %arg13[%add3A_271, %dma_start3A_288] : memref<128x16xf32, #tpu.memory_space<vmem>> -> memref<1x16xf32, #tpu.memory_space<vmem>>
      %dma_start3A_290 = arith.constant 0 : i32
      %dma_start3A_291 = tpu.memref_slice %arg5[%squeeze3A_283, %dma_start3A_290] : memref<1000x16xf32, #tpu.memory_space<hbm>> -> memref<1x16xf32, #tpu.memory_space<hbm>>
      tpu.enqueue_dma source(%dma_start3A_291 : memref<1x16xf32, #tpu.memory_space<hbm>>) target(%dma_start3A_289 : memref<1x16xf32, #tpu.memory_space<vmem>>) target_semaphore(%arg15 : memref<!tpu.dma_semaphore, #tpu.memory_space<semaphore_mem>>)
      %mul3A_292 = arith.constant 16 : i32
      %mul3A_293 = arith.muli %scan3A_89, %mul3A_292 : i32
      %add3A_294 = arith.constant 8 : i32
      %add3A_295 = arith.addi %mul3A_293, %add3A_294 : i32
      %slice3A_296 = vector.extract_strided_slice %get3A_95 {offsets = [8], sizes = [1], strides = [1]} : vector<16xi32> to vector<1xi32>
      %squeeze3A_297 = vector.extract %slice3A_296[0] : i32 from vector<1xi32>
      %dma_start3A_298 = arith.constant 0 : i32
      %dma_start3A_299 = tpu.memref_slice %arg12[%add3A_295, %dma_start3A_298] : memref<128x64xf32, #tpu.memory_space<vmem>> -> memref<1x64xf32, #tpu.memory_space<vmem>>
      %dma_start3A_300 = arith.constant 0 : i32
      %dma_start3A_301 = tpu.memref_slice %arg4[%squeeze3A_297, %dma_start3A_300] : memref<1000000x64xf32, #tpu.memory_space<hbm>> -> memref<1x64xf32, #tpu.memory_space<hbm>>
      %dma_start3A_302 = arith.constant 0 : i32
      %dma_start3A_303 = tpu.memref_slice %arg12[%add3A_295, %dma_start3A_302] : memref<128x64xf32, #tpu.memory_space<vmem>> -> memref<1x64xf32, #tpu.memory_space<vmem>>
      %dma_start3A_304 = arith.constant 0 : i32
      %dma_start3A_305 = tpu.memref_slice %arg4[%squeeze3A_297, %dma_start3A_304] : memref<1000000x64xf32, #tpu.memory_space<hbm>> -> memref<1x64xf32, #tpu.memory_space<hbm>>
      tpu.enqueue_dma source(%dma_start3A_305 : memref<1x64xf32, #tpu.memory_space<hbm>>) target(%dma_start3A_303 : memref<1x64xf32, #tpu.memory_space<vmem>>) target_semaphore(%arg15 : memref<!tpu.dma_semaphore, #tpu.memory_space<semaphore_mem>>)
      %slice3A_306 = vector.extract_strided_slice %get3A_102 {offsets = [8], sizes = [1], strides = [1]} : vector<16xi32> to vector<1xi32>
      %squeeze3A_307 = vector.extract %slice3A_306[0] : i32 from vector<1xi32>
      %dma_start3A_308 = arith.constant 0 : i32
      %dma_start3A_309 = tpu.memref_slice %arg13[%add3A_295, %dma_start3A_308] : memref<128x16xf32, #tpu.memory_space<vmem>> -> memref<1x16xf32, #tpu.memory_space<vmem>>
      %dma_start3A_310 = arith.constant 0 : i32
      %dma_start3A_311 = tpu.memref_slice %arg5[%squeeze3A_307, %dma_start3A_310] : memref<1000x16xf32, #tpu.memory_space<hbm>> -> memref<1x16xf32, #tpu.memory_space<hbm>>
      %dma_start3A_312 = arith.constant 0 : i32
      %dma_start3A_313 = tpu.memref_slice %arg13[%add3A_295, %dma_start3A_312] : memref<128x16xf32, #tpu.memory_space<vmem>> -> memref<1x16xf32, #tpu.memory_space<vmem>>
      %dma_start3A_314 = arith.constant 0 : i32
      %dma_start3A_315 = tpu.memref_slice %arg5[%squeeze3A_307, %dma_start3A_314] : memref<1000x16xf32, #tpu.memory_space<hbm>> -> memref<1x16xf32, #tpu.memory_space<hbm>>
      tpu.enqueue_dma source(%dma_start3A_315 : memref<1x16xf32, #tpu.memory_space<hbm>>) target(%dma_start3A_313 : memref<1x16xf32, #tpu.memory_space<vmem>>) target_semaphore(%arg15 : memref<!tpu.dma_semaphore, #tpu.memory_space<semaphore_mem>>)
      %mul3A_316 = arith.constant 16 : i32
      %mul3A_317 = arith.muli %scan3A_89, %mul3A_316 : i32
      %add3A_318 = arith.constant 9 : i32
      %add3A_319 = arith.addi %mul3A_317, %add3A_318 : i32
      %slice3A_320 = vector.extract_strided_slice %get3A_95 {offsets = [9], sizes = [1], strides = [1]} : vector<16xi32> to vector<1xi32>
      %squeeze3A_321 = vector.extract %slice3A_320[0] : i32 from vector<1xi32>
      %dma_start3A_322 = arith.constant 0 : i32
      %dma_start3A_323 = tpu.memref_slice %arg12[%add3A_319, %dma_start3A_322] : memref<128x64xf32, #tpu.memory_space<vmem>> -> memref<1x64xf32, #tpu.memory_space<vmem>>
      %dma_start3A_324 = arith.constant 0 : i32
      %dma_start3A_325 = tpu.memref_slice %arg4[%squeeze3A_321, %dma_start3A_324] : memref<1000000x64xf32, #tpu.memory_space<hbm>> -> memref<1x64xf32, #tpu.memory_space<hbm>>
      %dma_start3A_326 = arith.constant 0 : i32
      %dma_start3A_327 = tpu.memref_slice %arg12[%add3A_319, %dma_start3A_326] : memref<128x64xf32, #tpu.memory_space<vmem>> -> memref<1x64xf32, #tpu.memory_space<vmem>>
      %dma_start3A_328 = arith.constant 0 : i32
      %dma_start3A_329 = tpu.memref_slice %arg4[%squeeze3A_321, %dma_start3A_328] : memref<1000000x64xf32, #tpu.memory_space<hbm>> -> memref<1x64xf32, #tpu.memory_space<hbm>>
      tpu.enqueue_dma source(%dma_start3A_329 : memref<1x64xf32, #tpu.memory_space<hbm>>) target(%dma_start3A_327 : memref<1x64xf32, #tpu.memory_space<vmem>>) target_semaphore(%arg15 : memref<!tpu.dma_semaphore, #tpu.memory_space<semaphore_mem>>)
      %slice3A_330 = vector.extract_strided_slice %get3A_102 {offsets = [9], sizes = [1], strides = [1]} : vector<16xi32> to vector<1xi32>
      %squeeze3A_331 = vector.extract %slice3A_330[0] : i32 from vector<1xi32>
      %dma_start3A_332 = arith.constant 0 : i32
      %dma_start3A_333 = tpu.memref_slice %arg13[%add3A_319, %dma_start3A_332] : memref<128x16xf32, #tpu.memory_space<vmem>> -> memref<1x16xf32, #tpu.memory_space<vmem>>
      %dma_start3A_334 = arith.constant 0 : i32
      %dma_start3A_335 = tpu.memref_slice %arg5[%squeeze3A_331, %dma_start3A_334] : memref<1000x16xf32, #tpu.memory_space<hbm>> -> memref<1x16xf32, #tpu.memory_space<hbm>>
      %dma_start3A_336 = arith.constant 0 : i32
      %dma_start3A_337 = tpu.memref_slice %arg13[%add3A_319, %dma_start3A_336] : memref<128x16xf32, #tpu.memory_space<vmem>> -> memref<1x16xf32, #tpu.memory_space<vmem>>
      %dma_start3A_338 = arith.constant 0 : i32
      %dma_start3A_339 = tpu.memref_slice %arg5[%squeeze3A_331, %dma_start3A_338] : memref<1000x16xf32, #tpu.memory_space<hbm>> -> memref<1x16xf32, #tpu.memory_space<hbm>>
      tpu.enqueue_dma source(%dma_start3A_339 : memref<1x16xf32, #tpu.memory_space<hbm>>) target(%dma_start3A_337 : memref<1x16xf32, #tpu.memory_space<vmem>>) target_semaphore(%arg15 : memref<!tpu.dma_semaphore, #tpu.memory_space<semaphore_mem>>)
      %mul3A_340 = arith.constant 16 : i32
      %mul3A_341 = arith.muli %scan3A_89, %mul3A_340 : i32
      %add3A_342 = arith.constant 10 : i32
      %add3A_343 = arith.addi %mul3A_341, %add3A_342 : i32
      %slice3A_344 = vector.extract_strided_slice %get3A_95 {offsets = [10], sizes = [1], strides = [1]} : vector<16xi32> to vector<1xi32>
      %squeeze3A_345 = vector.extract %slice3A_344[0] : i32 from vector<1xi32>
      %dma_start3A_346 = arith.constant 0 : i32
      %dma_start3A_347 = tpu.memref_slice %arg12[%add3A_343, %dma_start3A_346] : memref<128x64xf32, #tpu.memory_space<vmem>> -> memref<1x64xf32, #tpu.memory_space<vmem>>
      %dma_start3A_348 = arith.constant 0 : i32
      %dma_start3A_349 = tpu.memref_slice %arg4[%squeeze3A_345, %dma_start3A_348] : memref<1000000x64xf32, #tpu.memory_space<hbm>> -> memref<1x64xf32, #tpu.memory_space<hbm>>
      %dma_start3A_350 = arith.constant 0 : i32
      %dma_start3A_351 = tpu.memref_slice %arg12[%add3A_343, %dma_start3A_350] : memref<128x64xf32, #tpu.memory_space<vmem>> -> memref<1x64xf32, #tpu.memory_space<vmem>>
      %dma_start3A_352 = arith.constant 0 : i32
      %dma_start3A_353 = tpu.memref_slice %arg4[%squeeze3A_345, %dma_start3A_352] : memref<1000000x64xf32, #tpu.memory_space<hbm>> -> memref<1x64xf32, #tpu.memory_space<hbm>>
      tpu.enqueue_dma source(%dma_start3A_353 : memref<1x64xf32, #tpu.memory_space<hbm>>) target(%dma_start3A_351 : memref<1x64xf32, #tpu.memory_space<vmem>>) target_semaphore(%arg15 : memref<!tpu.dma_semaphore, #tpu.memory_space<semaphore_mem>>)
      %slice3A_354 = vector.extract_strided_slice %get3A_102 {offsets = [10], sizes = [1], strides = [1]} : vector<16xi32> to vector<1xi32>
      %squeeze3A_355 = vector.extract %slice3A_354[0] : i32 from vector<1xi32>
      %dma_start3A_356 = arith.constant 0 : i32
      %dma_start3A_357 = tpu.memref_slice %arg13[%add3A_343, %dma_start3A_356] : memref<128x16xf32, #tpu.memory_space<vmem>> -> memref<1x16xf32, #tpu.memory_space<vmem>>
      %dma_start3A_358 = arith.constant 0 : i32
      %dma_start3A_359 = tpu.memref_slice %arg5[%squeeze3A_355, %dma_start3A_358] : memref<1000x16xf32, #tpu.memory_space<hbm>> -> memref<1x16xf32, #tpu.memory_space<hbm>>
      %dma_start3A_360 = arith.constant 0 : i32
      %dma_start3A_361 = tpu.memref_slice %arg13[%add3A_343, %dma_start3A_360] : memref<128x16xf32, #tpu.memory_space<vmem>> -> memref<1x16xf32, #tpu.memory_space<vmem>>
      %dma_start3A_362 = arith.constant 0 : i32
      %dma_start3A_363 = tpu.memref_slice %arg5[%squeeze3A_355, %dma_start3A_362] : memref<1000x16xf32, #tpu.memory_space<hbm>> -> memref<1x16xf32, #tpu.memory_space<hbm>>
      tpu.enqueue_dma source(%dma_start3A_363 : memref<1x16xf32, #tpu.memory_space<hbm>>) target(%dma_start3A_361 : memref<1x16xf32, #tpu.memory_space<vmem>>) target_semaphore(%arg15 : memref<!tpu.dma_semaphore, #tpu.memory_space<semaphore_mem>>)
      %mul3A_364 = arith.constant 16 : i32
      %mul3A_365 = arith.muli %scan3A_89, %mul3A_364 : i32
      %add3A_366 = arith.constant 11 : i32
      %add3A_367 = arith.addi %mul3A_365, %add3A_366 : i32
      %slice3A_368 = vector.extract_strided_slice %get3A_95 {offsets = [11], sizes = [1], strides = [1]} : vector<16xi32> to vector<1xi32>
      %squeeze3A_369 = vector.extract %slice3A_368[0] : i32 from vector<1xi32>
      %dma_start3A_370 = arith.constant 0 : i32
      %dma_start3A_371 = tpu.memref_slice %arg12[%add3A_367, %dma_start3A_370] : memref<128x64xf32, #tpu.memory_space<vmem>> -> memref<1x64xf32, #tpu.memory_space<vmem>>
      %dma_start3A_372 = arith.constant 0 : i32
      %dma_start3A_373 = tpu.memref_slice %arg4[%squeeze3A_369, %dma_start3A_372] : memref<1000000x64xf32, #tpu.memory_space<hbm>> -> memref<1x64xf32, #tpu.memory_space<hbm>>
      %dma_start3A_374 = arith.constant 0 : i32
      %dma_start3A_375 = tpu.memref_slice %arg12[%add3A_367, %dma_start3A_374] : memref<128x64xf32, #tpu.memory_space<vmem>> -> memref<1x64xf32, #tpu.memory_space<vmem>>
      %dma_start3A_376 = arith.constant 0 : i32
      %dma_start3A_377 = tpu.memref_slice %arg4[%squeeze3A_369, %dma_start3A_376] : memref<1000000x64xf32, #tpu.memory_space<hbm>> -> memref<1x64xf32, #tpu.memory_space<hbm>>
      tpu.enqueue_dma source(%dma_start3A_377 : memref<1x64xf32, #tpu.memory_space<hbm>>) target(%dma_start3A_375 : memref<1x64xf32, #tpu.memory_space<vmem>>) target_semaphore(%arg15 : memref<!tpu.dma_semaphore, #tpu.memory_space<semaphore_mem>>)
      %slice3A_378 = vector.extract_strided_slice %get3A_102 {offsets = [11], sizes = [1], strides = [1]} : vector<16xi32> to vector<1xi32>
      %squeeze3A_379 = vector.extract %slice3A_378[0] : i32 from vector<1xi32>
      %dma_start3A_380 = arith.constant 0 : i32
      %dma_start3A_381 = tpu.memref_slice %arg13[%add3A_367, %dma_start3A_380] : memref<128x16xf32, #tpu.memory_space<vmem>> -> memref<1x16xf32, #tpu.memory_space<vmem>>
      %dma_start3A_382 = arith.constant 0 : i32
      %dma_start3A_383 = tpu.memref_slice %arg5[%squeeze3A_379, %dma_start3A_382] : memref<1000x16xf32, #tpu.memory_space<hbm>> -> memref<1x16xf32, #tpu.memory_space<hbm>>
      %dma_start3A_384 = arith.constant 0 : i32
      %dma_start3A_385 = tpu.memref_slice %arg13[%add3A_367, %dma_start3A_384] : memref<128x16xf32, #tpu.memory_space<vmem>> -> memref<1x16xf32, #tpu.memory_space<vmem>>
      %dma_start3A_386 = arith.constant 0 : i32
      %dma_start3A_387 = tpu.memref_slice %arg5[%squeeze3A_379, %dma_start3A_386] : memref<1000x16xf32, #tpu.memory_space<hbm>> -> memref<1x16xf32, #tpu.memory_space<hbm>>
      tpu.enqueue_dma source(%dma_start3A_387 : memref<1x16xf32, #tpu.memory_space<hbm>>) target(%dma_start3A_385 : memref<1x16xf32, #tpu.memory_space<vmem>>) target_semaphore(%arg15 : memref<!tpu.dma_semaphore, #tpu.memory_space<semaphore_mem>>)
      %mul3A_388 = arith.constant 16 : i32
      %mul3A_389 = arith.muli %scan3A_89, %mul3A_388 : i32
      %add3A_390 = arith.constant 12 : i32
      %add3A_391 = arith.addi %mul3A_389, %add3A_390 : i32
      %slice3A_392 = vector.extract_strided_slice %get3A_95 {offsets = [12], sizes = [1], strides = [1]} : vector<16xi32> to vector<1xi32>
      %squeeze3A_393 = vector.extract %slice3A_392[0] : i32 from vector<1xi32>
      %dma_start3A_394 = arith.constant 0 : i32
      %dma_start3A_395 = tpu.memref_slice %arg12[%add3A_391, %dma_start3A_394] : memref<128x64xf32, #tpu.memory_space<vmem>> -> memref<1x64xf32, #tpu.memory_space<vmem>>
      %dma_start3A_396 = arith.constant 0 : i32
      %dma_start3A_397 = tpu.memref_slice %arg4[%squeeze3A_393, %dma_start3A_396] : memref<1000000x64xf32, #tpu.memory_space<hbm>> -> memref<1x64xf32, #tpu.memory_space<hbm>>
      %dma_start3A_398 = arith.constant 0 : i32
      %dma_start3A_399 = tpu.memref_slice %arg12[%add3A_391, %dma_start3A_398] : memref<128x64xf32, #tpu.memory_space<vmem>> -> memref<1x64xf32, #tpu.memory_space<vmem>>
      %dma_start3A_400 = arith.constant 0 : i32
      %dma_start3A_401 = tpu.memref_slice %arg4[%squeeze3A_393, %dma_start3A_400] : memref<1000000x64xf32, #tpu.memory_space<hbm>> -> memref<1x64xf32, #tpu.memory_space<hbm>>
      tpu.enqueue_dma source(%dma_start3A_401 : memref<1x64xf32, #tpu.memory_space<hbm>>) target(%dma_start3A_399 : memref<1x64xf32, #tpu.memory_space<vmem>>) target_semaphore(%arg15 : memref<!tpu.dma_semaphore, #tpu.memory_space<semaphore_mem>>)
      %slice3A_402 = vector.extract_strided_slice %get3A_102 {offsets = [12], sizes = [1], strides = [1]} : vector<16xi32> to vector<1xi32>
      %squeeze3A_403 = vector.extract %slice3A_402[0] : i32 from vector<1xi32>
      %dma_start3A_404 = arith.constant 0 : i32
      %dma_start3A_405 = tpu.memref_slice %arg13[%add3A_391, %dma_start3A_404] : memref<128x16xf32, #tpu.memory_space<vmem>> -> memref<1x16xf32, #tpu.memory_space<vmem>>
      %dma_start3A_406 = arith.constant 0 : i32
      %dma_start3A_407 = tpu.memref_slice %arg5[%squeeze3A_403, %dma_start3A_406] : memref<1000x16xf32, #tpu.memory_space<hbm>> -> memref<1x16xf32, #tpu.memory_space<hbm>>
      %dma_start3A_408 = arith.constant 0 : i32
      %dma_start3A_409 = tpu.memref_slice %arg13[%add3A_391, %dma_start3A_408] : memref<128x16xf32, #tpu.memory_space<vmem>> -> memref<1x16xf32, #tpu.memory_space<vmem>>
      %dma_start3A_410 = arith.constant 0 : i32
      %dma_start3A_411 = tpu.memref_slice %arg5[%squeeze3A_403, %dma_start3A_410] : memref<1000x16xf32, #tpu.memory_space<hbm>> -> memref<1x16xf32, #tpu.memory_space<hbm>>
      tpu.enqueue_dma source(%dma_start3A_411 : memref<1x16xf32, #tpu.memory_space<hbm>>) target(%dma_start3A_409 : memref<1x16xf32, #tpu.memory_space<vmem>>) target_semaphore(%arg15 : memref<!tpu.dma_semaphore, #tpu.memory_space<semaphore_mem>>)
      %mul3A_412 = arith.constant 16 : i32
      %mul3A_413 = arith.muli %scan3A_89, %mul3A_412 : i32
      %add3A_414 = arith.constant 13 : i32
      %add3A_415 = arith.addi %mul3A_413, %add3A_414 : i32
      %slice3A_416 = vector.extract_strided_slice %get3A_95 {offsets = [13], sizes = [1], strides = [1]} : vector<16xi32> to vector<1xi32>
      %squeeze3A_417 = vector.extract %slice3A_416[0] : i32 from vector<1xi32>
      %dma_start3A_418 = arith.constant 0 : i32
      %dma_start3A_419 = tpu.memref_slice %arg12[%add3A_415, %dma_start3A_418] : memref<128x64xf32, #tpu.memory_space<vmem>> -> memref<1x64xf32, #tpu.memory_space<vmem>>
      %dma_start3A_420 = arith.constant 0 : i32
      %dma_start3A_421 = tpu.memref_slice %arg4[%squeeze3A_417, %dma_start3A_420] : memref<1000000x64xf32, #tpu.memory_space<hbm>> -> memref<1x64xf32, #tpu.memory_space<hbm>>
      %dma_start3A_422 = arith.constant 0 : i32
      %dma_start3A_423 = tpu.memref_slice %arg12[%add3A_415, %dma_start3A_422] : memref<128x64xf32, #tpu.memory_space<vmem>> -> memref<1x64xf32, #tpu.memory_space<vmem>>
      %dma_start3A_424 = arith.constant 0 : i32
      %dma_start3A_425 = tpu.memref_slice %arg4[%squeeze3A_417, %dma_start3A_424] : memref<1000000x64xf32, #tpu.memory_space<hbm>> -> memref<1x64xf32, #tpu.memory_space<hbm>>
      tpu.enqueue_dma source(%dma_start3A_425 : memref<1x64xf32, #tpu.memory_space<hbm>>) target(%dma_start3A_423 : memref<1x64xf32, #tpu.memory_space<vmem>>) target_semaphore(%arg15 : memref<!tpu.dma_semaphore, #tpu.memory_space<semaphore_mem>>)
      %slice3A_426 = vector.extract_strided_slice %get3A_102 {offsets = [13], sizes = [1], strides = [1]} : vector<16xi32> to vector<1xi32>
      %squeeze3A_427 = vector.extract %slice3A_426[0] : i32 from vector<1xi32>
      %dma_start3A_428 = arith.constant 0 : i32
      %dma_start3A_429 = tpu.memref_slice %arg13[%add3A_415, %dma_start3A_428] : memref<128x16xf32, #tpu.memory_space<vmem>> -> memref<1x16xf32, #tpu.memory_space<vmem>>
      %dma_start3A_430 = arith.constant 0 : i32
      %dma_start3A_431 = tpu.memref_slice %arg5[%squeeze3A_427, %dma_start3A_430] : memref<1000x16xf32, #tpu.memory_space<hbm>> -> memref<1x16xf32, #tpu.memory_space<hbm>>
      %dma_start3A_432 = arith.constant 0 : i32
      %dma_start3A_433 = tpu.memref_slice %arg13[%add3A_415, %dma_start3A_432] : memref<128x16xf32, #tpu.memory_space<vmem>> -> memref<1x16xf32, #tpu.memory_space<vmem>>
      %dma_start3A_434 = arith.constant 0 : i32
      %dma_start3A_435 = tpu.memref_slice %arg5[%squeeze3A_427, %dma_start3A_434] : memref<1000x16xf32, #tpu.memory_space<hbm>> -> memref<1x16xf32, #tpu.memory_space<hbm>>
      tpu.enqueue_dma source(%dma_start3A_435 : memref<1x16xf32, #tpu.memory_space<hbm>>) target(%dma_start3A_433 : memref<1x16xf32, #tpu.memory_space<vmem>>) target_semaphore(%arg15 : memref<!tpu.dma_semaphore, #tpu.memory_space<semaphore_mem>>)
      %mul3A_436 = arith.constant 16 : i32
      %mul3A_437 = arith.muli %scan3A_89, %mul3A_436 : i32
      %add3A_438 = arith.constant 14 : i32
      %add3A_439 = arith.addi %mul3A_437, %add3A_438 : i32
      %slice3A_440 = vector.extract_strided_slice %get3A_95 {offsets = [14], sizes = [1], strides = [1]} : vector<16xi32> to vector<1xi32>
      %squeeze3A_441 = vector.extract %slice3A_440[0] : i32 from vector<1xi32>
      %dma_start3A_442 = arith.constant 0 : i32
      %dma_start3A_443 = tpu.memref_slice %arg12[%add3A_439, %dma_start3A_442] : memref<128x64xf32, #tpu.memory_space<vmem>> -> memref<1x64xf32, #tpu.memory_space<vmem>>
      %dma_start3A_444 = arith.constant 0 : i32
      %dma_start3A_445 = tpu.memref_slice %arg4[%squeeze3A_441, %dma_start3A_444] : memref<1000000x64xf32, #tpu.memory_space<hbm>> -> memref<1x64xf32, #tpu.memory_space<hbm>>
      %dma_start3A_446 = arith.constant 0 : i32
      %dma_start3A_447 = tpu.memref_slice %arg12[%add3A_439, %dma_start3A_446] : memref<128x64xf32, #tpu.memory_space<vmem>> -> memref<1x64xf32, #tpu.memory_space<vmem>>
      %dma_start3A_448 = arith.constant 0 : i32
      %dma_start3A_449 = tpu.memref_slice %arg4[%squeeze3A_441, %dma_start3A_448] : memref<1000000x64xf32, #tpu.memory_space<hbm>> -> memref<1x64xf32, #tpu.memory_space<hbm>>
      tpu.enqueue_dma source(%dma_start3A_449 : memref<1x64xf32, #tpu.memory_space<hbm>>) target(%dma_start3A_447 : memref<1x64xf32, #tpu.memory_space<vmem>>) target_semaphore(%arg15 : memref<!tpu.dma_semaphore, #tpu.memory_space<semaphore_mem>>)
      %slice3A_450 = vector.extract_strided_slice %get3A_102 {offsets = [14], sizes = [1], strides = [1]} : vector<16xi32> to vector<1xi32>
      %squeeze3A_451 = vector.extract %slice3A_450[0] : i32 from vector<1xi32>
      %dma_start3A_452 = arith.constant 0 : i32
      %dma_start3A_453 = tpu.memref_slice %arg13[%add3A_439, %dma_start3A_452] : memref<128x16xf32, #tpu.memory_space<vmem>> -> memref<1x16xf32, #tpu.memory_space<vmem>>
      %dma_start3A_454 = arith.constant 0 : i32
      %dma_start3A_455 = tpu.memref_slice %arg5[%squeeze3A_451, %dma_start3A_454] : memref<1000x16xf32, #tpu.memory_space<hbm>> -> memref<1x16xf32, #tpu.memory_space<hbm>>
      %dma_start3A_456 = arith.constant 0 : i32
      %dma_start3A_457 = tpu.memref_slice %arg13[%add3A_439, %dma_start3A_456] : memref<128x16xf32, #tpu.memory_space<vmem>> -> memref<1x16xf32, #tpu.memory_space<vmem>>
      %dma_start3A_458 = arith.constant 0 : i32
      %dma_start3A_459 = tpu.memref_slice %arg5[%squeeze3A_451, %dma_start3A_458] : memref<1000x16xf32, #tpu.memory_space<hbm>> -> memref<1x16xf32, #tpu.memory_space<hbm>>
      tpu.enqueue_dma source(%dma_start3A_459 : memref<1x16xf32, #tpu.memory_space<hbm>>) target(%dma_start3A_457 : memref<1x16xf32, #tpu.memory_space<vmem>>) target_semaphore(%arg15 : memref<!tpu.dma_semaphore, #tpu.memory_space<semaphore_mem>>)
      %mul3A_460 = arith.constant 16 : i32
      %mul3A_461 = arith.muli %scan3A_89, %mul3A_460 : i32
      %add3A_462 = arith.constant 15 : i32
      %add3A_463 = arith.addi %mul3A_461, %add3A_462 : i32
      %slice3A_464 = vector.extract_strided_slice %get3A_95 {offsets = [15], sizes = [1], strides = [1]} : vector<16xi32> to vector<1xi32>
      %squeeze3A_465 = vector.extract %slice3A_464[0] : i32 from vector<1xi32>
      %dma_start3A_466 = arith.constant 0 : i32
      %dma_start3A_467 = tpu.memref_slice %arg12[%add3A_463, %dma_start3A_466] : memref<128x64xf32, #tpu.memory_space<vmem>> -> memref<1x64xf32, #tpu.memory_space<vmem>>
      %dma_start3A_468 = arith.constant 0 : i32
      %dma_start3A_469 = tpu.memref_slice %arg4[%squeeze3A_465, %dma_start3A_468] : memref<1000000x64xf32, #tpu.memory_space<hbm>> -> memref<1x64xf32, #tpu.memory_space<hbm>>
      %dma_start3A_470 = arith.constant 0 : i32
      %dma_start3A_471 = tpu.memref_slice %arg12[%add3A_463, %dma_start3A_470] : memref<128x64xf32, #tpu.memory_space<vmem>> -> memref<1x64xf32, #tpu.memory_space<vmem>>
      %dma_start3A_472 = arith.constant 0 : i32
      %dma_start3A_473 = tpu.memref_slice %arg4[%squeeze3A_465, %dma_start3A_472] : memref<1000000x64xf32, #tpu.memory_space<hbm>> -> memref<1x64xf32, #tpu.memory_space<hbm>>
      tpu.enqueue_dma source(%dma_start3A_473 : memref<1x64xf32, #tpu.memory_space<hbm>>) target(%dma_start3A_471 : memref<1x64xf32, #tpu.memory_space<vmem>>) target_semaphore(%arg15 : memref<!tpu.dma_semaphore, #tpu.memory_space<semaphore_mem>>)
      %slice3A_474 = vector.extract_strided_slice %get3A_102 {offsets = [15], sizes = [1], strides = [1]} : vector<16xi32> to vector<1xi32>
      %squeeze3A_475 = vector.extract %slice3A_474[0] : i32 from vector<1xi32>
      %dma_start3A_476 = arith.constant 0 : i32
      %dma_start3A_477 = tpu.memref_slice %arg13[%add3A_463, %dma_start3A_476] : memref<128x16xf32, #tpu.memory_space<vmem>> -> memref<1x16xf32, #tpu.memory_space<vmem>>
      %dma_start3A_478 = arith.constant 0 : i32
      %dma_start3A_479 = tpu.memref_slice %arg5[%squeeze3A_475, %dma_start3A_478] : memref<1000x16xf32, #tpu.memory_space<hbm>> -> memref<1x16xf32, #tpu.memory_space<hbm>>
      %dma_start3A_480 = arith.constant 0 : i32
      %dma_start3A_481 = tpu.memref_slice %arg13[%add3A_463, %dma_start3A_480] : memref<128x16xf32, #tpu.memory_space<vmem>> -> memref<1x16xf32, #tpu.memory_space<vmem>>
      %dma_start3A_482 = arith.constant 0 : i32
      %dma_start3A_483 = tpu.memref_slice %arg5[%squeeze3A_475, %dma_start3A_482] : memref<1000x16xf32, #tpu.memory_space<hbm>> -> memref<1x16xf32, #tpu.memory_space<hbm>>
      tpu.enqueue_dma source(%dma_start3A_483 : memref<1x16xf32, #tpu.memory_space<hbm>>) target(%dma_start3A_481 : memref<1x16xf32, #tpu.memory_space<vmem>>) target_semaphore(%arg15 : memref<!tpu.dma_semaphore, #tpu.memory_space<semaphore_mem>>)
    }
    %scan3A_56 = arith.constant 8 : i32
    %dma_wait3A_57 = arith.constant 0 : i32
    %dma_wait3A_58 = arith.constant 0 : i32
    %dma_wait3A_59 = tpu.memref_slice %arg6[%dma_wait3A_57, %dma_wait3A_58] : memref<16384x64xf32, #tpu.memory_space<hbm>> -> memref<128x64xf32, #tpu.memory_space<hbm>>
    %dma_wait3A_60 = arith.constant 0 : i32
    %dma_wait3A_61 = arith.constant 0 : i32
    %dma_wait3A_62 = tpu.memref_slice %arg6[%dma_wait3A_60, %dma_wait3A_61] : memref<16384x64xf32, #tpu.memory_space<hbm>> -> memref<128x64xf32, #tpu.memory_space<hbm>>
    tpu.wait_dma2 semaphore(%arg14 : memref<!tpu.dma_semaphore, #tpu.memory_space<semaphore_mem>>) src(%dma_wait3A_62 : memref<128x64xf32, #tpu.memory_space<hbm>>) dst(%arg10 : memref<128x64xf32, #tpu.memory_space<vmem>>)
    %dma_wait3A_63 = arith.constant 0 : i32
    %dma_wait3A_64 = arith.constant 0 : i32
    %dma_wait3A_65 = tpu.memref_slice %arg7[%dma_wait3A_63, %dma_wait3A_64] : memref<16384x16xf32, #tpu.memory_space<hbm>> -> memref<128x16xf32, #tpu.memory_space<hbm>>
    %dma_wait3A_66 = arith.constant 0 : i32
    %dma_wait3A_67 = arith.constant 0 : i32
    %dma_wait3A_68 = tpu.memref_slice %arg7[%dma_wait3A_66, %dma_wait3A_67] : memref<16384x16xf32, #tpu.memory_space<hbm>> -> memref<128x16xf32, #tpu.memory_space<hbm>>
    tpu.wait_dma2 semaphore(%arg14 : memref<!tpu.dma_semaphore, #tpu.memory_space<semaphore_mem>>) src(%dma_wait3A_68 : memref<128x16xf32, #tpu.memory_space<hbm>>) dst(%arg11 : memref<128x16xf32, #tpu.memory_space<vmem>>)
    %add3A_69 = arith.constant 256 : i32
    %add3A_70 = arith.addi %mul3A_2, %add3A_69 : i32
    "tpu.region"() ({
      %run_scoped3A = tpu.sem_alloc : memref<!tpu.dma_semaphore, #tpu.memory_space<semaphore_mem>>
      %dma_start3A = arith.constant 0 : i32
      %dma_start3A_89 = tpu.memref_slice %arg6[%add3A_70, %dma_start3A] : memref<16384x64xf32, #tpu.memory_space<hbm>> -> memref<128x64xf32, #tpu.memory_space<hbm>>
      %dma_start3A_90 = arith.constant 0 : i32
      %dma_start3A_91 = tpu.memref_slice %arg6[%add3A_70, %dma_start3A_90] : memref<16384x64xf32, #tpu.memory_space<hbm>> -> memref<128x64xf32, #tpu.memory_space<hbm>>
      tpu.enqueue_dma source(%arg10 : memref<128x64xf32, #tpu.memory_space<vmem>>) target(%dma_start3A_91 : memref<128x64xf32, #tpu.memory_space<hbm>>) target_semaphore(%run_scoped3A : memref<!tpu.dma_semaphore, #tpu.memory_space<semaphore_mem>>)
      %dma_wait3A_92 = arith.constant 0 : i32
      %dma_wait3A_93 = tpu.memref_slice %arg6[%add3A_70, %dma_wait3A_92] : memref<16384x64xf32, #tpu.memory_space<hbm>> -> memref<128x64xf32, #tpu.memory_space<hbm>>
      %dma_wait3A_94 = arith.constant 0 : i32
      %dma_wait3A_95 = tpu.memref_slice %arg6[%add3A_70, %dma_wait3A_94] : memref<16384x64xf32, #tpu.memory_space<hbm>> -> memref<128x64xf32, #tpu.memory_space<hbm>>
      tpu.wait_dma2 semaphore(%run_scoped3A : memref<!tpu.dma_semaphore, #tpu.memory_space<semaphore_mem>>) src(%arg10 : memref<128x64xf32, #tpu.memory_space<vmem>>) dst(%dma_wait3A_95 : memref<128x64xf32, #tpu.memory_space<hbm>>)
      tpu.yield
    }) : () -> ()
    %add3A_71 = arith.constant 256 : i32
    %add3A_72 = arith.addi %mul3A_2, %add3A_71 : i32
    "tpu.region"() ({
      %run_scoped3A = tpu.sem_alloc : memref<!tpu.dma_semaphore, #tpu.memory_space<semaphore_mem>>
      %dma_start3A = arith.constant 0 : i32
      %dma_start3A_89 = tpu.memref_slice %arg7[%add3A_72, %dma_start3A] : memref<16384x16xf32, #tpu.memory_space<hbm>> -> memref<128x16xf32, #tpu.memory_space<hbm>>
      %dma_start3A_90 = arith.constant 0 : i32
      %dma_start3A_91 = tpu.memref_slice %arg7[%add3A_72, %dma_start3A_90] : memref<16384x16xf32, #tpu.memory_space<hbm>> -> memref<128x16xf32, #tpu.memory_space<hbm>>
      tpu.enqueue_dma source(%arg11 : memref<128x16xf32, #tpu.memory_space<vmem>>) target(%dma_start3A_91 : memref<128x16xf32, #tpu.memory_space<hbm>>) target_semaphore(%run_scoped3A : memref<!tpu.dma_semaphore, #tpu.memory_space<semaphore_mem>>)
      %dma_wait3A_92 = arith.constant 0 : i32
      %dma_wait3A_93 = tpu.memref_slice %arg7[%add3A_72, %dma_wait3A_92] : memref<16384x16xf32, #tpu.memory_space<hbm>> -> memref<128x16xf32, #tpu.memory_space<hbm>>
      %dma_wait3A_94 = arith.constant 0 : i32
      %dma_wait3A_95 = tpu.memref_slice %arg7[%add3A_72, %dma_wait3A_94] : memref<16384x16xf32, #tpu.memory_space<hbm>> -> memref<128x16xf32, #tpu.memory_space<hbm>>
      tpu.wait_dma2 semaphore(%run_scoped3A : memref<!tpu.dma_semaphore, #tpu.memory_space<semaphore_mem>>) src(%arg11 : memref<128x16xf32, #tpu.memory_space<vmem>>) dst(%dma_wait3A_95 : memref<128x16xf32, #tpu.memory_space<hbm>>)
      tpu.yield
    }) : () -> ()
    %dma_wait3A_73 = arith.constant 0 : i32
    %dma_wait3A_74 = arith.constant 0 : i32
    %dma_wait3A_75 = tpu.memref_slice %arg6[%dma_wait3A_73, %dma_wait3A_74] : memref<16384x64xf32, #tpu.memory_space<hbm>> -> memref<128x64xf32, #tpu.memory_space<hbm>>
    %dma_wait3A_76 = arith.constant 0 : i32
    %dma_wait3A_77 = arith.constant 0 : i32
    %dma_wait3A_78 = tpu.memref_slice %arg6[%dma_wait3A_76, %dma_wait3A_77] : memref<16384x64xf32, #tpu.memory_space<hbm>> -> memref<128x64xf32, #tpu.memory_space<hbm>>
    tpu.wait_dma2 semaphore(%arg15 : memref<!tpu.dma_semaphore, #tpu.memory_space<semaphore_mem>>) src(%dma_wait3A_78 : memref<128x64xf32, #tpu.memory_space<hbm>>) dst(%arg12 : memref<128x64xf32, #tpu.memory_space<vmem>>)
    %dma_wait3A_79 = arith.constant 0 : i32
    %dma_wait3A_80 = arith.constant 0 : i32
    %dma_wait3A_81 = tpu.memref_slice %arg7[%dma_wait3A_79, %dma_wait3A_80] : memref<16384x16xf32, #tpu.memory_space<hbm>> -> memref<128x16xf32, #tpu.memory_space<hbm>>
    %dma_wait3A_82 = arith.constant 0 : i32
    %dma_wait3A_83 = arith.constant 0 : i32
    %dma_wait3A_84 = tpu.memref_slice %arg7[%dma_wait3A_82, %dma_wait3A_83] : memref<16384x16xf32, #tpu.memory_space<hbm>> -> memref<128x16xf32, #tpu.memory_space<hbm>>
    tpu.wait_dma2 semaphore(%arg15 : memref<!tpu.dma_semaphore, #tpu.memory_space<semaphore_mem>>) src(%dma_wait3A_84 : memref<128x16xf32, #tpu.memory_space<hbm>>) dst(%arg13 : memref<128x16xf32, #tpu.memory_space<vmem>>)
    %add3A_85 = arith.constant 384 : i32
    %add3A_86 = arith.addi %mul3A_2, %add3A_85 : i32
    "tpu.region"() ({
      %run_scoped3A = tpu.sem_alloc : memref<!tpu.dma_semaphore, #tpu.memory_space<semaphore_mem>>
      %dma_start3A = arith.constant 0 : i32
      %dma_start3A_89 = tpu.memref_slice %arg6[%add3A_86, %dma_start3A] : memref<16384x64xf32, #tpu.memory_space<hbm>> -> memref<128x64xf32, #tpu.memory_space<hbm>>
      %dma_start3A_90 = arith.constant 0 : i32
      %dma_start3A_91 = tpu.memref_slice %arg6[%add3A_86, %dma_start3A_90] : memref<16384x64xf32, #tpu.memory_space<hbm>> -> memref<128x64xf32, #tpu.memory_space<hbm>>
      tpu.enqueue_dma source(%arg12 : memref<128x64xf32, #tpu.memory_space<vmem>>) target(%dma_start3A_91 : memref<128x64xf32, #tpu.memory_space<hbm>>) target_semaphore(%run_scoped3A : memref<!tpu.dma_semaphore, #tpu.memory_space<semaphore_mem>>)
      %dma_wait3A_92 = arith.constant 0 : i32
      %dma_wait3A_93 = tpu.memref_slice %arg6[%add3A_86, %dma_wait3A_92] : memref<16384x64xf32, #tpu.memory_space<hbm>> -> memref<128x64xf32, #tpu.memory_space<hbm>>
      %dma_wait3A_94 = arith.constant 0 : i32
      %dma_wait3A_95 = tpu.memref_slice %arg6[%add3A_86, %dma_wait3A_94] : memref<16384x64xf32, #tpu.memory_space<hbm>> -> memref<128x64xf32, #tpu.memory_space<hbm>>
      tpu.wait_dma2 semaphore(%run_scoped3A : memref<!tpu.dma_semaphore, #tpu.memory_space<semaphore_mem>>) src(%arg12 : memref<128x64xf32, #tpu.memory_space<vmem>>) dst(%dma_wait3A_95 : memref<128x64xf32, #tpu.memory_space<hbm>>)
      tpu.yield
    }) : () -> ()
    %add3A_87 = arith.constant 384 : i32
    %add3A_88 = arith.addi %mul3A_2, %add3A_87 : i32
    "tpu.region"() ({
      %run_scoped3A = tpu.sem_alloc : memref<!tpu.dma_semaphore, #tpu.memory_space<semaphore_mem>>
      %dma_start3A = arith.constant 0 : i32
      %dma_start3A_89 = tpu.memref_slice %arg7[%add3A_88, %dma_start3A] : memref<16384x16xf32, #tpu.memory_space<hbm>> -> memref<128x16xf32, #tpu.memory_space<hbm>>
      %dma_start3A_90 = arith.constant 0 : i32
      %dma_start3A_91 = tpu.memref_slice %arg7[%add3A_88, %dma_start3A_90] : memref<16384x16xf32, #tpu.memory_space<hbm>> -> memref<128x16xf32, #tpu.memory_space<hbm>>
      tpu.enqueue_dma source(%arg13 : memref<128x16xf32, #tpu.memory_space<vmem>>) target(%dma_start3A_91 : memref<128x16xf32, #tpu.memory_space<hbm>>) target_semaphore(%run_scoped3A : memref<!tpu.dma_semaphore, #tpu.memory_space<semaphore_mem>>)
      %dma_wait3A_92 = arith.constant 0 : i32
      %dma_wait3A_93 = tpu.memref_slice %arg7[%add3A_88, %dma_wait3A_92] : memref<16384x16xf32, #tpu.memory_space<hbm>> -> memref<128x16xf32, #tpu.memory_space<hbm>>
      %dma_wait3A_94 = arith.constant 0 : i32
      %dma_wait3A_95 = tpu.memref_slice %arg7[%add3A_88, %dma_wait3A_94] : memref<16384x16xf32, #tpu.memory_space<hbm>> -> memref<128x16xf32, #tpu.memory_space<hbm>>
      tpu.wait_dma2 semaphore(%run_scoped3A : memref<!tpu.dma_semaphore, #tpu.memory_space<semaphore_mem>>) src(%arg13 : memref<128x16xf32, #tpu.memory_space<vmem>>) dst(%dma_wait3A_95 : memref<128x16xf32, #tpu.memory_space<hbm>>)
      tpu.yield
    }) : () -> ()
    return
  }
}

module attributes {stable_mosaic.version = 14 : i64} {
  func.func @_mlp_body(%arg0: i32, %arg1: memref<2048x64xf32, #tpu.memory_space<vmem>>, %arg2: memref<2048x16xf32, #tpu.memory_space<vmem>>, %arg3: memref<2048x1xi32, #tpu.memory_space<vmem>>, %arg4: memref<16x2048xf32, #tpu.memory_space<vmem>>, %arg5: memref<16x24xf32, #tpu.memory_space<vmem>>, %arg6: memref<16x16xf32, #tpu.memory_space<vmem>>, %arg7: memref<1x16xf32, #tpu.memory_space<vmem>>, %arg8: memref<64x128xf32, #tpu.memory_space<vmem>>, %arg9: memref<16x128xf32, #tpu.memory_space<vmem>>, %arg10: memref<16x128xf32, #tpu.memory_space<vmem>>, %arg11: memref<16x128xf32, #tpu.memory_space<vmem>>, %arg12: memref<1x128xf32, #tpu.memory_space<vmem>>, %arg13: memref<64x128xf32, #tpu.memory_space<vmem>>, %arg14: memref<1x64xf32, #tpu.memory_space<vmem>>, %arg15: memref<2048x64xf32, #tpu.memory_space<vmem>>) attributes {dimension_semantics = [#tpu.dimension_semantics<arbitrary>], iteration_bounds = array<i64: 8>, scalar_prefetch = 0 : i64, scratch_operands = 0 : i64, tpu.core_type = #tpu.core_type<tc>, window_params = [{transform_indices = @transform_0, window_bounds = array<i64: 2048, 64>}, {transform_indices = @transform_1, window_bounds = array<i64: 2048, 16>}, {transform_indices = @transform_2, window_bounds = array<i64: 2048, 1>}, {transform_indices = @transform_3, window_bounds = array<i64: 16, 2048>}, {pipeline_mode = #tpu.pipeline_mode<synchronous>, transform_indices = @transform_4, window_bounds = array<i64: 16, 24>}, {pipeline_mode = #tpu.pipeline_mode<synchronous>, transform_indices = @transform_5, window_bounds = array<i64: 16, 16>}, {pipeline_mode = #tpu.pipeline_mode<synchronous>, transform_indices = @transform_6, window_bounds = array<i64: 1, 16>}, {pipeline_mode = #tpu.pipeline_mode<synchronous>, transform_indices = @transform_7, window_bounds = array<i64: 64, 128>}, {pipeline_mode = #tpu.pipeline_mode<synchronous>, transform_indices = @transform_8, window_bounds = array<i64: 16, 128>}, {pipeline_mode = #tpu.pipeline_mode<synchronous>, transform_indices = @transform_9, window_bounds = array<i64: 16, 128>}, {pipeline_mode = #tpu.pipeline_mode<synchronous>, transform_indices = @transform_10, window_bounds = array<i64: 16, 128>}, {pipeline_mode = #tpu.pipeline_mode<synchronous>, transform_indices = @transform_11, window_bounds = array<i64: 1, 128>}, {pipeline_mode = #tpu.pipeline_mode<synchronous>, transform_indices = @transform_12, window_bounds = array<i64: 64, 128>}, {pipeline_mode = #tpu.pipeline_mode<synchronous>, transform_indices = @transform_13, window_bounds = array<i64: 1, 64>}, {transform_indices = @transform_14, window_bounds = array<i64: 2048, 64>}]} {
    %get3A = arith.constant 0 : index
    %get3A_0 = arith.constant 0 : index
    %get3A_1 = vector.load %arg4[%get3A, %get3A_0] : memref<16x2048xf32, #tpu.memory_space<vmem>>, vector<16x2048xf32>
    %get3A_2 = arith.constant 0 : index
    %get3A_3 = arith.constant 0 : index
    %get3A_4 = vector.load %arg6[%get3A_2, %get3A_3] : memref<16x16xf32, #tpu.memory_space<vmem>>, vector<16x16xf32>
    %dot_general3A = arith.constant dense<0.000000e+00> : vector<2048x16xf32>
    %dot_general3A_5 = tpu.matmul %get3A_1, %get3A_4, %dot_general3A {dimension_numbers = #tpu.dot_dimension_numbers<[0], [0], [1], [1], [0, 1, 1, 1], [], []>, transpose_lhs_hint = false} : vector<16x2048xf32>, vector<16x16xf32>, vector<2048x16xf32> -> vector<2048x16xf32>
    %get3A_6 = arith.constant 0 : index
    %get3A_7 = arith.constant 0 : index
    %get3A_8 = vector.load %arg7[%get3A_6, %get3A_7] : memref<1x16xf32, #tpu.memory_space<vmem>>, vector<1x16xf32>
    %add3A = vector.broadcast %get3A_8 : vector<1x16xf32> to vector<2048x16xf32>
    %add3A_9 = arith.addf %dot_general3A_5, %add3A : vector<2048x16xf32>
    %mul3A = arith.constant 5.000000e-01 : f32
    %mul3A_10 = vector.broadcast %mul3A : f32 to vector<2048x16xf32>
    %mul3A_11 = arith.mulf %mul3A_10, %add3A_9 : vector<2048x16xf32>
    %mul3A_12 = arith.constant 0.707106769 : f32
    %mul3A_13 = vector.broadcast %mul3A_12 : f32 to vector<2048x16xf32>
    %mul3A_14 = arith.mulf %add3A_9, %mul3A_13 : vector<2048x16xf32>
    %erf3A = math.erf %mul3A_14 : vector<2048x16xf32>
    %add3A_15 = arith.constant 1.000000e+00 : f32
    %add3A_16 = vector.broadcast %add3A_15 : f32 to vector<2048x16xf32>
    %add3A_17 = arith.addf %add3A_16, %erf3A : vector<2048x16xf32>
    %mul3A_18 = arith.mulf %mul3A_11, %add3A_17 : vector<2048x16xf32>
    %get3A_19 = arith.constant 0 : index
    %get3A_20 = arith.constant 0 : index
    %get3A_21 = vector.load %arg3[%get3A_19, %get3A_20] : memref<2048x1xi32, #tpu.memory_space<vmem>>, vector<2048x1xi32>
    %iota3A = tpu.iota {dimensions = array<i32: 1>} : vector<1x24xi32>
    %eq3A = vector.broadcast %get3A_21 : vector<2048x1xi32> to vector<2048x24xi32>
    %eq3A_22 = vector.broadcast %iota3A : vector<1x24xi32> to vector<2048x24xi32>
    %eq3A_23 = arith.cmpi eq, %eq3A, %eq3A_22 : vector<2048x24xi32>
    %convert_element_type3A = arith.extui %eq3A_23 : vector<2048x24xi1> to vector<2048x24xi32>
    %convert_element_type3A_24 = arith.sitofp %convert_element_type3A : vector<2048x24xi32> to vector<2048x24xf32>
    %get3A_25 = arith.constant 0 : index
    %get3A_26 = arith.constant 0 : index
    %get3A_27 = vector.load %arg5[%get3A_25, %get3A_26] : memref<16x24xf32, #tpu.memory_space<vmem>>, vector<16x24xf32>
    %dot_general3A_28 = arith.constant dense<0.000000e+00> : vector<2048x16xf32>
    %dot_general3A_29 = tpu.matmul %convert_element_type3A_24, %get3A_27, %dot_general3A_28 {dimension_numbers = #tpu.dot_dimension_numbers<[1], [1], [0], [0], [0, 0, 1, 0], [], []>, transpose_lhs_hint = false} : vector<2048x24xf32>, vector<16x24xf32>, vector<2048x16xf32> -> vector<2048x16xf32>
    %get3A_30 = arith.constant 0 : index
    %get3A_31 = arith.constant 0 : index
    %get3A_32 = vector.load %arg1[%get3A_30, %get3A_31] : memref<2048x64xf32, #tpu.memory_space<vmem>>, vector<2048x64xf32>
    %get3A_33 = arith.constant 0 : index
    %get3A_34 = arith.constant 0 : index
    %get3A_35 = vector.load %arg8[%get3A_33, %get3A_34] : memref<64x128xf32, #tpu.memory_space<vmem>>, vector<64x128xf32>
    %dot_general3A_36 = arith.constant dense<0.000000e+00> : vector<2048x128xf32>
    %dot_general3A_37 = tpu.matmul %get3A_32, %get3A_35, %dot_general3A_36 {dimension_numbers = #tpu.dot_dimension_numbers<[1], [0], [0], [1], [0, 0, 1, 1], [], []>, transpose_lhs_hint = false} : vector<2048x64xf32>, vector<64x128xf32>, vector<2048x128xf32> -> vector<2048x128xf32>
    %get3A_38 = arith.constant 0 : index
    %get3A_39 = arith.constant 0 : index
    %get3A_40 = vector.load %arg9[%get3A_38, %get3A_39] : memref<16x128xf32, #tpu.memory_space<vmem>>, vector<16x128xf32>
    %dot_general3A_41 = arith.constant dense<0.000000e+00> : vector<2048x128xf32>
    %dot_general3A_42 = tpu.matmul %dot_general3A_29, %get3A_40, %dot_general3A_41 {dimension_numbers = #tpu.dot_dimension_numbers<[1], [0], [0], [1], [0, 0, 1, 1], [], []>, transpose_lhs_hint = false} : vector<2048x16xf32>, vector<16x128xf32>, vector<2048x128xf32> -> vector<2048x128xf32>
    %add3A_43 = arith.addf %dot_general3A_37, %dot_general3A_42 : vector<2048x128xf32>
    %get3A_44 = arith.constant 0 : index
    %get3A_45 = arith.constant 0 : index
    %get3A_46 = vector.load %arg2[%get3A_44, %get3A_45] : memref<2048x16xf32, #tpu.memory_space<vmem>>, vector<2048x16xf32>
    %get3A_47 = arith.constant 0 : index
    %get3A_48 = arith.constant 0 : index
    %get3A_49 = vector.load %arg10[%get3A_47, %get3A_48] : memref<16x128xf32, #tpu.memory_space<vmem>>, vector<16x128xf32>
    %dot_general3A_50 = arith.constant dense<0.000000e+00> : vector<2048x128xf32>
    %dot_general3A_51 = tpu.matmul %get3A_46, %get3A_49, %dot_general3A_50 {dimension_numbers = #tpu.dot_dimension_numbers<[1], [0], [0], [1], [0, 0, 1, 1], [], []>, transpose_lhs_hint = false} : vector<2048x16xf32>, vector<16x128xf32>, vector<2048x128xf32> -> vector<2048x128xf32>
    %add3A_52 = arith.addf %add3A_43, %dot_general3A_51 : vector<2048x128xf32>
    %get3A_53 = arith.constant 0 : index
    %get3A_54 = arith.constant 0 : index
    %get3A_55 = vector.load %arg11[%get3A_53, %get3A_54] : memref<16x128xf32, #tpu.memory_space<vmem>>, vector<16x128xf32>
    %dot_general3A_56 = arith.constant dense<0.000000e+00> : vector<2048x128xf32>
    %dot_general3A_57 = tpu.matmul %mul3A_18, %get3A_55, %dot_general3A_56 {dimension_numbers = #tpu.dot_dimension_numbers<[1], [0], [0], [1], [0, 0, 1, 1], [], []>, transpose_lhs_hint = false} : vector<2048x16xf32>, vector<16x128xf32>, vector<2048x128xf32> -> vector<2048x128xf32>
    %add3A_58 = arith.addf %add3A_52, %dot_general3A_57 : vector<2048x128xf32>
    %get3A_59 = arith.constant 0 : index
    %get3A_60 = arith.constant 0 : index
    %get3A_61 = vector.load %arg12[%get3A_59, %get3A_60] : memref<1x128xf32, #tpu.memory_space<vmem>>, vector<1x128xf32>
    %add3A_62 = vector.broadcast %get3A_61 : vector<1x128xf32> to vector<2048x128xf32>
    %add3A_63 = arith.addf %add3A_58, %add3A_62 : vector<2048x128xf32>
    %mul3A_64 = arith.constant 5.000000e-01 : f32
    %mul3A_65 = vector.broadcast %mul3A_64 : f32 to vector<2048x128xf32>
    %mul3A_66 = arith.mulf %mul3A_65, %add3A_63 : vector<2048x128xf32>
    %mul3A_67 = arith.constant 0.707106769 : f32
    %mul3A_68 = vector.broadcast %mul3A_67 : f32 to vector<2048x128xf32>
    %mul3A_69 = arith.mulf %add3A_63, %mul3A_68 : vector<2048x128xf32>
    %erf3A_70 = math.erf %mul3A_69 : vector<2048x128xf32>
    %add3A_71 = arith.constant 1.000000e+00 : f32
    %add3A_72 = vector.broadcast %add3A_71 : f32 to vector<2048x128xf32>
    %add3A_73 = arith.addf %add3A_72, %erf3A_70 : vector<2048x128xf32>
    %mul3A_74 = arith.mulf %mul3A_66, %add3A_73 : vector<2048x128xf32>
    %get3A_75 = arith.constant 0 : index
    %get3A_76 = arith.constant 0 : index
    %get3A_77 = vector.load %arg13[%get3A_75, %get3A_76] : memref<64x128xf32, #tpu.memory_space<vmem>>, vector<64x128xf32>
    %dot_general3A_78 = arith.constant dense<0.000000e+00> : vector<2048x64xf32>
    %dot_general3A_79 = tpu.matmul %mul3A_74, %get3A_77, %dot_general3A_78 {dimension_numbers = #tpu.dot_dimension_numbers<[1], [1], [0], [0], [0, 0, 1, 0], [], []>, transpose_lhs_hint = false} : vector<2048x128xf32>, vector<64x128xf32>, vector<2048x64xf32> -> vector<2048x64xf32>
    %get3A_80 = arith.constant 0 : index
    %get3A_81 = arith.constant 0 : index
    %get3A_82 = vector.load %arg14[%get3A_80, %get3A_81] : memref<1x64xf32, #tpu.memory_space<vmem>>, vector<1x64xf32>
    %add3A_83 = vector.broadcast %get3A_82 : vector<1x64xf32> to vector<2048x64xf32>
    %add3A_84 = arith.addf %dot_general3A_79, %add3A_83 : vector<2048x64xf32>
    %swap3A = arith.constant 0 : index
    %swap3A_85 = arith.constant 0 : index
    %swap3A_86 = vector.load %arg15[%swap3A, %swap3A_85] : memref<2048x64xf32, #tpu.memory_space<vmem>>, vector<2048x64xf32>
    tpu.vector_store %arg15[%swap3A, %swap3A_85], %add3A_84 {strides = array<i32>} : memref<2048x64xf32, #tpu.memory_space<vmem>>, vector<2048x64xf32>,
    return
  }
  func.func @transform_0(%arg0: i32) -> (i32, i32) {
    %c0_i32 = arith.constant 0 : i32
    %c0_i32_0 = arith.constant 0 : i32
    return %arg0, %c0_i32 : i32, i32
  }
  func.func @transform_1(%arg0: i32) -> (i32, i32) {
    %c0_i32 = arith.constant 0 : i32
    %c0_i32_0 = arith.constant 0 : i32
    return %arg0, %c0_i32 : i32, i32
  }
  func.func @transform_2(%arg0: i32) -> (i32, i32) {
    %c0_i32 = arith.constant 0 : i32
    %c0_i32_0 = arith.constant 0 : i32
    return %arg0, %c0_i32 : i32, i32
  }
  func.func @transform_3(%arg0: i32) -> (i32, i32) {
    %c0_i32 = arith.constant 0 : i32
    %c0_i32_0 = arith.constant 0 : i32
    return %c0_i32, %arg0 : i32, i32
  }
  func.func @transform_4(%arg0: i32) -> (i32, i32) {
    %c0_i32 = arith.constant 0 : i32
    %c0_i32_0 = arith.constant 0 : i32
    %c0_i32_1 = arith.constant 0 : i32
    return %c0_i32, %c0_i32_0 : i32, i32
  }
  func.func @transform_5(%arg0: i32) -> (i32, i32) {
    %c0_i32 = arith.constant 0 : i32
    %c0_i32_0 = arith.constant 0 : i32
    %c0_i32_1 = arith.constant 0 : i32
    return %c0_i32, %c0_i32_0 : i32, i32
  }
  func.func @transform_6(%arg0: i32) -> (i32, i32) {
    %c0_i32 = arith.constant 0 : i32
    %c0_i32_0 = arith.constant 0 : i32
    %c0_i32_1 = arith.constant 0 : i32
    return %c0_i32, %c0_i32_0 : i32, i32
  }
  func.func @transform_7(%arg0: i32) -> (i32, i32) {
    %c0_i32 = arith.constant 0 : i32
    %c0_i32_0 = arith.constant 0 : i32
    %c0_i32_1 = arith.constant 0 : i32
    return %c0_i32, %c0_i32_0 : i32, i32
  }
  func.func @transform_8(%arg0: i32) -> (i32, i32) {
    %c0_i32 = arith.constant 0 : i32
    %c0_i32_0 = arith.constant 0 : i32
    %c0_i32_1 = arith.constant 0 : i32
    return %c0_i32, %c0_i32_0 : i32, i32
  }
  func.func @transform_9(%arg0: i32) -> (i32, i32) {
    %c0_i32 = arith.constant 0 : i32
    %c0_i32_0 = arith.constant 0 : i32
    %c0_i32_1 = arith.constant 0 : i32
    return %c0_i32, %c0_i32_0 : i32, i32
  }
  func.func @transform_10(%arg0: i32) -> (i32, i32) {
    %c0_i32 = arith.constant 0 : i32
    %c0_i32_0 = arith.constant 0 : i32
    %c0_i32_1 = arith.constant 0 : i32
    return %c0_i32, %c0_i32_0 : i32, i32
  }
  func.func @transform_11(%arg0: i32) -> (i32, i32) {
    %c0_i32 = arith.constant 0 : i32
    %c0_i32_0 = arith.constant 0 : i32
    %c0_i32_1 = arith.constant 0 : i32
    return %c0_i32, %c0_i32_0 : i32, i32
  }
  func.func @transform_12(%arg0: i32) -> (i32, i32) {
    %c0_i32 = arith.constant 0 : i32
    %c0_i32_0 = arith.constant 0 : i32
    %c0_i32_1 = arith.constant 0 : i32
    return %c0_i32, %c0_i32_0 : i32, i32
  }
  func.func @transform_13(%arg0: i32) -> (i32, i32) {
    %c0_i32 = arith.constant 0 : i32
    %c0_i32_0 = arith.constant 0 : i32
    %c0_i32_1 = arith.constant 0 : i32
    return %c0_i32, %c0_i32_0 : i32, i32
  }
  func.func @transform_14(%arg0: i32) -> (i32, i32) {
    %c0_i32 = arith.constant 0 : i32
    %c0_i32_0 = arith.constant 0 : i32
    return %arg0, %c0_i32 : i32, i32
  }
}

</mosaic_0001>

<sc_bundles>
// kernel: kernel.4.cloned.1.call-start
scs
__scs_entry_jumppad:
0x0: {  	(pc) =	sbr.rel $0x88, $3  }
0x1: {  	(tag) =	ssettag $0x0;
	lr =	simm.s32 $0x1  }
0x2: {  	[smem:$0x3F94] =	sst lr;
	_ =	strace $0xD0000000  }
0x3: {  	_ = 	snop  }
0x4: {  	_ = 	snop  }
0x5: {  	_ = 	snop  }
0x6: {  	_ = 	snop  }
0x7: {  	_ = 	snop  }
__scs_overlays_trampoline_lowered:
0x8: {  	[smem:$0x3FA3] =	sst s0  }
0x9: {  	[smem:$0x3FA4] =	sst s1  }
0xa: {  	[smem:$0x3FA5] =	sst s2  }
0xb: {  	[smem:$0x3FA6] =	sst s3  }
0xc: {  	[smem:$0x3FA7] =	sst s4  }
0xd: {  	[smem:$0x3FA8] =	sst s5  }
0xe: {  	[smem:$0x3FA9] =	sst s6  }
0xf: {  	[smem:$0x3FAA] =	sst s7  }
0x10: {  	[smem:$0x3FAB] =	sst s8  }
0x11: {  	[smem:$0x3FAC] =	sst s9;
	s0 =	simm.s32 @!p0 $0x0  }
0x12: {  	s1 =	sld [smem:$0x3F92];
	s0 =	simm.s32 @p0 $0x1  }
0x13: {  	[smem:$0x3FAD] =	sst s0;
	s0 =	simm.s32 @!p1 $0x0  }
0x14: {  	s2 =	sld [smem:$0x3F91];
	s0 =	simm.s32 @p1 $0x1  }
0x15: {  	[smem:$0x3FAE] =	sst s0;
	s0 =	simm.s32 @!p2 $0x0  }
0x16: {  	s3 =	sld [smem:$0x3FDB];
	s0 =	simm.s32 @p2 $0x1  }
0x17: {  	s4 =	simm.s32 $0x1BF5;
	[smem:$0x3FB0] =	sst s0  }
0x18: {  	s0 =	sld [smem:$0x3F93];
	_ =	swait.ge [sflag:s4], $0x0  }
0x19: {  	s7 =	sld [smem:$0x3F94]  }
0x1a: {  	s8 =	sadd.s32 $0xFFFFE003, lr  }
0x1b: {  	s9 =	sadd.s32 $0xFFFFFEF7, lr;
	s5 =	simm.s32 $0xFFFFFFFF;
	p2 =	slt.u32 s8, $0xFFFFF086  }
0x1c: {  	p1 =	slt.u32 s9, $0xF7A;
	s5 =	simm.s32 @!p2 $0x0  }
0x1d: {  	s5 =	simm.s32 @p1 $0x1;
	p0 =	seq.s32 s7, s2  }
0x1e: {  	s7 =	smul.u32 @!p0 $0xF7A, s2;
	p2 =	seq.s32 @!p0 s5, $0x0  }
0x1f: {  	s9 =	smul.u32 $0xF7A, s1;
	s8 =	simm.s32 @!p0 $0x1BF5;
	p2 =	por !p2, p0  }
0x20: {  	[sflag:s8] =	ssyncset.s32 @!p0 $0xFFFFF086;
	s6 =	sadd.s32 @!p0 s3, s7;
	s7 =	simm.s32 @!p0 $0x108  }
0x21: {  	s3 =	sadd.s32 s3, s9;
	s6 =	sadd.s32 @!p0 $0x88, s6;
	s7 =	simm.s32 @p2 $0x1082  }
0x22: {  	[simem:s7], [sflag:s8] =	dma.local @!p0 [hbm:s6], $0xF7A  }
0x23: {  	s9 =	sor.u32 $0xD0000000, s2;
	s6 =	simm.s32 $0x108;
	_ =	swait.ge @!p0 [sflag:s8], $0x0  }
0x24: {  	s3 =	sadd.s32 $0x88, s3;
	s6 =	simm.s32 @!p1 $0x1082;
	[sflag:s4] =	ssyncset.s32 $0xFFFFF086  }
0x25: {  	[simem:s6], [sflag:s4] =	dma.local [hbm:s3], $0xF7A  }
0x26: {  	[smem:$0x3F94] =	sst s1;
	(tag) =	ssettag s2;
	_ =	strace s9  }
0x27: {  	s1 =	sld [smem:$0x3FA4]  }
0x28: {  	s2 =	sld [smem:$0x3FA5]  }
0x29: {  	s4 =	sld [smem:$0x3FA7]  }
0x2a: {  	p0 =	seq.s32 s5, $0x0;
	s5 =	sld [smem:$0x3FA8]  }
0x2b: {  	s6 =	sld [smem:$0x3FA9]  }
0x2c: {  	s7 =	sld [smem:$0x3FAA]  }
0x2d: {  	s3 =	simm.s32 $0x108;
	s8 =	sld [smem:$0x3FAB]  }
0x2e: {  	s3 =	simm.s32 @!p0 $0x1082;
	s9 =	sld [smem:$0x3FAC]  }
0x2f: {  	lr =	sadd.s32 s0, s3;
	s0 =	sld [smem:$0x3FA3]  }
0x30: {  	s3 =	sld [smem:$0x3FA6]  }
0x31: {  	[smem:$0x3FAF] =	sst s10  }
0x32: {  	s10 =	sld [smem:$0x3FAD];
	_ =	sdelay $0x3  }
0x33: {  	p0 =	seq.s32 s10, $0x1;
	s10 =	sld [smem:$0x3FAF];
	_ =	sdelay $0x3  }
0x34: {  	[smem:$0x3FAF] =	sst s10  }
0x35: {  	s10 =	sld [smem:$0x3FAE];
	_ =	sdelay $0x3  }
0x36: {  	p1 =	seq.s32 s10, $0x1;
	s10 =	sld [smem:$0x3FAF];
	_ =	sdelay $0x3  }
0x37: {  	[smem:$0x3FAF] =	sst s10  }
0x38: {  	s10 =	sld [smem:$0x3FB0]  }
0x39: {  	_ = 	snop;
	(pc) =	sbr.ind lr, $3  }
0x3a: {  	_ = 	snop  }
0x3b: {  	_ = 	snop  }
0x3c: {  	p2 =	seq.s32 s10, $0x1;
	s10 =	sld [smem:$0x3FAF]  }
0x3d: {  	_ =	shalt  }
0x3e: {  	_ =	shalt  }
0x3f: {  	_ =	shalt  }
0x40: {  	_ =	shalt  }
0x41: {  	_ =	shalt  }
0x42: {  	_ =	shalt  }
0x43: {  	_ =	shalt  }
0x44: {  	_ =	shalt  }
0x45: {  	_ =	shalt  }
0x46: {  	_ =	shalt  }
0x47: {  	_ =	shalt  }
0x48: {  	_ =	shalt  }
0x49: {  	_ =	shalt  }
0x4a: {  	_ =	shalt  }
0x4b: {  	_ =	shalt  }
0x4c: {  	_ =	shalt  }
0x4d: {  	_ =	shalt  }
0x4e: {  	_ =	shalt  }
0x4f: {  	_ =	shalt  }
0x50: {  	_ =	shalt  }
0x51: {  	_ =	shalt  }
0x52: {  	_ =	shalt  }
0x53: {  	_ =	shalt  }
0x54: {  	_ =	shalt  }
0x55: {  	_ =	shalt  }
0x56: {  	_ =	shalt  }
0x57: {  	_ =	shalt  }
0x58: {  	_ =	shalt  }
0x59: {  	_ =	shalt  }
0x5a: {  	_ =	shalt  }
0x5b: {  	_ =	shalt  }
0x5c: {  	_ =	shalt  }
0x5d: {  	_ =	shalt  }
0x5e: {  	_ =	shalt  }
0x5f: {  	_ =	shalt  }
0x60: {  	_ =	shalt  }
0x61: {  	_ =	shalt  }
0x62: {  	_ =	shalt  }
0x63: {  	_ =	shalt  }
0x64: {  	_ =	shalt  }
0x65: {  	_ =	shalt  }
0x66: {  	_ =	shalt  }
0x67: {  	_ =	shalt  }
0x68: {  	_ =	shalt  }
0x69: {  	_ =	shalt  }
0x6a: {  	_ =	shalt  }
0x6b: {  	_ =	shalt  }
0x6c: {  	_ =	shalt  }
0x6d: {  	_ =	shalt  }
0x6e: {  	_ =	shalt  }
0x6f: {  	_ =	shalt  }
0x70: {  	_ =	shalt  }
0x71: {  	_ =	shalt  }
0x72: {  	_ =	shalt  }
0x73: {  	_ =	shalt  }
0x74: {  	_ =	shalt  }
0x75: {  	_ =	shalt  }
0x76: {  	_ =	shalt  }
0x77: {  	_ =	shalt  }
0x78: {  	_ =	shalt  }
0x79: {  	_ =	shalt  }
0x7a: {  	_ =	shalt  }
0x7b: {  	_ =	shalt  }
0x7c: {  	_ =	shalt  }
0x7d: {  	_ =	shalt  }
0x7e: {  	_ =	shalt  }
0x7f: {  	_ =	shalt  }
0x80: {  	_ =	shalt  }
0x81: {  	_ =	shalt  }
0x82: {  	_ =	shalt  }
0x83: {  	_ =	shalt  }
0x84: {  	_ =	shalt  }
0x85: {  	_ =	shalt  }
0x86: {  	_ =	shalt  }
0x87: {  	_ =	shalt  }
.Lfunc_end0:
.L_simem_size_0:
called_computation_lowered:
.L_overlay_start_0:
0x88: {  	s2 =	sld [smem:$0x3FD9]  }
0x89: {  	s3 =	sld [smem:$0x3FFE];
	_ =	sdelay $0x1  }
0x8a: {  	s1 =	srdreg.scid  }
0x8b: {  	s0 =	sand.u32 $0x1, s1  }
0x8c: {  	s17 =	sshll.u32 s0, $0xA;
	s2 =	sadd.s32 s3, s2  }
0x8d: {  	s2 =	sadd.s32 s2, s17  }
0x8e: {  	[smem:$0x3FBB] =	sst s2  }
0x8f: {  	_ = 	snop  }
0x90: {  	s2 =	sld [smem:$0x3FC9]  }
0x91: {  	s18 =	sld [smem:$0x3FC7]  }
0x92: {  	s4 =	sld [smem:$0x3FD0];
	(tm) =	ssettm $0x1  }
0x93: {  	s5 =	sld [smem:$0x3FFB];
	_ =	sdelay $0x3  }
0x94: {  	_ =	strace s5  }
0x95: {  	s5 =	sld [smem:$0x3FFC];
	_ =	sdelay $0x3  }
0x96: {  	_ =	strace s5  }
0x97: {  	s5 =	sld [smem:$0x3FFD];
	_ =	sdelay $0x3  }
0x98: {  	_ =	strace s5  }
0x99: {  	_ =	strace $0x8FFFFFFF  }
0x9a: {  	s19 =	sld [smem:$0x3FDB];
	_ =	sdelay $0x1  }
0x9b: {  	s6 =	simm.s32 $_scs_section_size  }
0x9c: {  	s7 =	simm.s32 $_size__tile_overlayer_lowered;
	s8 =	simm.s32 $_tile_overlayer_lowered  }
0x9d: {  	s22 =	simm.s32 $0x1BFF;
	s21 =	sshll.u32 s8, $0x1;
	s5 =	sadd.s32 s6, s19  }
0x9e: {  	s9 =	simm.s32 $0x0;
	s20 =	sshll.u32 s7, $0x1;
	s7 =	sadd.s32 s21, s5  }
0x9f: {  	[timem:s9], [sflag:s22] =	dma.local [hbm:s7], s20  }
0xa0: {  	_ =	swait.ge [sflag:s22], s20  }
0xa1: {  	s6 =	ssub.s32 $0x0, s20;
	[sflag:s22] =	ssyncset.done $0x0  }
0xa2: {  	[sflag:s22] =	ssyncadd.s32 s6;
	_ =	sdelay $0x1  }
0xa3: {  	s23 =	simm.s32 $0x1B8B  }
0xa4: {  	_ =	swait.ge [sflag:s23], $0x1  }
0xa5: {  	[sflag:s23] =	ssyncset.done $0x0  }
0xa6: {  	s25 =	simm.s32 $0x1B8E;
	s24 =	sld [smem:$0x3FFE];
	[sflag:s23] =	ssyncadd.s32 $0xFFFFFFFF  }
0xa7: {  	s26 =	simm.s32 $execute0_lowered;
	[smem:$0x3FD2] =	sst s25  }
0xa8: {  	s7 =	sshll.u32 s26, $0x1;
	_ =	strace $0x80000046;
	[dreg:$0x1] =	wrdreg $0xFFFFFFFF  }
0xa9: {  	s28 =	simm.s32 $_size_execute0_lowered;
	s5 =	sadd.s32 s5, s7;
	[dreg:$0x0] =	wrdreg $0x0  }
0xaa: {  	s7 =	sshll.u32 s28, $0x1;
	[dreg:$0x2] =	wrdreg s5  }
0xab: {  	[dreg:$0x3] =	wrdreg s7  }
0xac: {  	[dreg:$0x4] =	wrdreg $0xC0  }
0xad: {  	_ =	task [dreg:s9], $0x5FFFF  }
0xae: {  	[dreg:$0x1] =	wrdreg $0xFFFFFFFF  }
0xaf: {  	[dreg:$0x0] =	wrdreg $0x60  }
0xb0: {  	[dreg:$0x2] =	wrdreg s2  }
0xb1: {  	[dreg:$0x3] =	wrdreg s18  }
0xb2: {  	[dreg:$0x4] =	wrdreg s24  }
0xb3: {  	[dreg:$0x5] =	wrdreg s4  }
0xb4: {  	[dreg:$0x6] =	wrdreg $0x9  }
0xb5: {  	_ =	task.clear_ibuf [dreg:s9], $0x7FFFF;
	_ =	strace $0x90000046  }
0xb6: {  	s29 =	simm.s32 $0x9;
	_ =	strace $0x80000048  }
0xb7: {  	_ =	swait.ge [sflag:s29], $0x1  }
0xb8: {  	[sflag:s29] =	ssyncadd.s32 $0xFFFFFFFF  }
0xb9: {  	_ =	strace $0x90000048  }
0xba: {  	_ =	sfence  }
0xbb: {  	s30 =	sld [smem:$0x0];
	_ =	sdelay $0x2  }
0xbc: {  	s31 =	sshll.u32 s1, $0xD;
	s1 =	sshrl.u32 s1, $0x2  }
0xbd: {  	s3 =	sand.u32 $0x4000, s31;
	s1 =	sadd.s32 s1, s30  }
0xbe: {  	s0 =	sor.u32 s3, s0;
	s1 =	sshll.u32 s1, $0x11  }
0xbf: {  	s0 =	sor.u32 s1, s0  }
0xc0: {  	s0 =	sadd.s32 $0x8F2B, s0  }
0xc1: {  	[sflag:s0] =	ssyncadd.remote.s32 $0x1  }
0xc2: {  	_ =	sfence.sel $0xFFFF  }
0xc3: {  	[dreg:$0x0] =	wrdreg $0xFFFFFFFF;
	(pc) =	sbr.abs _section_cstart, $3  }
0xc4: {  	[dreg:$0x1] =	wrdreg $0xFFFFFFFF  }
0xc5: {  	_ =	task.clear_ibuf [dreg:s9], $0x2FFFF;
	_ =	strace $0x9FFFFFFF  }
0xc6: {  	(tm) =	ssettm $0x7FFFFFFF  }
0xc7: {  	_ =	shalt  }
tec
execute0_lowered:
.L_overlay_start_1:
0x0: {  	(tag) =	ssettag $0x1  }
0x1: {  	s0 =	rddreg [dreg:$0x0]  }
0x2: {  	s2 =	rddreg [dreg:$0x1]  }
0x3: {  	s5 =	rddreg [dreg:$0x2];
	s4 =	srdreg.scid  }
0x4: {  	s20 =	rddreg [dreg:$0x3];
	s1 =	stileid.u32;
	s6 =	sand.u32 $0x1, s4  }
0x5: {  	s3 =	simm.s32 $0x0;
	s7 =	sshll.u32 s1, $0xA;
	s8 =	sshll.u32 s6, $0x9  }
0x6: {  	[smem:$0x7FF] =	sst s3;
	s4 =	sadd.s32 $0x2000, s5;
	s7 =	sor.u32 s8, s7  }
0x7: {  	s9 =	sadd.s32 $0xF44400, s5;
	s5 =	sadd.s32 $0xF84400, s5;
	s10 =	sshrl.u32 s7, $0x3  }
0x8: {  	_ =	strace $0x80000047;
	s6 =	ssub.s32 $0x2, s6;
	s0 =	sadd.s32 s0, s10  }
0x9: {  	s19 =	sshll.u32 s7, $0x4;
	s21 =	sadd.s32 s2, s10;
	[smem:$0x7F3] =	sst s0  }
0xa: {  	s18 =	sshrl.u32 s6, $0x1;
	s22 =	sadd.s32 s9, s19;
	[smem:$0x7F4] =	sst s21  }
0xb: {  	s6 =	ssub.s32 s6, s18;
	s24 =	sadd.s32 s5, s19;
	[smem:$0x7F5] =	sst s22  }
0xc: {  	s23 =	sor.u32 $0x800, s19;
	s31 =	smax.u32 s6, $0x1;
	[smem:$0x7F6] =	sst s24  }
0xd: {  	s25 =	sadd.s32 s9, s23;
	[smem:$0x7FD] =	sst s31  }
0xe: {  	s7 =	sor.u32 $0x1000, s19;
	s26 =	sadd.s32 s5, s23;
	[smem:$0x7F7] =	sst s25  }
0xf: {  	s28 =	sadd.s32 s9, s7;
	[smem:$0x7F8] =	sst s26  }
0x10: {  	s0 =	sor.u32 $0x1800, s19;
	s29 =	sadd.s32 s5, s7;
	[smem:$0x7F9] =	sst s28  }
0x11: {  	[smem:$0x7FA] =	sst s29;
	s30 =	sadd.s32 s9, s0  }
0x12: {  	s0 =	sadd.s32 s5, s0;
	[smem:$0x7FB] =	sst s30  }
0x13: {  	s1 =	simm.s32 $0x0;
	s2 =	simm.s32 $0x3;
	[smem:$0x7FC] =	sst s0  }
.LBB2_1:
0x14: {  	s0 =	sld [smem:$0x7F3];
	_ =	sdelay $0x1  }
0x15: {  	[smem:$0x7F2] =	sst s1  }
0x16: {  	[tilespmem:s3], [sflag:$0x3] =	stream.linear.gather [hbm4b:s0+s3], $0x200, $0x38;
	[tilespmem:$0x10400] =	vst v63  }
0x17: {  	_ =	swait.ge [sflag:s2], $0x200  }
0x18: {  	s25 =	sld [smem:$0x7F4]  }
0x19: {  	[sflag:s2] =	ssyncset.done $0x0  }
0x1a: {  	s24 =	simm.s32 $0x200;
	[sflag:s2] =	ssyncadd.s32 $0xFFFFFE00  }
0x1b: {  	[tilespmem:s24], [sflag:$0x3] =	stream.linear.gather [hbm4b:s25+s3], $0x200, $0x38;
	[tilespmem:$0x10400] =	vst v63  }
0x1c: {  	_ =	swait.ge [sflag:s2], $0x200  }
0x1d: {  	[sflag:s2] =	ssyncset.done $0x0  }
0x1e: {  	[sflag:s2] =	ssyncadd.s32 $0xFFFFFE00  }
0x1f: {  	v0 =	vld [tilespmem:s3+$0x0]  }
0x20: {  	v1 =	vld [tilespmem:s24+$0x0];
	_ =	sdelay $0x3  }
0x21: {  	v0 =	vshll.u32 v0, $0x4  }
0x22: {  	v1 =	vshll.u32 v1, $0x4;
	(v2sf) =	vpush v0, $0x0  }
0x23: {  	(v2sf) =	vpush v1, $0x0  }
0x24: {  	(v2sf) =	vpush v0, $0x1;
	_ =	sdelay $0x1  }
0x25: {  	(v2sf) =	vpush v1, $0x1  }
0x26: {  	(v2sf) =	vpush v0, $0x2;
	_ =	sdelay $0x1  }
0x27: {  	(v2sf) =	vpush v1, $0x2;
	_ =	sdelay $0x1  }
0x28: {  	(v2sf) =	vpush v0, $0x3  }
0x29: {  	s5 =	simm.s32 $0x4400;
	s7 =	simm.s32 $0x680  }
0x2a: {  	s6 =	simm.s32 $0x400;
	s8 =	simm.s32 $0x600;
	s10 =	simm.s32 $0x580  }
0x2b: {  	s11 =	simm.s32 $0x4580;
	s1 =	simm.s32 $0x4A00;
	s13 =	simm.s32 $0x480  }
0x2c: {  	s16 =	simm.s32 $0x4480;
	s18 =	simm.s32 $0x500;
	s22 =	simm.s32 $0x4500  }
0x2d: {  	s31 =	simm.s32 $0x10;
	s30 =	simm.s32 $0x0;
	s0 =	simm.s32 $0x4900  }
0x2e: {  	s25 =	simm.s32 $0x2000;
	s2 =	simm.s32 $0x880;
	s9 =	spop (v2sf);
	(v2sf) =	vpush v1, $0x3  }
0x2f: {  	s24 =	simm.s32 $0x0;
	s9 =	sand.u32 $0x1FFFFFF0, s9;
	s12 =	spop (v2sf)  }
0x30: {  	(v2sf) =	vpush v0, $0x4;
	s9 =	sadd.s32 s4, s9;
	s26 =	sand.u32 $0x1FFFFFF0, s12;
	s28 =	spop (v2sf)  }
0x31: {  	(v2sf) =	vpush v1, $0x4;
	[tilespmem:s6], [sflag:$0x1] =	stream.linear.gather [hbm4b:s9+s3], $0x80, $0x38;
	[tilespmem:$0x10400] =	vst v63  }
0x32: {  	s6 =	sadd.s32 s20, s26;
	s9 =	sand.u32 $0x1FFFFFF0, s28;
	s29 =	spop (v2sf)  }
0x33: {  	(v2sf) =	vpush v0, $0x5;
	s28 =	simm.s32 $0x4600;
	s15 =	sand.u32 $0x1FFFFFF0, s29;
	s17 =	spop (v2sf)  }
0x34: {  	(v2sf) =	vpush v1, $0x5;
	[tilespmem:s5], [sflag:$0x1] =	stream.linear.gather [hbm4b:s6+s3], $0x80, $0x38;
	[tilespmem:$0x10400] =	vst v63  }
0x35: {  	s14 =	sadd.s32 s4, s9;
	s9 =	sadd.s32 s20, s15;
	s19 =	spop (v2sf)  }
0x36: {  	(v2sf) =	vpush v0, $0x6;
	[tilespmem:s13], [sflag:$0x1] =	stream.linear.gather [hbm4b:s14+s3], $0x80, $0x38;
	[tilespmem:$0x10400] =	vst v63  }
0x37: {  	s6 =	sand.u32 $0x1FFFFFF0, s17;
	s5 =	simm.s32 $0x4980;
	s21 =	spop (v2sf)  }
0x38: {  	[tilespmem:s16], [sflag:$0x1] =	stream.linear.gather [hbm4b:s9+s3], $0x80, $0x38;
	[tilespmem:$0x10400] =	vst v63  }
0x39: {  	s6 =	sadd.s32 s4, s6;
	s26 =	sand.u32 $0x1FFFFFF0, s21;
	s9 =	sand.u32 $0x1FFFFFF0, s19  }
0x3a: {  	(v2sf) =	vpush v1, $0x6;
	[tilespmem:s18], [sflag:$0x1] =	stream.linear.gather [hbm4b:s6+s3], $0x80, $0x38;
	[tilespmem:$0x10400] =	vst v63  }
0x3b: {  	s14 =	simm.s32 $0x4680;
	s16 =	simm.s32 $0x700;
	s23 =	sadd.s32 s20, s9  }
0x3c: {  	[tilespmem:s22], [sflag:$0x1] =	stream.linear.gather [hbm4b:s23+s3], $0x80, $0x38;
	[tilespmem:$0x10400] =	vst v63  }
0x3d: {  	s9 =	sadd.s32 s4, s26;
	s6 =	simm.s32 $0xA80;
	s29 =	spop (v2sf)  }
0x3e: {  	(v2sf) =	vpush v0, $0x7;
	[tilespmem:s10], [sflag:$0x1] =	stream.linear.gather [hbm4b:s9+s3], $0x80, $0x38;
	[tilespmem:$0x10400] =	vst v63  }
0x3f: {  	s23 =	simm.s32 $0x4700;
	s10 =	sand.u32 $0x1FFFFFF0, s29;
	s12 =	spop (v2sf)  }
0x40: {  	(v2sf) =	vpush v1, $0x7;
	s9 =	sadd.s32 s20, s10;
	s10 =	sand.u32 $0x1FFFFFF0, s12;
	s13 =	spop (v2sf)  }
0x41: {  	(v2sf) =	vpush v0, $0x8;
	[tilespmem:s11], [sflag:$0x1] =	stream.linear.gather [hbm4b:s9+s3], $0x80, $0x38;
	[tilespmem:$0x10400] =	vst v63  }
0x42: {  	s12 =	simm.s32 $0x780;
	s10 =	sadd.s32 s4, s10;
	s17 =	spop (v2sf)  }
0x43: {  	s15 =	sand.u32 $0x1FFFFFF0, s13;
	(v2sf) =	vpush v1, $0x8;
	s13 =	simm.s32 $0x4A80;
	s18 =	spop (v2sf)  }
0x44: {  	[tilespmem:s8], [sflag:$0x1] =	stream.linear.gather [hbm4b:s10+s3], $0x80, $0x38;
	[tilespmem:$0x10400] =	vst v63  }
0x45: {  	s11 =	sadd.s32 s20, s15;
	(v2sf) =	vpush v0, $0x9;
	s10 =	sand.u32 $0x1FFFFFF0, s17;
	s19 =	spop (v2sf)  }
0x46: {  	[tilespmem:s28], [sflag:$0x1] =	stream.linear.gather [hbm4b:s11+s3], $0x80, $0x38;
	[tilespmem:$0x10400] =	vst v63  }
0x47: {  	(v2sf) =	vpush v1, $0x9;
	s8 =	simm.s32 $0x4880;
	s10 =	sadd.s32 s4, s10;
	s11 =	sand.u32 $0x1FFFFFF0, s18  }
0x48: {  	[tilespmem:s7], [sflag:$0x1] =	stream.linear.gather [hbm4b:s10+s3], $0x80, $0x38;
	[tilespmem:$0x10400] =	vst v63  }
0x49: {  	s22 =	sand.u32 $0x1FFFFFF0, s19;
	s26 =	spop (v2sf);
	(v2sf) =	vpush v0, $0xA;
	s21 =	sadd.s32 s20, s11  }
0x4a: {  	[tilespmem:s14], [sflag:$0x1] =	stream.linear.gather [hbm4b:s21+s3], $0x80, $0x38;
	[tilespmem:$0x10400] =	vst v63  }
0x4b: {  	s9 =	sand.u32 $0x1FFFFFF0, s26;
	s18 =	simm.s32 $0x800;
	s10 =	sadd.s32 s4, s22  }
0x4c: {  	(v2sf) =	vpush v1, $0xA;
	[tilespmem:s16], [sflag:$0x1] =	stream.linear.gather [hbm4b:s10+s3], $0x80, $0x38;
	[tilespmem:$0x10400] =	vst v63  }
0x4d: {  	s9 =	sadd.s32 s20, s9;
	s22 =	simm.s32 $0x4800;
	s28 =	spop (v2sf)  }
0x4e: {  	(v2sf) =	vpush v0, $0xB;
	[tilespmem:s23], [sflag:$0x1] =	stream.linear.gather [hbm4b:s9+s3], $0x80, $0x38;
	[tilespmem:$0x10400] =	vst v63  }
0x4f: {  	s16 =	simm.s32 $0x4780;
	s10 =	sand.u32 $0x1FFFFFF0, s28;
	s29 =	spop (v2sf)  }
0x50: {  	(v2sf) =	vpush v1, $0xB;
	s14 =	sadd.s32 s4, s10;
	s15 =	sand.u32 $0x1FFFFFF0, s29;
	s17 =	spop (v2sf)  }
0x51: {  	[tilespmem:s12], [sflag:$0x1] =	stream.linear.gather [hbm4b:s14+s3], $0x80, $0x38;
	[tilespmem:$0x10400] =	vst v63  }
0x52: {  	s10 =	sadd.s32 s20, s15;
	s9 =	sand.u32 $0x1FFFFFF0, s17;
	s19 =	spop (v2sf)  }
0x53: {  	[tilespmem:s16], [sflag:$0x1] =	stream.linear.gather [hbm4b:s10+s3], $0x80, $0x38;
	[tilespmem:$0x10400] =	vst v63  }
0x54: {  	(v2sf) =	vpush v0, $0xC;
	s9 =	sadd.s32 s4, s9;
	s21 =	spop (v2sf);
	s10 =	sand.u32 $0x1FFFFFF0, s19  }
0x55: {  	[tilespmem:s18], [sflag:$0x1] =	stream.linear.gather [hbm4b:s9+s3], $0x80, $0x38;
	[tilespmem:$0x10400] =	vst v63  }
0x56: {  	(v2sf) =	vpush v1, $0xC;
	s26 =	sand.u32 $0x1FFFFFF0, s21;
	s29 =	spop (v2sf);
	s23 =	sadd.s32 s20, s10  }
0x57: {  	[tilespmem:s22], [sflag:$0x1] =	stream.linear.gather [hbm4b:s23+s3], $0x80, $0x38;
	[tilespmem:$0x10400] =	vst v63  }
0x58: {  	s28 =	simm.s32 $0x900;
	s10 =	sadd.s32 s4, s26;
	s11 =	spop (v2sf)  }
0x59: {  	[tilespmem:s2], [sflag:$0x1] =	stream.linear.gather [hbm4b:s10+s3], $0x80, $0x38;
	[tilespmem:$0x10400] =	vst v63  }
0x5a: {  	s18 =	simm.s32 $0xA00;
	s9 =	sand.u32 $0x1FFFFFF0, s11;
	s10 =	sand.u32 $0x1FFFFFF0, s29  }
0x5b: {  	s12 =	spop (v2sf);
	s11 =	simm.s32 $0x4B00;
	s2 =	sadd.s32 s20, s10  }
0x5c: {  	[tilespmem:s8], [sflag:$0x1] =	stream.linear.gather [hbm4b:s2+s3], $0x80, $0x38;
	[tilespmem:$0x10400] =	vst v63  }
0x5d: {  	s14 =	sadd.s32 s4, s9;
	s15 =	sand.u32 $0x1FFFFFF0, s12;
	s16 =	spop (v2sf)  }
0x5e: {  	[tilespmem:s28], [sflag:$0x1] =	stream.linear.gather [hbm4b:s14+s3], $0x80, $0x38;
	[tilespmem:$0x10400] =	vst v63  }
0x5f: {  	s17 =	sadd.s32 s20, s15;
	s19 =	sand.u32 $0x1FFFFFF0, s16;
	s21 =	spop (v2sf)  }
0x60: {  	(v2sf) =	vpush v0, $0xD;
	[tilespmem:s0], [sflag:$0x1] =	stream.linear.gather [hbm4b:s17+s3], $0x80, $0x38;
	[tilespmem:$0x10400] =	vst v63  }
0x61: {  	s22 =	simm.s32 $0x980;
	(v2sf) =	vpush v1, $0xD;
	s23 =	sadd.s32 s4, s19;
	s26 =	sand.u32 $0x1FFFFFF0, s21  }
0x62: {  	(v2sf) =	vpush v0, $0xE;
	[tilespmem:s22], [sflag:$0x1] =	stream.linear.gather [hbm4b:s23+s3], $0x80, $0x38;
	[tilespmem:$0x10400] =	vst v63  }
0x63: {  	s0 =	simm.s32 $0x210;
	s28 =	sadd.s32 s20, s26;
	(v2sf) =	vpush v1, $0xE;
	s29 =	spop (v2sf)  }
0x64: {  	(v2sf) =	vpush v0, $0xF;
	[tilespmem:s5], [sflag:$0x1] =	stream.linear.gather [hbm4b:s28+s3], $0x80, $0x38;
	[tilespmem:$0x10400] =	vst v63  }
0x65: {  	s19 =	simm.s32 $0xB00;
	s7 =	spop (v2sf);
	(v2sf) =	vpush v1, $0xF;
	s5 =	sand.u32 $0x1FFFFFF0, s29  }
.LBB2_2:
0x66: {  	_ =	sdelay $0x4  }
0x67: {  	s5 =	sadd.s32 s4, s5;
	s7 =	sand.u32 $0x1FFFFFF0, s7  }
0x68: {  	[tilespmem:s18], [sflag:$0x1] =	stream.linear.gather [hbm4b:s5+s30], $0x80, $0x38;
	[tilespmem:$0x10400] =	vst v63  }
0x69: {  	s9 =	sadd.s32 s20, s7  }
0x6a: {  	[tilespmem:s1], [sflag:$0x1] =	stream.linear.gather [hbm4b:s9+s30], $0x80, $0x38;
	[tilespmem:$0x10400] =	vst v63  }
0x6b: {  	s8 =	spop (v2sf)  }
0x6c: {  	s10 =	sand.u32 $0x1FFFFFF0, s8;
	s12 =	spop (v2sf)  }
0x6d: {  	s14 =	sadd.s32 s4, s10;
	s15 =	sand.u32 $0x1FFFFFF0, s12;
	s16 =	spop (v2sf)  }
0x6e: {  	[tilespmem:s6], [sflag:$0x1] =	stream.linear.gather [hbm4b:s14+s30], $0x80, $0x38;
	[tilespmem:$0x10400] =	vst v63  }
0x6f: {  	s17 =	sadd.s32 s20, s15;
	s18 =	sand.u32 $0x1FFFFFF0, s16;
	s21 =	spop (v2sf)  }
0x70: {  	[tilespmem:s13], [sflag:$0x1] =	stream.linear.gather [hbm4b:s17+s30], $0x80, $0x38;
	[tilespmem:$0x10400] =	vst v63  }
0x71: {  	s22 =	sadd.s32 s4, s18;
	s23 =	sand.u32 $0x1FFFFFF0, s21;
	s26 =	spop (v2sf)  }
0x72: {  	[tilespmem:s19], [sflag:$0x1] =	stream.linear.gather [hbm4b:s22+s30], $0x80, $0x38;
	[tilespmem:$0x10400] =	vst v63  }
0x73: {  	s28 =	sadd.s32 s20, s23;
	s29 =	sand.u32 $0x1FFFFFF0, s26;
	s1 =	spop (v2sf)  }
0x74: {  	[tilespmem:s11], [sflag:$0x1] =	stream.linear.gather [hbm4b:s28+s30], $0x80, $0x38;
	[tilespmem:$0x10400] =	vst v63  }
0x75: {  	s2 =	sadd.s32 $0xB80, s24;
	s6 =	sadd.s32 s4, s29;
	s7 =	sand.u32 $0x1FFFFFF0, s1  }
0x76: {  	[tilespmem:s2], [sflag:$0x1] =	stream.linear.gather [hbm4b:s6+s30], $0x80, $0x38;
	[tilespmem:$0x10400] =	vst v63  }
0x77: {  	s8 =	sadd.s32 $0x4B80, s24;
	s9 =	sadd.s32 s20, s7  }
0x78: {  	[tilespmem:s8], [sflag:$0x1] =	stream.linear.gather [hbm4b:s9+s30], $0x80, $0x38;
	[tilespmem:$0x10400] =	vst v63  }
0x79: {  	v0 =	vld [tilespmem:s31+$0x0]  }
0x7a: {  	v2 =	vld [tilespmem:s0+$0x0];
	_ =	sdelay $0x3  }
0x7b: {  	s10 =	smov.u32 s25;
	v1 =	vshll.u32 v0, $0x4  }
0x7c: {  	s24 =	sshra.s32 s10, $0x2;
	v63 =	vshll.u32 v2, $0x4;
	(v2sf) =	vpush v1, $0x0  }
0x7d: {  	p0 =	sne.s32 s25, $0xE000;
	s25 =	sadd.s32 $0x2000, s25;
	s5 =	sadd.s32 $0x4400, s24;
	(v2sf) =	vpush v63, $0x0  }
0x7e: {  	s12 =	sadd.s32 $0x880, s24;
	s16 =	sadd.s32 $0x4580, s24;
	s14 =	sadd.s32 $0x4A00, s24;
	(v2sf) =	vpush v1, $0x1  }
0x7f: {  	s15 =	sadd.s32 $0xA80, s24;
	s21 =	sadd.s32 $0x4500, s24;
	s18 =	sadd.s32 $0x4980, s24  }
0x80: {  	[dreg:$0xf] =	wrdreg s12;
	s17 =	sadd.s32 $0x600, s24;
	s13 =	sadd.s32 $0x4900, s24;
	(v2sf) =	vpush v63, $0x1  }
0x81: {  	s26 =	sadd.s32 $0x580, s24;
	[dreg:$0x1d] =	wrdreg s14;
	s23 =	sadd.s32 $0x4600, s24  }
0x82: {  	[dreg:$0x6] =	wrdreg s15;
	s15 =	sadd.s32 $0x4680, s24;
	s14 =	sadd.s32 $0x700, s24;
	(v2sf) =	vpush v1, $0x2  }
0x83: {  	[dreg:$0xb] =	wrdreg s18;
	s18 =	sadd.s32 $0xA00, s24;
	s12 =	sadd.s32 $0x4780, s24  }
0x84: {  	[dreg:$0x7] =	wrdreg s13;
	s1 =	sadd.s32 $0x4A80, s24;
	s13 =	sadd.s32 $0x4700, s24;
	(v2sf) =	vpush v63, $0x2  }
0x85: {  	s29 =	sadd.s32 $0x4800, s24;
	s22 =	sadd.s32 $0x500, s24;
	s19 =	sadd.s32 $0x900, s24  }
0x86: {  	s7 =	sadd.s32 $0x780, s24;
	[dreg:$0x1e] =	wrdreg s29;
	s29 =	sadd.s32 $0x480, s24;
	(v2sf) =	vpush v1, $0x3  }
0x87: {  	[dreg:$0x13] =	wrdreg s19;
	s19 =	sadd.s32 $0xB00, s24;
	s11 =	sadd.s32 $0x680, s24  }
0x88: {  	s28 =	sadd.s32 $0x4480, s24;
	[smem:$0x7F0] =	sst s11;
	s2 =	sadd.s32 $0x4880, s24;
	(v2sf) =	vpush v63, $0x3  }
0x89: {  	s11 =	sadd.s32 $0x4B00, s24;
	[dreg:$0x17] =	wrdreg s2;
	s8 =	sadd.s32 $0x800, s24  }
0x8a: {  	s6 =	sadd.s32 $0x400, s24;
	s30 =	simm.s32 $0x0;
	[smem:$0x7F1] =	sst s8;
	(v2sf) =	vpush v1, $0x4  }
0x8b: {  	s31 =	sadd.s32 $0x10, s31;
	s0 =	sadd.s32 $0x10, s0;
	s9 =	spop (v2sf)  }
0x8c: {  	s8 =	sadd.s32 $0x980, s24;
	s10 =	sand.u32 $0x1FFFFFF0, s9;
	s9 =	spop (v2sf);
	(v2sf) =	vpush v63, $0x4  }
0x8d: {  	s2 =	sadd.s32 s4, s10;
	s9 =	sand.u32 $0x1FFFFFF0, s9;
	s10 =	spop (v2sf)  }
0x8e: {  	(v2sf) =	vpush v1, $0x5;
	[tilespmem:s6], [sflag:$0x1] =	stream.linear.gather [hbm4b:s2+s30], $0x80, $0x38;
	[tilespmem:$0x10400] =	vst v63  }
0x8f: {  	s6 =	sadd.s32 s20, s9;
	s9 =	sand.u32 $0x1FFFFFF0, s10;
	s10 =	spop (v2sf);
	(v2sf) =	vpush v63, $0x5  }
0x90: {  	[tilespmem:s5], [sflag:$0x1] =	stream.linear.gather [hbm4b:s6+s30], $0x80, $0x38;
	[tilespmem:$0x10400] =	vst v63  }
0x91: {  	s6 =	sadd.s32 s4, s9;
	s9 =	sand.u32 $0x1FFFFFF0, s10;
	s10 =	spop (v2sf);
	(v2sf) =	vpush v1, $0x6  }
0x92: {  	[tilespmem:s29], [sflag:$0x1] =	stream.linear.gather [hbm4b:s6+s30], $0x80, $0x38;
	[tilespmem:$0x10400] =	vst v63  }
0x93: {  	s5 =	sadd.s32 s20, s9;
	s9 =	spop (v2sf);
	(v2sf) =	vpush v63, $0x6;
	s6 =	sand.u32 $0x1FFFFFF0, s10  }
0x94: {  	[tilespmem:s28], [sflag:$0x1] =	stream.linear.gather [hbm4b:s5+s30], $0x80, $0x38;
	[tilespmem:$0x10400] =	vst v63  }
0x95: {  	s29 =	spop (v2sf);
	(v2sf) =	vpush v1, $0x7;
	s10 =	sadd.s32 s4, s6;
	s28 =	sand.u32 $0x1FFFFFF0, s9  }
0x96: {  	[tilespmem:s22], [sflag:$0x1] =	stream.linear.gather [hbm4b:s10+s30], $0x80, $0x38;
	[tilespmem:$0x10400] =	vst v63  }
0x97: {  	s9 =	sand.u32 $0x1FFFFFF0, s29;
	s5 =	sadd.s32 s20, s28;
	s10 =	spop (v2sf)  }
0x98: {  	[tilespmem:s21], [sflag:$0x1] =	stream.linear.gather [hbm4b:s5+s30], $0x80, $0x38;
	[tilespmem:$0x10400] =	vst v63  }
0x99: {  	(v2sf) =	vpush v63, $0x7;
	s22 =	sadd.s32 s4, s9;
	s28 =	sand.u32 $0x1FFFFFF0, s10;
	s29 =	spop (v2sf)  }
0x9a: {  	[tilespmem:s26], [sflag:$0x1] =	stream.linear.gather [hbm4b:s22+s30], $0x80, $0x38;
	[tilespmem:$0x10400] =	vst v63  }
0x9b: {  	s6 =	rddreg [dreg:$0x6];
	(v2sf) =	vpush v1, $0x8;
	s5 =	sadd.s32 s20, s28;
	s10 =	spop (v2sf)  }
0x9c: {  	[tilespmem:s16], [sflag:$0x1] =	stream.linear.gather [hbm4b:s5+s30], $0x80, $0x38;
	[tilespmem:$0x10400] =	vst v63  }
0x9d: {  	s9 =	sand.u32 $0x1FFFFFF0, s29;
	s21 =	sand.u32 $0x1FFFFFF0, s10;
	s22 =	spop (v2sf)  }
0x9e: {  	(v2sf) =	vpush v63, $0x8;
	s16 =	sadd.s32 s4, s9;
	s26 =	sadd.s32 s20, s21;
	s29 =	spop (v2sf)  }
0x9f: {  	(v2sf) =	vpush v1, $0x9;
	[tilespmem:s17], [sflag:$0x1] =	stream.linear.gather [hbm4b:s16+s30], $0x80, $0x38;
	[tilespmem:$0x10400] =	vst v63  }
0xa0: {  	s28 =	sand.u32 $0x1FFFFFF0, s22;
	s17 =	sld [smem:$0x7F0];
	s16 =	spop (v2sf)  }
0xa1: {  	[tilespmem:s23], [sflag:$0x1] =	stream.linear.gather [hbm4b:s26+s30], $0x80, $0x38;
	[tilespmem:$0x10400] =	vst v63  }
0xa2: {  	s9 =	sadd.s32 s4, s28;
	s10 =	sand.u32 $0x1FFFFFF0, s29;
	s23 =	spop (v2sf)  }
0xa3: {  	(v2sf) =	vpush v63, $0x9;
	[tilespmem:s17], [sflag:$0x1] =	stream.linear.gather [hbm4b:s9+s30], $0x80, $0x38;
	[tilespmem:$0x10400] =	vst v63  }
0xa4: {  	s21 =	sadd.s32 s20, s10;
	s22 =	sand.u32 $0x1FFFFFF0, s16;
	s29 =	spop (v2sf)  }
0xa5: {  	(v2sf) =	vpush v1, $0xA;
	[tilespmem:s15], [sflag:$0x1] =	stream.linear.gather [hbm4b:s21+s30], $0x80, $0x38;
	[tilespmem:$0x10400] =	vst v63  }
0xa6: {  	s26 =	sadd.s32 s4, s22;
	s28 =	sand.u32 $0x1FFFFFF0, s23;
	s10 =	sand.u32 $0x1FFFFFF0, s29  }
0xa7: {  	(v2sf) =	vpush v63, $0xA;
	[tilespmem:s14], [sflag:$0x1] =	stream.linear.gather [hbm4b:s26+s30], $0x80, $0x38;
	[tilespmem:$0x10400] =	vst v63  }
0xa8: {  	s9 =	sadd.s32 s20, s28;
	s15 =	sadd.s32 s4, s10;
	s14 =	spop (v2sf)  }
0xa9: {  	(v2sf) =	vpush v1, $0xB;
	[tilespmem:s13], [sflag:$0x1] =	stream.linear.gather [hbm4b:s9+s30], $0x80, $0x38;
	[tilespmem:$0x10400] =	vst v63  }
0xaa: {  	s16 =	sand.u32 $0x1FFFFFF0, s14;
	s17 =	spop (v2sf);
	s13 =	smov.u32 s1  }
0xab: {  	s1 =	rddreg [dreg:$0x1d];
	s21 =	sadd.s32 s20, s16;
	s22 =	sand.u32 $0x1FFFFFF0, s17  }
0xac: {  	[tilespmem:s7], [sflag:$0x1] =	stream.linear.gather [hbm4b:s15+s30], $0x80, $0x38;
	[tilespmem:$0x10400] =	vst v63  }
0xad: {  	(v2sf) =	vpush v63, $0xB;
	s9 =	sld [smem:$0x7F1];
	s26 =	sadd.s32 s4, s22;
	s23 =	spop (v2sf)  }
0xae: {  	(v2sf) =	vpush v1, $0xC;
	s22 =	rddreg [dreg:$0xf];
	s28 =	sand.u32 $0x1FFFFFF0, s23;
	s29 =	spop (v2sf)  }
0xaf: {  	[tilespmem:s12], [sflag:$0x1] =	stream.linear.gather [hbm4b:s21+s30], $0x80, $0x38;
	[tilespmem:$0x10400] =	vst v63  }
0xb0: {  	(v2sf) =	vpush v63, $0xC;
	s15 =	rddreg [dreg:$0x1e];
	s10 =	sadd.s32 s20, s28;
	s12 =	sand.u32 $0x1FFFFFF0, s29  }
0xb1: {  	[tilespmem:s9], [sflag:$0x1] =	stream.linear.gather [hbm4b:s26+s30], $0x80, $0x38;
	[tilespmem:$0x10400] =	vst v63  }
0xb2: {  	s14 =	spop (v2sf);
	s29 =	rddreg [dreg:$0x17];
	s16 =	sadd.s32 s4, s12  }
0xb3: {  	[tilespmem:s15], [sflag:$0x1] =	stream.linear.gather [hbm4b:s10+s30], $0x80, $0x38;
	[tilespmem:$0x10400] =	vst v63  }
0xb4: {  	s17 =	sand.u32 $0x1FFFFFF0, s14;
	s14 =	rddreg [dreg:$0x13];
	s21 =	spop (v2sf)  }
0xb5: {  	[tilespmem:s22], [sflag:$0x1] =	stream.linear.gather [hbm4b:s16+s30], $0x80, $0x38;
	[tilespmem:$0x10400] =	vst v63  }
0xb6: {  	s23 =	sadd.s32 s20, s17;
	s26 =	sand.u32 $0x1FFFFFF0, s21;
	s28 =	spop (v2sf)  }
0xb7: {  	[tilespmem:s29], [sflag:$0x1] =	stream.linear.gather [hbm4b:s23+s30], $0x80, $0x38;
	[tilespmem:$0x10400] =	vst v63  }
0xb8: {  	s9 =	sadd.s32 s4, s26;
	s10 =	sand.u32 $0x1FFFFFF0, s28;
	s12 =	spop (v2sf)  }
0xb9: {  	[tilespmem:s14], [sflag:$0x1] =	stream.linear.gather [hbm4b:s9+s30], $0x80, $0x38;
	[tilespmem:$0x10400] =	vst v63  }
0xba: {  	s21 =	rddreg [dreg:$0x7];
	s15 =	sadd.s32 s20, s10;
	s16 =	sand.u32 $0x1FFFFFF0, s12  }
0xbb: {  	(v2sf) =	vpush v1, $0xD;
	[tilespmem:s21], [sflag:$0x1] =	stream.linear.gather [hbm4b:s15+s30], $0x80, $0x38;
	[tilespmem:$0x10400] =	vst v63  }
.Ltmp0:
0xbc: {  	(v2sf) =	vpush v63, $0xD;
	s22 =	sadd.s32 s4, s16;
	s17 =	spop (v2sf);
	(pc) =	sbr.rel @p0 .LBB2_2-.Ltmp0, $4  }
0xbd: {  	(v2sf) =	vpush v1, $0xE;
	s29 =	rddreg [dreg:$0xb];
	s23 =	sand.u32 $0x1FFFFFF0, s17;
	s26 =	spop (v2sf)  }
0xbe: {  	(v2sf) =	vpush v63, $0xE;
	[tilespmem:s8], [sflag:$0x1] =	stream.linear.gather [hbm4b:s22+s30], $0x80, $0x38;
	[tilespmem:$0x10400] =	vst v63  }
0xbf: {  	(v2sf) =	vpush v1, $0xF;
	s28 =	sadd.s32 s20, s23;
	s5 =	sand.u32 $0x1FFFFFF0, s26;
	s7 =	spop (v2sf)  }
0xc0: {  	(v2sf) =	vpush v63, $0xF;
	[tilespmem:s29], [sflag:$0x1] =	stream.linear.gather [hbm4b:s28+s30], $0x80, $0x38;
	[tilespmem:$0x10400] =	vst v63  }
0xc1: {  	_ =	sdelay $0x4  }
0xc2: {  	s0 =	sadd.s32 s4, s5;
	s2 =	sand.u32 $0x1FFFFFF0, s7  }
0xc3: {  	[tilespmem:s18], [sflag:$0x1] =	stream.linear.gather [hbm4b:s0+s30], $0x80, $0x38;
	[tilespmem:$0x10400] =	vst v63  }
0xc4: {  	s16 =	sadd.s32 s20, s2  }
0xc5: {  	[tilespmem:s1], [sflag:$0x1] =	stream.linear.gather [hbm4b:s16+s30], $0x80, $0x38;
	[tilespmem:$0x10400] =	vst v63  }
0xc6: {  	s15 =	spop (v2sf)  }
0xc7: {  	s17 =	sand.u32 $0x1FFFFFF0, s15;
	s18 =	spop (v2sf)  }
0xc8: {  	s21 =	sadd.s32 s4, s17;
	s22 =	sand.u32 $0x1FFFFFF0, s18;
	s23 =	spop (v2sf)  }
0xc9: {  	[tilespmem:s6], [sflag:$0x1] =	stream.linear.gather [hbm4b:s21+s30], $0x80, $0x38;
	[tilespmem:$0x10400] =	vst v63  }
0xca: {  	s25 =	sadd.s32 s20, s22;
	s26 =	sand.u32 $0x1FFFFFF0, s23;
	s28 =	spop (v2sf)  }
0xcb: {  	[tilespmem:s13], [sflag:$0x1] =	stream.linear.gather [hbm4b:s25+s30], $0x80, $0x38;
	[tilespmem:$0x10400] =	vst v63  }
0xcc: {  	s29 =	sadd.s32 s4, s26;
	s31 =	sand.u32 $0x1FFFFFF0, s28;
	s1 =	spop (v2sf)  }
0xcd: {  	[tilespmem:s19], [sflag:$0x1] =	stream.linear.gather [hbm4b:s29+s30], $0x80, $0x38;
	[tilespmem:$0x10400] =	vst v63  }
0xce: {  	s6 =	sadd.s32 s20, s31;
	s7 =	sand.u32 $0x1FFFFFF0, s1;
	s8 =	spop (v2sf)  }
0xcf: {  	[tilespmem:s11], [sflag:$0x1] =	stream.linear.gather [hbm4b:s6+s30], $0x80, $0x38;
	[tilespmem:$0x10400] =	vst v63  }
0xd0: {  	s9 =	sadd.s32 $0xB80, s24;
	s2 =	sadd.s32 s4, s7;
	s5 =	sand.u32 $0x1FFFFFF0, s8  }
0xd1: {  	[tilespmem:s9], [sflag:$0x1] =	stream.linear.gather [hbm4b:s2+s30], $0x80, $0x38;
	[tilespmem:$0x10400] =	vst v63  }
0xd2: {  	s10 =	sadd.s32 $0x4B80, s24;
	s12 =	simm.s32 $0x80;
	s11 =	sadd.s32 s20, s5  }
0xd3: {  	[tilespmem:s10], [sflag:$0x1] =	stream.linear.gather [hbm4b:s11+s30], $0x80, $0x38;
	[tilespmem:$0x10400] =	vst v63  }
0xd4: {  	s13 =	simm.s32 $0x280;
	v0 =	vld [tilespmem:s12+$0x0]  }
0xd5: {  	v2 =	vld [tilespmem:s13+$0x0];
	_ =	sdelay $0x3  }
0xd6: {  	v1 =	vshll.u32 v0, $0x4  }
0xd7: {  	v63 =	vshll.u32 v2, $0x4;
	(v2sf) =	vpush v1, $0x0  }
0xd8: {  	(v2sf) =	vpush v63, $0x0  }
0xd9: {  	(v2sf) =	vpush v1, $0x1;
	_ =	sdelay $0x1  }
0xda: {  	(v2sf) =	vpush v63, $0x1;
	_ =	sdelay $0x2  }
0xdb: {  	(v2sf) =	vpush v1, $0x2;
	_ =	sdelay $0x1  }
0xdc: {  	(v2sf) =	vpush v63, $0x2;
	_ =	sdelay $0x1  }
0xdd: {  	s24 =	simm.s32 $0x0;
	(v2sf) =	vpush v1, $0x3  }
0xde: {  	s14 =	simm.s32 $0xC400;
	s0 =	simm.s32 $0xC900;
	s15 =	simm.s32 $0x8400  }
0xdf: {  	s17 =	simm.s32 $0xC580;
	s21 =	simm.s32 $0x8480;
	s26 =	simm.s32 $0xC480  }
0xe0: {  	s25 =	simm.s32 $0x2000;
	s29 =	simm.s32 $0x8500;
	s5 =	simm.s32 $0x8680  }
0xe1: {  	s6 =	simm.s32 $0xCA00;
	s2 =	simm.s32 $0x8880;
	(v2sf) =	vpush v63, $0x3;
	s8 =	spop (v2sf)  }
0xe2: {  	s9 =	simm.s32 $0x8600;
	s8 =	sand.u32 $0x1FFFFFF0, s8;
	s16 =	spop (v2sf)  }
0xe3: {  	s10 =	simm.s32 $0x8580;
	(v2sf) =	vpush v1, $0x4;
	s8 =	sadd.s32 s4, s8;
	s19 =	spop (v2sf)  }
0xe4: {  	[tilespmem:s15], [sflag:$0x2] =	stream.linear.gather [hbm4b:s8+s3], $0x80, $0x38;
	[tilespmem:$0x10400] =	vst v63  }
0xe5: {  	s30 =	simm.s32 $0x90;
	s18 =	sand.u32 $0x1FFFFFF0, s16;
	s12 =	spop (v2sf)  }
0xe6: {  	(v2sf) =	vpush v63, $0x4;
	s8 =	sadd.s32 s20, s18;
	s11 =	sand.u32 $0x1FFFFFF0, s19;
	s23 =	sand.u32 $0x1FFFFFF0, s12  }
0xe7: {  	[tilespmem:s14], [sflag:$0x2] =	stream.linear.gather [hbm4b:s8+s3], $0x80, $0x38;
	[tilespmem:$0x10400] =	vst v63  }
0xe8: {  	(v2sf) =	vpush v1, $0x5;
	s22 =	sadd.s32 s4, s11;
	s28 =	spop (v2sf);
	s11 =	sadd.s32 s20, s23  }
0xe9: {  	[tilespmem:s21], [sflag:$0x2] =	stream.linear.gather [hbm4b:s22+s3], $0x80, $0x38;
	[tilespmem:$0x10400] =	vst v63  }
0xea: {  	(v2sf) =	vpush v63, $0x5;
	s8 =	sand.u32 $0x1FFFFFF0, s28;
	s31 =	spop (v2sf);
	s14 =	simm.s32 $0xC600  }
0xeb: {  	(v2sf) =	vpush v1, $0x6;
	[tilespmem:s26], [sflag:$0x2] =	stream.linear.gather [hbm4b:s11+s3], $0x80, $0x38;
	[tilespmem:$0x10400] =	vst v63  }
0xec: {  	s8 =	sadd.s32 s4, s8;
	s1 =	spop (v2sf);
	s11 =	sand.u32 $0x1FFFFFF0, s31  }
0xed: {  	(v2sf) =	vpush v63, $0x6;
	[tilespmem:s29], [sflag:$0x2] =	stream.linear.gather [hbm4b:s8+s3], $0x80, $0x38;
	[tilespmem:$0x10400] =	vst v63  }
0xee: {  	s12 =	sand.u32 $0x1FFFFFF0, s1;
	s11 =	sadd.s32 s20, s11;
	s8 =	simm.s32 $0xC500  }
0xef: {  	[tilespmem:s8], [sflag:$0x2] =	stream.linear.gather [hbm4b:s11+s3], $0x80, $0x38;
	[tilespmem:$0x10400] =	vst v63  }
0xf0: {  	s23 =	simm.s32 $0x8700;
	s13 =	spop (v2sf);
	s11 =	sadd.s32 s4, s12  }
0xf1: {  	(v2sf) =	vpush v1, $0x7;
	[tilespmem:s10], [sflag:$0x2] =	stream.linear.gather [hbm4b:s11+s3], $0x80, $0x38;
	[tilespmem:$0x10400] =	vst v63  }
0xf2: {  	s21 =	simm.s32 $0xC680;
	s8 =	sand.u32 $0x1FFFFFF0, s13;
	s15 =	spop (v2sf)  }
0xf3: {  	(v2sf) =	vpush v63, $0x7;
	s12 =	simm.s32 $0xC700;
	s8 =	sadd.s32 s20, s8;
	s11 =	sand.u32 $0x1FFFFFF0, s15  }
0xf4: {  	[tilespmem:s17], [sflag:$0x2] =	stream.linear.gather [hbm4b:s8+s3], $0x80, $0x38;
	[tilespmem:$0x10400] =	vst v63  }
0xf5: {  	(v2sf) =	vpush v1, $0x8;
	s16 =	spop (v2sf);
	s15 =	simm.s32 $0x8780;
	s17 =	simm.s32 $0x8A80  }
0xf6: {  	s18 =	sadd.s32 s4, s11;
	s19 =	sand.u32 $0x1FFFFFF0, s16;
	s11 =	simm.s32 $0xCA80  }
0xf7: {  	(v2sf) =	vpush v63, $0x8;
	s22 =	spop (v2sf);
	s8 =	sadd.s32 s20, s19;
	s19 =	simm.s32 $0xC780  }
0xf8: {  	[tilespmem:s9], [sflag:$0x2] =	stream.linear.gather [hbm4b:s18+s3], $0x80, $0x38;
	[tilespmem:$0x10400] =	vst v63  }
0xf9: {  	(v2sf) =	vpush v1, $0x9;
	s9 =	sand.u32 $0x1FFFFFF0, s22;
	s26 =	spop (v2sf);
	s22 =	simm.s32 $0x8800  }
0xfa: {  	(v2sf) =	vpush v63, $0x9;
	s9 =	sadd.s32 s4, s9;
	s10 =	sand.u32 $0x1FFFFFF0, s26;
	s28 =	spop (v2sf)  }
0xfb: {  	[tilespmem:s14], [sflag:$0x2] =	stream.linear.gather [hbm4b:s8+s3], $0x80, $0x38;
	[tilespmem:$0x10400] =	vst v63  }
0xfc: {  	(v2sf) =	vpush v1, $0xA;
	s29 =	sadd.s32 s20, s10;
	s31 =	sand.u32 $0x1FFFFFF0, s28;
	s1 =	spop (v2sf)  }
0xfd: {  	[tilespmem:s5], [sflag:$0x2] =	stream.linear.gather [hbm4b:s9+s3], $0x80, $0x38;
	[tilespmem:$0x10400] =	vst v63  }
0xfe: {  	(v2sf) =	vpush v63, $0xA;
	s28 =	simm.s32 $0xC800;
	s10 =	sadd.s32 s4, s31;
	s7 =	sand.u32 $0x1FFFFFF0, s1  }
0xff: {  	[tilespmem:s21], [sflag:$0x2] =	stream.linear.gather [hbm4b:s29+s3], $0x80, $0x38;
	[tilespmem:$0x10400] =	vst v63  }
0x100: {  	s13 =	spop (v2sf);
	s1 =	simm.s32 $0xC880;
	s5 =	simm.s32 $0xC980  }
0x101: {  	[tilespmem:s23], [sflag:$0x2] =	stream.linear.gather [hbm4b:s10+s3], $0x80, $0x38;
	[tilespmem:$0x10400] =	vst v63  }
0x102: {  	(v2sf) =	vpush v1, $0xB;
	s7 =	sadd.s32 s20, s7;
	s9 =	sand.u32 $0x1FFFFFF0, s13;
	s14 =	spop (v2sf)  }
0x103: {  	[tilespmem:s12], [sflag:$0x2] =	stream.linear.gather [hbm4b:s7+s3], $0x80, $0x38;
	[tilespmem:$0x10400] =	vst v63  }
0x104: {  	(v2sf) =	vpush v63, $0xB;
	s16 =	sadd.s32 s4, s9;
	s18 =	sand.u32 $0x1FFFFFF0, s14;
	s21 =	spop (v2sf)  }
0x105: {  	[tilespmem:s15], [sflag:$0x2] =	stream.linear.gather [hbm4b:s16+s3], $0x80, $0x38;
	[tilespmem:$0x10400] =	vst v63  }
0x106: {  	s9 =	sadd.s32 s20, s18;
	s8 =	sand.u32 $0x1FFFFFF0, s21;
	s23 =	spop (v2sf)  }
0x107: {  	[tilespmem:s19], [sflag:$0x2] =	stream.linear.gather [hbm4b:s9+s3], $0x80, $0x38;
	[tilespmem:$0x10400] =	vst v63  }
0x108: {  	s12 =	simm.s32 $0x8900;
	(v2sf) =	vpush v1, $0xC;
	s8 =	sadd.s32 s4, s8;
	s26 =	spop (v2sf)  }
0x109: {  	s9 =	sand.u32 $0x1FFFFFF0, s23;
	s23 =	simm.s32 $0x8980;
	s10 =	spop (v2sf)  }
0x10a: {  	(v2sf) =	vpush v63, $0xC;
	[tilespmem:s22], [sflag:$0x2] =	stream.linear.gather [hbm4b:s8+s3], $0x80, $0x38;
	[tilespmem:$0x10400] =	vst v63  }
0x10b: {  	s29 =	sadd.s32 s20, s9;
	s31 =	sand.u32 $0x1FFFFFF0, s26;
	s13 =	spop (v2sf)  }
0x10c: {  	[tilespmem:s28], [sflag:$0x2] =	stream.linear.gather [hbm4b:s29+s3], $0x80, $0x38;
	[tilespmem:$0x10400] =	vst v63  }
0x10d: {  	s9 =	sadd.s32 s4, s31;
	s8 =	sand.u32 $0x1FFFFFF0, s10;
	s14 =	spop (v2sf)  }
0x10e: {  	[tilespmem:s2], [sflag:$0x2] =	stream.linear.gather [hbm4b:s9+s3], $0x80, $0x38;
	[tilespmem:$0x10400] =	vst v63  }
0x10f: {  	s8 =	sadd.s32 s20, s8;
	s16 =	sand.u32 $0x1FFFFFF0, s14;
	s9 =	sand.u32 $0x1FFFFFF0, s13  }
0x110: {  	[tilespmem:s1], [sflag:$0x2] =	stream.linear.gather [hbm4b:s8+s3], $0x80, $0x38;
	[tilespmem:$0x10400] =	vst v63  }
0x111: {  	s18 =	spop (v2sf);
	s19 =	sadd.s32 s20, s16;
	s15 =	sadd.s32 s4, s9  }
0x112: {  	[tilespmem:s12], [sflag:$0x2] =	stream.linear.gather [hbm4b:s15+s3], $0x80, $0x38;
	[tilespmem:$0x10400] =	vst v63  }
0x113: {  	s21 =	sand.u32 $0x1FFFFFF0, s18;
	s22 =	spop (v2sf);
	s18 =	simm.s32 $0x8B00  }
0x114: {  	(v2sf) =	vpush v1, $0xD;
	[tilespmem:s0], [sflag:$0x2] =	stream.linear.gather [hbm4b:s19+s3], $0x80, $0x38;
	[tilespmem:$0x10400] =	vst v63  }
0x115: {  	(v2sf) =	vpush v63, $0xD;
	s26 =	sadd.s32 s4, s21;
	s28 =	sand.u32 $0x1FFFFFF0, s22;
	s2 =	simm.s32 $0xCB00  }
0x116: {  	(v2sf) =	vpush v1, $0xE;
	[tilespmem:s23], [sflag:$0x2] =	stream.linear.gather [hbm4b:s26+s3], $0x80, $0x38;
	[tilespmem:$0x10400] =	vst v63  }
0x117: {  	s29 =	sadd.s32 s20, s28;
	(v2sf) =	vpush v63, $0xE;
	s19 =	simm.s32 $0x8A00;
	s31 =	spop (v2sf)  }
0x118: {  	(v2sf) =	vpush v1, $0xF;
	[tilespmem:s5], [sflag:$0x2] =	stream.linear.gather [hbm4b:s29+s3], $0x80, $0x38;
	[tilespmem:$0x10400] =	vst v63  }
0x119: {  	(v2sf) =	vpush v63, $0xF;
	s0 =	simm.s32 $0x290;
	s7 =	spop (v2sf);
	s5 =	sand.u32 $0x1FFFFFF0, s31  }
.LBB2_4:
0x11a: {  	_ =	sdelay $0x4  }
0x11b: {  	s5 =	sadd.s32 s4, s5;
	s7 =	sand.u32 $0x1FFFFFF0, s7  }
0x11c: {  	[tilespmem:s19], [sflag:$0x2] =	stream.linear.gather [hbm4b:s5+s3], $0x80, $0x38;
	[tilespmem:$0x10400] =	vst v63  }
0x11d: {  	s7 =	sadd.s32 s20, s7  }
0x11e: {  	[tilespmem:s6], [sflag:$0x2] =	stream.linear.gather [hbm4b:s7+s3], $0x80, $0x38;
	[tilespmem:$0x10400] =	vst v63  }
0x11f: {  	s8 =	spop (v2sf)  }
0x120: {  	s9 =	sand.u32 $0x1FFFFFF0, s8;
	s10 =	spop (v2sf)  }
0x121: {  	s12 =	sadd.s32 s4, s9;
	s13 =	sand.u32 $0x1FFFFFF0, s10;
	s14 =	spop (v2sf)  }
0x122: {  	[tilespmem:s17], [sflag:$0x2] =	stream.linear.gather [hbm4b:s12+s3], $0x80, $0x38;
	[tilespmem:$0x10400] =	vst v63  }
0x123: {  	s15 =	sadd.s32 s20, s13;
	s16 =	sand.u32 $0x1FFFFFF0, s14;
	s17 =	spop (v2sf)  }
0x124: {  	[tilespmem:s11], [sflag:$0x2] =	stream.linear.gather [hbm4b:s15+s3], $0x80, $0x38;
	[tilespmem:$0x10400] =	vst v63  }
0x125: {  	s19 =	sadd.s32 s4, s16;
	s21 =	sand.u32 $0x1FFFFFF0, s17;
	s22 =	spop (v2sf)  }
0x126: {  	[tilespmem:s18], [sflag:$0x2] =	stream.linear.gather [hbm4b:s19+s3], $0x80, $0x38;
	[tilespmem:$0x10400] =	vst v63  }
0x127: {  	s23 =	sadd.s32 s20, s21;
	s26 =	sand.u32 $0x1FFFFFF0, s22;
	s28 =	spop (v2sf)  }
0x128: {  	[tilespmem:s2], [sflag:$0x2] =	stream.linear.gather [hbm4b:s23+s3], $0x80, $0x38;
	[tilespmem:$0x10400] =	vst v63  }
0x129: {  	s29 =	sadd.s32 $0x8B80, s24;
	s31 =	sadd.s32 s4, s26;
	s1 =	sand.u32 $0x1FFFFFF0, s28  }
0x12a: {  	[tilespmem:s29], [sflag:$0x2] =	stream.linear.gather [hbm4b:s31+s3], $0x80, $0x38;
	[tilespmem:$0x10400] =	vst v63  }
0x12b: {  	s7 =	sadd.s32 $0xCB80, s24;
	s8 =	sadd.s32 s20, s1  }
0x12c: {  	[tilespmem:s7], [sflag:$0x2] =	stream.linear.gather [hbm4b:s8+s3], $0x80, $0x38;
	[tilespmem:$0x10400] =	vst v63  }
0x12d: {  	v0 =	vld [tilespmem:s30+$0x0]  }
0x12e: {  	v2 =	vld [tilespmem:s0+$0x0];
	_ =	sdelay $0x3  }
0x12f: {  	v1 =	vshll.u32 v0, $0x4  }
0x130: {  	v63 =	vshll.u32 v2, $0x4;
	(v2sf) =	vpush v1, $0x0  }
0x131: {  	s9 =	smov.u32 s25;
	(v2sf) =	vpush v63, $0x0  }
0x132: {  	p0 =	sne.s32 s25, $0xE000;
	s25 =	sadd.s32 $0x2000, s25;
	s24 =	sshra.s32 s9, $0x2;
	(v2sf) =	vpush v1, $0x1  }
0x133: {  	s10 =	sadd.s32 $0x8880, s24;
	s6 =	sadd.s32 $0x8400, s24;
	s16 =	sadd.s32 $0xC580, s24  }
0x134: {  	s12 =	sadd.s32 $0xCA00, s24;
	s17 =	sadd.s32 $0x8A80, s24;
	s5 =	sadd.s32 $0xC480, s24;
	(v2sf) =	vpush v63, $0x1  }
0x135: {  	s14 =	sadd.s32 $0x8700, s24;
	s13 =	sadd.s32 $0xC980, s24;
	[dreg:$0x10] =	wrdreg s10  }
0x136: {  	s9 =	sadd.s32 $0xC700, s24;
	s22 =	sadd.s32 $0xC400, s24;
	[dreg:$0x5] =	wrdreg s12;
	(v2sf) =	vpush v1, $0x2  }
0x137: {  	s11 =	sadd.s32 $0xC900, s24;
	s21 =	sadd.s32 $0x8500, s24;
	[dreg:$0xc] =	wrdreg s13  }
0x138: {  	s15 =	sadd.s32 $0xC680, s24;
	[dreg:$0x8] =	wrdreg s11;
	s28 =	sadd.s32 $0xC800, s24;
	(v2sf) =	vpush v63, $0x2  }
0x139: {  	s10 =	sadd.s32 $0x8780, s24;
	s1 =	sadd.s32 $0x8680, s24;
	[dreg:$0x1f] =	wrdreg s28;
	(v2sf) =	vpush v1, $0x3  }
0x13a: {  	s12 =	sadd.s32 $0xC780, s24;
	s18 =	sadd.s32 $0xC880, s24;
	[smem:$0x7EE] =	sst s1  }
0x13b: {  	s26 =	sadd.s32 $0xC500, s24;
	s19 =	sadd.s32 $0x8900, s24;
	[dreg:$0x18] =	wrdreg s18;
	(v2sf) =	vpush v63, $0x3  }
0x13c: {  	s11 =	sadd.s32 $0xCA80, s24;
	s28 =	sadd.s32 $0x8480, s24;
	[dreg:$0x14] =	wrdreg s19  }
0x13d: {  	s19 =	sadd.s32 $0x8A00, s24;
	s18 =	sadd.s32 $0x8B00, s24;
	s23 =	sadd.s32 $0xC600, s24;
	(v2sf) =	vpush v1, $0x4  }
0x13e: {  	s2 =	sadd.s32 $0xCB00, s24;
	s31 =	sadd.s32 $0x8580, s24;
	s29 =	sadd.s32 $0x8800, s24  }
0x13f: {  	[smem:$0x7EF] =	sst s29;
	s7 =	sadd.s32 $0x8600, s24;
	s1 =	spop (v2sf)  }
0x140: {  	s8 =	sadd.s32 $0x8980, s24;
	s29 =	sand.u32 $0x1FFFFFF0, s1;
	s13 =	spop (v2sf)  }
0x141: {  	(v2sf) =	vpush v63, $0x4;
	s29 =	sadd.s32 s4, s29;
	s1 =	sand.u32 $0x1FFFFFF0, s13;
	s13 =	spop (v2sf)  }
0x142: {  	[tilespmem:s6], [sflag:$0x2] =	stream.linear.gather [hbm4b:s29+s3], $0x80, $0x38;
	[tilespmem:$0x10400] =	vst v63  }
0x143: {  	(v2sf) =	vpush v1, $0x5;
	s1 =	sadd.s32 s20, s1;
	s13 =	sand.u32 $0x1FFFFFF0, s13;
	s29 =	spop (v2sf)  }
0x144: {  	[tilespmem:s22], [sflag:$0x2] =	stream.linear.gather [hbm4b:s1+s3], $0x80, $0x38;
	[tilespmem:$0x10400] =	vst v63  }
0x145: {  	(v2sf) =	vpush v63, $0x5;
	s6 =	sadd.s32 s4, s13;
	s22 =	sand.u32 $0x1FFFFFF0, s29;
	s29 =	spop (v2sf)  }
0x146: {  	[tilespmem:s28], [sflag:$0x2] =	stream.linear.gather [hbm4b:s6+s3], $0x80, $0x38;
	[tilespmem:$0x10400] =	vst v63  }
0x147: {  	s0 =	sadd.s32 $0x10, s0;
	(v2sf) =	vpush v1, $0x6;
	s28 =	sand.u32 $0x1FFFFFF0, s29;
	s29 =	spop (v2sf)  }
0x148: {  	s30 =	sadd.s32 $0x10, s30;
	s22 =	sadd.s32 s20, s22;
	s13 =	spop (v2sf)  }
0x149: {  	(v2sf) =	vpush v63, $0x6;
	[tilespmem:s5], [sflag:$0x2] =	stream.linear.gather [hbm4b:s22+s3], $0x80, $0x38;
	[tilespmem:$0x10400] =	vst v63  }
0x14a: {  	s6 =	sand.u32 $0x1FFFFFF0, s29;
	s5 =	sadd.s32 s4, s28;
	s29 =	spop (v2sf)  }
0x14b: {  	(v2sf) =	vpush v1, $0x7;
	[tilespmem:s21], [sflag:$0x2] =	stream.linear.gather [hbm4b:s5+s3], $0x80, $0x38;
	[tilespmem:$0x10400] =	vst v63  }
0x14c: {  	s22 =	sadd.s32 s20, s6;
	s28 =	sand.u32 $0x1FFFFFF0, s13;
	s13 =	spop (v2sf)  }
0x14d: {  	(v2sf) =	vpush v63, $0x7;
	[tilespmem:s26], [sflag:$0x2] =	stream.linear.gather [hbm4b:s22+s3], $0x80, $0x38;
	[tilespmem:$0x10400] =	vst v63  }
0x14e: {  	s6 =	sand.u32 $0x1FFFFFF0, s29;
	s5 =	sadd.s32 s4, s28;
	s22 =	sand.u32 $0x1FFFFFF0, s13  }
0x14f: {  	[tilespmem:s31], [sflag:$0x2] =	stream.linear.gather [hbm4b:s5+s3], $0x80, $0x38;
	[tilespmem:$0x10400] =	vst v63  }
0x150: {  	s21 =	sadd.s32 s20, s6;
	s28 =	sadd.s32 s4, s22;
	s26 =	spop (v2sf)  }
0x151: {  	(v2sf) =	vpush v1, $0x8;
	[tilespmem:s16], [sflag:$0x2] =	stream.linear.gather [hbm4b:s21+s3], $0x80, $0x38;
	[tilespmem:$0x10400] =	vst v63  }
0x152: {  	s29 =	sand.u32 $0x1FFFFFF0, s26;
	s31 =	spop (v2sf);
	s26 =	sld [smem:$0x7EE]  }
0x153: {  	(v2sf) =	vpush v63, $0x8;
	[tilespmem:s7], [sflag:$0x2] =	stream.linear.gather [hbm4b:s28+s3], $0x80, $0x38;
	[tilespmem:$0x10400] =	vst v63  }
0x154: {  	(v2sf) =	vpush v1, $0x9;
	s13 =	sand.u32 $0x1FFFFFF0, s31;
	s16 =	spop (v2sf);
	s7 =	sadd.s32 s20, s29  }
0x155: {  	[tilespmem:s23], [sflag:$0x2] =	stream.linear.gather [hbm4b:s7+s3], $0x80, $0x38;
	[tilespmem:$0x10400] =	vst v63  }
0x156: {  	s21 =	sadd.s32 s4, s13;
	s22 =	sand.u32 $0x1FFFFFF0, s16;
	s23 =	spop (v2sf)  }
0x157: {  	(v2sf) =	vpush v63, $0x9;
	[tilespmem:s26], [sflag:$0x2] =	stream.linear.gather [hbm4b:s21+s3], $0x80, $0x38;
	[tilespmem:$0x10400] =	vst v63  }
0x158: {  	s28 =	sadd.s32 s20, s22;
	s29 =	sand.u32 $0x1FFFFFF0, s23;
	s31 =	spop (v2sf)  }
0x159: {  	(v2sf) =	vpush v1, $0xA;
	[tilespmem:s15], [sflag:$0x2] =	stream.linear.gather [hbm4b:s28+s3], $0x80, $0x38;
	[tilespmem:$0x10400] =	vst v63  }
0x15a: {  	s5 =	sadd.s32 s4, s29;
	s7 =	sand.u32 $0x1FFFFFF0, s31;
	s13 =	spop (v2sf)  }
0x15b: {  	(v2sf) =	vpush v63, $0xA;
	[tilespmem:s14], [sflag:$0x2] =	stream.linear.gather [hbm4b:s5+s3], $0x80, $0x38;
	[tilespmem:$0x10400] =	vst v63  }
0x15c: {  	s16 =	sand.u32 $0x1FFFFFF0, s13;
	s21 =	spop (v2sf);
	s15 =	sadd.s32 s20, s7  }
0x15d: {  	[tilespmem:s9], [sflag:$0x2] =	stream.linear.gather [hbm4b:s15+s3], $0x80, $0x38;
	[tilespmem:$0x10400] =	vst v63  }
0x15e: {  	s6 =	rddreg [dreg:$0x5];
	s22 =	sadd.s32 s4, s16;
	s23 =	sand.u32 $0x1FFFFFF0, s21  }
0x15f: {  	(v2sf) =	vpush v1, $0xB;
	[tilespmem:s10], [sflag:$0x2] =	stream.linear.gather [hbm4b:s22+s3], $0x80, $0x38;
	[tilespmem:$0x10400] =	vst v63  }
0x160: {  	s26 =	spop (v2sf);
	s16 =	rddreg [dreg:$0x1f];
	s28 =	sadd.s32 s20, s23  }
0x161: {  	(v2sf) =	vpush v63, $0xB;
	[tilespmem:s12], [sflag:$0x2] =	stream.linear.gather [hbm4b:s28+s3], $0x80, $0x38;
	[tilespmem:$0x10400] =	vst v63  }
0x162: {  	(v2sf) =	vpush v1, $0xC;
	s29 =	sand.u32 $0x1FFFFFF0, s26;
	s31 =	spop (v2sf);
	s12 =	sld [smem:$0x7EF]  }
0x163: {  	s26 =	rddreg [dreg:$0x10];
	s9 =	sand.u32 $0x1FFFFFF0, s31;
	s10 =	spop (v2sf)  }
0x164: {  	s7 =	sadd.s32 s4, s29;
	(v2sf) =	vpush v63, $0xC;
	s13 =	sadd.s32 s20, s9;
	s14 =	sand.u32 $0x1FFFFFF0, s10  }
0x165: {  	[tilespmem:s12], [sflag:$0x2] =	stream.linear.gather [hbm4b:s7+s3], $0x80, $0x38;
	[tilespmem:$0x10400] =	vst v63  }
0x166: {  	s15 =	spop (v2sf);
	s9 =	rddreg [dreg:$0x18];
	s21 =	sadd.s32 s4, s14  }
0x167: {  	[tilespmem:s16], [sflag:$0x2] =	stream.linear.gather [hbm4b:s13+s3], $0x80, $0x38;
	[tilespmem:$0x10400] =	vst v63  }
0x168: {  	s22 =	sand.u32 $0x1FFFFFF0, s15;
	s14 =	rddreg [dreg:$0x14];
	s23 =	spop (v2sf)  }
0x169: {  	[tilespmem:s26], [sflag:$0x2] =	stream.linear.gather [hbm4b:s21+s3], $0x80, $0x38;
	[tilespmem:$0x10400] =	vst v63  }
0x16a: {  	s28 =	sadd.s32 s20, s22;
	s29 =	sand.u32 $0x1FFFFFF0, s23;
	s31 =	spop (v2sf)  }
0x16b: {  	[tilespmem:s9], [sflag:$0x2] =	stream.linear.gather [hbm4b:s28+s3], $0x80, $0x38;
	[tilespmem:$0x10400] =	vst v63  }
0x16c: {  	s22 =	rddreg [dreg:$0x8];
	s10 =	sadd.s32 s4, s29;
	s12 =	sand.u32 $0x1FFFFFF0, s31  }
0x16d: {  	[tilespmem:s14], [sflag:$0x2] =	stream.linear.gather [hbm4b:s10+s3], $0x80, $0x38;
	[tilespmem:$0x10400] =	vst v63  }
0x16e: {  	s13 =	spop (v2sf);
	s31 =	rddreg [dreg:$0xc];
	s15 =	sadd.s32 s20, s12  }
0x16f: {  	(v2sf) =	vpush v1, $0xD;
	[tilespmem:s22], [sflag:$0x2] =	stream.linear.gather [hbm4b:s15+s3], $0x80, $0x38;
	[tilespmem:$0x10400] =	vst v63  }
.Ltmp1:
0x170: {  	(v2sf) =	vpush v63, $0xD;
	s16 =	sand.u32 $0x1FFFFFF0, s13;
	s21 =	spop (v2sf);
	(pc) =	sbr.rel @p0 .LBB2_4-.Ltmp1, $4  }
0x171: {  	(v2sf) =	vpush v1, $0xE;
	s23 =	sadd.s32 s4, s16;
	s26 =	sand.u32 $0x1FFFFFF0, s21;
	s28 =	spop (v2sf)  }
0x172: {  	(v2sf) =	vpush v63, $0xE;
	[tilespmem:s8], [sflag:$0x2] =	stream.linear.gather [hbm4b:s23+s3], $0x80, $0x38;
	[tilespmem:$0x10400] =	vst v63  }
0x173: {  	(v2sf) =	vpush v1, $0xF;
	s29 =	sadd.s32 s20, s26;
	s5 =	sand.u32 $0x1FFFFFF0, s28;
	s7 =	spop (v2sf)  }
0x174: {  	(v2sf) =	vpush v63, $0xF;
	[tilespmem:s31], [sflag:$0x2] =	stream.linear.gather [hbm4b:s29+s3], $0x80, $0x38;
	[tilespmem:$0x10400] =	vst v63  }
0x175: {  	_ =	sdelay $0x4  }
0x176: {  	s0 =	sadd.s32 s4, s5;
	s1 =	sand.u32 $0x1FFFFFF0, s7  }
0x177: {  	[tilespmem:s19], [sflag:$0x2] =	stream.linear.gather [hbm4b:s0+s3], $0x80, $0x38;
	[tilespmem:$0x10400] =	vst v63  }
0x178: {  	s7 =	sadd.s32 s20, s1  }
0x179: {  	[tilespmem:s6], [sflag:$0x2] =	stream.linear.gather [hbm4b:s7+s3], $0x80, $0x38;
	[tilespmem:$0x10400] =	vst v63  }
0x17a: {  	s31 =	spop (v2sf)  }
0x17b: {  	s8 =	sand.u32 $0x1FFFFFF0, s31;
	s9 =	spop (v2sf)  }
0x17c: {  	s10 =	sadd.s32 s4, s8;
	s12 =	sand.u32 $0x1FFFFFF0, s9;
	s13 =	spop (v2sf)  }
0x17d: {  	[tilespmem:s17], [sflag:$0x2] =	stream.linear.gather [hbm4b:s10+s3], $0x80, $0x38;
	[tilespmem:$0x10400] =	vst v63  }
0x17e: {  	s14 =	sadd.s32 s20, s12;
	s15 =	sand.u32 $0x1FFFFFF0, s13;
	s16 =	spop (v2sf)  }
0x17f: {  	[tilespmem:s11], [sflag:$0x2] =	stream.linear.gather [hbm4b:s14+s3], $0x80, $0x38;
	[tilespmem:$0x10400] =	vst v63  }
0x180: {  	s17 =	sadd.s32 s4, s15;
	s19 =	sand.u32 $0x1FFFFFF0, s16;
	s21 =	spop (v2sf)  }
0x181: {  	[tilespmem:s18], [sflag:$0x2] =	stream.linear.gather [hbm4b:s17+s3], $0x80, $0x38;
	[tilespmem:$0x10400] =	vst v63  }
0x182: {  	s22 =	sadd.s32 s20, s19;
	s23 =	sand.u32 $0x1FFFFFF0, s21;
	s25 =	spop (v2sf)  }
0x183: {  	[tilespmem:s2], [sflag:$0x2] =	stream.linear.gather [hbm4b:s22+s3], $0x80, $0x38;
	[tilespmem:$0x10400] =	vst v63  }
0x184: {  	s26 =	sadd.s32 $0x8B80, s24;
	s1 =	sadd.s32 s4, s23;
	s28 =	sand.u32 $0x1FFFFFF0, s25  }
0x185: {  	[tilespmem:s26], [sflag:$0x2] =	stream.linear.gather [hbm4b:s1+s3], $0x80, $0x38;
	[tilespmem:$0x10400] =	vst v63  }
0x186: {  	s29 =	sadd.s32 $0xCB80, s24;
	s31 =	sadd.s32 s20, s28;
	s2 =	simm.s32 $0x1  }
0x187: {  	[tilespmem:s29], [sflag:$0x2] =	stream.linear.gather [hbm4b:s31+s3], $0x80, $0x38;
	[tilespmem:$0x10400] =	vst v63  }
0x188: {  	_ =	swait.ge [sflag:s2], $0x4000  }
0x189: {  	[sflag:s2] =	ssyncset.done $0x0  }
0x18a: {  	[sflag:s2] =	ssyncadd.s32 $0xFFFFC000  }
0x18b: {  	_ =	swait.ge [sflag:s2], $0x4000  }
0x18c: {  	s6 =	sld [smem:$0x7F5]  }
0x18d: {  	s5 =	simm.s32 $0x0;
	[sflag:s2] =	ssyncset.done $0x0  }
0x18e: {  	s7 =	simm.s32 $0x400;
	s8 =	simm.s32 $0x3;
	[sflag:s2] =	ssyncadd.s32 $0xFFFFC000  }
0x18f: {  	[hbm4b:s6+s5] =	stream.linear.scatter [tilespmem:s7], [sflag:$0x3], $0x4000, $0x38;
	[tilespmem:$0x10400] =	vst v63  }
0x190: {  	_ =	swait.ge [sflag:s8], $0x4000  }
0x191: {  	s9 =	sld [smem:$0x7F6]  }
0x192: {  	[sflag:s8] =	ssyncset.done $0x0  }
0x193: {  	s10 =	simm.s32 $0x4400;
	[sflag:s8] =	ssyncadd.s32 $0xFFFFC000  }
0x194: {  	[hbm4b:s9+s5] =	stream.linear.scatter [tilespmem:s10], [sflag:$0x3], $0x4000, $0x38;
	[tilespmem:$0x10400] =	vst v63  }
0x195: {  	_ =	swait.ge [sflag:s8], $0x4000  }
0x196: {  	[sflag:s8] =	ssyncset.done $0x0  }
0x197: {  	s11 =	simm.s32 $0x100;
	[sflag:s8] =	ssyncadd.s32 $0xFFFFC000  }
0x198: {  	s12 =	simm.s32 $0x300;
	v0 =	vld [tilespmem:s11+$0x0]  }
0x199: {  	v2 =	vld [tilespmem:s12+$0x0];
	_ =	sdelay $0x3  }
0x19a: {  	v1 =	vshll.u32 v0, $0x4  }
0x19b: {  	v63 =	vshll.u32 v2, $0x4;
	(v2sf) =	vpush v1, $0x0  }
0x19c: {  	(v2sf) =	vpush v63, $0x0;
	_ =	sdelay $0x2  }
0x19d: {  	(v2sf) =	vpush v1, $0x1  }
0x19e: {  	(v2sf) =	vpush v63, $0x1  }
0x19f: {  	(v2sf) =	vpush v1, $0x2;
	_ =	sdelay $0x1  }
0x1a0: {  	(v2sf) =	vpush v63, $0x2;
	_ =	sdelay $0x1  }
0x1a1: {  	(v2sf) =	vpush v1, $0x3  }
0x1a2: {  	s24 =	simm.s32 $0x0  }
0x1a3: {  	s30 =	simm.s32 $0x110;
	s0 =	simm.s32 $0x4900;
	s13 =	simm.s32 $0x4400;
	(v2sf) =	vpush v63, $0x3  }
0x1a4: {  	s14 =	simm.s32 $0x400;
	s19 =	simm.s32 $0x480;
	s25 =	simm.s32 $0x2000  }
0x1a5: {  	s23 =	simm.s32 $0x4480;
	s28 =	simm.s32 $0x500;
	s2 =	simm.s32 $0x880  }
0x1a6: {  	s5 =	simm.s32 $0x680;
	s9 =	simm.s32 $0x580;
	s15 =	spop (v2sf)  }
0x1a7: {  	s8 =	simm.s32 $0x600;
	s7 =	sand.u32 $0x1FFFFFF0, s15;
	s10 =	spop (v2sf)  }
0x1a8: {  	s12 =	simm.s32 $0x4A00;
	s7 =	sadd.s32 s4, s7;
	s16 =	sand.u32 $0x1FFFFFF0, s10  }
0x1a9: {  	(v2sf) =	vpush v1, $0x4;
	[tilespmem:s14], [sflag:$0x1] =	stream.linear.gather [hbm4b:s7+s3], $0x80, $0x38;
	[tilespmem:$0x10400] =	vst v63  }
0x1aa: {  	(v2sf) =	vpush v63, $0x4;
	s17 =	spop (v2sf);
	s7 =	simm.s32 $0x4580;
	s6 =	sadd.s32 s20, s16  }
0x1ab: {  	s10 =	sand.u32 $0x1FFFFFF0, s17;
	s18 =	spop (v2sf);
	s14 =	simm.s32 $0x4600  }
0x1ac: {  	(v2sf) =	vpush v1, $0x5;
	s21 =	sadd.s32 s4, s10;
	s22 =	sand.u32 $0x1FFFFFF0, s18;
	s26 =	spop (v2sf)  }
0x1ad: {  	[tilespmem:s13], [sflag:$0x1] =	stream.linear.gather [hbm4b:s6+s3], $0x80, $0x38;
	[tilespmem:$0x10400] =	vst v63  }
0x1ae: {  	(v2sf) =	vpush v63, $0x5;
	s10 =	sadd.s32 s20, s22;
	s6 =	sand.u32 $0x1FFFFFF0, s26;
	s29 =	spop (v2sf)  }
0x1af: {  	(v2sf) =	vpush v1, $0x6;
	[tilespmem:s19], [sflag:$0x1] =	stream.linear.gather [hbm4b:s21+s3], $0x80, $0x38;
	[tilespmem:$0x10400] =	vst v63  }
0x1b0: {  	s22 =	simm.s32 $0x700;
	s6 =	sadd.s32 s4, s6;
	s31 =	spop (v2sf)  }
0x1b1: {  	[tilespmem:s23], [sflag:$0x1] =	stream.linear.gather [hbm4b:s10+s3], $0x80, $0x38;
	[tilespmem:$0x10400] =	vst v63  }
0x1b2: {  	(v2sf) =	vpush v63, $0x6;
	s11 =	sand.u32 $0x1FFFFFF0, s31;
	s13 =	spop (v2sf);
	s10 =	sand.u32 $0x1FFFFFF0, s29  }
0x1b3: {  	[tilespmem:s28], [sflag:$0x1] =	stream.linear.gather [hbm4b:s6+s3], $0x80, $0x38;
	[tilespmem:$0x10400] =	vst v63  }
0x1b4: {  	(v2sf) =	vpush v1, $0x7;
	s19 =	simm.s32 $0x4680;
	s10 =	sadd.s32 s20, s10;
	s6 =	simm.s32 $0x4500  }
0x1b5: {  	[tilespmem:s6], [sflag:$0x1] =	stream.linear.gather [hbm4b:s10+s3], $0x80, $0x38;
	[tilespmem:$0x10400] =	vst v63  }
0x1b6: {  	(v2sf) =	vpush v63, $0x7;
	s1 =	sand.u32 $0x1FFFFFF0, s13;
	s13 =	simm.s32 $0xA80;
	s10 =	sadd.s32 s4, s11  }
0x1b7: {  	[tilespmem:s9], [sflag:$0x1] =	stream.linear.gather [hbm4b:s10+s3], $0x80, $0x38;
	[tilespmem:$0x10400] =	vst v63  }
0x1b8: {  	s1 =	sadd.s32 s20, s1;
	s11 =	simm.s32 $0x4700;
	s15 =	spop (v2sf)  }
0x1b9: {  	s6 =	simm.s32 $0x4880;
	s10 =	sand.u32 $0x1FFFFFF0, s15;
	s16 =	spop (v2sf)  }
0x1ba: {  	(v2sf) =	vpush v1, $0x8;
	[tilespmem:s7], [sflag:$0x1] =	stream.linear.gather [hbm4b:s1+s3], $0x80, $0x38;
	[tilespmem:$0x10400] =	vst v63  }
0x1bb: {  	s17 =	sadd.s32 s4, s10;
	s18 =	sand.u32 $0x1FFFFFF0, s16;
	s21 =	spop (v2sf)  }
0x1bc: {  	(v2sf) =	vpush v63, $0x8;
	[tilespmem:s8], [sflag:$0x1] =	stream.linear.gather [hbm4b:s17+s3], $0x80, $0x38;
	[tilespmem:$0x10400] =	vst v63  }
0x1bd: {  	s16 =	simm.s32 $0x780;
	s7 =	sadd.s32 s20, s18;
	s23 =	spop (v2sf)  }
0x1be: {  	(v2sf) =	vpush v1, $0x9;
	s8 =	sand.u32 $0x1FFFFFF0, s21;
	s9 =	sand.u32 $0x1FFFFFF0, s23;
	s26 =	spop (v2sf)  }
0x1bf: {  	(v2sf) =	vpush v63, $0x9;
	[tilespmem:s14], [sflag:$0x1] =	stream.linear.gather [hbm4b:s7+s3], $0x80, $0x38;
	[tilespmem:$0x10400] =	vst v63  }
0x1c0: {  	s8 =	sadd.s32 s4, s8;
	s28 =	sadd.s32 s20, s9;
	s29 =	sand.u32 $0x1FFFFFF0, s26  }
0x1c1: {  	(v2sf) =	vpush v1, $0xA;
	s9 =	simm.s32 $0x4A80;
	s31 =	spop (v2sf);
	s10 =	sadd.s32 s4, s29  }
0x1c2: {  	[tilespmem:s5], [sflag:$0x1] =	stream.linear.gather [hbm4b:s8+s3], $0x80, $0x38;
	[tilespmem:$0x10400] =	vst v63  }
0x1c3: {  	(v2sf) =	vpush v63, $0xA;
	s1 =	sand.u32 $0x1FFFFFF0, s31;
	s14 =	spop (v2sf);
	s5 =	simm.s32 $0x4980  }
0x1c4: {  	[tilespmem:s19], [sflag:$0x1] =	stream.linear.gather [hbm4b:s28+s3], $0x80, $0x38;
	[tilespmem:$0x10400] =	vst v63  }
0x1c5: {  	s1 =	sadd.s32 s20, s1;
	s8 =	sand.u32 $0x1FFFFFF0, s14;
	s15 =	spop (v2sf)  }
0x1c6: {  	[tilespmem:s22], [sflag:$0x1] =	stream.linear.gather [hbm4b:s10+s3], $0x80, $0x38;
	[tilespmem:$0x10400] =	vst v63  }
0x1c7: {  	(v2sf) =	vpush v1, $0xB;
	s17 =	sadd.s32 s4, s8;
	s18 =	sand.u32 $0x1FFFFFF0, s15;
	s19 =	simm.s32 $0x4780  }
0x1c8: {  	[tilespmem:s11], [sflag:$0x1] =	stream.linear.gather [hbm4b:s1+s3], $0x80, $0x38;
	[tilespmem:$0x10400] =	vst v63  }
0x1c9: {  	(v2sf) =	vpush v63, $0xB;
	s8 =	sadd.s32 s20, s18;
	s28 =	simm.s32 $0x4800;
	s21 =	spop (v2sf)  }
0x1ca: {  	[tilespmem:s16], [sflag:$0x1] =	stream.linear.gather [hbm4b:s17+s3], $0x80, $0x38;
	[tilespmem:$0x10400] =	vst v63  }
0x1cb: {  	s22 =	simm.s32 $0x800;
	s7 =	sand.u32 $0x1FFFFFF0, s21;
	s23 =	spop (v2sf)  }
0x1cc: {  	[tilespmem:s19], [sflag:$0x1] =	stream.linear.gather [hbm4b:s8+s3], $0x80, $0x38;
	[tilespmem:$0x10400] =	vst v63  }
0x1cd: {  	s11 =	simm.s32 $0x900;
	(v2sf) =	vpush v1, $0xC;
	s7 =	sadd.s32 s4, s7;
	s26 =	spop (v2sf)  }
0x1ce: {  	s8 =	sand.u32 $0x1FFFFFF0, s23;
	s23 =	simm.s32 $0x980;
	s10 =	spop (v2sf)  }
0x1cf: {  	(v2sf) =	vpush v63, $0xC;
	[tilespmem:s22], [sflag:$0x1] =	stream.linear.gather [hbm4b:s7+s3], $0x80, $0x38;
	[tilespmem:$0x10400] =	vst v63  }
0x1d0: {  	s29 =	sadd.s32 s20, s8;
	s31 =	sand.u32 $0x1FFFFFF0, s26;
	s14 =	spop (v2sf)  }
0x1d1: {  	[tilespmem:s28], [sflag:$0x1] =	stream.linear.gather [hbm4b:s29+s3], $0x80, $0x38;
	[tilespmem:$0x10400] =	vst v63  }
0x1d2: {  	s8 =	sadd.s32 s4, s31;
	s7 =	sand.u32 $0x1FFFFFF0, s10;
	s15 =	spop (v2sf)  }
0x1d3: {  	[tilespmem:s2], [sflag:$0x1] =	stream.linear.gather [hbm4b:s8+s3], $0x80, $0x38;
	[tilespmem:$0x10400] =	vst v63  }
0x1d4: {  	s7 =	sadd.s32 s20, s7;
	s17 =	sand.u32 $0x1FFFFFF0, s15;
	s8 =	sand.u32 $0x1FFFFFF0, s14  }
0x1d5: {  	[tilespmem:s6], [sflag:$0x1] =	stream.linear.gather [hbm4b:s7+s3], $0x80, $0x38;
	[tilespmem:$0x10400] =	vst v63  }
0x1d6: {  	s18 =	spop (v2sf);
	s19 =	sadd.s32 s20, s17;
	s16 =	sadd.s32 s4, s8  }
0x1d7: {  	[tilespmem:s11], [sflag:$0x1] =	stream.linear.gather [hbm4b:s16+s3], $0x80, $0x38;
	[tilespmem:$0x10400] =	vst v63  }
0x1d8: {  	s21 =	sand.u32 $0x1FFFFFF0, s18;
	s22 =	spop (v2sf);
	s18 =	simm.s32 $0xB00  }
0x1d9: {  	(v2sf) =	vpush v1, $0xD;
	[tilespmem:s0], [sflag:$0x1] =	stream.linear.gather [hbm4b:s19+s3], $0x80, $0x38;
	[tilespmem:$0x10400] =	vst v63  }
0x1da: {  	(v2sf) =	vpush v63, $0xD;
	s26 =	sadd.s32 s4, s21;
	s28 =	sand.u32 $0x1FFFFFF0, s22;
	s2 =	simm.s32 $0x4B00  }
0x1db: {  	(v2sf) =	vpush v1, $0xE;
	[tilespmem:s23], [sflag:$0x1] =	stream.linear.gather [hbm4b:s26+s3], $0x80, $0x38;
	[tilespmem:$0x10400] =	vst v63  }
0x1dc: {  	s29 =	sadd.s32 s20, s28;
	(v2sf) =	vpush v63, $0xE;
	s19 =	simm.s32 $0xA00;
	s31 =	spop (v2sf)  }
0x1dd: {  	(v2sf) =	vpush v1, $0xF;
	[tilespmem:s5], [sflag:$0x1] =	stream.linear.gather [hbm4b:s29+s3], $0x80, $0x38;
	[tilespmem:$0x10400] =	vst v63  }
0x1de: {  	(v2sf) =	vpush v63, $0xF;
	s0 =	simm.s32 $0x310;
	s7 =	spop (v2sf);
	s5 =	sand.u32 $0x1FFFFFF0, s31  }
.LBB2_6:
0x1df: {  	_ =	sdelay $0x4  }
0x1e0: {  	s1 =	sadd.s32 s4, s5;
	s11 =	sand.u32 $0x1FFFFFF0, s7  }
0x1e1: {  	[tilespmem:s19], [sflag:$0x1] =	stream.linear.gather [hbm4b:s1+s3], $0x80, $0x38;
	[tilespmem:$0x10400] =	vst v63  }
0x1e2: {  	s15 =	sadd.s32 s20, s11  }
0x1e3: {  	[tilespmem:s12], [sflag:$0x1] =	stream.linear.gather [hbm4b:s15+s3], $0x80, $0x38;
	[tilespmem:$0x10400] =	vst v63  }
0x1e4: {  	s14 =	spop (v2sf)  }
0x1e5: {  	s16 =	sand.u32 $0x1FFFFFF0, s14;
	s17 =	spop (v2sf)  }
0x1e6: {  	s19 =	sadd.s32 s4, s16;
	s21 =	sand.u32 $0x1FFFFFF0, s17;
	s6 =	spop (v2sf)  }
0x1e7: {  	[tilespmem:s13], [sflag:$0x1] =	stream.linear.gather [hbm4b:s19+s3], $0x80, $0x38;
	[tilespmem:$0x10400] =	vst v63  }
0x1e8: {  	s22 =	sadd.s32 s20, s21;
	s23 =	sand.u32 $0x1FFFFFF0, s6;
	s26 =	spop (v2sf)  }
0x1e9: {  	[tilespmem:s9], [sflag:$0x1] =	stream.linear.gather [hbm4b:s22+s3], $0x80, $0x38;
	[tilespmem:$0x10400] =	vst v63  }
0x1ea: {  	s28 =	sadd.s32 s4, s23;
	s29 =	sand.u32 $0x1FFFFFF0, s26;
	s31 =	spop (v2sf)  }
0x1eb: {  	[tilespmem:s18], [sflag:$0x1] =	stream.linear.gather [hbm4b:s28+s3], $0x80, $0x38;
	[tilespmem:$0x10400] =	vst v63  }
0x1ec: {  	s5 =	sadd.s32 s20, s29;
	s6 =	sand.u32 $0x1FFFFFF0, s31;
	s7 =	spop (v2sf)  }
0x1ed: {  	[tilespmem:s2], [sflag:$0x1] =	stream.linear.gather [hbm4b:s5+s3], $0x80, $0x38;
	[tilespmem:$0x10400] =	vst v63  }
0x1ee: {  	s8 =	sadd.s32 $0xB80, s24;
	s9 =	sadd.s32 s4, s6;
	s10 =	sand.u32 $0x1FFFFFF0, s7  }
0x1ef: {  	[tilespmem:s8], [sflag:$0x1] =	stream.linear.gather [hbm4b:s9+s3], $0x80, $0x38;
	[tilespmem:$0x10400] =	vst v63  }
0x1f0: {  	s11 =	sadd.s32 $0x4B80, s24;
	s12 =	sadd.s32 s20, s10  }
0x1f1: {  	[tilespmem:s11], [sflag:$0x1] =	stream.linear.gather [hbm4b:s12+s3], $0x80, $0x38;
	[tilespmem:$0x10400] =	vst v63  }
0x1f2: {  	v0 =	vld [tilespmem:s30+$0x0]  }
0x1f3: {  	v2 =	vld [tilespmem:s0+$0x0];
	_ =	sdelay $0x3  }
0x1f4: {  	v1 =	vshll.u32 v0, $0x4  }
0x1f5: {  	v63 =	vshll.u32 v2, $0x4;
	(v2sf) =	vpush v1, $0x0  }
0x1f6: {  	(v2sf) =	vpush v63, $0x0  }
0x1f7: {  	s13 =	smov.u32 s25;
	(v2sf) =	vpush v1, $0x1  }
0x1f8: {  	s24 =	sshra.s32 s13, $0x2  }
0x1f9: {  	p0 =	sne.s32 s25, $0xE000;
	s25 =	sadd.s32 $0x2000, s25;
	s22 =	sadd.s32 $0x4400, s24;
	(v2sf) =	vpush v63, $0x1  }
0x1fa: {  	s1 =	sadd.s32 $0x880, s24;
	s17 =	sadd.s32 $0x600, s24;
	s14 =	sadd.s32 $0x4900, s24  }
0x1fb: {  	s31 =	sadd.s32 $0x580, s24;
	s16 =	sadd.s32 $0x4580, s24;
	s15 =	sadd.s32 $0x4A00, s24;
	(v2sf) =	vpush v1, $0x2  }
0x1fc: {  	s21 =	sadd.s32 $0x500, s24;
	s23 =	sadd.s32 $0x4600, s24;
	[dreg:$0x11] =	wrdreg s1  }
0x1fd: {  	s26 =	sadd.s32 $0x4500, s24;
	s19 =	sadd.s32 $0x4980, s24;
	[dreg:$0x9] =	wrdreg s14;
	(v2sf) =	vpush v63, $0x2  }
0x1fe: {  	s13 =	sadd.s32 $0x4700, s24;
	s29 =	sadd.s32 $0x900, s24;
	[dreg:$0x1b] =	wrdreg s15;
	(v2sf) =	vpush v1, $0x3  }
0x1ff: {  	s6 =	sadd.s32 $0x400, s24;
	s15 =	sadd.s32 $0x4680, s24;
	[dreg:$0xd] =	wrdreg s19  }
0x200: {  	s1 =	sadd.s32 $0x700, s24;
	[dreg:$0x15] =	wrdreg s29;
	s18 =	sadd.s32 $0xA80, s24;
	(v2sf) =	vpush v63, $0x3  }
0x201: {  	s7 =	sadd.s32 $0x4A80, s24;
	s28 =	sadd.s32 $0x4880, s24;
	[smem:$0x7EB] =	sst s18  }
0x202: {  	s19 =	sadd.s32 $0xA00, s24;
	s10 =	sadd.s32 $0x780, s24;
	[dreg:$0x19] =	wrdreg s28;
	(v2sf) =	vpush v1, $0x4  }
0x203: {  	s28 =	sadd.s32 $0x480, s24;
	s18 =	sadd.s32 $0xB00, s24;
	s8 =	sadd.s32 $0x4800, s24  }
0x204: {  	s9 =	sadd.s32 $0x800, s24;
	[smem:$0x7ED] =	sst s8;
	s8 =	spop (v2sf)  }
0x205: {  	[smem:$0x7EC] =	sst s9;
	s29 =	sand.u32 $0x1FFFFFF0, s8;
	s14 =	spop (v2sf)  }
0x206: {  	(v2sf) =	vpush v63, $0x4;
	s29 =	sadd.s32 s4, s29;
	s9 =	sand.u32 $0x1FFFFFF0, s14;
	s14 =	spop (v2sf)  }
0x207: {  	[tilespmem:s6], [sflag:$0x1] =	stream.linear.gather [hbm4b:s29+s3], $0x80, $0x38;
	[tilespmem:$0x10400] =	vst v63  }
0x208: {  	(v2sf) =	vpush v1, $0x5;
	s9 =	sadd.s32 s20, s9;
	s14 =	sand.u32 $0x1FFFFFF0, s14;
	s29 =	spop (v2sf)  }
0x209: {  	(v2sf) =	vpush v63, $0x5;
	[tilespmem:s22], [sflag:$0x1] =	stream.linear.gather [hbm4b:s9+s3], $0x80, $0x38;
	[tilespmem:$0x10400] =	vst v63  }
0x20a: {  	s9 =	sadd.s32 s4, s14;
	s22 =	sand.u32 $0x1FFFFFF0, s29;
	s29 =	spop (v2sf)  }
0x20b: {  	(v2sf) =	vpush v1, $0x6;
	[tilespmem:s28], [sflag:$0x1] =	stream.linear.gather [hbm4b:s9+s3], $0x80, $0x38;
	[tilespmem:$0x10400] =	vst v63  }
0x20c: {  	s5 =	sadd.s32 $0x4480, s24;
	s28 =	sand.u32 $0x1FFFFFF0, s29;
	s29 =	spop (v2sf)  }
0x20d: {  	s2 =	sadd.s32 $0x4B00, s24;
	s22 =	sadd.s32 s20, s22;
	(v2sf) =	vpush v63, $0x6;
	s14 =	spop (v2sf)  }
0x20e: {  	[tilespmem:s5], [sflag:$0x1] =	stream.linear.gather [hbm4b:s22+s3], $0x80, $0x38;
	[tilespmem:$0x10400] =	vst v63  }
0x20f: {  	s6 =	sadd.s32 s4, s28;
	s9 =	sand.u32 $0x1FFFFFF0, s29;
	(v2sf) =	vpush v1, $0x7;
	s29 =	spop (v2sf)  }
0x210: {  	[tilespmem:s21], [sflag:$0x1] =	stream.linear.gather [hbm4b:s6+s3], $0x80, $0x38;
	[tilespmem:$0x10400] =	vst v63  }
0x211: {  	s22 =	sadd.s32 s20, s9;
	s28 =	sand.u32 $0x1FFFFFF0, s14;
	(v2sf) =	vpush v63, $0x7;
	s14 =	spop (v2sf)  }
0x212: {  	(v2sf) =	vpush v1, $0x8;
	[tilespmem:s26], [sflag:$0x1] =	stream.linear.gather [hbm4b:s22+s3], $0x80, $0x38;
	[tilespmem:$0x10400] =	vst v63  }
0x213: {  	s11 =	sadd.s32 $0x680, s24;
	s9 =	sand.u32 $0x1FFFFFF0, s29;
	s6 =	sadd.s32 s4, s28  }
0x214: {  	[tilespmem:s31], [sflag:$0x1] =	stream.linear.gather [hbm4b:s6+s3], $0x80, $0x38;
	[tilespmem:$0x10400] =	vst v63  }
0x215: {  	s12 =	sadd.s32 $0x4780, s24;
	s21 =	sadd.s32 s20, s9;
	s26 =	spop (v2sf)  }
0x216: {  	[tilespmem:s16], [sflag:$0x1] =	stream.linear.gather [hbm4b:s21+s3], $0x80, $0x38;
	[tilespmem:$0x10400] =	vst v63  }
0x217: {  	s0 =	sadd.s32 $0x10, s0;
	s22 =	sand.u32 $0x1FFFFFF0, s14;
	s31 =	spop (v2sf)  }
0x218: {  	s28 =	sadd.s32 s4, s22;
	s29 =	sand.u32 $0x1FFFFFF0, s26;
	s14 =	spop (v2sf)  }
0x219: {  	(v2sf) =	vpush v63, $0x8;
	[tilespmem:s17], [sflag:$0x1] =	stream.linear.gather [hbm4b:s28+s3], $0x80, $0x38;
	[tilespmem:$0x10400] =	vst v63  }
0x21a: {  	(v2sf) =	vpush v1, $0x9;
	s6 =	sadd.s32 s20, s29;
	s9 =	sand.u32 $0x1FFFFFF0, s31;
	s21 =	spop (v2sf)  }
0x21b: {  	[tilespmem:s23], [sflag:$0x1] =	stream.linear.gather [hbm4b:s6+s3], $0x80, $0x38;
	[tilespmem:$0x10400] =	vst v63  }
0x21c: {  	s16 =	sadd.s32 s4, s9;
	s17 =	sand.u32 $0x1FFFFFF0, s14;
	s26 =	spop (v2sf)  }
0x21d: {  	[tilespmem:s11], [sflag:$0x1] =	stream.linear.gather [hbm4b:s16+s3], $0x80, $0x38;
	[tilespmem:$0x10400] =	vst v63  }
0x21e: {  	s30 =	sadd.s32 $0x10, s30;
	(v2sf) =	vpush v63, $0x9;
	s22 =	sadd.s32 s20, s17;
	s31 =	spop (v2sf)  }
0x21f: {  	[tilespmem:s15], [sflag:$0x1] =	stream.linear.gather [hbm4b:s22+s3], $0x80, $0x38;
	[tilespmem:$0x10400] =	vst v63  }
0x220: {  	s8 =	sadd.s32 $0x980, s24;
	(v2sf) =	vpush v1, $0xA;
	s23 =	sand.u32 $0x1FFFFFF0, s21;
	s15 =	spop (v2sf)  }
0x221: {  	s28 =	sadd.s32 s4, s23;
	s29 =	sand.u32 $0x1FFFFFF0, s26;
	s21 =	spop (v2sf)  }
0x222: {  	(v2sf) =	vpush v63, $0xA;
	[tilespmem:s1], [sflag:$0x1] =	stream.linear.gather [hbm4b:s28+s3], $0x80, $0x38;
	[tilespmem:$0x10400] =	vst v63  }
0x223: {  	s9 =	smov.u32 s7;
	s11 =	sadd.s32 s20, s29;
	s23 =	sand.u32 $0x1FFFFFF0, s21  }
0x224: {  	(v2sf) =	vpush v1, $0xB;
	s14 =	sand.u32 $0x1FFFFFF0, s31;
	s28 =	sadd.s32 s4, s23;
	s23 =	rddreg [dreg:$0x11]  }
0x225: {  	[tilespmem:s13], [sflag:$0x1] =	stream.linear.gather [hbm4b:s11+s3], $0x80, $0x38;
	[tilespmem:$0x10400] =	vst v63  }
0x226: {  	s16 =	sadd.s32 s4, s14;
	s17 =	sand.u32 $0x1FFFFFF0, s15;
	s13 =	sld [smem:$0x7EB]  }
0x227: {  	[tilespmem:s10], [sflag:$0x1] =	stream.linear.gather [hbm4b:s16+s3], $0x80, $0x38;
	[tilespmem:$0x10400] =	vst v63  }
0x228: {  	(v2sf) =	vpush v63, $0xB;
	s22 =	sadd.s32 s20, s17;
	s26 =	spop (v2sf);
	s10 =	sld [smem:$0x7EC]  }
0x229: {  	(v2sf) =	vpush v1, $0xC;
	s16 =	sld [smem:$0x7ED];
	s29 =	sand.u32 $0x1FFFFFF0, s26;
	s31 =	spop (v2sf)  }
0x22a: {  	[tilespmem:s12], [sflag:$0x1] =	stream.linear.gather [hbm4b:s22+s3], $0x80, $0x38;
	[tilespmem:$0x10400] =	vst v63  }
0x22b: {  	(v2sf) =	vpush v63, $0xC;
	s12 =	rddreg [dreg:$0x1b];
	s11 =	sadd.s32 s20, s29;
	s14 =	sand.u32 $0x1FFFFFF0, s31  }
0x22c: {  	[tilespmem:s10], [sflag:$0x1] =	stream.linear.gather [hbm4b:s28+s3], $0x80, $0x38;
	[tilespmem:$0x10400] =	vst v63  }
0x22d: {  	s15 =	spop (v2sf);
	s31 =	rddreg [dreg:$0x19];
	s17 =	sadd.s32 s4, s14  }
0x22e: {  	[tilespmem:s16], [sflag:$0x1] =	stream.linear.gather [hbm4b:s11+s3], $0x80, $0x38;
	[tilespmem:$0x10400] =	vst v63  }
0x22f: {  	s21 =	sand.u32 $0x1FFFFFF0, s15;
	s15 =	rddreg [dreg:$0x15];
	s22 =	spop (v2sf)  }
0x230: {  	[tilespmem:s23], [sflag:$0x1] =	stream.linear.gather [hbm4b:s17+s3], $0x80, $0x38;
	[tilespmem:$0x10400] =	vst v63  }
0x231: {  	s26 =	sadd.s32 s20, s21;
	s28 =	sand.u32 $0x1FFFFFF0, s22;
	s29 =	spop (v2sf)  }
0x232: {  	[tilespmem:s31], [sflag:$0x1] =	stream.linear.gather [hbm4b:s26+s3], $0x80, $0x38;
	[tilespmem:$0x10400] =	vst v63  }
0x233: {  	s10 =	sadd.s32 s4, s28;
	s11 =	sand.u32 $0x1FFFFFF0, s29;
	s14 =	spop (v2sf)  }
0x234: {  	[tilespmem:s15], [sflag:$0x1] =	stream.linear.gather [hbm4b:s10+s3], $0x80, $0x38;
	[tilespmem:$0x10400] =	vst v63  }
0x235: {  	s22 =	rddreg [dreg:$0x9];
	s16 =	sadd.s32 s20, s11;
	s17 =	sand.u32 $0x1FFFFFF0, s14  }
0x236: {  	(v2sf) =	vpush v1, $0xD;
	[tilespmem:s22], [sflag:$0x1] =	stream.linear.gather [hbm4b:s16+s3], $0x80, $0x38;
	[tilespmem:$0x10400] =	vst v63  }
.Ltmp2:
0x237: {  	(v2sf) =	vpush v63, $0xD;
	s21 =	spop (v2sf);
	s23 =	sadd.s32 s4, s17;
	(pc) =	sbr.rel @p0 .LBB2_6-.Ltmp2, $4  }
0x238: {  	(v2sf) =	vpush v1, $0xE;
	s26 =	sand.u32 $0x1FFFFFF0, s21;
	s28 =	spop (v2sf);
	s31 =	rddreg [dreg:$0xd]  }
0x239: {  	(v2sf) =	vpush v63, $0xE;
	[tilespmem:s8], [sflag:$0x1] =	stream.linear.gather [hbm4b:s23+s3], $0x80, $0x38;
	[tilespmem:$0x10400] =	vst v63  }
0x23a: {  	(v2sf) =	vpush v1, $0xF;
	s29 =	sadd.s32 s20, s26;
	s5 =	sand.u32 $0x1FFFFFF0, s28;
	s7 =	spop (v2sf)  }
0x23b: {  	(v2sf) =	vpush v63, $0xF;
	[tilespmem:s31], [sflag:$0x1] =	stream.linear.gather [hbm4b:s29+s3], $0x80, $0x38;
	[tilespmem:$0x10400] =	vst v63  }
0x23c: {  	_ =	sdelay $0x4  }
0x23d: {  	s0 =	sadd.s32 s4, s5;
	s1 =	sand.u32 $0x1FFFFFF0, s7  }
0x23e: {  	[tilespmem:s19], [sflag:$0x1] =	stream.linear.gather [hbm4b:s0+s3], $0x80, $0x38;
	[tilespmem:$0x10400] =	vst v63  }
0x23f: {  	s8 =	sadd.s32 s20, s1  }
0x240: {  	[tilespmem:s12], [sflag:$0x1] =	stream.linear.gather [hbm4b:s8+s3], $0x80, $0x38;
	[tilespmem:$0x10400] =	vst v63  }
0x241: {  	s7 =	spop (v2sf)  }
0x242: {  	s10 =	sand.u32 $0x1FFFFFF0, s7;
	s11 =	spop (v2sf)  }
0x243: {  	s12 =	sadd.s32 s4, s10;
	s14 =	sand.u32 $0x1FFFFFF0, s11;
	s15 =	spop (v2sf)  }
0x244: {  	[tilespmem:s13], [sflag:$0x1] =	stream.linear.gather [hbm4b:s12+s3], $0x80, $0x38;
	[tilespmem:$0x10400] =	vst v63  }
0x245: {  	s16 =	sadd.s32 s20, s14;
	s17 =	sand.u32 $0x1FFFFFF0, s15;
	s19 =	spop (v2sf)  }
0x246: {  	[tilespmem:s9], [sflag:$0x1] =	stream.linear.gather [hbm4b:s16+s3], $0x80, $0x38;
	[tilespmem:$0x10400] =	vst v63  }
0x247: {  	s21 =	sadd.s32 s4, s17;
	s22 =	sand.u32 $0x1FFFFFF0, s19;
	s23 =	spop (v2sf)  }
0x248: {  	[tilespmem:s18], [sflag:$0x1] =	stream.linear.gather [hbm4b:s21+s3], $0x80, $0x38;
	[tilespmem:$0x10400] =	vst v63  }
0x249: {  	s25 =	sadd.s32 s20, s22;
	s26 =	sand.u32 $0x1FFFFFF0, s23;
	s28 =	spop (v2sf)  }
0x24a: {  	[tilespmem:s2], [sflag:$0x1] =	stream.linear.gather [hbm4b:s25+s3], $0x80, $0x38;
	[tilespmem:$0x10400] =	vst v63  }
0x24b: {  	s29 =	sadd.s32 $0xB80, s24;
	s1 =	sadd.s32 s4, s26;
	s31 =	sand.u32 $0x1FFFFFF0, s28  }
0x24c: {  	[tilespmem:s29], [sflag:$0x1] =	stream.linear.gather [hbm4b:s1+s3], $0x80, $0x38;
	[tilespmem:$0x10400] =	vst v63  }
0x24d: {  	s5 =	simm.s32 $0x2;
	s2 =	sadd.s32 s20, s31;
	s1 =	sadd.s32 $0x4B80, s24  }
0x24e: {  	[tilespmem:s1], [sflag:$0x1] =	stream.linear.gather [hbm4b:s2+s3], $0x80, $0x38;
	[tilespmem:$0x10400] =	vst v63  }
0x24f: {  	_ =	swait.ge [sflag:s5], $0x4000  }
0x250: {  	[sflag:s5] =	ssyncset.done $0x0  }
0x251: {  	[sflag:s5] =	ssyncadd.s32 $0xFFFFC000  }
0x252: {  	_ =	swait.ge [sflag:s5], $0x4000  }
0x253: {  	s7 =	sld [smem:$0x7F7]  }
0x254: {  	s6 =	simm.s32 $0x0;
	[sflag:s5] =	ssyncset.done $0x0  }
0x255: {  	s8 =	simm.s32 $0x8400;
	s9 =	simm.s32 $0x3;
	[sflag:s5] =	ssyncadd.s32 $0xFFFFC000  }
0x256: {  	[hbm4b:s7+s6] =	stream.linear.scatter [tilespmem:s8], [sflag:$0x3], $0x4000, $0x38;
	[tilespmem:$0x10400] =	vst v63  }
0x257: {  	_ =	swait.ge [sflag:s9], $0x4000  }
0x258: {  	s10 =	sld [smem:$0x7F8]  }
0x259: {  	[sflag:s9] =	ssyncset.done $0x0  }
0x25a: {  	s11 =	simm.s32 $0xC400;
	[sflag:s9] =	ssyncadd.s32 $0xFFFFC000  }
0x25b: {  	[hbm4b:s10+s6] =	stream.linear.scatter [tilespmem:s11], [sflag:$0x3], $0x4000, $0x38;
	[tilespmem:$0x10400] =	vst v63  }
0x25c: {  	_ =	swait.ge [sflag:s9], $0x4000  }
0x25d: {  	[sflag:s9] =	ssyncset.done $0x0  }
0x25e: {  	s12 =	simm.s32 $0x180;
	[sflag:s9] =	ssyncadd.s32 $0xFFFFC000  }
0x25f: {  	s13 =	simm.s32 $0x380;
	v0 =	vld [tilespmem:s12+$0x0]  }
0x260: {  	v2 =	vld [tilespmem:s13+$0x0];
	_ =	sdelay $0x3  }
0x261: {  	v1 =	vshll.u32 v0, $0x4  }
0x262: {  	v63 =	vshll.u32 v2, $0x4;
	(v2sf) =	vpush v1, $0x0  }
0x263: {  	(v2sf) =	vpush v63, $0x0  }
0x264: {  	(v2sf) =	vpush v1, $0x1;
	_ =	sdelay $0x1  }
0x265: {  	(v2sf) =	vpush v63, $0x1;
	_ =	sdelay $0x2  }
0x266: {  	(v2sf) =	vpush v1, $0x2  }
0x267: {  	(v2sf) =	vpush v63, $0x2;
	_ =	sdelay $0x1  }
0x268: {  	(v2sf) =	vpush v1, $0x3  }
0x269: {  	s30 =	simm.s32 $0x190  }
0x26a: {  	s0 =	simm.s32 $0xC900;
	s14 =	simm.s32 $0xC400;
	s19 =	simm.s32 $0x8480;
	(v2sf) =	vpush v63, $0x3  }
0x26b: {  	s16 =	simm.s32 $0x8580;
	s23 =	simm.s32 $0xC480;
	s28 =	simm.s32 $0x8500  }
0x26c: {  	s25 =	simm.s32 $0x2000;
	s24 =	simm.s32 $0x0;
	s2 =	simm.s32 $0x8880  }
0x26d: {  	s5 =	simm.s32 $0x8680;
	s8 =	simm.s32 $0x8600;
	s15 =	spop (v2sf)  }
0x26e: {  	s6 =	simm.s32 $0x8400;
	s7 =	sand.u32 $0x1FFFFFF0, s15;
	s10 =	spop (v2sf)  }
0x26f: {  	s12 =	simm.s32 $0xCA00;
	s7 =	sadd.s32 s4, s7;
	s18 =	spop (v2sf)  }
0x270: {  	(v2sf) =	vpush v1, $0x4;
	[tilespmem:s6], [sflag:$0x2] =	stream.linear.gather [hbm4b:s7+s3], $0x80, $0x38;
	[tilespmem:$0x10400] =	vst v63  }
0x271: {  	(v2sf) =	vpush v63, $0x4;
	s17 =	sand.u32 $0x1FFFFFF0, s10;
	s7 =	simm.s32 $0xC580;
	s11 =	spop (v2sf)  }
0x272: {  	s6 =	sadd.s32 s20, s17;
	s10 =	sand.u32 $0x1FFFFFF0, s18;
	s22 =	sand.u32 $0x1FFFFFF0, s11  }
0x273: {  	(v2sf) =	vpush v1, $0x5;
	[tilespmem:s14], [sflag:$0x2] =	stream.linear.gather [hbm4b:s6+s3], $0x80, $0x38;
	[tilespmem:$0x10400] =	vst v63  }
0x274: {  	s21 =	sadd.s32 s4, s10;
	s26 =	spop (v2sf);
	s10 =	sadd.s32 s20, s22  }
0x275: {  	(v2sf) =	vpush v63, $0x5;
	s6 =	sand.u32 $0x1FFFFFF0, s26;
	s29 =	spop (v2sf);
	s14 =	simm.s32 $0xC600  }
0x276: {  	(v2sf) =	vpush v1, $0x6;
	[tilespmem:s19], [sflag:$0x2] =	stream.linear.gather [hbm4b:s21+s3], $0x80, $0x38;
	[tilespmem:$0x10400] =	vst v63  }
0x277: {  	s22 =	simm.s32 $0x8700;
	s6 =	sadd.s32 s4, s6;
	s31 =	spop (v2sf)  }
0x278: {  	[tilespmem:s23], [sflag:$0x2] =	stream.linear.gather [hbm4b:s10+s3], $0x80, $0x38;
	[tilespmem:$0x10400] =	vst v63  }
0x279: {  	(v2sf) =	vpush v63, $0x6;
	s11 =	sand.u32 $0x1FFFFFF0, s31;
	s13 =	spop (v2sf);
	s10 =	sand.u32 $0x1FFFFFF0, s29  }
0x27a: {  	[tilespmem:s28], [sflag:$0x2] =	stream.linear.gather [hbm4b:s6+s3], $0x80, $0x38;
	[tilespmem:$0x10400] =	vst v63  }
0x27b: {  	(v2sf) =	vpush v1, $0x7;
	s19 =	simm.s32 $0xC680;
	s10 =	sadd.s32 s20, s10;
	s6 =	simm.s32 $0xC500  }
0x27c: {  	[tilespmem:s6], [sflag:$0x2] =	stream.linear.gather [hbm4b:s10+s3], $0x80, $0x38;
	[tilespmem:$0x10400] =	vst v63  }
0x27d: {  	(v2sf) =	vpush v63, $0x7;
	s1 =	sand.u32 $0x1FFFFFF0, s13;
	s13 =	simm.s32 $0x8A80;
	s10 =	sadd.s32 s4, s11  }
0x27e: {  	[tilespmem:s16], [sflag:$0x2] =	stream.linear.gather [hbm4b:s10+s3], $0x80, $0x38;
	[tilespmem:$0x10400] =	vst v63  }
0x27f: {  	s1 =	sadd.s32 s20, s1;
	s11 =	simm.s32 $0xC700;
	s15 =	spop (v2sf)  }
0x280: {  	s6 =	simm.s32 $0xC880;
	s10 =	sand.u32 $0x1FFFFFF0, s15;
	s16 =	spop (v2sf)  }
0x281: {  	(v2sf) =	vpush v1, $0x8;
	[tilespmem:s7], [sflag:$0x2] =	stream.linear.gather [hbm4b:s1+s3], $0x80, $0x38;
	[tilespmem:$0x10400] =	vst v63  }
0x282: {  	s17 =	sadd.s32 s4, s10;
	s18 =	sand.u32 $0x1FFFFFF0, s16;
	s21 =	spop (v2sf)  }
0x283: {  	(v2sf) =	vpush v63, $0x8;
	[tilespmem:s8], [sflag:$0x2] =	stream.linear.gather [hbm4b:s17+s3], $0x80, $0x38;
	[tilespmem:$0x10400] =	vst v63  }
0x284: {  	s16 =	simm.s32 $0x8780;
	s7 =	sadd.s32 s20, s18;
	s23 =	spop (v2sf)  }
0x285: {  	(v2sf) =	vpush v1, $0x9;
	s8 =	sand.u32 $0x1FFFFFF0, s21;
	s9 =	sand.u32 $0x1FFFFFF0, s23;
	s26 =	spop (v2sf)  }
0x286: {  	(v2sf) =	vpush v63, $0x9;
	[tilespmem:s14], [sflag:$0x2] =	stream.linear.gather [hbm4b:s7+s3], $0x80, $0x38;
	[tilespmem:$0x10400] =	vst v63  }
0x287: {  	s8 =	sadd.s32 s4, s8;
	s28 =	sadd.s32 s20, s9;
	s29 =	sand.u32 $0x1FFFFFF0, s26  }
0x288: {  	(v2sf) =	vpush v1, $0xA;
	s9 =	simm.s32 $0xCA80;
	s31 =	spop (v2sf);
	s10 =	sadd.s32 s4, s29  }
0x289: {  	[tilespmem:s5], [sflag:$0x2] =	stream.linear.gather [hbm4b:s8+s3], $0x80, $0x38;
	[tilespmem:$0x10400] =	vst v63  }
0x28a: {  	(v2sf) =	vpush v63, $0xA;
	s1 =	sand.u32 $0x1FFFFFF0, s31;
	s14 =	spop (v2sf);
	s5 =	simm.s32 $0xC980  }
0x28b: {  	[tilespmem:s19], [sflag:$0x2] =	stream.linear.gather [hbm4b:s28+s3], $0x80, $0x38;
	[tilespmem:$0x10400] =	vst v63  }
0x28c: {  	s1 =	sadd.s32 s20, s1;
	s8 =	sand.u32 $0x1FFFFFF0, s14;
	s15 =	spop (v2sf)  }
0x28d: {  	[tilespmem:s22], [sflag:$0x2] =	stream.linear.gather [hbm4b:s10+s3], $0x80, $0x38;
	[tilespmem:$0x10400] =	vst v63  }
0x28e: {  	(v2sf) =	vpush v1, $0xB;
	s17 =	sadd.s32 s4, s8;
	s18 =	sand.u32 $0x1FFFFFF0, s15;
	s19 =	simm.s32 $0xC780  }
0x28f: {  	[tilespmem:s11], [sflag:$0x2] =	stream.linear.gather [hbm4b:s1+s3], $0x80, $0x38;
	[tilespmem:$0x10400] =	vst v63  }
0x290: {  	(v2sf) =	vpush v63, $0xB;
	s8 =	sadd.s32 s20, s18;
	s28 =	simm.s32 $0xC800;
	s21 =	spop (v2sf)  }
0x291: {  	[tilespmem:s16], [sflag:$0x2] =	stream.linear.gather [hbm4b:s17+s3], $0x80, $0x38;
	[tilespmem:$0x10400] =	vst v63  }
0x292: {  	s22 =	simm.s32 $0x8800;
	s7 =	sand.u32 $0x1FFFFFF0, s21;
	s23 =	spop (v2sf)  }
0x293: {  	[tilespmem:s19], [sflag:$0x2] =	stream.linear.gather [hbm4b:s8+s3], $0x80, $0x38;
	[tilespmem:$0x10400] =	vst v63  }
0x294: {  	s11 =	simm.s32 $0x8900;
	(v2sf) =	vpush v1, $0xC;
	s7 =	sadd.s32 s4, s7;
	s26 =	spop (v2sf)  }
0x295: {  	s8 =	sand.u32 $0x1FFFFFF0, s23;
	s23 =	simm.s32 $0x8980;
	s10 =	spop (v2sf)  }
0x296: {  	(v2sf) =	vpush v63, $0xC;
	[tilespmem:s22], [sflag:$0x2] =	stream.linear.gather [hbm4b:s7+s3], $0x80, $0x38;
	[tilespmem:$0x10400] =	vst v63  }
0x297: {  	s29 =	sadd.s32 s20, s8;
	s31 =	sand.u32 $0x1FFFFFF0, s26;
	s14 =	spop (v2sf)  }
0x298: {  	[tilespmem:s28], [sflag:$0x2] =	stream.linear.gather [hbm4b:s29+s3], $0x80, $0x38;
	[tilespmem:$0x10400] =	vst v63  }
0x299: {  	s8 =	sadd.s32 s4, s31;
	s7 =	sand.u32 $0x1FFFFFF0, s10;
	s15 =	spop (v2sf)  }
0x29a: {  	[tilespmem:s2], [sflag:$0x2] =	stream.linear.gather [hbm4b:s8+s3], $0x80, $0x38;
	[tilespmem:$0x10400] =	vst v63  }
0x29b: {  	s7 =	sadd.s32 s20, s7;
	s17 =	sand.u32 $0x1FFFFFF0, s15;
	s8 =	sand.u32 $0x1FFFFFF0, s14  }
0x29c: {  	[tilespmem:s6], [sflag:$0x2] =	stream.linear.gather [hbm4b:s7+s3], $0x80, $0x38;
	[tilespmem:$0x10400] =	vst v63  }
0x29d: {  	s18 =	spop (v2sf);
	s19 =	sadd.s32 s20, s17;
	s16 =	sadd.s32 s4, s8  }
0x29e: {  	[tilespmem:s11], [sflag:$0x2] =	stream.linear.gather [hbm4b:s16+s3], $0x80, $0x38;
	[tilespmem:$0x10400] =	vst v63  }
0x29f: {  	s21 =	sand.u32 $0x1FFFFFF0, s18;
	s22 =	spop (v2sf);
	s18 =	simm.s32 $0x8B00  }
0x2a0: {  	(v2sf) =	vpush v1, $0xD;
	[tilespmem:s0], [sflag:$0x2] =	stream.linear.gather [hbm4b:s19+s3], $0x80, $0x38;
	[tilespmem:$0x10400] =	vst v63  }
0x2a1: {  	(v2sf) =	vpush v63, $0xD;
	s26 =	sadd.s32 s4, s21;
	s28 =	sand.u32 $0x1FFFFFF0, s22;
	s2 =	simm.s32 $0xCB00  }
0x2a2: {  	(v2sf) =	vpush v1, $0xE;
	[tilespmem:s23], [sflag:$0x2] =	stream.linear.gather [hbm4b:s26+s3], $0x80, $0x38;
	[tilespmem:$0x10400] =	vst v63  }
0x2a3: {  	s29 =	sadd.s32 s20, s28;
	(v2sf) =	vpush v63, $0xE;
	s19 =	simm.s32 $0x8A00;
	s31 =	spop (v2sf)  }
0x2a4: {  	(v2sf) =	vpush v1, $0xF;
	[tilespmem:s5], [sflag:$0x2] =	stream.linear.gather [hbm4b:s29+s3], $0x80, $0x38;
	[tilespmem:$0x10400] =	vst v63  }
0x2a5: {  	(v2sf) =	vpush v63, $0xF;
	s0 =	simm.s32 $0x390;
	s7 =	spop (v2sf);
	s5 =	sand.u32 $0x1FFFFFF0, s31  }
.LBB2_8:
0x2a6: {  	_ =	sdelay $0x4  }
0x2a7: {  	s1 =	sadd.s32 s4, s5;
	s11 =	sand.u32 $0x1FFFFFF0, s7  }
0x2a8: {  	[tilespmem:s19], [sflag:$0x2] =	stream.linear.gather [hbm4b:s1+s3], $0x80, $0x38;
	[tilespmem:$0x10400] =	vst v63  }
0x2a9: {  	s15 =	sadd.s32 s20, s11  }
0x2aa: {  	[tilespmem:s12], [sflag:$0x2] =	stream.linear.gather [hbm4b:s15+s3], $0x80, $0x38;
	[tilespmem:$0x10400] =	vst v63  }
0x2ab: {  	s14 =	spop (v2sf)  }
0x2ac: {  	s16 =	sand.u32 $0x1FFFFFF0, s14;
	s17 =	spop (v2sf)  }
0x2ad: {  	s19 =	sadd.s32 s4, s16;
	s21 =	sand.u32 $0x1FFFFFF0, s17;
	s6 =	spop (v2sf)  }
0x2ae: {  	[tilespmem:s13], [sflag:$0x2] =	stream.linear.gather [hbm4b:s19+s3], $0x80, $0x38;
	[tilespmem:$0x10400] =	vst v63  }
0x2af: {  	s22 =	sadd.s32 s20, s21;
	s23 =	sand.u32 $0x1FFFFFF0, s6;
	s26 =	spop (v2sf)  }
0x2b0: {  	[tilespmem:s9], [sflag:$0x2] =	stream.linear.gather [hbm4b:s22+s3], $0x80, $0x38;
	[tilespmem:$0x10400] =	vst v63  }
0x2b1: {  	s28 =	sadd.s32 s4, s23;
	s29 =	sand.u32 $0x1FFFFFF0, s26;
	s31 =	spop (v2sf)  }
0x2b2: {  	[tilespmem:s18], [sflag:$0x2] =	stream.linear.gather [hbm4b:s28+s3], $0x80, $0x38;
	[tilespmem:$0x10400] =	vst v63  }
0x2b3: {  	s5 =	sadd.s32 s20, s29;
	s6 =	sand.u32 $0x1FFFFFF0, s31;
	s7 =	spop (v2sf)  }
0x2b4: {  	[tilespmem:s2], [sflag:$0x2] =	stream.linear.gather [hbm4b:s5+s3], $0x80, $0x38;
	[tilespmem:$0x10400] =	vst v63  }
0x2b5: {  	s8 =	sadd.s32 $0x8B80, s24;
	s9 =	sadd.s32 s4, s6;
	s10 =	sand.u32 $0x1FFFFFF0, s7  }
0x2b6: {  	[tilespmem:s8], [sflag:$0x2] =	stream.linear.gather [hbm4b:s9+s3], $0x80, $0x38;
	[tilespmem:$0x10400] =	vst v63  }
0x2b7: {  	s11 =	sadd.s32 $0xCB80, s24;
	s12 =	sadd.s32 s20, s10  }
0x2b8: {  	[tilespmem:s11], [sflag:$0x2] =	stream.linear.gather [hbm4b:s12+s3], $0x80, $0x38;
	[tilespmem:$0x10400] =	vst v63  }
0x2b9: {  	v0 =	vld [tilespmem:s30+$0x0]  }
0x2ba: {  	v2 =	vld [tilespmem:s0+$0x0];
	_ =	sdelay $0x3  }
0x2bb: {  	v1 =	vshll.u32 v0, $0x4  }
0x2bc: {  	s13 =	smov.u32 s25;
	v63 =	vshll.u32 v2, $0x4;
	(v2sf) =	vpush v1, $0x0  }
0x2bd: {  	s24 =	sshra.s32 s13, $0x2;
	(v2sf) =	vpush v63, $0x0  }
0x2be: {  	p0 =	sne.s32 s25, $0xE000;
	s25 =	sadd.s32 $0x2000, s25;
	s22 =	sadd.s32 $0xC400, s24;
	(v2sf) =	vpush v1, $0x1  }
0x2bf: {  	s1 =	sadd.s32 $0x8880, s24;
	s17 =	sadd.s32 $0x8600, s24;
	s14 =	sadd.s32 $0xC900, s24  }
0x2c0: {  	s31 =	sadd.s32 $0x8580, s24;
	s16 =	sadd.s32 $0xC580, s24;
	s15 =	sadd.s32 $0xCA00, s24;
	(v2sf) =	vpush v63, $0x1  }
0x2c1: {  	s21 =	sadd.s32 $0x8500, s24;
	s23 =	sadd.s32 $0xC600, s24;
	[dreg:$0x12] =	wrdreg s1  }
0x2c2: {  	s26 =	sadd.s32 $0xC500, s24;
	s19 =	sadd.s32 $0xC980, s24;
	[dreg:$0xa] =	wrdreg s14;
	(v2sf) =	vpush v1, $0x2  }
0x2c3: {  	s13 =	sadd.s32 $0xC700, s24;
	s29 =	sadd.s32 $0x8900, s24;
	[dreg:$0x1c] =	wrdreg s15  }
0x2c4: {  	s6 =	sadd.s32 $0x8400, s24;
	s1 =	sadd.s32 $0xC680, s24;
	[dreg:$0xe] =	wrdreg s19;
	(v2sf) =	vpush v63, $0x2  }
0x2c5: {  	s14 =	sadd.s32 $0x8700, s24;
	[dreg:$0x16] =	wrdreg s29;
	s18 =	sadd.s32 $0x8A80, s24  }
0x2c6: {  	s7 =	sadd.s32 $0xCA80, s24;
	s28 =	sadd.s32 $0xC880, s24;
	[smem:$0x7E8] =	sst s18;
	(v2sf) =	vpush v1, $0x3  }
0x2c7: {  	s19 =	sadd.s32 $0x8A00, s24;
	s10 =	sadd.s32 $0x8780, s24;
	[dreg:$0x1a] =	wrdreg s28  }
0x2c8: {  	s28 =	sadd.s32 $0x8480, s24;
	s18 =	sadd.s32 $0x8B00, s24;
	s8 =	sadd.s32 $0xC800, s24;
	(v2sf) =	vpush v63, $0x3  }
0x2c9: {  	s5 =	sadd.s32 $0xC480, s24;
	s9 =	sadd.s32 $0x8800, s24;
	[smem:$0x7EA] =	sst s8  }
0x2ca: {  	s2 =	sadd.s32 $0xCB00, s24;
	[smem:$0x7E9] =	sst s9;
	s11 =	sadd.s32 $0x8680, s24;
	(v2sf) =	vpush v1, $0x4  }
0x2cb: {  	s12 =	sadd.s32 $0xC780, s24;
	s0 =	sadd.s32 $0x10, s0;
	s8 =	spop (v2sf)  }
0x2cc: {  	s30 =	sadd.s32 $0x10, s30;
	s29 =	sand.u32 $0x1FFFFFF0, s8;
	s15 =	spop (v2sf);
	(v2sf) =	vpush v63, $0x4  }
0x2cd: {  	s29 =	sadd.s32 s4, s29;
	s9 =	sand.u32 $0x1FFFFFF0, s15;
	s15 =	spop (v2sf)  }
0x2ce: {  	(v2sf) =	vpush v1, $0x5;
	[tilespmem:s6], [sflag:$0x2] =	stream.linear.gather [hbm4b:s29+s3], $0x80, $0x38;
	[tilespmem:$0x10400] =	vst v63  }
0x2cf: {  	s9 =	sadd.s32 s20, s9;
	s15 =	sand.u32 $0x1FFFFFF0, s15;
	s29 =	spop (v2sf);
	(v2sf) =	vpush v63, $0x5  }
0x2d0: {  	[tilespmem:s22], [sflag:$0x2] =	stream.linear.gather [hbm4b:s9+s3], $0x80, $0x38;
	[tilespmem:$0x10400] =	vst v63  }
0x2d1: {  	s9 =	sadd.s32 s4, s15;
	s22 =	sand.u32 $0x1FFFFFF0, s29;
	s29 =	spop (v2sf);
	(v2sf) =	vpush v1, $0x6  }
0x2d2: {  	[tilespmem:s28], [sflag:$0x2] =	stream.linear.gather [hbm4b:s9+s3], $0x80, $0x38;
	[tilespmem:$0x10400] =	vst v63  }
0x2d3: {  	s22 =	sadd.s32 s20, s22;
	s28 =	sand.u32 $0x1FFFFFF0, s29;
	s29 =	spop (v2sf);
	(v2sf) =	vpush v63, $0x6  }
0x2d4: {  	[tilespmem:s5], [sflag:$0x2] =	stream.linear.gather [hbm4b:s22+s3], $0x80, $0x38;
	[tilespmem:$0x10400] =	vst v63  }
0x2d5: {  	s22 =	sadd.s32 s4, s28;
	s28 =	sand.u32 $0x1FFFFFF0, s29;
	s29 =	spop (v2sf);
	(v2sf) =	vpush v1, $0x7  }
0x2d6: {  	[tilespmem:s21], [sflag:$0x2] =	stream.linear.gather [hbm4b:s22+s3], $0x80, $0x38;
	[tilespmem:$0x10400] =	vst v63  }
0x2d7: {  	s6 =	sadd.s32 s20, s28;
	s9 =	sand.u32 $0x1FFFFFF0, s29;
	s15 =	spop (v2sf);
	(v2sf) =	vpush v63, $0x7  }
0x2d8: {  	[tilespmem:s26], [sflag:$0x2] =	stream.linear.gather [hbm4b:s6+s3], $0x80, $0x38;
	[tilespmem:$0x10400] =	vst v63  }
0x2d9: {  	s21 =	sadd.s32 s4, s9;
	s22 =	sand.u32 $0x1FFFFFF0, s15;
	s26 =	spop (v2sf);
	(v2sf) =	vpush v1, $0x8  }
0x2da: {  	[tilespmem:s31], [sflag:$0x2] =	stream.linear.gather [hbm4b:s21+s3], $0x80, $0x38;
	[tilespmem:$0x10400] =	vst v63  }
0x2db: {  	s8 =	sadd.s32 $0x8980, s24;
	s28 =	sadd.s32 s20, s22;
	s31 =	spop (v2sf)  }
0x2dc: {  	[tilespmem:s16], [sflag:$0x2] =	stream.linear.gather [hbm4b:s28+s3], $0x80, $0x38;
	[tilespmem:$0x10400] =	vst v63  }
0x2dd: {  	s29 =	sand.u32 $0x1FFFFFF0, s26;
	s9 =	sand.u32 $0x1FFFFFF0, s31;
	s15 =	spop (v2sf)  }
0x2de: {  	s6 =	sadd.s32 s4, s29;
	(v2sf) =	vpush v63, $0x8;
	s16 =	sadd.s32 s20, s9;
	s21 =	spop (v2sf)  }
0x2df: {  	(v2sf) =	vpush v1, $0x9;
	[tilespmem:s17], [sflag:$0x2] =	stream.linear.gather [hbm4b:s6+s3], $0x80, $0x38;
	[tilespmem:$0x10400] =	vst v63  }
0x2e0: {  	s9 =	smov.u32 s7;
	s17 =	sand.u32 $0x1FFFFFF0, s15;
	s26 =	spop (v2sf)  }
0x2e1: {  	[tilespmem:s23], [sflag:$0x2] =	stream.linear.gather [hbm4b:s16+s3], $0x80, $0x38;
	[tilespmem:$0x10400] =	vst v63  }
0x2e2: {  	s22 =	sadd.s32 s4, s17;
	s23 =	sand.u32 $0x1FFFFFF0, s21;
	s31 =	spop (v2sf)  }
0x2e3: {  	(v2sf) =	vpush v63, $0x9;
	[tilespmem:s11], [sflag:$0x2] =	stream.linear.gather [hbm4b:s22+s3], $0x80, $0x38;
	[tilespmem:$0x10400] =	vst v63  }
0x2e4: {  	s29 =	sand.u32 $0x1FFFFFF0, s26;
	s28 =	sadd.s32 s20, s23;
	s7 =	spop (v2sf)  }
0x2e5: {  	(v2sf) =	vpush v1, $0xA;
	[tilespmem:s1], [sflag:$0x2] =	stream.linear.gather [hbm4b:s28+s3], $0x80, $0x38;
	[tilespmem:$0x10400] =	vst v63  }
0x2e6: {  	s5 =	sadd.s32 s4, s29;
	s6 =	sand.u32 $0x1FFFFFF0, s31;
	s15 =	spop (v2sf)  }
0x2e7: {  	(v2sf) =	vpush v63, $0xA;
	[tilespmem:s14], [sflag:$0x2] =	stream.linear.gather [hbm4b:s5+s3], $0x80, $0x38;
	[tilespmem:$0x10400] =	vst v63  }
0x2e8: {  	s11 =	sadd.s32 s20, s6;
	s17 =	sand.u32 $0x1FFFFFF0, s15;
	s21 =	spop (v2sf)  }
0x2e9: {  	(v2sf) =	vpush v1, $0xB;
	[tilespmem:s13], [sflag:$0x2] =	stream.linear.gather [hbm4b:s11+s3], $0x80, $0x38;
	[tilespmem:$0x10400] =	vst v63  }
0x2ea: {  	s14 =	sand.u32 $0x1FFFFFF0, s7;
	s13 =	sld [smem:$0x7E8];
	s23 =	sand.u32 $0x1FFFFFF0, s21  }
0x2eb: {  	s16 =	sadd.s32 s4, s14;
	s28 =	sadd.s32 s4, s23;
	s23 =	rddreg [dreg:$0x12]  }
0x2ec: {  	[tilespmem:s10], [sflag:$0x2] =	stream.linear.gather [hbm4b:s16+s3], $0x80, $0x38;
	[tilespmem:$0x10400] =	vst v63  }
0x2ed: {  	(v2sf) =	vpush v63, $0xB;
	s22 =	sadd.s32 s20, s17;
	s26 =	spop (v2sf);
	s10 =	sld [smem:$0x7E9]  }
0x2ee: {  	(v2sf) =	vpush v1, $0xC;
	s16 =	sld [smem:$0x7EA];
	s29 =	sand.u32 $0x1FFFFFF0, s26;
	s31 =	spop (v2sf)  }
0x2ef: {  	[tilespmem:s12], [sflag:$0x2] =	stream.linear.gather [hbm4b:s22+s3], $0x80, $0x38;
	[tilespmem:$0x10400] =	vst v63  }
0x2f0: {  	(v2sf) =	vpush v63, $0xC;
	s12 =	rddreg [dreg:$0x1c];
	s11 =	sadd.s32 s20, s29;
	s14 =	sand.u32 $0x1FFFFFF0, s31  }
0x2f1: {  	[tilespmem:s10], [sflag:$0x2] =	stream.linear.gather [hbm4b:s28+s3], $0x80, $0x38;
	[tilespmem:$0x10400] =	vst v63  }
0x2f2: {  	s15 =	spop (v2sf);
	s31 =	rddreg [dreg:$0x1a];
	s17 =	sadd.s32 s4, s14  }
0x2f3: {  	[tilespmem:s16], [sflag:$0x2] =	stream.linear.gather [hbm4b:s11+s3], $0x80, $0x38;
	[tilespmem:$0x10400] =	vst v63  }
0x2f4: {  	s21 =	sand.u32 $0x1FFFFFF0, s15;
	s15 =	rddreg [dreg:$0x16];
	s22 =	spop (v2sf)  }
0x2f5: {  	[tilespmem:s23], [sflag:$0x2] =	stream.linear.gather [hbm4b:s17+s3], $0x80, $0x38;
	[tilespmem:$0x10400] =	vst v63  }
0x2f6: {  	s26 =	sadd.s32 s20, s21;
	s28 =	sand.u32 $0x1FFFFFF0, s22;
	s29 =	spop (v2sf)  }
0x2f7: {  	[tilespmem:s31], [sflag:$0x2] =	stream.linear.gather [hbm4b:s26+s3], $0x80, $0x38;
	[tilespmem:$0x10400] =	vst v63  }
0x2f8: {  	s10 =	sadd.s32 s4, s28;
	s11 =	sand.u32 $0x1FFFFFF0, s29;
	s14 =	spop (v2sf)  }
0x2f9: {  	[tilespmem:s15], [sflag:$0x2] =	stream.linear.gather [hbm4b:s10+s3], $0x80, $0x38;
	[tilespmem:$0x10400] =	vst v63  }
0x2fa: {  	s22 =	rddreg [dreg:$0xa];
	s16 =	sadd.s32 s20, s11;
	s17 =	sand.u32 $0x1FFFFFF0, s14  }
0x2fb: {  	(v2sf) =	vpush v1, $0xD;
	[tilespmem:s22], [sflag:$0x2] =	stream.linear.gather [hbm4b:s16+s3], $0x80, $0x38;
	[tilespmem:$0x10400] =	vst v63  }
.Ltmp3:
0x2fc: {  	(v2sf) =	vpush v63, $0xD;
	s21 =	spop (v2sf);
	s23 =	sadd.s32 s4, s17;
	(pc) =	sbr.rel @p0 .LBB2_8-.Ltmp3, $4  }
0x2fd: {  	(v2sf) =	vpush v1, $0xE;
	s26 =	sand.u32 $0x1FFFFFF0, s21;
	s31 =	rddreg [dreg:$0xe];
	s28 =	spop (v2sf)  }
0x2fe: {  	(v2sf) =	vpush v63, $0xE;
	[tilespmem:s8], [sflag:$0x2] =	stream.linear.gather [hbm4b:s23+s3], $0x80, $0x38;
	[tilespmem:$0x10400] =	vst v63  }
0x2ff: {  	(v2sf) =	vpush v1, $0xF;
	s29 =	sadd.s32 s20, s26;
	s5 =	sand.u32 $0x1FFFFFF0, s28;
	s7 =	spop (v2sf)  }
0x300: {  	(v2sf) =	vpush v63, $0xF;
	[tilespmem:s31], [sflag:$0x2] =	stream.linear.gather [hbm4b:s29+s3], $0x80, $0x38;
	[tilespmem:$0x10400] =	vst v63  }
0x301: {  	_ =	sdelay $0x4  }
0x302: {  	s0 =	sadd.s32 s4, s5;
	s1 =	sand.u32 $0x1FFFFFF0, s7  }
0x303: {  	[tilespmem:s19], [sflag:$0x2] =	stream.linear.gather [hbm4b:s0+s3], $0x80, $0x38;
	[tilespmem:$0x10400] =	vst v63  }
0x304: {  	s25 =	sadd.s32 s20, s1  }
0x305: {  	[tilespmem:s12], [sflag:$0x2] =	stream.linear.gather [hbm4b:s25+s3], $0x80, $0x38;
	[tilespmem:$0x10400] =	vst v63  }
0x306: {  	s23 =	spop (v2sf)  }
0x307: {  	s26 =	sand.u32 $0x1FFFFFF0, s23;
	s28 =	spop (v2sf)  }
0x308: {  	s29 =	sadd.s32 s4, s26;
	s30 =	sand.u32 $0x1FFFFFF0, s28;
	s31 =	spop (v2sf)  }
0x309: {  	[tilespmem:s13], [sflag:$0x2] =	stream.linear.gather [hbm4b:s29+s3], $0x80, $0x38;
	[tilespmem:$0x10400] =	vst v63  }
0x30a: {  	s1 =	sadd.s32 s20, s30;
	s6 =	sand.u32 $0x1FFFFFF0, s31;
	s7 =	spop (v2sf)  }
0x30b: {  	[tilespmem:s9], [sflag:$0x2] =	stream.linear.gather [hbm4b:s1+s3], $0x80, $0x38;
	[tilespmem:$0x10400] =	vst v63  }
0x30c: {  	s8 =	sadd.s32 s4, s6;
	s10 =	spop (v2sf);
	s9 =	sand.u32 $0x1FFFFFF0, s7  }
0x30d: {  	[tilespmem:s18], [sflag:$0x2] =	stream.linear.gather [hbm4b:s8+s3], $0x80, $0x38;
	[tilespmem:$0x10400] =	vst v63  }
0x30e: {  	s12 =	sand.u32 $0x1FFFFFF0, s10;
	s13 =	spop (v2sf);
	s11 =	sadd.s32 s20, s9  }
0x30f: {  	[tilespmem:s2], [sflag:$0x2] =	stream.linear.gather [hbm4b:s11+s3], $0x80, $0x38;
	[tilespmem:$0x10400] =	vst v63  }
0x310: {  	s14 =	sadd.s32 $0x8B80, s24;
	s1 =	sadd.s32 s4, s12;
	s15 =	sand.u32 $0x1FFFFFF0, s13  }
0x311: {  	[tilespmem:s14], [sflag:$0x2] =	stream.linear.gather [hbm4b:s1+s3], $0x80, $0x38;
	[tilespmem:$0x10400] =	vst v63  }
0x312: {  	s16 =	sadd.s32 $0xCB80, s24;
	s17 =	sadd.s32 s20, s15;
	s18 =	simm.s32 $0x1  }
0x313: {  	[tilespmem:s16], [sflag:$0x2] =	stream.linear.gather [hbm4b:s17+s3], $0x80, $0x38;
	[tilespmem:$0x10400] =	vst v63  }
0x314: {  	_ =	swait.ge [sflag:s18], $0x4000  }
0x315: {  	[sflag:s18] =	ssyncset.done $0x0  }
0x316: {  	[sflag:s18] =	ssyncadd.s32 $0xFFFFC000  }
0x317: {  	_ =	swait.ge [sflag:s18], $0x4000  }
0x318: {  	s19 =	sld [smem:$0x7F9]  }
0x319: {  	[sflag:s18] =	ssyncset.done $0x0  }
0x31a: {  	s21 =	simm.s32 $0x400;
	s2 =	simm.s32 $0x3;
	[sflag:s18] =	ssyncadd.s32 $0xFFFFC000  }
0x31b: {  	[hbm4b:s19+s3] =	stream.linear.scatter [tilespmem:s21], [sflag:$0x3], $0x4000, $0x38;
	[tilespmem:$0x10400] =	vst v63  }
0x31c: {  	_ =	swait.ge [sflag:s2], $0x4000  }
0x31d: {  	s22 =	sld [smem:$0x7FA]  }
0x31e: {  	[sflag:s2] =	ssyncset.done $0x0  }
0x31f: {  	s23 =	simm.s32 $0x4400;
	[sflag:s2] =	ssyncadd.s32 $0xFFFFC000  }
0x320: {  	[hbm4b:s22+s3] =	stream.linear.scatter [tilespmem:s23], [sflag:$0x3], $0x4000, $0x38;
	[tilespmem:$0x10400] =	vst v63  }
0x321: {  	_ =	swait.ge [sflag:s2], $0x4000  }
0x322: {  	[sflag:s2] =	ssyncset.done $0x0  }
0x323: {  	s24 =	simm.s32 $0x2;
	[sflag:s2] =	ssyncadd.s32 $0xFFFFC000  }
0x324: {  	_ =	swait.ge [sflag:s24], $0x4000  }
0x325: {  	[sflag:s24] =	ssyncset.done $0x0  }
0x326: {  	[sflag:s24] =	ssyncadd.s32 $0xFFFFC000  }
0x327: {  	_ =	swait.ge [sflag:s24], $0x4000  }
0x328: {  	s25 =	sld [smem:$0x7FB]  }
0x329: {  	[sflag:s24] =	ssyncset.done $0x0  }
0x32a: {  	s26 =	simm.s32 $0x8400;
	[sflag:s24] =	ssyncadd.s32 $0xFFFFC000  }
0x32b: {  	[hbm4b:s25+s3] =	stream.linear.scatter [tilespmem:s26], [sflag:$0x3], $0x4000, $0x38;
	[tilespmem:$0x10400] =	vst v63  }
0x32c: {  	_ =	swait.ge [sflag:s2], $0x4000  }
0x32d: {  	s28 =	sld [smem:$0x7FC]  }
0x32e: {  	[sflag:s2] =	ssyncset.done $0x0  }
0x32f: {  	s29 =	simm.s32 $0xC400;
	[sflag:s2] =	ssyncadd.s32 $0xFFFFC000  }
0x330: {  	[hbm4b:s28+s3] =	stream.linear.scatter [tilespmem:s29], [sflag:$0x3], $0x4000, $0x38;
	[tilespmem:$0x10400] =	vst v63  }
0x331: {  	_ =	swait.ge [sflag:s2], $0x4000  }
0x332: {  	s30 =	sld [smem:$0x7F2]  }
0x333: {  	s31 =	sld [smem:$0x7FD];
	_ =	sdelay $0x1  }
0x334: {  	s1 =	sadd.s32 $0x1, s30  }
0x335: {  	p0 =	sne.s32 s1, s31  }
.Ltmp4:
0x336: {  	_ = 	snop;
	(pc) =	sbr.rel @p0 .LBB2_1-.Ltmp4, $3  }
0x337: {  	_ =	sdelay $0x1  }
0x338: {  	[sflag:s2] =	ssyncset.done $0x0  }
0x339: {  	[sflag:s2] =	ssyncadd.s32 $0xFFFFC000  }
0x33a: {  	_ =	sfence.sel $0x180000  }
0x33b: {  	[bflag:$0x0] =	sbarrier.arrive $0xFFFF  }
0x33c: {  	_ =	strace $0x90000047  }
0x33d: {  	s0 =	stileid.u32;
	[bflag:$0x2] =	sbarrier.arrive $0xFFFF  }
0x33e: {  	p0 =	sne.s32 s0, $0x0;
	s0 =	rddreg [dreg:$0x4]  }
0x33f: {  	s0 =	sadd.s32 @!p0 $0x100000, s0  }
0x340: {  	[sflag:s0] =	ssyncadd.tile.s32 @!p0 $0x1;
	_ =	shalt  }
.Lfunc_end2:
_tile_overlayer_lowered:
.L_overlay_start_2:
0x341: {  	(tag) =	ssettag $0x2  }
0x342: {  	s0 =	rddreg [dreg:$0x0];
	s2 =	stileid.u32  }
0x343: {  	s1 =	rddreg [dreg:$0x1];
	p0 =	sne.s32 s2, $0x0  }
0x344: {  	s3 =	rddreg [dreg:$0x2];
	[bflag:$0x3] =	sbarrier.arrive $0xFFFF;
	s2 =	simm.s32 @!p0 $0x1C03  }
0x345: {  	[timem:s3], [sflag:s2] =	dma.local @!p0 [hbm:s0], s1  }
0x346: {  	s0 =	simm.s32 @!p0 $0x3  }
0x347: {  	_ =	swait.ge @!p0 [sflag:s0], s1  }
0x348: {  	s1 =	ssub.s32 @!p0 $0x0, s1;
	[sflag:s0] =	ssyncset.done @!p0 $0x0  }
0x349: {  	[sflag:s0] =	ssyncadd.s32 @!p0 s1  }
0x34a: {  	[bflag:$0x3] =	sbarrier.arrive $0xFFFF  }
0x34b: {  	_ =	shalt  }

</sc_bundles>
